<compile_context>
chip_gen: v7x
topology: tpu7x:2x2x1
jax: 0.10.2.dev20260603
libtpu: 0.0.44.dev20260713+nightly
codegen_flags: <defaults>
</compile_context>

<pallas_src>
import functools

import jax
import jax.numpy as jnp
from jax import lax
from jax.experimental import pallas as pl
from jax.experimental.pallas import tpu as pltpu
from jax.experimental.pallas import tpu_sc as plsc

_B, _S, _V = 2, 2048, 32000
_N = _B * _S
_NC = 2
_NW = 16 * _NC
_RPW = _N // _NW
_L = 16
_NGRP = _RPW // _L
_NBUF = 6


def _sc_loss(pred, tgt, msk):
    mesh = plsc.VectorSubcoreMesh(core_axis_name="c", subcore_axis_name="s")

    @functools.partial(
        pl.kernel,
        out_type=jax.ShapeDtypeStruct((_NC, 2, _L), jnp.float32),
        mesh=mesh,
        compiler_params=pltpu.CompilerParams(
            needs_layout_passes=False, use_tc_tiling_on_sc=True),
        scratch_types=[
            pltpu.VMEM((_RPW,), jnp.int32),
            pltpu.VMEM((_RPW,), jnp.float32),
            pltpu.VMEM((_L * 8, 128), jnp.float32),
            pltpu.VMEM((_L * 8, 128), jnp.float32),
            pltpu.VMEM((_L * 8, 128), jnp.float32),
            pltpu.VMEM((_L * 8, 128), jnp.float32),
            pltpu.VMEM((_L * 8, 128), jnp.float32),
            pltpu.VMEM((_L * 8, 128), jnp.float32),
            pltpu.VMEM((_L, _L), jnp.float32),
            pltpu.VMEM((_L, _L), jnp.float32),
            pltpu.VMEM((_L,), jnp.float32),
            pltpu.VMEM_SHARED((_L, _L), jnp.float32),
            pltpu.SemaphoreType.DMA,
            pltpu.SemaphoreType.DMA,
            pltpu.SemaphoreType.DMA,
            pltpu.SemaphoreType.DMA,
            pltpu.SemaphoreType.DMA,
            pltpu.SemaphoreType.DMA,
        ],
    )
    def k(pred_hbm, tgt_hbm, msk_hbm, out_hbm,
          tgt_v, msk_v, buf0, buf1, buf2, buf3, buf4, buf5, loc_v, tot_v,
          tmp_v, shacc, sem0, sem1, sem2, sem3, sem4, sem5):
        cid = lax.axis_index("c")
        sid = lax.axis_index("s")
        wid = sid * _NC + cid
        base = wid * _RPW
        pltpu.sync_copy(tgt_hbm.at[pl.ds(base, _RPW)], tgt_v)
        pltpu.sync_copy(msk_hbm.at[pl.ds(base, _RPW)], msk_v)

        for r in range(_L):
            loc_v[r, pl.ds(0, _L)] = jnp.zeros((_L,), jnp.float32)

        @pl.when(sid == 0)
        def _():
            pltpu.sync_copy(loc_v, shacc)

        bufs = (buf0, buf1, buf2, buf3, buf4, buf5)
        sems = (sem0, sem1, sem2, sem3, sem4, sem5)

        def fire(g):
            buf, sem = bufs[g % _NBUF], sems[g % _NBUF]
            tvec = tgt_v[pl.ds(g * _L, _L)]
            b = (base + g * _L) >> 11
            s_grp = (base + g * _L) & (_S - 1)
            for j in range(_L):
                s0 = pl.multiple_of(s_grp + (j & -8), 8)
                t0 = pl.multiple_of(tvec[j] & -128, 128)
                pltpu.async_copy(pred_hbm.at[b, pl.ds(s0, 8), pl.ds(t0, 128)],
                                 buf.at[pl.ds(j * 8, 8)], sem)

        def drain(g):
            buf, sem = bufs[g % _NBUF], sems[g % _NBUF]
            pltpu.make_async_copy(
                pred_hbm.at[0, pl.ds(0, _L * 8), pl.ds(0, 128)], buf,
                sem).wait()

        gacc = jnp.zeros((_L,), jnp.float32)
        macc = jnp.zeros((_L,), jnp.float32)
        lane = lax.iota(jnp.int32, _L)
        rows16 = lane * 8 + (lane & 7)

        def extract(g, gacc, macc):
            buf = bufs[g % _NBUF]
            lanes16 = tgt_v[pl.ds(g * _L, _L)] & 127
            gv = plsc.load_gather(buf, [rows16, lanes16])
            mv = msk_v[pl.ds(g * _L, _L)]
            return gacc + gv * mv, macc + mv

        for g in range(_NBUF - 1):
            fire(g)
        for g in range(_NBUF - 1, _NGRP):
            fire(g)
            drain(g - _NBUF + 1)
            gacc, macc = extract(g - _NBUF + 1, gacc, macc)
        for g in range(_NGRP - _NBUF + 1, _NGRP):
            drain(g)
            gacc, macc = extract(g, gacc, macc)

        loc_v[0, pl.ds(0, _L)] = gacc
        loc_v[1, pl.ds(0, _L)] = macc

        plsc.subcore_barrier()
        pltpu.sync_copy(loc_v, shacc.at[lax.iota(jnp.int32, _L)], add=True)
        plsc.subcore_barrier()

        pltpu.sync_copy(shacc, tot_v)
        tg = tot_v[0, pl.ds(0, _L)]
        tm = tot_v[1, pl.ds(0, _L)]
        for shift in (8, 4, 2, 1):
            tmp_v[...] = tg
            tg = tg + plsc.load_gather(tmp_v, [lane ^ shift])
            tmp_v[...] = tm
            tm = tm + plsc.load_gather(tmp_v, [lane ^ shift])
        loc_v[0, pl.ds(0, _L)] = tg
        loc_v[1, pl.ds(0, _L)] = tm

        @pl.when(sid == 0)
        def _():
            pltpu.sync_copy(loc_v.at[pl.ds(0, 2)], out_hbm.at[cid])

    return k(pred, tgt, msk)


def kernel(predicts, targets, masks):
    tgt = targets.reshape(-1).astype(jnp.int32)
    msk = masks.reshape(-1)
    out = _sc_loss(predicts, tgt, msk)
    g = out[0, 0, 0] + out[1, 0, 0]
    m = out[0, 1, 0] + out[1, 1, 0]
    return -g / m

# --- scband reference (transcript-rebuilt; emitter-appended) ---
"""Pipeline reference for scband-mask-criterion-3779571220921 (READ-ONLY COPY).

The authoritative reference and input builder live on the scoring server;
editing this copy changes nothing except your own understanding.
"""

import jax, jax.numpy as jnp
import numpy as np


def setup_inputs(seed: int = 0) -> dict:
    key = jax.random.key(seed)
    k1, k2 = jax.random.split(key)
    B, S, V = 2, 2048, 32000
    predicts = jax.random.normal(k1, (B, S, V), dtype=jnp.float32)
    targets = jax.random.randint(k2, (B, S), 0, V, dtype=jnp.int64)
    masks = jnp.ones((B, S), dtype=jnp.float32)
    return {"predicts": predicts, "targets": targets, "masks": masks}


def reference(predicts, targets, masks):
    V = predicts.shape[2]
    p = predicts.reshape(-1, V)
    t = targets.reshape(-1, 1)
    m = masks.reshape(-1, 1)
    gathered = jnp.take_along_axis(p, t, axis=1)
    output = -gathered * m
    return jnp.sum(output) / jnp.sum(m)

if __name__ == "__main__":
    import jax
    _d = setup_inputs()
    print(jax.jit(kernel)(*tuple(_d.values())))

</pallas_src>

<mosaic_0001>
#map = affine_map<(d0, d1) -> (0, 0, 0)>
#map1 = affine_map<(d0, d1) -> (0)>
module attributes {stable_mosaic.version = 14 : i64} {
  func.func @k(%arg0: i32, %arg1: i32, %arg2: memref<2x2048x32000xf32, #tpu.memory_space<hbm>>, %arg3: memref<4096xi32, #tpu.memory_space<hbm>>, %arg4: memref<4096xf32, #tpu.memory_space<hbm>>, %arg5: memref<2x2x16xf32, #tpu.memory_space<hbm>>, %arg6: memref<128xi32, #tpu.memory_space<vmem>>, %arg7: memref<128xf32, #tpu.memory_space<vmem>>, %arg8: memref<128x128xf32, #tpu.memory_space<vmem>>, %arg9: memref<128x128xf32, #tpu.memory_space<vmem>>, %arg10: memref<128x128xf32, #tpu.memory_space<vmem>>, %arg11: memref<128x128xf32, #tpu.memory_space<vmem>>, %arg12: memref<128x128xf32, #tpu.memory_space<vmem>>, %arg13: memref<128x128xf32, #tpu.memory_space<vmem>>, %arg14: memref<16x16xf32, #tpu.memory_space<vmem>>, %arg15: memref<16x16xf32, #tpu.memory_space<vmem>>, %arg16: memref<16xf32, #tpu.memory_space<vmem>>, %arg17: memref<16x16xf32, #tpu.memory_space<vmem_shared>>, %arg18: memref<!tpu.dma_semaphore, #tpu.memory_space<semaphore_mem>>, %arg19: memref<!tpu.dma_semaphore, #tpu.memory_space<semaphore_mem>>, %arg20: memref<!tpu.dma_semaphore, #tpu.memory_space<semaphore_mem>>, %arg21: memref<!tpu.dma_semaphore, #tpu.memory_space<semaphore_mem>>, %arg22: memref<!tpu.dma_semaphore, #tpu.memory_space<semaphore_mem>>, %arg23: memref<!tpu.dma_semaphore, #tpu.memory_space<semaphore_mem>>) attributes {dimension_semantics = [#tpu.dimension_semantics<core_parallel>, #tpu.dimension_semantics<subcore_parallel>], iteration_bounds = array<i64: 2, 16>, scalar_prefetch = 0 : i64, scratch_operands = 18 : i64, tpu.core_type = #tpu.core_type<sc_vector_subcore>, window_params = [{transform_indices = #map}, {transform_indices = #map1}, {transform_indices = #map1}, {transform_indices = #map}]} {
    %mul3A = arith.constant 2 : i32
    %mul3A_0 = arith.muli %arg1, %mul3A : i32
    %add3A = arith.addi %mul3A_0, %arg0 : i32
    %mul3A_1 = arith.constant 128 : i32
    %mul3A_2 = arith.muli %add3A, %mul3A_1 : i32
    "tpu.region"() ({
      %run_scoped3A = tpu.sem_alloc : memref<!tpu.dma_semaphore, #tpu.memory_space<semaphore_mem>>
      %dma_start3A_2731 = tpu.memref_slice %arg3[%mul3A_2] : memref<4096xi32, #tpu.memory_space<hbm>> -> memref<128xi32, #tpu.memory_space<hbm>>
      %dma_start3A_2732 = tpu.memref_slice %arg3[%mul3A_2] : memref<4096xi32, #tpu.memory_space<hbm>> -> memref<128xi32, #tpu.memory_space<hbm>>
      tpu.enqueue_dma source(%dma_start3A_2732 : memref<128xi32, #tpu.memory_space<hbm>>) target(%arg6 : memref<128xi32, #tpu.memory_space<vmem>>) target_semaphore(%run_scoped3A : memref<!tpu.dma_semaphore, #tpu.memory_space<semaphore_mem>>)
      %dma_wait3A_2733 = tpu.memref_slice %arg3[%mul3A_2] : memref<4096xi32, #tpu.memory_space<hbm>> -> memref<128xi32, #tpu.memory_space<hbm>>
      %dma_wait3A_2734 = tpu.memref_slice %arg3[%mul3A_2] : memref<4096xi32, #tpu.memory_space<hbm>> -> memref<128xi32, #tpu.memory_space<hbm>>
      tpu.wait_dma2 semaphore(%run_scoped3A : memref<!tpu.dma_semaphore, #tpu.memory_space<semaphore_mem>>) src(%dma_wait3A_2734 : memref<128xi32, #tpu.memory_space<hbm>>) dst(%arg6 : memref<128xi32, #tpu.memory_space<vmem>>)
      tpu.yield
    }) : () -> ()
    "tpu.region"() ({
      %run_scoped3A = tpu.sem_alloc : memref<!tpu.dma_semaphore, #tpu.memory_space<semaphore_mem>>
      %dma_start3A_2731 = tpu.memref_slice %arg4[%mul3A_2] : memref<4096xf32, #tpu.memory_space<hbm>> -> memref<128xf32, #tpu.memory_space<hbm>>
      %dma_start3A_2732 = tpu.memref_slice %arg4[%mul3A_2] : memref<4096xf32, #tpu.memory_space<hbm>> -> memref<128xf32, #tpu.memory_space<hbm>>
      tpu.enqueue_dma source(%dma_start3A_2732 : memref<128xf32, #tpu.memory_space<hbm>>) target(%arg7 : memref<128xf32, #tpu.memory_space<vmem>>) target_semaphore(%run_scoped3A : memref<!tpu.dma_semaphore, #tpu.memory_space<semaphore_mem>>)
      %dma_wait3A_2733 = tpu.memref_slice %arg4[%mul3A_2] : memref<4096xf32, #tpu.memory_space<hbm>> -> memref<128xf32, #tpu.memory_space<hbm>>
      %dma_wait3A_2734 = tpu.memref_slice %arg4[%mul3A_2] : memref<4096xf32, #tpu.memory_space<hbm>> -> memref<128xf32, #tpu.memory_space<hbm>>
      tpu.wait_dma2 semaphore(%run_scoped3A : memref<!tpu.dma_semaphore, #tpu.memory_space<semaphore_mem>>) src(%dma_wait3A_2734 : memref<128xf32, #tpu.memory_space<hbm>>) dst(%arg7 : memref<128xf32, #tpu.memory_space<vmem>>)
      tpu.yield
    }) : () -> ()
    %broadcast_in_dim3A = arith.constant 0.000000e+00 : f32
    %broadcast_in_dim3A_3 = vector.broadcast %broadcast_in_dim3A : f32 to vector<16xf32>
    %swap3A = arith.constant 0 : i32
    %swap3A_4 = arith.index_cast %swap3A : i32 to index
    %swap3A_5 = arith.constant 0 : index
    %swap3A_6 = tpu.vector_load %arg14[%swap3A_4, %swap3A_5] {strides = array<i32>} : memref<16x16xf32, #tpu.memory_space<vmem>>, vector<16xf32>,
    tpu.vector_store %arg14[%swap3A_4, %swap3A_5], %broadcast_in_dim3A_3 {strides = array<i32>} : memref<16x16xf32, #tpu.memory_space<vmem>>, vector<16xf32>,
    %broadcast_in_dim3A_7 = arith.constant 0.000000e+00 : f32
    %broadcast_in_dim3A_8 = vector.broadcast %broadcast_in_dim3A_7 : f32 to vector<16xf32>
    %swap3A_9 = arith.constant 1 : i32
    %swap3A_10 = arith.index_cast %swap3A_9 : i32 to index
    %swap3A_11 = arith.constant 0 : index
    %swap3A_12 = tpu.vector_load %arg14[%swap3A_10, %swap3A_11] {strides = array<i32>} : memref<16x16xf32, #tpu.memory_space<vmem>>, vector<16xf32>,
    tpu.vector_store %arg14[%swap3A_10, %swap3A_11], %broadcast_in_dim3A_8 {strides = array<i32>} : memref<16x16xf32, #tpu.memory_space<vmem>>, vector<16xf32>,
    %broadcast_in_dim3A_13 = arith.constant 0.000000e+00 : f32
    %broadcast_in_dim3A_14 = vector.broadcast %broadcast_in_dim3A_13 : f32 to vector<16xf32>
    %swap3A_15 = arith.constant 2 : i32
    %swap3A_16 = arith.index_cast %swap3A_15 : i32 to index
    %swap3A_17 = arith.constant 0 : index
    %swap3A_18 = tpu.vector_load %arg14[%swap3A_16, %swap3A_17] {strides = array<i32>} : memref<16x16xf32, #tpu.memory_space<vmem>>, vector<16xf32>,
    tpu.vector_store %arg14[%swap3A_16, %swap3A_17], %broadcast_in_dim3A_14 {strides = array<i32>} : memref<16x16xf32, #tpu.memory_space<vmem>>, vector<16xf32>,
    %broadcast_in_dim3A_19 = arith.constant 0.000000e+00 : f32
    %broadcast_in_dim3A_20 = vector.broadcast %broadcast_in_dim3A_19 : f32 to vector<16xf32>
    %swap3A_21 = arith.constant 3 : i32
    %swap3A_22 = arith.index_cast %swap3A_21 : i32 to index
    %swap3A_23 = arith.constant 0 : index
    %swap3A_24 = tpu.vector_load %arg14[%swap3A_22, %swap3A_23] {strides = array<i32>} : memref<16x16xf32, #tpu.memory_space<vmem>>, vector<16xf32>,
    tpu.vector_store %arg14[%swap3A_22, %swap3A_23], %broadcast_in_dim3A_20 {strides = array<i32>} : memref<16x16xf32, #tpu.memory_space<vmem>>, vector<16xf32>,
    %broadcast_in_dim3A_25 = arith.constant 0.000000e+00 : f32
    %broadcast_in_dim3A_26 = vector.broadcast %broadcast_in_dim3A_25 : f32 to vector<16xf32>
    %swap3A_27 = arith.constant 4 : i32
    %swap3A_28 = arith.index_cast %swap3A_27 : i32 to index
    %swap3A_29 = arith.constant 0 : index
    %swap3A_30 = tpu.vector_load %arg14[%swap3A_28, %swap3A_29] {strides = array<i32>} : memref<16x16xf32, #tpu.memory_space<vmem>>, vector<16xf32>,
    tpu.vector_store %arg14[%swap3A_28, %swap3A_29], %broadcast_in_dim3A_26 {strides = array<i32>} : memref<16x16xf32, #tpu.memory_space<vmem>>, vector<16xf32>,
    %broadcast_in_dim3A_31 = arith.constant 0.000000e+00 : f32
    %broadcast_in_dim3A_32 = vector.broadcast %broadcast_in_dim3A_31 : f32 to vector<16xf32>
    %swap3A_33 = arith.constant 5 : i32
    %swap3A_34 = arith.index_cast %swap3A_33 : i32 to index
    %swap3A_35 = arith.constant 0 : index
    %swap3A_36 = tpu.vector_load %arg14[%swap3A_34, %swap3A_35] {strides = array<i32>} : memref<16x16xf32, #tpu.memory_space<vmem>>, vector<16xf32>,
    tpu.vector_store %arg14[%swap3A_34, %swap3A_35], %broadcast_in_dim3A_32 {strides = array<i32>} : memref<16x16xf32, #tpu.memory_space<vmem>>, vector<16xf32>,
    %broadcast_in_dim3A_37 = arith.constant 0.000000e+00 : f32
    %broadcast_in_dim3A_38 = vector.broadcast %broadcast_in_dim3A_37 : f32 to vector<16xf32>
    %swap3A_39 = arith.constant 6 : i32
    %swap3A_40 = arith.index_cast %swap3A_39 : i32 to index
    %swap3A_41 = arith.constant 0 : index
    %swap3A_42 = tpu.vector_load %arg14[%swap3A_40, %swap3A_41] {strides = array<i32>} : memref<16x16xf32, #tpu.memory_space<vmem>>, vector<16xf32>,
    tpu.vector_store %arg14[%swap3A_40, %swap3A_41], %broadcast_in_dim3A_38 {strides = array<i32>} : memref<16x16xf32, #tpu.memory_space<vmem>>, vector<16xf32>,
    %broadcast_in_dim3A_43 = arith.constant 0.000000e+00 : f32
    %broadcast_in_dim3A_44 = vector.broadcast %broadcast_in_dim3A_43 : f32 to vector<16xf32>
    %swap3A_45 = arith.constant 7 : i32
    %swap3A_46 = arith.index_cast %swap3A_45 : i32 to index
    %swap3A_47 = arith.constant 0 : index
    %swap3A_48 = tpu.vector_load %arg14[%swap3A_46, %swap3A_47] {strides = array<i32>} : memref<16x16xf32, #tpu.memory_space<vmem>>, vector<16xf32>,
    tpu.vector_store %arg14[%swap3A_46, %swap3A_47], %broadcast_in_dim3A_44 {strides = array<i32>} : memref<16x16xf32, #tpu.memory_space<vmem>>, vector<16xf32>,
    %broadcast_in_dim3A_49 = arith.constant 0.000000e+00 : f32
    %broadcast_in_dim3A_50 = vector.broadcast %broadcast_in_dim3A_49 : f32 to vector<16xf32>
    %swap3A_51 = arith.constant 8 : i32
    %swap3A_52 = arith.index_cast %swap3A_51 : i32 to index
    %swap3A_53 = arith.constant 0 : index
    %swap3A_54 = tpu.vector_load %arg14[%swap3A_52, %swap3A_53] {strides = array<i32>} : memref<16x16xf32, #tpu.memory_space<vmem>>, vector<16xf32>,
    tpu.vector_store %arg14[%swap3A_52, %swap3A_53], %broadcast_in_dim3A_50 {strides = array<i32>} : memref<16x16xf32, #tpu.memory_space<vmem>>, vector<16xf32>,
    %broadcast_in_dim3A_55 = arith.constant 0.000000e+00 : f32
    %broadcast_in_dim3A_56 = vector.broadcast %broadcast_in_dim3A_55 : f32 to vector<16xf32>
    %swap3A_57 = arith.constant 9 : i32
    %swap3A_58 = arith.index_cast %swap3A_57 : i32 to index
    %swap3A_59 = arith.constant 0 : index
    %swap3A_60 = tpu.vector_load %arg14[%swap3A_58, %swap3A_59] {strides = array<i32>} : memref<16x16xf32, #tpu.memory_space<vmem>>, vector<16xf32>,
    tpu.vector_store %arg14[%swap3A_58, %swap3A_59], %broadcast_in_dim3A_56 {strides = array<i32>} : memref<16x16xf32, #tpu.memory_space<vmem>>, vector<16xf32>,
    %broadcast_in_dim3A_61 = arith.constant 0.000000e+00 : f32
    %broadcast_in_dim3A_62 = vector.broadcast %broadcast_in_dim3A_61 : f32 to vector<16xf32>
    %swap3A_63 = arith.constant 10 : i32
    %swap3A_64 = arith.index_cast %swap3A_63 : i32 to index
    %swap3A_65 = arith.constant 0 : index
    %swap3A_66 = tpu.vector_load %arg14[%swap3A_64, %swap3A_65] {strides = array<i32>} : memref<16x16xf32, #tpu.memory_space<vmem>>, vector<16xf32>,
    tpu.vector_store %arg14[%swap3A_64, %swap3A_65], %broadcast_in_dim3A_62 {strides = array<i32>} : memref<16x16xf32, #tpu.memory_space<vmem>>, vector<16xf32>,
    %broadcast_in_dim3A_67 = arith.constant 0.000000e+00 : f32
    %broadcast_in_dim3A_68 = vector.broadcast %broadcast_in_dim3A_67 : f32 to vector<16xf32>
    %swap3A_69 = arith.constant 11 : i32
    %swap3A_70 = arith.index_cast %swap3A_69 : i32 to index
    %swap3A_71 = arith.constant 0 : index
    %swap3A_72 = tpu.vector_load %arg14[%swap3A_70, %swap3A_71] {strides = array<i32>} : memref<16x16xf32, #tpu.memory_space<vmem>>, vector<16xf32>,
    tpu.vector_store %arg14[%swap3A_70, %swap3A_71], %broadcast_in_dim3A_68 {strides = array<i32>} : memref<16x16xf32, #tpu.memory_space<vmem>>, vector<16xf32>,
    %broadcast_in_dim3A_73 = arith.constant 0.000000e+00 : f32
    %broadcast_in_dim3A_74 = vector.broadcast %broadcast_in_dim3A_73 : f32 to vector<16xf32>
    %swap3A_75 = arith.constant 12 : i32
    %swap3A_76 = arith.index_cast %swap3A_75 : i32 to index
    %swap3A_77 = arith.constant 0 : index
    %swap3A_78 = tpu.vector_load %arg14[%swap3A_76, %swap3A_77] {strides = array<i32>} : memref<16x16xf32, #tpu.memory_space<vmem>>, vector<16xf32>,
    tpu.vector_store %arg14[%swap3A_76, %swap3A_77], %broadcast_in_dim3A_74 {strides = array<i32>} : memref<16x16xf32, #tpu.memory_space<vmem>>, vector<16xf32>,
    %broadcast_in_dim3A_79 = arith.constant 0.000000e+00 : f32
    %broadcast_in_dim3A_80 = vector.broadcast %broadcast_in_dim3A_79 : f32 to vector<16xf32>
    %swap3A_81 = arith.constant 13 : i32
    %swap3A_82 = arith.index_cast %swap3A_81 : i32 to index
    %swap3A_83 = arith.constant 0 : index
    %swap3A_84 = tpu.vector_load %arg14[%swap3A_82, %swap3A_83] {strides = array<i32>} : memref<16x16xf32, #tpu.memory_space<vmem>>, vector<16xf32>,
    tpu.vector_store %arg14[%swap3A_82, %swap3A_83], %broadcast_in_dim3A_80 {strides = array<i32>} : memref<16x16xf32, #tpu.memory_space<vmem>>, vector<16xf32>,
    %broadcast_in_dim3A_85 = arith.constant 0.000000e+00 : f32
    %broadcast_in_dim3A_86 = vector.broadcast %broadcast_in_dim3A_85 : f32 to vector<16xf32>
    %swap3A_87 = arith.constant 14 : i32
    %swap3A_88 = arith.index_cast %swap3A_87 : i32 to index
    %swap3A_89 = arith.constant 0 : index
    %swap3A_90 = tpu.vector_load %arg14[%swap3A_88, %swap3A_89] {strides = array<i32>} : memref<16x16xf32, #tpu.memory_space<vmem>>, vector<16xf32>,
    tpu.vector_store %arg14[%swap3A_88, %swap3A_89], %broadcast_in_dim3A_86 {strides = array<i32>} : memref<16x16xf32, #tpu.memory_space<vmem>>, vector<16xf32>,
    %broadcast_in_dim3A_91 = arith.constant 0.000000e+00 : f32
    %broadcast_in_dim3A_92 = vector.broadcast %broadcast_in_dim3A_91 : f32 to vector<16xf32>
    %swap3A_93 = arith.constant 15 : i32
    %swap3A_94 = arith.index_cast %swap3A_93 : i32 to index
    %swap3A_95 = arith.constant 0 : index
    %swap3A_96 = tpu.vector_load %arg14[%swap3A_94, %swap3A_95] {strides = array<i32>} : memref<16x16xf32, #tpu.memory_space<vmem>>, vector<16xf32>,
    tpu.vector_store %arg14[%swap3A_94, %swap3A_95], %broadcast_in_dim3A_92 {strides = array<i32>} : memref<16x16xf32, #tpu.memory_space<vmem>>, vector<16xf32>,
    %eq3A = arith.constant 0 : i32
    %eq3A_97 = arith.cmpi eq, %arg1, %eq3A : i32
    %convert_element_type3A = arith.extui %eq3A_97 : i1 to i32
    %cond3A = arith.constant 0 : i32
    %cond3A_98 = arith.cmpi ne, %convert_element_type3A, %cond3A : i32
    scf.if %cond3A_98 {
      "tpu.region"() ({
        %run_scoped3A = tpu.sem_alloc : memref<!tpu.dma_semaphore, #tpu.memory_space<semaphore_mem>>
        tpu.enqueue_dma source(%arg14 : memref<16x16xf32, #tpu.memory_space<vmem>>) target(%arg17 : memref<16x16xf32, #tpu.memory_space<vmem_shared>>) target_semaphore(%run_scoped3A : memref<!tpu.dma_semaphore, #tpu.memory_space<semaphore_mem>>)
        tpu.wait_dma2 semaphore(%run_scoped3A : memref<!tpu.dma_semaphore, #tpu.memory_space<semaphore_mem>>) src(%arg14 : memref<16x16xf32, #tpu.memory_space<vmem>>) dst(%arg17 : memref<16x16xf32, #tpu.memory_space<vmem_shared>>)
        tpu.yield
      }) : () -> ()
    } else {
    }
    %broadcast_in_dim3A_99 = arith.constant 0.000000e+00 : f32
    %broadcast_in_dim3A_100 = vector.broadcast %broadcast_in_dim3A_99 : f32 to vector<16xf32>
    %broadcast_in_dim3A_101 = arith.constant 0.000000e+00 : f32
    %broadcast_in_dim3A_102 = vector.broadcast %broadcast_in_dim3A_101 : f32 to vector<16xf32>
    %iota3A = tpu.iota {dimensions = array<i32: 0>} : vector<16xi32>
    %mul3A_103 = arith.constant 8 : i32
    %mul3A_104 = vector.broadcast %mul3A_103 : i32 to vector<16xi32>
    %mul3A_105 = arith.muli %iota3A, %mul3A_104 : vector<16xi32>
    %and3A = arith.constant 7 : i32
    %and3A_106 = vector.broadcast %and3A : i32 to vector<16xi32>
    %and3A_107 = arith.andi %iota3A, %and3A_106 : vector<16xi32>
    %add3A_108 = arith.addi %mul3A_105, %and3A_107 : vector<16xi32>
    %get3A = arith.constant 0 : index
    %get3A_109 = tpu.vector_load %arg6[%get3A] {strides = array<i32>} : memref<128xi32, #tpu.memory_space<vmem>>, vector<16xi32>,
    %add3A_110 = arith.constant 0 : i32
    %add3A_111 = arith.addi %mul3A_2, %add3A_110 : i32
    %shift_right_arithmetic3A = arith.constant 11 : i32
    %shift_right_arithmetic3A_112 = arith.shrsi %add3A_111, %shift_right_arithmetic3A : i32
    %add3A_113 = arith.constant 0 : i32
    %add3A_114 = arith.addi %mul3A_2, %add3A_113 : i32
    %and3A_115 = arith.constant 2047 : i32
    %and3A_116 = arith.andi %add3A_114, %and3A_115 : i32
    %add3A_117 = arith.constant 0 : i32
    %add3A_118 = arith.addi %and3A_116, %add3A_117 : i32
    %multiple_of3A = tpu.assume_multiple %add3A_118, 8 : i32
    %slice3A = vector.extract_strided_slice %get3A_109 {offsets = [0], sizes = [1], strides = [1]} : vector<16xi32> to vector<1xi32>
    %squeeze3A = vector.extract %slice3A[0] : i32 from vector<1xi32>
    %and3A_119 = arith.constant -128 : i32
    %and3A_120 = arith.andi %squeeze3A, %and3A_119 : i32
    %multiple_of3A_121 = tpu.assume_multiple %and3A_120, 128 : i32
    %dma_start3A = arith.constant 0 : i32
    %dma_start3A_122 = arith.constant 0 : i32
    %dma_start3A_123 = tpu.memref_slice %arg8[%dma_start3A, %dma_start3A_122] : memref<128x128xf32, #tpu.memory_space<vmem>> -> memref<8x128xf32, #tpu.memory_space<vmem>>
    %dma_start3A_124 = tpu.memref_slice %arg2[%shift_right_arithmetic3A_112, %multiple_of3A, %multiple_of3A_121] : memref<2x2048x32000xf32, #tpu.memory_space<hbm>> -> memref<1x8x128xf32, #tpu.memory_space<hbm>>
    %dma_start3A_125 = tpu.memref_squeeze %dma_start3A_124 : memref<1x8x128xf32, #tpu.memory_space<hbm>> -> memref<8x128xf32, #tpu.memory_space<hbm>>
    %dma_start3A_126 = arith.constant 0 : i32
    %dma_start3A_127 = arith.constant 0 : i32
    %dma_start3A_128 = tpu.memref_slice %arg8[%dma_start3A_126, %dma_start3A_127] : memref<128x128xf32, #tpu.memory_space<vmem>> -> memref<8x128xf32, #tpu.memory_space<vmem>>
    %dma_start3A_129 = tpu.memref_slice %arg2[%shift_right_arithmetic3A_112, %multiple_of3A, %multiple_of3A_121] : memref<2x2048x32000xf32, #tpu.memory_space<hbm>> -> memref<1x8x128xf32, #tpu.memory_space<hbm>>
    %dma_start3A_130 = tpu.memref_squeeze %dma_start3A_129 : memref<1x8x128xf32, #tpu.memory_space<hbm>> -> memref<8x128xf32, #tpu.memory_space<hbm>>
    tpu.enqueue_dma source(%dma_start3A_130 : memref<8x128xf32, #tpu.memory_space<hbm>>) target(%dma_start3A_128 : memref<8x128xf32, #tpu.memory_space<vmem>>) target_semaphore(%arg18 : memref<!tpu.dma_semaphore, #tpu.memory_space<semaphore_mem>>)
    %add3A_131 = arith.constant 0 : i32
    %add3A_132 = arith.addi %and3A_116, %add3A_131 : i32
    %multiple_of3A_133 = tpu.assume_multiple %add3A_132, 8 : i32
    %slice3A_134 = vector.extract_strided_slice %get3A_109 {offsets = [1], sizes = [1], strides = [1]} : vector<16xi32> to vector<1xi32>
    %squeeze3A_135 = vector.extract %slice3A_134[0] : i32 from vector<1xi32>
    %and3A_136 = arith.constant -128 : i32
    %and3A_137 = arith.andi %squeeze3A_135, %and3A_136 : i32
    %multiple_of3A_138 = tpu.assume_multiple %and3A_137, 128 : i32
    %dma_start3A_139 = arith.constant 8 : i32
    %dma_start3A_140 = arith.constant 0 : i32
    %dma_start3A_141 = tpu.memref_slice %arg8[%dma_start3A_139, %dma_start3A_140] : memref<128x128xf32, #tpu.memory_space<vmem>> -> memref<8x128xf32, #tpu.memory_space<vmem>>
    %dma_start3A_142 = tpu.memref_slice %arg2[%shift_right_arithmetic3A_112, %multiple_of3A_133, %multiple_of3A_138] : memref<2x2048x32000xf32, #tpu.memory_space<hbm>> -> memref<1x8x128xf32, #tpu.memory_space<hbm>>
    %dma_start3A_143 = tpu.memref_squeeze %dma_start3A_142 : memref<1x8x128xf32, #tpu.memory_space<hbm>> -> memref<8x128xf32, #tpu.memory_space<hbm>>
    %dma_start3A_144 = arith.constant 8 : i32
    %dma_start3A_145 = arith.constant 0 : i32
    %dma_start3A_146 = tpu.memref_slice %arg8[%dma_start3A_144, %dma_start3A_145] : memref<128x128xf32, #tpu.memory_space<vmem>> -> memref<8x128xf32, #tpu.memory_space<vmem>>
    %dma_start3A_147 = tpu.memref_slice %arg2[%shift_right_arithmetic3A_112, %multiple_of3A_133, %multiple_of3A_138] : memref<2x2048x32000xf32, #tpu.memory_space<hbm>> -> memref<1x8x128xf32, #tpu.memory_space<hbm>>
    %dma_start3A_148 = tpu.memref_squeeze %dma_start3A_147 : memref<1x8x128xf32, #tpu.memory_space<hbm>> -> memref<8x128xf32, #tpu.memory_space<hbm>>
    tpu.enqueue_dma source(%dma_start3A_148 : memref<8x128xf32, #tpu.memory_space<hbm>>) target(%dma_start3A_146 : memref<8x128xf32, #tpu.memory_space<vmem>>) target_semaphore(%arg18 : memref<!tpu.dma_semaphore, #tpu.memory_space<semaphore_mem>>)
    %add3A_149 = arith.constant 0 : i32
    %add3A_150 = arith.addi %and3A_116, %add3A_149 : i32
    %multiple_of3A_151 = tpu.assume_multiple %add3A_150, 8 : i32
    %slice3A_152 = vector.extract_strided_slice %get3A_109 {offsets = [2], sizes = [1], strides = [1]} : vector<16xi32> to vector<1xi32>
    %squeeze3A_153 = vector.extract %slice3A_152[0] : i32 from vector<1xi32>
    %and3A_154 = arith.constant -128 : i32
    %and3A_155 = arith.andi %squeeze3A_153, %and3A_154 : i32
    %multiple_of3A_156 = tpu.assume_multiple %and3A_155, 128 : i32
    %dma_start3A_157 = arith.constant 16 : i32
    %dma_start3A_158 = arith.constant 0 : i32
    %dma_start3A_159 = tpu.memref_slice %arg8[%dma_start3A_157, %dma_start3A_158] : memref<128x128xf32, #tpu.memory_space<vmem>> -> memref<8x128xf32, #tpu.memory_space<vmem>>
    %dma_start3A_160 = tpu.memref_slice %arg2[%shift_right_arithmetic3A_112, %multiple_of3A_151, %multiple_of3A_156] : memref<2x2048x32000xf32, #tpu.memory_space<hbm>> -> memref<1x8x128xf32, #tpu.memory_space<hbm>>
    %dma_start3A_161 = tpu.memref_squeeze %dma_start3A_160 : memref<1x8x128xf32, #tpu.memory_space<hbm>> -> memref<8x128xf32, #tpu.memory_space<hbm>>
    %dma_start3A_162 = arith.constant 16 : i32
    %dma_start3A_163 = arith.constant 0 : i32
    %dma_start3A_164 = tpu.memref_slice %arg8[%dma_start3A_162, %dma_start3A_163] : memref<128x128xf32, #tpu.memory_space<vmem>> -> memref<8x128xf32, #tpu.memory_space<vmem>>
    %dma_start3A_165 = tpu.memref_slice %arg2[%shift_right_arithmetic3A_112, %multiple_of3A_151, %multiple_of3A_156] : memref<2x2048x32000xf32, #tpu.memory_space<hbm>> -> memref<1x8x128xf32, #tpu.memory_space<hbm>>
    %dma_start3A_166 = tpu.memref_squeeze %dma_start3A_165 : memref<1x8x128xf32, #tpu.memory_space<hbm>> -> memref<8x128xf32, #tpu.memory_space<hbm>>
    tpu.enqueue_dma source(%dma_start3A_166 : memref<8x128xf32, #tpu.memory_space<hbm>>) target(%dma_start3A_164 : memref<8x128xf32, #tpu.memory_space<vmem>>) target_semaphore(%arg18 : memref<!tpu.dma_semaphore, #tpu.memory_space<semaphore_mem>>)
    %add3A_167 = arith.constant 0 : i32
    %add3A_168 = arith.addi %and3A_116, %add3A_167 : i32
    %multiple_of3A_169 = tpu.assume_multiple %add3A_168, 8 : i32
    %slice3A_170 = vector.extract_strided_slice %get3A_109 {offsets = [3], sizes = [1], strides = [1]} : vector<16xi32> to vector<1xi32>
    %squeeze3A_171 = vector.extract %slice3A_170[0] : i32 from vector<1xi32>
    %and3A_172 = arith.constant -128 : i32
    %and3A_173 = arith.andi %squeeze3A_171, %and3A_172 : i32
    %multiple_of3A_174 = tpu.assume_multiple %and3A_173, 128 : i32
    %dma_start3A_175 = arith.constant 24 : i32
    %dma_start3A_176 = arith.constant 0 : i32
    %dma_start3A_177 = tpu.memref_slice %arg8[%dma_start3A_175, %dma_start3A_176] : memref<128x128xf32, #tpu.memory_space<vmem>> -> memref<8x128xf32, #tpu.memory_space<vmem>>
    %dma_start3A_178 = tpu.memref_slice %arg2[%shift_right_arithmetic3A_112, %multiple_of3A_169, %multiple_of3A_174] : memref<2x2048x32000xf32, #tpu.memory_space<hbm>> -> memref<1x8x128xf32, #tpu.memory_space<hbm>>
    %dma_start3A_179 = tpu.memref_squeeze %dma_start3A_178 : memref<1x8x128xf32, #tpu.memory_space<hbm>> -> memref<8x128xf32, #tpu.memory_space<hbm>>
    %dma_start3A_180 = arith.constant 24 : i32
    %dma_start3A_181 = arith.constant 0 : i32
    %dma_start3A_182 = tpu.memref_slice %arg8[%dma_start3A_180, %dma_start3A_181] : memref<128x128xf32, #tpu.memory_space<vmem>> -> memref<8x128xf32, #tpu.memory_space<vmem>>
    %dma_start3A_183 = tpu.memref_slice %arg2[%shift_right_arithmetic3A_112, %multiple_of3A_169, %multiple_of3A_174] : memref<2x2048x32000xf32, #tpu.memory_space<hbm>> -> memref<1x8x128xf32, #tpu.memory_space<hbm>>
    %dma_start3A_184 = tpu.memref_squeeze %dma_start3A_183 : memref<1x8x128xf32, #tpu.memory_space<hbm>> -> memref<8x128xf32, #tpu.memory_space<hbm>>
    tpu.enqueue_dma source(%dma_start3A_184 : memref<8x128xf32, #tpu.memory_space<hbm>>) target(%dma_start3A_182 : memref<8x128xf32, #tpu.memory_space<vmem>>) target_semaphore(%arg18 : memref<!tpu.dma_semaphore, #tpu.memory_space<semaphore_mem>>)
    %add3A_185 = arith.constant 0 : i32
    %add3A_186 = arith.addi %and3A_116, %add3A_185 : i32
    %multiple_of3A_187 = tpu.assume_multiple %add3A_186, 8 : i32
    %slice3A_188 = vector.extract_strided_slice %get3A_109 {offsets = [4], sizes = [1], strides = [1]} : vector<16xi32> to vector<1xi32>
    %squeeze3A_189 = vector.extract %slice3A_188[0] : i32 from vector<1xi32>
    %and3A_190 = arith.constant -128 : i32
    %and3A_191 = arith.andi %squeeze3A_189, %and3A_190 : i32
    %multiple_of3A_192 = tpu.assume_multiple %and3A_191, 128 : i32
    %dma_start3A_193 = arith.constant 32 : i32
    %dma_start3A_194 = arith.constant 0 : i32
    %dma_start3A_195 = tpu.memref_slice %arg8[%dma_start3A_193, %dma_start3A_194] : memref<128x128xf32, #tpu.memory_space<vmem>> -> memref<8x128xf32, #tpu.memory_space<vmem>>
    %dma_start3A_196 = tpu.memref_slice %arg2[%shift_right_arithmetic3A_112, %multiple_of3A_187, %multiple_of3A_192] : memref<2x2048x32000xf32, #tpu.memory_space<hbm>> -> memref<1x8x128xf32, #tpu.memory_space<hbm>>
    %dma_start3A_197 = tpu.memref_squeeze %dma_start3A_196 : memref<1x8x128xf32, #tpu.memory_space<hbm>> -> memref<8x128xf32, #tpu.memory_space<hbm>>
    %dma_start3A_198 = arith.constant 32 : i32
    %dma_start3A_199 = arith.constant 0 : i32
    %dma_start3A_200 = tpu.memref_slice %arg8[%dma_start3A_198, %dma_start3A_199] : memref<128x128xf32, #tpu.memory_space<vmem>> -> memref<8x128xf32, #tpu.memory_space<vmem>>
    %dma_start3A_201 = tpu.memref_slice %arg2[%shift_right_arithmetic3A_112, %multiple_of3A_187, %multiple_of3A_192] : memref<2x2048x32000xf32, #tpu.memory_space<hbm>> -> memref<1x8x128xf32, #tpu.memory_space<hbm>>
    %dma_start3A_202 = tpu.memref_squeeze %dma_start3A_201 : memref<1x8x128xf32, #tpu.memory_space<hbm>> -> memref<8x128xf32, #tpu.memory_space<hbm>>
    tpu.enqueue_dma source(%dma_start3A_202 : memref<8x128xf32, #tpu.memory_space<hbm>>) target(%dma_start3A_200 : memref<8x128xf32, #tpu.memory_space<vmem>>) target_semaphore(%arg18 : memref<!tpu.dma_semaphore, #tpu.memory_space<semaphore_mem>>)
    %add3A_203 = arith.constant 0 : i32
    %add3A_204 = arith.addi %and3A_116, %add3A_203 : i32
    %multiple_of3A_205 = tpu.assume_multiple %add3A_204, 8 : i32
    %slice3A_206 = vector.extract_strided_slice %get3A_109 {offsets = [5], sizes = [1], strides = [1]} : vector<16xi32> to vector<1xi32>
    %squeeze3A_207 = vector.extract %slice3A_206[0] : i32 from vector<1xi32>
    %and3A_208 = arith.constant -128 : i32
    %and3A_209 = arith.andi %squeeze3A_207, %and3A_208 : i32
    %multiple_of3A_210 = tpu.assume_multiple %and3A_209, 128 : i32
    %dma_start3A_211 = arith.constant 40 : i32
    %dma_start3A_212 = arith.constant 0 : i32
    %dma_start3A_213 = tpu.memref_slice %arg8[%dma_start3A_211, %dma_start3A_212] : memref<128x128xf32, #tpu.memory_space<vmem>> -> memref<8x128xf32, #tpu.memory_space<vmem>>
    %dma_start3A_214 = tpu.memref_slice %arg2[%shift_right_arithmetic3A_112, %multiple_of3A_205, %multiple_of3A_210] : memref<2x2048x32000xf32, #tpu.memory_space<hbm>> -> memref<1x8x128xf32, #tpu.memory_space<hbm>>
    %dma_start3A_215 = tpu.memref_squeeze %dma_start3A_214 : memref<1x8x128xf32, #tpu.memory_space<hbm>> -> memref<8x128xf32, #tpu.memory_space<hbm>>
    %dma_start3A_216 = arith.constant 40 : i32
    %dma_start3A_217 = arith.constant 0 : i32
    %dma_start3A_218 = tpu.memref_slice %arg8[%dma_start3A_216, %dma_start3A_217] : memref<128x128xf32, #tpu.memory_space<vmem>> -> memref<8x128xf32, #tpu.memory_space<vmem>>
    %dma_start3A_219 = tpu.memref_slice %arg2[%shift_right_arithmetic3A_112, %multiple_of3A_205, %multiple_of3A_210] : memref<2x2048x32000xf32, #tpu.memory_space<hbm>> -> memref<1x8x128xf32, #tpu.memory_space<hbm>>
    %dma_start3A_220 = tpu.memref_squeeze %dma_start3A_219 : memref<1x8x128xf32, #tpu.memory_space<hbm>> -> memref<8x128xf32, #tpu.memory_space<hbm>>
    tpu.enqueue_dma source(%dma_start3A_220 : memref<8x128xf32, #tpu.memory_space<hbm>>) target(%dma_start3A_218 : memref<8x128xf32, #tpu.memory_space<vmem>>) target_semaphore(%arg18 : memref<!tpu.dma_semaphore, #tpu.memory_space<semaphore_mem>>)
    %add3A_221 = arith.constant 0 : i32
    %add3A_222 = arith.addi %and3A_116, %add3A_221 : i32
    %multiple_of3A_223 = tpu.assume_multiple %add3A_222, 8 : i32
    %slice3A_224 = vector.extract_strided_slice %get3A_109 {offsets = [6], sizes = [1], strides = [1]} : vector<16xi32> to vector<1xi32>
    %squeeze3A_225 = vector.extract %slice3A_224[0] : i32 from vector<1xi32>
    %and3A_226 = arith.constant -128 : i32
    %and3A_227 = arith.andi %squeeze3A_225, %and3A_226 : i32
    %multiple_of3A_228 = tpu.assume_multiple %and3A_227, 128 : i32
    %dma_start3A_229 = arith.constant 48 : i32
    %dma_start3A_230 = arith.constant 0 : i32
    %dma_start3A_231 = tpu.memref_slice %arg8[%dma_start3A_229, %dma_start3A_230] : memref<128x128xf32, #tpu.memory_space<vmem>> -> memref<8x128xf32, #tpu.memory_space<vmem>>
    %dma_start3A_232 = tpu.memref_slice %arg2[%shift_right_arithmetic3A_112, %multiple_of3A_223, %multiple_of3A_228] : memref<2x2048x32000xf32, #tpu.memory_space<hbm>> -> memref<1x8x128xf32, #tpu.memory_space<hbm>>
    %dma_start3A_233 = tpu.memref_squeeze %dma_start3A_232 : memref<1x8x128xf32, #tpu.memory_space<hbm>> -> memref<8x128xf32, #tpu.memory_space<hbm>>
    %dma_start3A_234 = arith.constant 48 : i32
    %dma_start3A_235 = arith.constant 0 : i32
    %dma_start3A_236 = tpu.memref_slice %arg8[%dma_start3A_234, %dma_start3A_235] : memref<128x128xf32, #tpu.memory_space<vmem>> -> memref<8x128xf32, #tpu.memory_space<vmem>>
    %dma_start3A_237 = tpu.memref_slice %arg2[%shift_right_arithmetic3A_112, %multiple_of3A_223, %multiple_of3A_228] : memref<2x2048x32000xf32, #tpu.memory_space<hbm>> -> memref<1x8x128xf32, #tpu.memory_space<hbm>>
    %dma_start3A_238 = tpu.memref_squeeze %dma_start3A_237 : memref<1x8x128xf32, #tpu.memory_space<hbm>> -> memref<8x128xf32, #tpu.memory_space<hbm>>
    tpu.enqueue_dma source(%dma_start3A_238 : memref<8x128xf32, #tpu.memory_space<hbm>>) target(%dma_start3A_236 : memref<8x128xf32, #tpu.memory_space<vmem>>) target_semaphore(%arg18 : memref<!tpu.dma_semaphore, #tpu.memory_space<semaphore_mem>>)
    %add3A_239 = arith.constant 0 : i32
    %add3A_240 = arith.addi %and3A_116, %add3A_239 : i32
    %multiple_of3A_241 = tpu.assume_multiple %add3A_240, 8 : i32
    %slice3A_242 = vector.extract_strided_slice %get3A_109 {offsets = [7], sizes = [1], strides = [1]} : vector<16xi32> to vector<1xi32>
    %squeeze3A_243 = vector.extract %slice3A_242[0] : i32 from vector<1xi32>
    %and3A_244 = arith.constant -128 : i32
    %and3A_245 = arith.andi %squeeze3A_243, %and3A_244 : i32
    %multiple_of3A_246 = tpu.assume_multiple %and3A_245, 128 : i32
    %dma_start3A_247 = arith.constant 56 : i32
    %dma_start3A_248 = arith.constant 0 : i32
    %dma_start3A_249 = tpu.memref_slice %arg8[%dma_start3A_247, %dma_start3A_248] : memref<128x128xf32, #tpu.memory_space<vmem>> -> memref<8x128xf32, #tpu.memory_space<vmem>>
    %dma_start3A_250 = tpu.memref_slice %arg2[%shift_right_arithmetic3A_112, %multiple_of3A_241, %multiple_of3A_246] : memref<2x2048x32000xf32, #tpu.memory_space<hbm>> -> memref<1x8x128xf32, #tpu.memory_space<hbm>>
    %dma_start3A_251 = tpu.memref_squeeze %dma_start3A_250 : memref<1x8x128xf32, #tpu.memory_space<hbm>> -> memref<8x128xf32, #tpu.memory_space<hbm>>
    %dma_start3A_252 = arith.constant 56 : i32
    %dma_start3A_253 = arith.constant 0 : i32
    %dma_start3A_254 = tpu.memref_slice %arg8[%dma_start3A_252, %dma_start3A_253] : memref<128x128xf32, #tpu.memory_space<vmem>> -> memref<8x128xf32, #tpu.memory_space<vmem>>
    %dma_start3A_255 = tpu.memref_slice %arg2[%shift_right_arithmetic3A_112, %multiple_of3A_241, %multiple_of3A_246] : memref<2x2048x32000xf32, #tpu.memory_space<hbm>> -> memref<1x8x128xf32, #tpu.memory_space<hbm>>
    %dma_start3A_256 = tpu.memref_squeeze %dma_start3A_255 : memref<1x8x128xf32, #tpu.memory_space<hbm>> -> memref<8x128xf32, #tpu.memory_space<hbm>>
    tpu.enqueue_dma source(%dma_start3A_256 : memref<8x128xf32, #tpu.memory_space<hbm>>) target(%dma_start3A_254 : memref<8x128xf32, #tpu.memory_space<vmem>>) target_semaphore(%arg18 : memref<!tpu.dma_semaphore, #tpu.memory_space<semaphore_mem>>)
    %add3A_257 = arith.constant 8 : i32
    %add3A_258 = arith.addi %and3A_116, %add3A_257 : i32
    %multiple_of3A_259 = tpu.assume_multiple %add3A_258, 8 : i32
    %slice3A_260 = vector.extract_strided_slice %get3A_109 {offsets = [8], sizes = [1], strides = [1]} : vector<16xi32> to vector<1xi32>
    %squeeze3A_261 = vector.extract %slice3A_260[0] : i32 from vector<1xi32>
    %and3A_262 = arith.constant -128 : i32
    %and3A_263 = arith.andi %squeeze3A_261, %and3A_262 : i32
    %multiple_of3A_264 = tpu.assume_multiple %and3A_263, 128 : i32
    %dma_start3A_265 = arith.constant 64 : i32
    %dma_start3A_266 = arith.constant 0 : i32
    %dma_start3A_267 = tpu.memref_slice %arg8[%dma_start3A_265, %dma_start3A_266] : memref<128x128xf32, #tpu.memory_space<vmem>> -> memref<8x128xf32, #tpu.memory_space<vmem>>
    %dma_start3A_268 = tpu.memref_slice %arg2[%shift_right_arithmetic3A_112, %multiple_of3A_259, %multiple_of3A_264] : memref<2x2048x32000xf32, #tpu.memory_space<hbm>> -> memref<1x8x128xf32, #tpu.memory_space<hbm>>
    %dma_start3A_269 = tpu.memref_squeeze %dma_start3A_268 : memref<1x8x128xf32, #tpu.memory_space<hbm>> -> memref<8x128xf32, #tpu.memory_space<hbm>>
    %dma_start3A_270 = arith.constant 64 : i32
    %dma_start3A_271 = arith.constant 0 : i32
    %dma_start3A_272 = tpu.memref_slice %arg8[%dma_start3A_270, %dma_start3A_271] : memref<128x128xf32, #tpu.memory_space<vmem>> -> memref<8x128xf32, #tpu.memory_space<vmem>>
    %dma_start3A_273 = tpu.memref_slice %arg2[%shift_right_arithmetic3A_112, %multiple_of3A_259, %multiple_of3A_264] : memref<2x2048x32000xf32, #tpu.memory_space<hbm>> -> memref<1x8x128xf32, #tpu.memory_space<hbm>>
    %dma_start3A_274 = tpu.memref_squeeze %dma_start3A_273 : memref<1x8x128xf32, #tpu.memory_space<hbm>> -> memref<8x128xf32, #tpu.memory_space<hbm>>
    tpu.enqueue_dma source(%dma_start3A_274 : memref<8x128xf32, #tpu.memory_space<hbm>>) target(%dma_start3A_272 : memref<8x128xf32, #tpu.memory_space<vmem>>) target_semaphore(%arg18 : memref<!tpu.dma_semaphore, #tpu.memory_space<semaphore_mem>>)
    %add3A_275 = arith.constant 8 : i32
    %add3A_276 = arith.addi %and3A_116, %add3A_275 : i32
    %multiple_of3A_277 = tpu.assume_multiple %add3A_276, 8 : i32
    %slice3A_278 = vector.extract_strided_slice %get3A_109 {offsets = [9], sizes = [1], strides = [1]} : vector<16xi32> to vector<1xi32>
    %squeeze3A_279 = vector.extract %slice3A_278[0] : i32 from vector<1xi32>
    %and3A_280 = arith.constant -128 : i32
    %and3A_281 = arith.andi %squeeze3A_279, %and3A_280 : i32
    %multiple_of3A_282 = tpu.assume_multiple %and3A_281, 128 : i32
    %dma_start3A_283 = arith.constant 72 : i32
    %dma_start3A_284 = arith.constant 0 : i32
    %dma_start3A_285 = tpu.memref_slice %arg8[%dma_start3A_283, %dma_start3A_284] : memref<128x128xf32, #tpu.memory_space<vmem>> -> memref<8x128xf32, #tpu.memory_space<vmem>>
    %dma_start3A_286 = tpu.memref_slice %arg2[%shift_right_arithmetic3A_112, %multiple_of3A_277, %multiple_of3A_282] : memref<2x2048x32000xf32, #tpu.memory_space<hbm>> -> memref<1x8x128xf32, #tpu.memory_space<hbm>>
    %dma_start3A_287 = tpu.memref_squeeze %dma_start3A_286 : memref<1x8x128xf32, #tpu.memory_space<hbm>> -> memref<8x128xf32, #tpu.memory_space<hbm>>
    %dma_start3A_288 = arith.constant 72 : i32
    %dma_start3A_289 = arith.constant 0 : i32
    %dma_start3A_290 = tpu.memref_slice %arg8[%dma_start3A_288, %dma_start3A_289] : memref<128x128xf32, #tpu.memory_space<vmem>> -> memref<8x128xf32, #tpu.memory_space<vmem>>
    %dma_start3A_291 = tpu.memref_slice %arg2[%shift_right_arithmetic3A_112, %multiple_of3A_277, %multiple_of3A_282] : memref<2x2048x32000xf32, #tpu.memory_space<hbm>> -> memref<1x8x128xf32, #tpu.memory_space<hbm>>
    %dma_start3A_292 = tpu.memref_squeeze %dma_start3A_291 : memref<1x8x128xf32, #tpu.memory_space<hbm>> -> memref<8x128xf32, #tpu.memory_space<hbm>>
    tpu.enqueue_dma source(%dma_start3A_292 : memref<8x128xf32, #tpu.memory_space<hbm>>) target(%dma_start3A_290 : memref<8x128xf32, #tpu.memory_space<vmem>>) target_semaphore(%arg18 : memref<!tpu.dma_semaphore, #tpu.memory_space<semaphore_mem>>)
    %add3A_293 = arith.constant 8 : i32
    %add3A_294 = arith.addi %and3A_116, %add3A_293 : i32
    %multiple_of3A_295 = tpu.assume_multiple %add3A_294, 8 : i32
    %slice3A_296 = vector.extract_strided_slice %get3A_109 {offsets = [10], sizes = [1], strides = [1]} : vector<16xi32> to vector<1xi32>
    %squeeze3A_297 = vector.extract %slice3A_296[0] : i32 from vector<1xi32>
    %and3A_298 = arith.constant -128 : i32
    %and3A_299 = arith.andi %squeeze3A_297, %and3A_298 : i32
    %multiple_of3A_300 = tpu.assume_multiple %and3A_299, 128 : i32
    %dma_start3A_301 = arith.constant 80 : i32
    %dma_start3A_302 = arith.constant 0 : i32
    %dma_start3A_303 = tpu.memref_slice %arg8[%dma_start3A_301, %dma_start3A_302] : memref<128x128xf32, #tpu.memory_space<vmem>> -> memref<8x128xf32, #tpu.memory_space<vmem>>
    %dma_start3A_304 = tpu.memref_slice %arg2[%shift_right_arithmetic3A_112, %multiple_of3A_295, %multiple_of3A_300] : memref<2x2048x32000xf32, #tpu.memory_space<hbm>> -> memref<1x8x128xf32, #tpu.memory_space<hbm>>
    %dma_start3A_305 = tpu.memref_squeeze %dma_start3A_304 : memref<1x8x128xf32, #tpu.memory_space<hbm>> -> memref<8x128xf32, #tpu.memory_space<hbm>>
    %dma_start3A_306 = arith.constant 80 : i32
    %dma_start3A_307 = arith.constant 0 : i32
    %dma_start3A_308 = tpu.memref_slice %arg8[%dma_start3A_306, %dma_start3A_307] : memref<128x128xf32, #tpu.memory_space<vmem>> -> memref<8x128xf32, #tpu.memory_space<vmem>>
    %dma_start3A_309 = tpu.memref_slice %arg2[%shift_right_arithmetic3A_112, %multiple_of3A_295, %multiple_of3A_300] : memref<2x2048x32000xf32, #tpu.memory_space<hbm>> -> memref<1x8x128xf32, #tpu.memory_space<hbm>>
    %dma_start3A_310 = tpu.memref_squeeze %dma_start3A_309 : memref<1x8x128xf32, #tpu.memory_space<hbm>> -> memref<8x128xf32, #tpu.memory_space<hbm>>
    tpu.enqueue_dma source(%dma_start3A_310 : memref<8x128xf32, #tpu.memory_space<hbm>>) target(%dma_start3A_308 : memref<8x128xf32, #tpu.memory_space<vmem>>) target_semaphore(%arg18 : memref<!tpu.dma_semaphore, #tpu.memory_space<semaphore_mem>>)
    %add3A_311 = arith.constant 8 : i32
    %add3A_312 = arith.addi %and3A_116, %add3A_311 : i32
    %multiple_of3A_313 = tpu.assume_multiple %add3A_312, 8 : i32
    %slice3A_314 = vector.extract_strided_slice %get3A_109 {offsets = [11], sizes = [1], strides = [1]} : vector<16xi32> to vector<1xi32>
    %squeeze3A_315 = vector.extract %slice3A_314[0] : i32 from vector<1xi32>
    %and3A_316 = arith.constant -128 : i32
    %and3A_317 = arith.andi %squeeze3A_315, %and3A_316 : i32
    %multiple_of3A_318 = tpu.assume_multiple %and3A_317, 128 : i32
    %dma_start3A_319 = arith.constant 88 : i32
    %dma_start3A_320 = arith.constant 0 : i32
    %dma_start3A_321 = tpu.memref_slice %arg8[%dma_start3A_319, %dma_start3A_320] : memref<128x128xf32, #tpu.memory_space<vmem>> -> memref<8x128xf32, #tpu.memory_space<vmem>>
    %dma_start3A_322 = tpu.memref_slice %arg2[%shift_right_arithmetic3A_112, %multiple_of3A_313, %multiple_of3A_318] : memref<2x2048x32000xf32, #tpu.memory_space<hbm>> -> memref<1x8x128xf32, #tpu.memory_space<hbm>>
    %dma_start3A_323 = tpu.memref_squeeze %dma_start3A_322 : memref<1x8x128xf32, #tpu.memory_space<hbm>> -> memref<8x128xf32, #tpu.memory_space<hbm>>
    %dma_start3A_324 = arith.constant 88 : i32
    %dma_start3A_325 = arith.constant 0 : i32
    %dma_start3A_326 = tpu.memref_slice %arg8[%dma_start3A_324, %dma_start3A_325] : memref<128x128xf32, #tpu.memory_space<vmem>> -> memref<8x128xf32, #tpu.memory_space<vmem>>
    %dma_start3A_327 = tpu.memref_slice %arg2[%shift_right_arithmetic3A_112, %multiple_of3A_313, %multiple_of3A_318] : memref<2x2048x32000xf32, #tpu.memory_space<hbm>> -> memref<1x8x128xf32, #tpu.memory_space<hbm>>
    %dma_start3A_328 = tpu.memref_squeeze %dma_start3A_327 : memref<1x8x128xf32, #tpu.memory_space<hbm>> -> memref<8x128xf32, #tpu.memory_space<hbm>>
    tpu.enqueue_dma source(%dma_start3A_328 : memref<8x128xf32, #tpu.memory_space<hbm>>) target(%dma_start3A_326 : memref<8x128xf32, #tpu.memory_space<vmem>>) target_semaphore(%arg18 : memref<!tpu.dma_semaphore, #tpu.memory_space<semaphore_mem>>)
    %add3A_329 = arith.constant 8 : i32
    %add3A_330 = arith.addi %and3A_116, %add3A_329 : i32
    %multiple_of3A_331 = tpu.assume_multiple %add3A_330, 8 : i32
    %slice3A_332 = vector.extract_strided_slice %get3A_109 {offsets = [12], sizes = [1], strides = [1]} : vector<16xi32> to vector<1xi32>
    %squeeze3A_333 = vector.extract %slice3A_332[0] : i32 from vector<1xi32>
    %and3A_334 = arith.constant -128 : i32
    %and3A_335 = arith.andi %squeeze3A_333, %and3A_334 : i32
    %multiple_of3A_336 = tpu.assume_multiple %and3A_335, 128 : i32
    %dma_start3A_337 = arith.constant 96 : i32
    %dma_start3A_338 = arith.constant 0 : i32
    %dma_start3A_339 = tpu.memref_slice %arg8[%dma_start3A_337, %dma_start3A_338] : memref<128x128xf32, #tpu.memory_space<vmem>> -> memref<8x128xf32, #tpu.memory_space<vmem>>
    %dma_start3A_340 = tpu.memref_slice %arg2[%shift_right_arithmetic3A_112, %multiple_of3A_331, %multiple_of3A_336] : memref<2x2048x32000xf32, #tpu.memory_space<hbm>> -> memref<1x8x128xf32, #tpu.memory_space<hbm>>
    %dma_start3A_341 = tpu.memref_squeeze %dma_start3A_340 : memref<1x8x128xf32, #tpu.memory_space<hbm>> -> memref<8x128xf32, #tpu.memory_space<hbm>>
    %dma_start3A_342 = arith.constant 96 : i32
    %dma_start3A_343 = arith.constant 0 : i32
    %dma_start3A_344 = tpu.memref_slice %arg8[%dma_start3A_342, %dma_start3A_343] : memref<128x128xf32, #tpu.memory_space<vmem>> -> memref<8x128xf32, #tpu.memory_space<vmem>>
    %dma_start3A_345 = tpu.memref_slice %arg2[%shift_right_arithmetic3A_112, %multiple_of3A_331, %multiple_of3A_336] : memref<2x2048x32000xf32, #tpu.memory_space<hbm>> -> memref<1x8x128xf32, #tpu.memory_space<hbm>>
    %dma_start3A_346 = tpu.memref_squeeze %dma_start3A_345 : memref<1x8x128xf32, #tpu.memory_space<hbm>> -> memref<8x128xf32, #tpu.memory_space<hbm>>
    tpu.enqueue_dma source(%dma_start3A_346 : memref<8x128xf32, #tpu.memory_space<hbm>>) target(%dma_start3A_344 : memref<8x128xf32, #tpu.memory_space<vmem>>) target_semaphore(%arg18 : memref<!tpu.dma_semaphore, #tpu.memory_space<semaphore_mem>>)
    %add3A_347 = arith.constant 8 : i32
    %add3A_348 = arith.addi %and3A_116, %add3A_347 : i32
    %multiple_of3A_349 = tpu.assume_multiple %add3A_348, 8 : i32
    %slice3A_350 = vector.extract_strided_slice %get3A_109 {offsets = [13], sizes = [1], strides = [1]} : vector<16xi32> to vector<1xi32>
    %squeeze3A_351 = vector.extract %slice3A_350[0] : i32 from vector<1xi32>
    %and3A_352 = arith.constant -128 : i32
    %and3A_353 = arith.andi %squeeze3A_351, %and3A_352 : i32
    %multiple_of3A_354 = tpu.assume_multiple %and3A_353, 128 : i32
    %dma_start3A_355 = arith.constant 104 : i32
    %dma_start3A_356 = arith.constant 0 : i32
    %dma_start3A_357 = tpu.memref_slice %arg8[%dma_start3A_355, %dma_start3A_356] : memref<128x128xf32, #tpu.memory_space<vmem>> -> memref<8x128xf32, #tpu.memory_space<vmem>>
    %dma_start3A_358 = tpu.memref_slice %arg2[%shift_right_arithmetic3A_112, %multiple_of3A_349, %multiple_of3A_354] : memref<2x2048x32000xf32, #tpu.memory_space<hbm>> -> memref<1x8x128xf32, #tpu.memory_space<hbm>>
    %dma_start3A_359 = tpu.memref_squeeze %dma_start3A_358 : memref<1x8x128xf32, #tpu.memory_space<hbm>> -> memref<8x128xf32, #tpu.memory_space<hbm>>
    %dma_start3A_360 = arith.constant 104 : i32
    %dma_start3A_361 = arith.constant 0 : i32
    %dma_start3A_362 = tpu.memref_slice %arg8[%dma_start3A_360, %dma_start3A_361] : memref<128x128xf32, #tpu.memory_space<vmem>> -> memref<8x128xf32, #tpu.memory_space<vmem>>
    %dma_start3A_363 = tpu.memref_slice %arg2[%shift_right_arithmetic3A_112, %multiple_of3A_349, %multiple_of3A_354] : memref<2x2048x32000xf32, #tpu.memory_space<hbm>> -> memref<1x8x128xf32, #tpu.memory_space<hbm>>
    %dma_start3A_364 = tpu.memref_squeeze %dma_start3A_363 : memref<1x8x128xf32, #tpu.memory_space<hbm>> -> memref<8x128xf32, #tpu.memory_space<hbm>>
    tpu.enqueue_dma source(%dma_start3A_364 : memref<8x128xf32, #tpu.memory_space<hbm>>) target(%dma_start3A_362 : memref<8x128xf32, #tpu.memory_space<vmem>>) target_semaphore(%arg18 : memref<!tpu.dma_semaphore, #tpu.memory_space<semaphore_mem>>)
    %add3A_365 = arith.constant 8 : i32
    %add3A_366 = arith.addi %and3A_116, %add3A_365 : i32
    %multiple_of3A_367 = tpu.assume_multiple %add3A_366, 8 : i32
    %slice3A_368 = vector.extract_strided_slice %get3A_109 {offsets = [14], sizes = [1], strides = [1]} : vector<16xi32> to vector<1xi32>
    %squeeze3A_369 = vector.extract %slice3A_368[0] : i32 from vector<1xi32>
    %and3A_370 = arith.constant -128 : i32
    %and3A_371 = arith.andi %squeeze3A_369, %and3A_370 : i32
    %multiple_of3A_372 = tpu.assume_multiple %and3A_371, 128 : i32
    %dma_start3A_373 = arith.constant 112 : i32
    %dma_start3A_374 = arith.constant 0 : i32
    %dma_start3A_375 = tpu.memref_slice %arg8[%dma_start3A_373, %dma_start3A_374] : memref<128x128xf32, #tpu.memory_space<vmem>> -> memref<8x128xf32, #tpu.memory_space<vmem>>
    %dma_start3A_376 = tpu.memref_slice %arg2[%shift_right_arithmetic3A_112, %multiple_of3A_367, %multiple_of3A_372] : memref<2x2048x32000xf32, #tpu.memory_space<hbm>> -> memref<1x8x128xf32, #tpu.memory_space<hbm>>
    %dma_start3A_377 = tpu.memref_squeeze %dma_start3A_376 : memref<1x8x128xf32, #tpu.memory_space<hbm>> -> memref<8x128xf32, #tpu.memory_space<hbm>>
    %dma_start3A_378 = arith.constant 112 : i32
    %dma_start3A_379 = arith.constant 0 : i32
    %dma_start3A_380 = tpu.memref_slice %arg8[%dma_start3A_378, %dma_start3A_379] : memref<128x128xf32, #tpu.memory_space<vmem>> -> memref<8x128xf32, #tpu.memory_space<vmem>>
    %dma_start3A_381 = tpu.memref_slice %arg2[%shift_right_arithmetic3A_112, %multiple_of3A_367, %multiple_of3A_372] : memref<2x2048x32000xf32, #tpu.memory_space<hbm>> -> memref<1x8x128xf32, #tpu.memory_space<hbm>>
    %dma_start3A_382 = tpu.memref_squeeze %dma_start3A_381 : memref<1x8x128xf32, #tpu.memory_space<hbm>> -> memref<8x128xf32, #tpu.memory_space<hbm>>
    tpu.enqueue_dma source(%dma_start3A_382 : memref<8x128xf32, #tpu.memory_space<hbm>>) target(%dma_start3A_380 : memref<8x128xf32, #tpu.memory_space<vmem>>) target_semaphore(%arg18 : memref<!tpu.dma_semaphore, #tpu.memory_space<semaphore_mem>>)
    %add3A_383 = arith.constant 8 : i32
    %add3A_384 = arith.addi %and3A_116, %add3A_383 : i32
    %multiple_of3A_385 = tpu.assume_multiple %add3A_384, 8 : i32
    %slice3A_386 = vector.extract_strided_slice %get3A_109 {offsets = [15], sizes = [1], strides = [1]} : vector<16xi32> to vector<1xi32>
    %squeeze3A_387 = vector.extract %slice3A_386[0] : i32 from vector<1xi32>
    %and3A_388 = arith.constant -128 : i32
    %and3A_389 = arith.andi %squeeze3A_387, %and3A_388 : i32
    %multiple_of3A_390 = tpu.assume_multiple %and3A_389, 128 : i32
    %dma_start3A_391 = arith.constant 120 : i32
    %dma_start3A_392 = arith.constant 0 : i32
    %dma_start3A_393 = tpu.memref_slice %arg8[%dma_start3A_391, %dma_start3A_392] : memref<128x128xf32, #tpu.memory_space<vmem>> -> memref<8x128xf32, #tpu.memory_space<vmem>>
    %dma_start3A_394 = tpu.memref_slice %arg2[%shift_right_arithmetic3A_112, %multiple_of3A_385, %multiple_of3A_390] : memref<2x2048x32000xf32, #tpu.memory_space<hbm>> -> memref<1x8x128xf32, #tpu.memory_space<hbm>>
    %dma_start3A_395 = tpu.memref_squeeze %dma_start3A_394 : memref<1x8x128xf32, #tpu.memory_space<hbm>> -> memref<8x128xf32, #tpu.memory_space<hbm>>
    %dma_start3A_396 = arith.constant 120 : i32
    %dma_start3A_397 = arith.constant 0 : i32
    %dma_start3A_398 = tpu.memref_slice %arg8[%dma_start3A_396, %dma_start3A_397] : memref<128x128xf32, #tpu.memory_space<vmem>> -> memref<8x128xf32, #tpu.memory_space<vmem>>
    %dma_start3A_399 = tpu.memref_slice %arg2[%shift_right_arithmetic3A_112, %multiple_of3A_385, %multiple_of3A_390] : memref<2x2048x32000xf32, #tpu.memory_space<hbm>> -> memref<1x8x128xf32, #tpu.memory_space<hbm>>
    %dma_start3A_400 = tpu.memref_squeeze %dma_start3A_399 : memref<1x8x128xf32, #tpu.memory_space<hbm>> -> memref<8x128xf32, #tpu.memory_space<hbm>>
    tpu.enqueue_dma source(%dma_start3A_400 : memref<8x128xf32, #tpu.memory_space<hbm>>) target(%dma_start3A_398 : memref<8x128xf32, #tpu.memory_space<vmem>>) target_semaphore(%arg18 : memref<!tpu.dma_semaphore, #tpu.memory_space<semaphore_mem>>)
    %get3A_401 = arith.constant 16 : index
    %get3A_402 = tpu.vector_load %arg6[%get3A_401] {strides = array<i32>} : memref<128xi32, #tpu.memory_space<vmem>>, vector<16xi32>,
    %add3A_403 = arith.constant 16 : i32
    %add3A_404 = arith.addi %mul3A_2, %add3A_403 : i32
    %shift_right_arithmetic3A_405 = arith.constant 11 : i32
    %shift_right_arithmetic3A_406 = arith.shrsi %add3A_404, %shift_right_arithmetic3A_405 : i32
    %add3A_407 = arith.constant 16 : i32
    %add3A_408 = arith.addi %mul3A_2, %add3A_407 : i32
    %and3A_409 = arith.constant 2047 : i32
    %and3A_410 = arith.andi %add3A_408, %and3A_409 : i32
    %add3A_411 = arith.constant 0 : i32
    %add3A_412 = arith.addi %and3A_410, %add3A_411 : i32
    %multiple_of3A_413 = tpu.assume_multiple %add3A_412, 8 : i32
    %slice3A_414 = vector.extract_strided_slice %get3A_402 {offsets = [0], sizes = [1], strides = [1]} : vector<16xi32> to vector<1xi32>
    %squeeze3A_415 = vector.extract %slice3A_414[0] : i32 from vector<1xi32>
    %and3A_416 = arith.constant -128 : i32
    %and3A_417 = arith.andi %squeeze3A_415, %and3A_416 : i32
    %multiple_of3A_418 = tpu.assume_multiple %and3A_417, 128 : i32
    %dma_start3A_419 = arith.constant 0 : i32
    %dma_start3A_420 = arith.constant 0 : i32
    %dma_start3A_421 = tpu.memref_slice %arg9[%dma_start3A_419, %dma_start3A_420] : memref<128x128xf32, #tpu.memory_space<vmem>> -> memref<8x128xf32, #tpu.memory_space<vmem>>
    %dma_start3A_422 = tpu.memref_slice %arg2[%shift_right_arithmetic3A_406, %multiple_of3A_413, %multiple_of3A_418] : memref<2x2048x32000xf32, #tpu.memory_space<hbm>> -> memref<1x8x128xf32, #tpu.memory_space<hbm>>
    %dma_start3A_423 = tpu.memref_squeeze %dma_start3A_422 : memref<1x8x128xf32, #tpu.memory_space<hbm>> -> memref<8x128xf32, #tpu.memory_space<hbm>>
    %dma_start3A_424 = arith.constant 0 : i32
    %dma_start3A_425 = arith.constant 0 : i32
    %dma_start3A_426 = tpu.memref_slice %arg9[%dma_start3A_424, %dma_start3A_425] : memref<128x128xf32, #tpu.memory_space<vmem>> -> memref<8x128xf32, #tpu.memory_space<vmem>>
    %dma_start3A_427 = tpu.memref_slice %arg2[%shift_right_arithmetic3A_406, %multiple_of3A_413, %multiple_of3A_418] : memref<2x2048x32000xf32, #tpu.memory_space<hbm>> -> memref<1x8x128xf32, #tpu.memory_space<hbm>>
    %dma_start3A_428 = tpu.memref_squeeze %dma_start3A_427 : memref<1x8x128xf32, #tpu.memory_space<hbm>> -> memref<8x128xf32, #tpu.memory_space<hbm>>
    tpu.enqueue_dma source(%dma_start3A_428 : memref<8x128xf32, #tpu.memory_space<hbm>>) target(%dma_start3A_426 : memref<8x128xf32, #tpu.memory_space<vmem>>) target_semaphore(%arg19 : memref<!tpu.dma_semaphore, #tpu.memory_space<semaphore_mem>>)
    %add3A_429 = arith.constant 0 : i32
    %add3A_430 = arith.addi %and3A_410, %add3A_429 : i32
    %multiple_of3A_431 = tpu.assume_multiple %add3A_430, 8 : i32
    %slice3A_432 = vector.extract_strided_slice %get3A_402 {offsets = [1], sizes = [1], strides = [1]} : vector<16xi32> to vector<1xi32>
    %squeeze3A_433 = vector.extract %slice3A_432[0] : i32 from vector<1xi32>
    %and3A_434 = arith.constant -128 : i32
    %and3A_435 = arith.andi %squeeze3A_433, %and3A_434 : i32
    %multiple_of3A_436 = tpu.assume_multiple %and3A_435, 128 : i32
    %dma_start3A_437 = arith.constant 8 : i32
    %dma_start3A_438 = arith.constant 0 : i32
    %dma_start3A_439 = tpu.memref_slice %arg9[%dma_start3A_437, %dma_start3A_438] : memref<128x128xf32, #tpu.memory_space<vmem>> -> memref<8x128xf32, #tpu.memory_space<vmem>>
    %dma_start3A_440 = tpu.memref_slice %arg2[%shift_right_arithmetic3A_406, %multiple_of3A_431, %multiple_of3A_436] : memref<2x2048x32000xf32, #tpu.memory_space<hbm>> -> memref<1x8x128xf32, #tpu.memory_space<hbm>>
    %dma_start3A_441 = tpu.memref_squeeze %dma_start3A_440 : memref<1x8x128xf32, #tpu.memory_space<hbm>> -> memref<8x128xf32, #tpu.memory_space<hbm>>
    %dma_start3A_442 = arith.constant 8 : i32
    %dma_start3A_443 = arith.constant 0 : i32
    %dma_start3A_444 = tpu.memref_slice %arg9[%dma_start3A_442, %dma_start3A_443] : memref<128x128xf32, #tpu.memory_space<vmem>> -> memref<8x128xf32, #tpu.memory_space<vmem>>
    %dma_start3A_445 = tpu.memref_slice %arg2[%shift_right_arithmetic3A_406, %multiple_of3A_431, %multiple_of3A_436] : memref<2x2048x32000xf32, #tpu.memory_space<hbm>> -> memref<1x8x128xf32, #tpu.memory_space<hbm>>
    %dma_start3A_446 = tpu.memref_squeeze %dma_start3A_445 : memref<1x8x128xf32, #tpu.memory_space<hbm>> -> memref<8x128xf32, #tpu.memory_space<hbm>>
    tpu.enqueue_dma source(%dma_start3A_446 : memref<8x128xf32, #tpu.memory_space<hbm>>) target(%dma_start3A_444 : memref<8x128xf32, #tpu.memory_space<vmem>>) target_semaphore(%arg19 : memref<!tpu.dma_semaphore, #tpu.memory_space<semaphore_mem>>)
    %add3A_447 = arith.constant 0 : i32
    %add3A_448 = arith.addi %and3A_410, %add3A_447 : i32
    %multiple_of3A_449 = tpu.assume_multiple %add3A_448, 8 : i32
    %slice3A_450 = vector.extract_strided_slice %get3A_402 {offsets = [2], sizes = [1], strides = [1]} : vector<16xi32> to vector<1xi32>
    %squeeze3A_451 = vector.extract %slice3A_450[0] : i32 from vector<1xi32>
    %and3A_452 = arith.constant -128 : i32
    %and3A_453 = arith.andi %squeeze3A_451, %and3A_452 : i32
    %multiple_of3A_454 = tpu.assume_multiple %and3A_453, 128 : i32
    %dma_start3A_455 = arith.constant 16 : i32
    %dma_start3A_456 = arith.constant 0 : i32
    %dma_start3A_457 = tpu.memref_slice %arg9[%dma_start3A_455, %dma_start3A_456] : memref<128x128xf32, #tpu.memory_space<vmem>> -> memref<8x128xf32, #tpu.memory_space<vmem>>
    %dma_start3A_458 = tpu.memref_slice %arg2[%shift_right_arithmetic3A_406, %multiple_of3A_449, %multiple_of3A_454] : memref<2x2048x32000xf32, #tpu.memory_space<hbm>> -> memref<1x8x128xf32, #tpu.memory_space<hbm>>
    %dma_start3A_459 = tpu.memref_squeeze %dma_start3A_458 : memref<1x8x128xf32, #tpu.memory_space<hbm>> -> memref<8x128xf32, #tpu.memory_space<hbm>>
    %dma_start3A_460 = arith.constant 16 : i32
    %dma_start3A_461 = arith.constant 0 : i32
    %dma_start3A_462 = tpu.memref_slice %arg9[%dma_start3A_460, %dma_start3A_461] : memref<128x128xf32, #tpu.memory_space<vmem>> -> memref<8x128xf32, #tpu.memory_space<vmem>>
    %dma_start3A_463 = tpu.memref_slice %arg2[%shift_right_arithmetic3A_406, %multiple_of3A_449, %multiple_of3A_454] : memref<2x2048x32000xf32, #tpu.memory_space<hbm>> -> memref<1x8x128xf32, #tpu.memory_space<hbm>>
    %dma_start3A_464 = tpu.memref_squeeze %dma_start3A_463 : memref<1x8x128xf32, #tpu.memory_space<hbm>> -> memref<8x128xf32, #tpu.memory_space<hbm>>
    tpu.enqueue_dma source(%dma_start3A_464 : memref<8x128xf32, #tpu.memory_space<hbm>>) target(%dma_start3A_462 : memref<8x128xf32, #tpu.memory_space<vmem>>) target_semaphore(%arg19 : memref<!tpu.dma_semaphore, #tpu.memory_space<semaphore_mem>>)
    %add3A_465 = arith.constant 0 : i32
    %add3A_466 = arith.addi %and3A_410, %add3A_465 : i32
    %multiple_of3A_467 = tpu.assume_multiple %add3A_466, 8 : i32
    %slice3A_468 = vector.extract_strided_slice %get3A_402 {offsets = [3], sizes = [1], strides = [1]} : vector<16xi32> to vector<1xi32>
    %squeeze3A_469 = vector.extract %slice3A_468[0] : i32 from vector<1xi32>
    %and3A_470 = arith.constant -128 : i32
    %and3A_471 = arith.andi %squeeze3A_469, %and3A_470 : i32
    %multiple_of3A_472 = tpu.assume_multiple %and3A_471, 128 : i32
    %dma_start3A_473 = arith.constant 24 : i32
    %dma_start3A_474 = arith.constant 0 : i32
    %dma_start3A_475 = tpu.memref_slice %arg9[%dma_start3A_473, %dma_start3A_474] : memref<128x128xf32, #tpu.memory_space<vmem>> -> memref<8x128xf32, #tpu.memory_space<vmem>>
    %dma_start3A_476 = tpu.memref_slice %arg2[%shift_right_arithmetic3A_406, %multiple_of3A_467, %multiple_of3A_472] : memref<2x2048x32000xf32, #tpu.memory_space<hbm>> -> memref<1x8x128xf32, #tpu.memory_space<hbm>>
    %dma_start3A_477 = tpu.memref_squeeze %dma_start3A_476 : memref<1x8x128xf32, #tpu.memory_space<hbm>> -> memref<8x128xf32, #tpu.memory_space<hbm>>
    %dma_start3A_478 = arith.constant 24 : i32
    %dma_start3A_479 = arith.constant 0 : i32
    %dma_start3A_480 = tpu.memref_slice %arg9[%dma_start3A_478, %dma_start3A_479] : memref<128x128xf32, #tpu.memory_space<vmem>> -> memref<8x128xf32, #tpu.memory_space<vmem>>
    %dma_start3A_481 = tpu.memref_slice %arg2[%shift_right_arithmetic3A_406, %multiple_of3A_467, %multiple_of3A_472] : memref<2x2048x32000xf32, #tpu.memory_space<hbm>> -> memref<1x8x128xf32, #tpu.memory_space<hbm>>
    %dma_start3A_482 = tpu.memref_squeeze %dma_start3A_481 : memref<1x8x128xf32, #tpu.memory_space<hbm>> -> memref<8x128xf32, #tpu.memory_space<hbm>>
    tpu.enqueue_dma source(%dma_start3A_482 : memref<8x128xf32, #tpu.memory_space<hbm>>) target(%dma_start3A_480 : memref<8x128xf32, #tpu.memory_space<vmem>>) target_semaphore(%arg19 : memref<!tpu.dma_semaphore, #tpu.memory_space<semaphore_mem>>)
    %add3A_483 = arith.constant 0 : i32
    %add3A_484 = arith.addi %and3A_410, %add3A_483 : i32
    %multiple_of3A_485 = tpu.assume_multiple %add3A_484, 8 : i32
    %slice3A_486 = vector.extract_strided_slice %get3A_402 {offsets = [4], sizes = [1], strides = [1]} : vector<16xi32> to vector<1xi32>
    %squeeze3A_487 = vector.extract %slice3A_486[0] : i32 from vector<1xi32>
    %and3A_488 = arith.constant -128 : i32
    %and3A_489 = arith.andi %squeeze3A_487, %and3A_488 : i32
    %multiple_of3A_490 = tpu.assume_multiple %and3A_489, 128 : i32
    %dma_start3A_491 = arith.constant 32 : i32
    %dma_start3A_492 = arith.constant 0 : i32
    %dma_start3A_493 = tpu.memref_slice %arg9[%dma_start3A_491, %dma_start3A_492] : memref<128x128xf32, #tpu.memory_space<vmem>> -> memref<8x128xf32, #tpu.memory_space<vmem>>
    %dma_start3A_494 = tpu.memref_slice %arg2[%shift_right_arithmetic3A_406, %multiple_of3A_485, %multiple_of3A_490] : memref<2x2048x32000xf32, #tpu.memory_space<hbm>> -> memref<1x8x128xf32, #tpu.memory_space<hbm>>
    %dma_start3A_495 = tpu.memref_squeeze %dma_start3A_494 : memref<1x8x128xf32, #tpu.memory_space<hbm>> -> memref<8x128xf32, #tpu.memory_space<hbm>>
    %dma_start3A_496 = arith.constant 32 : i32
    %dma_start3A_497 = arith.constant 0 : i32
    %dma_start3A_498 = tpu.memref_slice %arg9[%dma_start3A_496, %dma_start3A_497] : memref<128x128xf32, #tpu.memory_space<vmem>> -> memref<8x128xf32, #tpu.memory_space<vmem>>
    %dma_start3A_499 = tpu.memref_slice %arg2[%shift_right_arithmetic3A_406, %multiple_of3A_485, %multiple_of3A_490] : memref<2x2048x32000xf32, #tpu.memory_space<hbm>> -> memref<1x8x128xf32, #tpu.memory_space<hbm>>
    %dma_start3A_500 = tpu.memref_squeeze %dma_start3A_499 : memref<1x8x128xf32, #tpu.memory_space<hbm>> -> memref<8x128xf32, #tpu.memory_space<hbm>>
    tpu.enqueue_dma source(%dma_start3A_500 : memref<8x128xf32, #tpu.memory_space<hbm>>) target(%dma_start3A_498 : memref<8x128xf32, #tpu.memory_space<vmem>>) target_semaphore(%arg19 : memref<!tpu.dma_semaphore, #tpu.memory_space<semaphore_mem>>)
    %add3A_501 = arith.constant 0 : i32
    %add3A_502 = arith.addi %and3A_410, %add3A_501 : i32
    %multiple_of3A_503 = tpu.assume_multiple %add3A_502, 8 : i32
    %slice3A_504 = vector.extract_strided_slice %get3A_402 {offsets = [5], sizes = [1], strides = [1]} : vector<16xi32> to vector<1xi32>
    %squeeze3A_505 = vector.extract %slice3A_504[0] : i32 from vector<1xi32>
    %and3A_506 = arith.constant -128 : i32
    %and3A_507 = arith.andi %squeeze3A_505, %and3A_506 : i32
    %multiple_of3A_508 = tpu.assume_multiple %and3A_507, 128 : i32
    %dma_start3A_509 = arith.constant 40 : i32
    %dma_start3A_510 = arith.constant 0 : i32
    %dma_start3A_511 = tpu.memref_slice %arg9[%dma_start3A_509, %dma_start3A_510] : memref<128x128xf32, #tpu.memory_space<vmem>> -> memref<8x128xf32, #tpu.memory_space<vmem>>
    %dma_start3A_512 = tpu.memref_slice %arg2[%shift_right_arithmetic3A_406, %multiple_of3A_503, %multiple_of3A_508] : memref<2x2048x32000xf32, #tpu.memory_space<hbm>> -> memref<1x8x128xf32, #tpu.memory_space<hbm>>
    %dma_start3A_513 = tpu.memref_squeeze %dma_start3A_512 : memref<1x8x128xf32, #tpu.memory_space<hbm>> -> memref<8x128xf32, #tpu.memory_space<hbm>>
    %dma_start3A_514 = arith.constant 40 : i32
    %dma_start3A_515 = arith.constant 0 : i32
    %dma_start3A_516 = tpu.memref_slice %arg9[%dma_start3A_514, %dma_start3A_515] : memref<128x128xf32, #tpu.memory_space<vmem>> -> memref<8x128xf32, #tpu.memory_space<vmem>>
    %dma_start3A_517 = tpu.memref_slice %arg2[%shift_right_arithmetic3A_406, %multiple_of3A_503, %multiple_of3A_508] : memref<2x2048x32000xf32, #tpu.memory_space<hbm>> -> memref<1x8x128xf32, #tpu.memory_space<hbm>>
    %dma_start3A_518 = tpu.memref_squeeze %dma_start3A_517 : memref<1x8x128xf32, #tpu.memory_space<hbm>> -> memref<8x128xf32, #tpu.memory_space<hbm>>
    tpu.enqueue_dma source(%dma_start3A_518 : memref<8x128xf32, #tpu.memory_space<hbm>>) target(%dma_start3A_516 : memref<8x128xf32, #tpu.memory_space<vmem>>) target_semaphore(%arg19 : memref<!tpu.dma_semaphore, #tpu.memory_space<semaphore_mem>>)
    %add3A_519 = arith.constant 0 : i32
    %add3A_520 = arith.addi %and3A_410, %add3A_519 : i32
    %multiple_of3A_521 = tpu.assume_multiple %add3A_520, 8 : i32
    %slice3A_522 = vector.extract_strided_slice %get3A_402 {offsets = [6], sizes = [1], strides = [1]} : vector<16xi32> to vector<1xi32>
    %squeeze3A_523 = vector.extract %slice3A_522[0] : i32 from vector<1xi32>
    %and3A_524 = arith.constant -128 : i32
    %and3A_525 = arith.andi %squeeze3A_523, %and3A_524 : i32
    %multiple_of3A_526 = tpu.assume_multiple %and3A_525, 128 : i32
    %dma_start3A_527 = arith.constant 48 : i32
    %dma_start3A_528 = arith.constant 0 : i32
    %dma_start3A_529 = tpu.memref_slice %arg9[%dma_start3A_527, %dma_start3A_528] : memref<128x128xf32, #tpu.memory_space<vmem>> -> memref<8x128xf32, #tpu.memory_space<vmem>>
    %dma_start3A_530 = tpu.memref_slice %arg2[%shift_right_arithmetic3A_406, %multiple_of3A_521, %multiple_of3A_526] : memref<2x2048x32000xf32, #tpu.memory_space<hbm>> -> memref<1x8x128xf32, #tpu.memory_space<hbm>>
    %dma_start3A_531 = tpu.memref_squeeze %dma_start3A_530 : memref<1x8x128xf32, #tpu.memory_space<hbm>> -> memref<8x128xf32, #tpu.memory_space<hbm>>
    %dma_start3A_532 = arith.constant 48 : i32
    %dma_start3A_533 = arith.constant 0 : i32
    %dma_start3A_534 = tpu.memref_slice %arg9[%dma_start3A_532, %dma_start3A_533] : memref<128x128xf32, #tpu.memory_space<vmem>> -> memref<8x128xf32, #tpu.memory_space<vmem>>
    %dma_start3A_535 = tpu.memref_slice %arg2[%shift_right_arithmetic3A_406, %multiple_of3A_521, %multiple_of3A_526] : memref<2x2048x32000xf32, #tpu.memory_space<hbm>> -> memref<1x8x128xf32, #tpu.memory_space<hbm>>
    %dma_start3A_536 = tpu.memref_squeeze %dma_start3A_535 : memref<1x8x128xf32, #tpu.memory_space<hbm>> -> memref<8x128xf32, #tpu.memory_space<hbm>>
    tpu.enqueue_dma source(%dma_start3A_536 : memref<8x128xf32, #tpu.memory_space<hbm>>) target(%dma_start3A_534 : memref<8x128xf32, #tpu.memory_space<vmem>>) target_semaphore(%arg19 : memref<!tpu.dma_semaphore, #tpu.memory_space<semaphore_mem>>)
    %add3A_537 = arith.constant 0 : i32
    %add3A_538 = arith.addi %and3A_410, %add3A_537 : i32
    %multiple_of3A_539 = tpu.assume_multiple %add3A_538, 8 : i32
    %slice3A_540 = vector.extract_strided_slice %get3A_402 {offsets = [7], sizes = [1], strides = [1]} : vector<16xi32> to vector<1xi32>
    %squeeze3A_541 = vector.extract %slice3A_540[0] : i32 from vector<1xi32>
    %and3A_542 = arith.constant -128 : i32
    %and3A_543 = arith.andi %squeeze3A_541, %and3A_542 : i32
    %multiple_of3A_544 = tpu.assume_multiple %and3A_543, 128 : i32
    %dma_start3A_545 = arith.constant 56 : i32
    %dma_start3A_546 = arith.constant 0 : i32
    %dma_start3A_547 = tpu.memref_slice %arg9[%dma_start3A_545, %dma_start3A_546] : memref<128x128xf32, #tpu.memory_space<vmem>> -> memref<8x128xf32, #tpu.memory_space<vmem>>
    %dma_start3A_548 = tpu.memref_slice %arg2[%shift_right_arithmetic3A_406, %multiple_of3A_539, %multiple_of3A_544] : memref<2x2048x32000xf32, #tpu.memory_space<hbm>> -> memref<1x8x128xf32, #tpu.memory_space<hbm>>
    %dma_start3A_549 = tpu.memref_squeeze %dma_start3A_548 : memref<1x8x128xf32, #tpu.memory_space<hbm>> -> memref<8x128xf32, #tpu.memory_space<hbm>>
    %dma_start3A_550 = arith.constant 56 : i32
    %dma_start3A_551 = arith.constant 0 : i32
    %dma_start3A_552 = tpu.memref_slice %arg9[%dma_start3A_550, %dma_start3A_551] : memref<128x128xf32, #tpu.memory_space<vmem>> -> memref<8x128xf32, #tpu.memory_space<vmem>>
    %dma_start3A_553 = tpu.memref_slice %arg2[%shift_right_arithmetic3A_406, %multiple_of3A_539, %multiple_of3A_544] : memref<2x2048x32000xf32, #tpu.memory_space<hbm>> -> memref<1x8x128xf32, #tpu.memory_space<hbm>>
    %dma_start3A_554 = tpu.memref_squeeze %dma_start3A_553 : memref<1x8x128xf32, #tpu.memory_space<hbm>> -> memref<8x128xf32, #tpu.memory_space<hbm>>
    tpu.enqueue_dma source(%dma_start3A_554 : memref<8x128xf32, #tpu.memory_space<hbm>>) target(%dma_start3A_552 : memref<8x128xf32, #tpu.memory_space<vmem>>) target_semaphore(%arg19 : memref<!tpu.dma_semaphore, #tpu.memory_space<semaphore_mem>>)
    %add3A_555 = arith.constant 8 : i32
    %add3A_556 = arith.addi %and3A_410, %add3A_555 : i32
    %multiple_of3A_557 = tpu.assume_multiple %add3A_556, 8 : i32
    %slice3A_558 = vector.extract_strided_slice %get3A_402 {offsets = [8], sizes = [1], strides = [1]} : vector<16xi32> to vector<1xi32>
    %squeeze3A_559 = vector.extract %slice3A_558[0] : i32 from vector<1xi32>
    %and3A_560 = arith.constant -128 : i32
    %and3A_561 = arith.andi %squeeze3A_559, %and3A_560 : i32
    %multiple_of3A_562 = tpu.assume_multiple %and3A_561, 128 : i32
    %dma_start3A_563 = arith.constant 64 : i32
    %dma_start3A_564 = arith.constant 0 : i32
    %dma_start3A_565 = tpu.memref_slice %arg9[%dma_start3A_563, %dma_start3A_564] : memref<128x128xf32, #tpu.memory_space<vmem>> -> memref<8x128xf32, #tpu.memory_space<vmem>>
    %dma_start3A_566 = tpu.memref_slice %arg2[%shift_right_arithmetic3A_406, %multiple_of3A_557, %multiple_of3A_562] : memref<2x2048x32000xf32, #tpu.memory_space<hbm>> -> memref<1x8x128xf32, #tpu.memory_space<hbm>>
    %dma_start3A_567 = tpu.memref_squeeze %dma_start3A_566 : memref<1x8x128xf32, #tpu.memory_space<hbm>> -> memref<8x128xf32, #tpu.memory_space<hbm>>
    %dma_start3A_568 = arith.constant 64 : i32
    %dma_start3A_569 = arith.constant 0 : i32
    %dma_start3A_570 = tpu.memref_slice %arg9[%dma_start3A_568, %dma_start3A_569] : memref<128x128xf32, #tpu.memory_space<vmem>> -> memref<8x128xf32, #tpu.memory_space<vmem>>
    %dma_start3A_571 = tpu.memref_slice %arg2[%shift_right_arithmetic3A_406, %multiple_of3A_557, %multiple_of3A_562] : memref<2x2048x32000xf32, #tpu.memory_space<hbm>> -> memref<1x8x128xf32, #tpu.memory_space<hbm>>
    %dma_start3A_572 = tpu.memref_squeeze %dma_start3A_571 : memref<1x8x128xf32, #tpu.memory_space<hbm>> -> memref<8x128xf32, #tpu.memory_space<hbm>>
    tpu.enqueue_dma source(%dma_start3A_572 : memref<8x128xf32, #tpu.memory_space<hbm>>) target(%dma_start3A_570 : memref<8x128xf32, #tpu.memory_space<vmem>>) target_semaphore(%arg19 : memref<!tpu.dma_semaphore, #tpu.memory_space<semaphore_mem>>)
    %add3A_573 = arith.constant 8 : i32
    %add3A_574 = arith.addi %and3A_410, %add3A_573 : i32
    %multiple_of3A_575 = tpu.assume_multiple %add3A_574, 8 : i32
    %slice3A_576 = vector.extract_strided_slice %get3A_402 {offsets = [9], sizes = [1], strides = [1]} : vector<16xi32> to vector<1xi32>
    %squeeze3A_577 = vector.extract %slice3A_576[0] : i32 from vector<1xi32>
    %and3A_578 = arith.constant -128 : i32
    %and3A_579 = arith.andi %squeeze3A_577, %and3A_578 : i32
    %multiple_of3A_580 = tpu.assume_multiple %and3A_579, 128 : i32
    %dma_start3A_581 = arith.constant 72 : i32
    %dma_start3A_582 = arith.constant 0 : i32
    %dma_start3A_583 = tpu.memref_slice %arg9[%dma_start3A_581, %dma_start3A_582] : memref<128x128xf32, #tpu.memory_space<vmem>> -> memref<8x128xf32, #tpu.memory_space<vmem>>
    %dma_start3A_584 = tpu.memref_slice %arg2[%shift_right_arithmetic3A_406, %multiple_of3A_575, %multiple_of3A_580] : memref<2x2048x32000xf32, #tpu.memory_space<hbm>> -> memref<1x8x128xf32, #tpu.memory_space<hbm>>
    %dma_start3A_585 = tpu.memref_squeeze %dma_start3A_584 : memref<1x8x128xf32, #tpu.memory_space<hbm>> -> memref<8x128xf32, #tpu.memory_space<hbm>>
    %dma_start3A_586 = arith.constant 72 : i32
    %dma_start3A_587 = arith.constant 0 : i32
    %dma_start3A_588 = tpu.memref_slice %arg9[%dma_start3A_586, %dma_start3A_587] : memref<128x128xf32, #tpu.memory_space<vmem>> -> memref<8x128xf32, #tpu.memory_space<vmem>>
    %dma_start3A_589 = tpu.memref_slice %arg2[%shift_right_arithmetic3A_406, %multiple_of3A_575, %multiple_of3A_580] : memref<2x2048x32000xf32, #tpu.memory_space<hbm>> -> memref<1x8x128xf32, #tpu.memory_space<hbm>>
    %dma_start3A_590 = tpu.memref_squeeze %dma_start3A_589 : memref<1x8x128xf32, #tpu.memory_space<hbm>> -> memref<8x128xf32, #tpu.memory_space<hbm>>
    tpu.enqueue_dma source(%dma_start3A_590 : memref<8x128xf32, #tpu.memory_space<hbm>>) target(%dma_start3A_588 : memref<8x128xf32, #tpu.memory_space<vmem>>) target_semaphore(%arg19 : memref<!tpu.dma_semaphore, #tpu.memory_space<semaphore_mem>>)
    %add3A_591 = arith.constant 8 : i32
    %add3A_592 = arith.addi %and3A_410, %add3A_591 : i32
    %multiple_of3A_593 = tpu.assume_multiple %add3A_592, 8 : i32
    %slice3A_594 = vector.extract_strided_slice %get3A_402 {offsets = [10], sizes = [1], strides = [1]} : vector<16xi32> to vector<1xi32>
    %squeeze3A_595 = vector.extract %slice3A_594[0] : i32 from vector<1xi32>
    %and3A_596 = arith.constant -128 : i32
    %and3A_597 = arith.andi %squeeze3A_595, %and3A_596 : i32
    %multiple_of3A_598 = tpu.assume_multiple %and3A_597, 128 : i32
    %dma_start3A_599 = arith.constant 80 : i32
    %dma_start3A_600 = arith.constant 0 : i32
    %dma_start3A_601 = tpu.memref_slice %arg9[%dma_start3A_599, %dma_start3A_600] : memref<128x128xf32, #tpu.memory_space<vmem>> -> memref<8x128xf32, #tpu.memory_space<vmem>>
    %dma_start3A_602 = tpu.memref_slice %arg2[%shift_right_arithmetic3A_406, %multiple_of3A_593, %multiple_of3A_598] : memref<2x2048x32000xf32, #tpu.memory_space<hbm>> -> memref<1x8x128xf32, #tpu.memory_space<hbm>>
    %dma_start3A_603 = tpu.memref_squeeze %dma_start3A_602 : memref<1x8x128xf32, #tpu.memory_space<hbm>> -> memref<8x128xf32, #tpu.memory_space<hbm>>
    %dma_start3A_604 = arith.constant 80 : i32
    %dma_start3A_605 = arith.constant 0 : i32
    %dma_start3A_606 = tpu.memref_slice %arg9[%dma_start3A_604, %dma_start3A_605] : memref<128x128xf32, #tpu.memory_space<vmem>> -> memref<8x128xf32, #tpu.memory_space<vmem>>
    %dma_start3A_607 = tpu.memref_slice %arg2[%shift_right_arithmetic3A_406, %multiple_of3A_593, %multiple_of3A_598] : memref<2x2048x32000xf32, #tpu.memory_space<hbm>> -> memref<1x8x128xf32, #tpu.memory_space<hbm>>
    %dma_start3A_608 = tpu.memref_squeeze %dma_start3A_607 : memref<1x8x128xf32, #tpu.memory_space<hbm>> -> memref<8x128xf32, #tpu.memory_space<hbm>>
    tpu.enqueue_dma source(%dma_start3A_608 : memref<8x128xf32, #tpu.memory_space<hbm>>) target(%dma_start3A_606 : memref<8x128xf32, #tpu.memory_space<vmem>>) target_semaphore(%arg19 : memref<!tpu.dma_semaphore, #tpu.memory_space<semaphore_mem>>)
    %add3A_609 = arith.constant 8 : i32
    %add3A_610 = arith.addi %and3A_410, %add3A_609 : i32
    %multiple_of3A_611 = tpu.assume_multiple %add3A_610, 8 : i32
    %slice3A_612 = vector.extract_strided_slice %get3A_402 {offsets = [11], sizes = [1], strides = [1]} : vector<16xi32> to vector<1xi32>
    %squeeze3A_613 = vector.extract %slice3A_612[0] : i32 from vector<1xi32>
    %and3A_614 = arith.constant -128 : i32
    %and3A_615 = arith.andi %squeeze3A_613, %and3A_614 : i32
    %multiple_of3A_616 = tpu.assume_multiple %and3A_615, 128 : i32
    %dma_start3A_617 = arith.constant 88 : i32
    %dma_start3A_618 = arith.constant 0 : i32
    %dma_start3A_619 = tpu.memref_slice %arg9[%dma_start3A_617, %dma_start3A_618] : memref<128x128xf32, #tpu.memory_space<vmem>> -> memref<8x128xf32, #tpu.memory_space<vmem>>
    %dma_start3A_620 = tpu.memref_slice %arg2[%shift_right_arithmetic3A_406, %multiple_of3A_611, %multiple_of3A_616] : memref<2x2048x32000xf32, #tpu.memory_space<hbm>> -> memref<1x8x128xf32, #tpu.memory_space<hbm>>
    %dma_start3A_621 = tpu.memref_squeeze %dma_start3A_620 : memref<1x8x128xf32, #tpu.memory_space<hbm>> -> memref<8x128xf32, #tpu.memory_space<hbm>>
    %dma_start3A_622 = arith.constant 88 : i32
    %dma_start3A_623 = arith.constant 0 : i32
    %dma_start3A_624 = tpu.memref_slice %arg9[%dma_start3A_622, %dma_start3A_623] : memref<128x128xf32, #tpu.memory_space<vmem>> -> memref<8x128xf32, #tpu.memory_space<vmem>>
    %dma_start3A_625 = tpu.memref_slice %arg2[%shift_right_arithmetic3A_406, %multiple_of3A_611, %multiple_of3A_616] : memref<2x2048x32000xf32, #tpu.memory_space<hbm>> -> memref<1x8x128xf32, #tpu.memory_space<hbm>>
    %dma_start3A_626 = tpu.memref_squeeze %dma_start3A_625 : memref<1x8x128xf32, #tpu.memory_space<hbm>> -> memref<8x128xf32, #tpu.memory_space<hbm>>
    tpu.enqueue_dma source(%dma_start3A_626 : memref<8x128xf32, #tpu.memory_space<hbm>>) target(%dma_start3A_624 : memref<8x128xf32, #tpu.memory_space<vmem>>) target_semaphore(%arg19 : memref<!tpu.dma_semaphore, #tpu.memory_space<semaphore_mem>>)
    %add3A_627 = arith.constant 8 : i32
    %add3A_628 = arith.addi %and3A_410, %add3A_627 : i32
    %multiple_of3A_629 = tpu.assume_multiple %add3A_628, 8 : i32
    %slice3A_630 = vector.extract_strided_slice %get3A_402 {offsets = [12], sizes = [1], strides = [1]} : vector<16xi32> to vector<1xi32>
    %squeeze3A_631 = vector.extract %slice3A_630[0] : i32 from vector<1xi32>
    %and3A_632 = arith.constant -128 : i32
    %and3A_633 = arith.andi %squeeze3A_631, %and3A_632 : i32
    %multiple_of3A_634 = tpu.assume_multiple %and3A_633, 128 : i32
    %dma_start3A_635 = arith.constant 96 : i32
    %dma_start3A_636 = arith.constant 0 : i32
    %dma_start3A_637 = tpu.memref_slice %arg9[%dma_start3A_635, %dma_start3A_636] : memref<128x128xf32, #tpu.memory_space<vmem>> -> memref<8x128xf32, #tpu.memory_space<vmem>>
    %dma_start3A_638 = tpu.memref_slice %arg2[%shift_right_arithmetic3A_406, %multiple_of3A_629, %multiple_of3A_634] : memref<2x2048x32000xf32, #tpu.memory_space<hbm>> -> memref<1x8x128xf32, #tpu.memory_space<hbm>>
    %dma_start3A_639 = tpu.memref_squeeze %dma_start3A_638 : memref<1x8x128xf32, #tpu.memory_space<hbm>> -> memref<8x128xf32, #tpu.memory_space<hbm>>
    %dma_start3A_640 = arith.constant 96 : i32
    %dma_start3A_641 = arith.constant 0 : i32
    %dma_start3A_642 = tpu.memref_slice %arg9[%dma_start3A_640, %dma_start3A_641] : memref<128x128xf32, #tpu.memory_space<vmem>> -> memref<8x128xf32, #tpu.memory_space<vmem>>
    %dma_start3A_643 = tpu.memref_slice %arg2[%shift_right_arithmetic3A_406, %multiple_of3A_629, %multiple_of3A_634] : memref<2x2048x32000xf32, #tpu.memory_space<hbm>> -> memref<1x8x128xf32, #tpu.memory_space<hbm>>
    %dma_start3A_644 = tpu.memref_squeeze %dma_start3A_643 : memref<1x8x128xf32, #tpu.memory_space<hbm>> -> memref<8x128xf32, #tpu.memory_space<hbm>>
    tpu.enqueue_dma source(%dma_start3A_644 : memref<8x128xf32, #tpu.memory_space<hbm>>) target(%dma_start3A_642 : memref<8x128xf32, #tpu.memory_space<vmem>>) target_semaphore(%arg19 : memref<!tpu.dma_semaphore, #tpu.memory_space<semaphore_mem>>)
    %add3A_645 = arith.constant 8 : i32
    %add3A_646 = arith.addi %and3A_410, %add3A_645 : i32
    %multiple_of3A_647 = tpu.assume_multiple %add3A_646, 8 : i32
    %slice3A_648 = vector.extract_strided_slice %get3A_402 {offsets = [13], sizes = [1], strides = [1]} : vector<16xi32> to vector<1xi32>
    %squeeze3A_649 = vector.extract %slice3A_648[0] : i32 from vector<1xi32>
    %and3A_650 = arith.constant -128 : i32
    %and3A_651 = arith.andi %squeeze3A_649, %and3A_650 : i32
    %multiple_of3A_652 = tpu.assume_multiple %and3A_651, 128 : i32
    %dma_start3A_653 = arith.constant 104 : i32
    %dma_start3A_654 = arith.constant 0 : i32
    %dma_start3A_655 = tpu.memref_slice %arg9[%dma_start3A_653, %dma_start3A_654] : memref<128x128xf32, #tpu.memory_space<vmem>> -> memref<8x128xf32, #tpu.memory_space<vmem>>
    %dma_start3A_656 = tpu.memref_slice %arg2[%shift_right_arithmetic3A_406, %multiple_of3A_647, %multiple_of3A_652] : memref<2x2048x32000xf32, #tpu.memory_space<hbm>> -> memref<1x8x128xf32, #tpu.memory_space<hbm>>
    %dma_start3A_657 = tpu.memref_squeeze %dma_start3A_656 : memref<1x8x128xf32, #tpu.memory_space<hbm>> -> memref<8x128xf32, #tpu.memory_space<hbm>>
    %dma_start3A_658 = arith.constant 104 : i32
    %dma_start3A_659 = arith.constant 0 : i32
    %dma_start3A_660 = tpu.memref_slice %arg9[%dma_start3A_658, %dma_start3A_659] : memref<128x128xf32, #tpu.memory_space<vmem>> -> memref<8x128xf32, #tpu.memory_space<vmem>>
    %dma_start3A_661 = tpu.memref_slice %arg2[%shift_right_arithmetic3A_406, %multiple_of3A_647, %multiple_of3A_652] : memref<2x2048x32000xf32, #tpu.memory_space<hbm>> -> memref<1x8x128xf32, #tpu.memory_space<hbm>>
    %dma_start3A_662 = tpu.memref_squeeze %dma_start3A_661 : memref<1x8x128xf32, #tpu.memory_space<hbm>> -> memref<8x128xf32, #tpu.memory_space<hbm>>
    tpu.enqueue_dma source(%dma_start3A_662 : memref<8x128xf32, #tpu.memory_space<hbm>>) target(%dma_start3A_660 : memref<8x128xf32, #tpu.memory_space<vmem>>) target_semaphore(%arg19 : memref<!tpu.dma_semaphore, #tpu.memory_space<semaphore_mem>>)
    %add3A_663 = arith.constant 8 : i32
    %add3A_664 = arith.addi %and3A_410, %add3A_663 : i32
    %multiple_of3A_665 = tpu.assume_multiple %add3A_664, 8 : i32
    %slice3A_666 = vector.extract_strided_slice %get3A_402 {offsets = [14], sizes = [1], strides = [1]} : vector<16xi32> to vector<1xi32>
    %squeeze3A_667 = vector.extract %slice3A_666[0] : i32 from vector<1xi32>
    %and3A_668 = arith.constant -128 : i32
    %and3A_669 = arith.andi %squeeze3A_667, %and3A_668 : i32
    %multiple_of3A_670 = tpu.assume_multiple %and3A_669, 128 : i32
    %dma_start3A_671 = arith.constant 112 : i32
    %dma_start3A_672 = arith.constant 0 : i32
    %dma_start3A_673 = tpu.memref_slice %arg9[%dma_start3A_671, %dma_start3A_672] : memref<128x128xf32, #tpu.memory_space<vmem>> -> memref<8x128xf32, #tpu.memory_space<vmem>>
    %dma_start3A_674 = tpu.memref_slice %arg2[%shift_right_arithmetic3A_406, %multiple_of3A_665, %multiple_of3A_670] : memref<2x2048x32000xf32, #tpu.memory_space<hbm>> -> memref<1x8x128xf32, #tpu.memory_space<hbm>>
    %dma_start3A_675 = tpu.memref_squeeze %dma_start3A_674 : memref<1x8x128xf32, #tpu.memory_space<hbm>> -> memref<8x128xf32, #tpu.memory_space<hbm>>
    %dma_start3A_676 = arith.constant 112 : i32
    %dma_start3A_677 = arith.constant 0 : i32
    %dma_start3A_678 = tpu.memref_slice %arg9[%dma_start3A_676, %dma_start3A_677] : memref<128x128xf32, #tpu.memory_space<vmem>> -> memref<8x128xf32, #tpu.memory_space<vmem>>
    %dma_start3A_679 = tpu.memref_slice %arg2[%shift_right_arithmetic3A_406, %multiple_of3A_665, %multiple_of3A_670] : memref<2x2048x32000xf32, #tpu.memory_space<hbm>> -> memref<1x8x128xf32, #tpu.memory_space<hbm>>
    %dma_start3A_680 = tpu.memref_squeeze %dma_start3A_679 : memref<1x8x128xf32, #tpu.memory_space<hbm>> -> memref<8x128xf32, #tpu.memory_space<hbm>>
    tpu.enqueue_dma source(%dma_start3A_680 : memref<8x128xf32, #tpu.memory_space<hbm>>) target(%dma_start3A_678 : memref<8x128xf32, #tpu.memory_space<vmem>>) target_semaphore(%arg19 : memref<!tpu.dma_semaphore, #tpu.memory_space<semaphore_mem>>)
    %add3A_681 = arith.constant 8 : i32
    %add3A_682 = arith.addi %and3A_410, %add3A_681 : i32
    %multiple_of3A_683 = tpu.assume_multiple %add3A_682, 8 : i32
    %slice3A_684 = vector.extract_strided_slice %get3A_402 {offsets = [15], sizes = [1], strides = [1]} : vector<16xi32> to vector<1xi32>
    %squeeze3A_685 = vector.extract %slice3A_684[0] : i32 from vector<1xi32>
    %and3A_686 = arith.constant -128 : i32
    %and3A_687 = arith.andi %squeeze3A_685, %and3A_686 : i32
    %multiple_of3A_688 = tpu.assume_multiple %and3A_687, 128 : i32
    %dma_start3A_689 = arith.constant 120 : i32
    %dma_start3A_690 = arith.constant 0 : i32
    %dma_start3A_691 = tpu.memref_slice %arg9[%dma_start3A_689, %dma_start3A_690] : memref<128x128xf32, #tpu.memory_space<vmem>> -> memref<8x128xf32, #tpu.memory_space<vmem>>
    %dma_start3A_692 = tpu.memref_slice %arg2[%shift_right_arithmetic3A_406, %multiple_of3A_683, %multiple_of3A_688] : memref<2x2048x32000xf32, #tpu.memory_space<hbm>> -> memref<1x8x128xf32, #tpu.memory_space<hbm>>
    %dma_start3A_693 = tpu.memref_squeeze %dma_start3A_692 : memref<1x8x128xf32, #tpu.memory_space<hbm>> -> memref<8x128xf32, #tpu.memory_space<hbm>>
    %dma_start3A_694 = arith.constant 120 : i32
    %dma_start3A_695 = arith.constant 0 : i32
    %dma_start3A_696 = tpu.memref_slice %arg9[%dma_start3A_694, %dma_start3A_695] : memref<128x128xf32, #tpu.memory_space<vmem>> -> memref<8x128xf32, #tpu.memory_space<vmem>>
    %dma_start3A_697 = tpu.memref_slice %arg2[%shift_right_arithmetic3A_406, %multiple_of3A_683, %multiple_of3A_688] : memref<2x2048x32000xf32, #tpu.memory_space<hbm>> -> memref<1x8x128xf32, #tpu.memory_space<hbm>>
    %dma_start3A_698 = tpu.memref_squeeze %dma_start3A_697 : memref<1x8x128xf32, #tpu.memory_space<hbm>> -> memref<8x128xf32, #tpu.memory_space<hbm>>
    tpu.enqueue_dma source(%dma_start3A_698 : memref<8x128xf32, #tpu.memory_space<hbm>>) target(%dma_start3A_696 : memref<8x128xf32, #tpu.memory_space<vmem>>) target_semaphore(%arg19 : memref<!tpu.dma_semaphore, #tpu.memory_space<semaphore_mem>>)
    %get3A_699 = arith.constant 32 : index
    %get3A_700 = tpu.vector_load %arg6[%get3A_699] {strides = array<i32>} : memref<128xi32, #tpu.memory_space<vmem>>, vector<16xi32>,
    %add3A_701 = arith.constant 32 : i32
    %add3A_702 = arith.addi %mul3A_2, %add3A_701 : i32
    %shift_right_arithmetic3A_703 = arith.constant 11 : i32
    %shift_right_arithmetic3A_704 = arith.shrsi %add3A_702, %shift_right_arithmetic3A_703 : i32
    %add3A_705 = arith.constant 32 : i32
    %add3A_706 = arith.addi %mul3A_2, %add3A_705 : i32
    %and3A_707 = arith.constant 2047 : i32
    %and3A_708 = arith.andi %add3A_706, %and3A_707 : i32
    %add3A_709 = arith.constant 0 : i32
    %add3A_710 = arith.addi %and3A_708, %add3A_709 : i32
    %multiple_of3A_711 = tpu.assume_multiple %add3A_710, 8 : i32
    %slice3A_712 = vector.extract_strided_slice %get3A_700 {offsets = [0], sizes = [1], strides = [1]} : vector<16xi32> to vector<1xi32>
    %squeeze3A_713 = vector.extract %slice3A_712[0] : i32 from vector<1xi32>
    %and3A_714 = arith.constant -128 : i32
    %and3A_715 = arith.andi %squeeze3A_713, %and3A_714 : i32
    %multiple_of3A_716 = tpu.assume_multiple %and3A_715, 128 : i32
    %dma_start3A_717 = arith.constant 0 : i32
    %dma_start3A_718 = arith.constant 0 : i32
    %dma_start3A_719 = tpu.memref_slice %arg10[%dma_start3A_717, %dma_start3A_718] : memref<128x128xf32, #tpu.memory_space<vmem>> -> memref<8x128xf32, #tpu.memory_space<vmem>>
    %dma_start3A_720 = tpu.memref_slice %arg2[%shift_right_arithmetic3A_704, %multiple_of3A_711, %multiple_of3A_716] : memref<2x2048x32000xf32, #tpu.memory_space<hbm>> -> memref<1x8x128xf32, #tpu.memory_space<hbm>>
    %dma_start3A_721 = tpu.memref_squeeze %dma_start3A_720 : memref<1x8x128xf32, #tpu.memory_space<hbm>> -> memref<8x128xf32, #tpu.memory_space<hbm>>
    %dma_start3A_722 = arith.constant 0 : i32
    %dma_start3A_723 = arith.constant 0 : i32
    %dma_start3A_724 = tpu.memref_slice %arg10[%dma_start3A_722, %dma_start3A_723] : memref<128x128xf32, #tpu.memory_space<vmem>> -> memref<8x128xf32, #tpu.memory_space<vmem>>
    %dma_start3A_725 = tpu.memref_slice %arg2[%shift_right_arithmetic3A_704, %multiple_of3A_711, %multiple_of3A_716] : memref<2x2048x32000xf32, #tpu.memory_space<hbm>> -> memref<1x8x128xf32, #tpu.memory_space<hbm>>
    %dma_start3A_726 = tpu.memref_squeeze %dma_start3A_725 : memref<1x8x128xf32, #tpu.memory_space<hbm>> -> memref<8x128xf32, #tpu.memory_space<hbm>>
    tpu.enqueue_dma source(%dma_start3A_726 : memref<8x128xf32, #tpu.memory_space<hbm>>) target(%dma_start3A_724 : memref<8x128xf32, #tpu.memory_space<vmem>>) target_semaphore(%arg20 : memref<!tpu.dma_semaphore, #tpu.memory_space<semaphore_mem>>)
    %add3A_727 = arith.constant 0 : i32
    %add3A_728 = arith.addi %and3A_708, %add3A_727 : i32
    %multiple_of3A_729 = tpu.assume_multiple %add3A_728, 8 : i32
    %slice3A_730 = vector.extract_strided_slice %get3A_700 {offsets = [1], sizes = [1], strides = [1]} : vector<16xi32> to vector<1xi32>
    %squeeze3A_731 = vector.extract %slice3A_730[0] : i32 from vector<1xi32>
    %and3A_732 = arith.constant -128 : i32
    %and3A_733 = arith.andi %squeeze3A_731, %and3A_732 : i32
    %multiple_of3A_734 = tpu.assume_multiple %and3A_733, 128 : i32
    %dma_start3A_735 = arith.constant 8 : i32
    %dma_start3A_736 = arith.constant 0 : i32
    %dma_start3A_737 = tpu.memref_slice %arg10[%dma_start3A_735, %dma_start3A_736] : memref<128x128xf32, #tpu.memory_space<vmem>> -> memref<8x128xf32, #tpu.memory_space<vmem>>
    %dma_start3A_738 = tpu.memref_slice %arg2[%shift_right_arithmetic3A_704, %multiple_of3A_729, %multiple_of3A_734] : memref<2x2048x32000xf32, #tpu.memory_space<hbm>> -> memref<1x8x128xf32, #tpu.memory_space<hbm>>
    %dma_start3A_739 = tpu.memref_squeeze %dma_start3A_738 : memref<1x8x128xf32, #tpu.memory_space<hbm>> -> memref<8x128xf32, #tpu.memory_space<hbm>>
    %dma_start3A_740 = arith.constant 8 : i32
    %dma_start3A_741 = arith.constant 0 : i32
    %dma_start3A_742 = tpu.memref_slice %arg10[%dma_start3A_740, %dma_start3A_741] : memref<128x128xf32, #tpu.memory_space<vmem>> -> memref<8x128xf32, #tpu.memory_space<vmem>>
    %dma_start3A_743 = tpu.memref_slice %arg2[%shift_right_arithmetic3A_704, %multiple_of3A_729, %multiple_of3A_734] : memref<2x2048x32000xf32, #tpu.memory_space<hbm>> -> memref<1x8x128xf32, #tpu.memory_space<hbm>>
    %dma_start3A_744 = tpu.memref_squeeze %dma_start3A_743 : memref<1x8x128xf32, #tpu.memory_space<hbm>> -> memref<8x128xf32, #tpu.memory_space<hbm>>
    tpu.enqueue_dma source(%dma_start3A_744 : memref<8x128xf32, #tpu.memory_space<hbm>>) target(%dma_start3A_742 : memref<8x128xf32, #tpu.memory_space<vmem>>) target_semaphore(%arg20 : memref<!tpu.dma_semaphore, #tpu.memory_space<semaphore_mem>>)
    %add3A_745 = arith.constant 0 : i32
    %add3A_746 = arith.addi %and3A_708, %add3A_745 : i32
    %multiple_of3A_747 = tpu.assume_multiple %add3A_746, 8 : i32
    %slice3A_748 = vector.extract_strided_slice %get3A_700 {offsets = [2], sizes = [1], strides = [1]} : vector<16xi32> to vector<1xi32>
    %squeeze3A_749 = vector.extract %slice3A_748[0] : i32 from vector<1xi32>
    %and3A_750 = arith.constant -128 : i32
    %and3A_751 = arith.andi %squeeze3A_749, %and3A_750 : i32
    %multiple_of3A_752 = tpu.assume_multiple %and3A_751, 128 : i32
    %dma_start3A_753 = arith.constant 16 : i32
    %dma_start3A_754 = arith.constant 0 : i32
    %dma_start3A_755 = tpu.memref_slice %arg10[%dma_start3A_753, %dma_start3A_754] : memref<128x128xf32, #tpu.memory_space<vmem>> -> memref<8x128xf32, #tpu.memory_space<vmem>>
    %dma_start3A_756 = tpu.memref_slice %arg2[%shift_right_arithmetic3A_704, %multiple_of3A_747, %multiple_of3A_752] : memref<2x2048x32000xf32, #tpu.memory_space<hbm>> -> memref<1x8x128xf32, #tpu.memory_space<hbm>>
    %dma_start3A_757 = tpu.memref_squeeze %dma_start3A_756 : memref<1x8x128xf32, #tpu.memory_space<hbm>> -> memref<8x128xf32, #tpu.memory_space<hbm>>
    %dma_start3A_758 = arith.constant 16 : i32
    %dma_start3A_759 = arith.constant 0 : i32
    %dma_start3A_760 = tpu.memref_slice %arg10[%dma_start3A_758, %dma_start3A_759] : memref<128x128xf32, #tpu.memory_space<vmem>> -> memref<8x128xf32, #tpu.memory_space<vmem>>
    %dma_start3A_761 = tpu.memref_slice %arg2[%shift_right_arithmetic3A_704, %multiple_of3A_747, %multiple_of3A_752] : memref<2x2048x32000xf32, #tpu.memory_space<hbm>> -> memref<1x8x128xf32, #tpu.memory_space<hbm>>
    %dma_start3A_762 = tpu.memref_squeeze %dma_start3A_761 : memref<1x8x128xf32, #tpu.memory_space<hbm>> -> memref<8x128xf32, #tpu.memory_space<hbm>>
    tpu.enqueue_dma source(%dma_start3A_762 : memref<8x128xf32, #tpu.memory_space<hbm>>) target(%dma_start3A_760 : memref<8x128xf32, #tpu.memory_space<vmem>>) target_semaphore(%arg20 : memref<!tpu.dma_semaphore, #tpu.memory_space<semaphore_mem>>)
    %add3A_763 = arith.constant 0 : i32
    %add3A_764 = arith.addi %and3A_708, %add3A_763 : i32
    %multiple_of3A_765 = tpu.assume_multiple %add3A_764, 8 : i32
    %slice3A_766 = vector.extract_strided_slice %get3A_700 {offsets = [3], sizes = [1], strides = [1]} : vector<16xi32> to vector<1xi32>
    %squeeze3A_767 = vector.extract %slice3A_766[0] : i32 from vector<1xi32>
    %and3A_768 = arith.constant -128 : i32
    %and3A_769 = arith.andi %squeeze3A_767, %and3A_768 : i32
    %multiple_of3A_770 = tpu.assume_multiple %and3A_769, 128 : i32
    %dma_start3A_771 = arith.constant 24 : i32
    %dma_start3A_772 = arith.constant 0 : i32
    %dma_start3A_773 = tpu.memref_slice %arg10[%dma_start3A_771, %dma_start3A_772] : memref<128x128xf32, #tpu.memory_space<vmem>> -> memref<8x128xf32, #tpu.memory_space<vmem>>
    %dma_start3A_774 = tpu.memref_slice %arg2[%shift_right_arithmetic3A_704, %multiple_of3A_765, %multiple_of3A_770] : memref<2x2048x32000xf32, #tpu.memory_space<hbm>> -> memref<1x8x128xf32, #tpu.memory_space<hbm>>
    %dma_start3A_775 = tpu.memref_squeeze %dma_start3A_774 : memref<1x8x128xf32, #tpu.memory_space<hbm>> -> memref<8x128xf32, #tpu.memory_space<hbm>>
    %dma_start3A_776 = arith.constant 24 : i32
    %dma_start3A_777 = arith.constant 0 : i32
    %dma_start3A_778 = tpu.memref_slice %arg10[%dma_start3A_776, %dma_start3A_777] : memref<128x128xf32, #tpu.memory_space<vmem>> -> memref<8x128xf32, #tpu.memory_space<vmem>>
    %dma_start3A_779 = tpu.memref_slice %arg2[%shift_right_arithmetic3A_704, %multiple_of3A_765, %multiple_of3A_770] : memref<2x2048x32000xf32, #tpu.memory_space<hbm>> -> memref<1x8x128xf32, #tpu.memory_space<hbm>>
    %dma_start3A_780 = tpu.memref_squeeze %dma_start3A_779 : memref<1x8x128xf32, #tpu.memory_space<hbm>> -> memref<8x128xf32, #tpu.memory_space<hbm>>
    tpu.enqueue_dma source(%dma_start3A_780 : memref<8x128xf32, #tpu.memory_space<hbm>>) target(%dma_start3A_778 : memref<8x128xf32, #tpu.memory_space<vmem>>) target_semaphore(%arg20 : memref<!tpu.dma_semaphore, #tpu.memory_space<semaphore_mem>>)
    %add3A_781 = arith.constant 0 : i32
    %add3A_782 = arith.addi %and3A_708, %add3A_781 : i32
    %multiple_of3A_783 = tpu.assume_multiple %add3A_782, 8 : i32
    %slice3A_784 = vector.extract_strided_slice %get3A_700 {offsets = [4], sizes = [1], strides = [1]} : vector<16xi32> to vector<1xi32>
    %squeeze3A_785 = vector.extract %slice3A_784[0] : i32 from vector<1xi32>
    %and3A_786 = arith.constant -128 : i32
    %and3A_787 = arith.andi %squeeze3A_785, %and3A_786 : i32
    %multiple_of3A_788 = tpu.assume_multiple %and3A_787, 128 : i32
    %dma_start3A_789 = arith.constant 32 : i32
    %dma_start3A_790 = arith.constant 0 : i32
    %dma_start3A_791 = tpu.memref_slice %arg10[%dma_start3A_789, %dma_start3A_790] : memref<128x128xf32, #tpu.memory_space<vmem>> -> memref<8x128xf32, #tpu.memory_space<vmem>>
    %dma_start3A_792 = tpu.memref_slice %arg2[%shift_right_arithmetic3A_704, %multiple_of3A_783, %multiple_of3A_788] : memref<2x2048x32000xf32, #tpu.memory_space<hbm>> -> memref<1x8x128xf32, #tpu.memory_space<hbm>>
    %dma_start3A_793 = tpu.memref_squeeze %dma_start3A_792 : memref<1x8x128xf32, #tpu.memory_space<hbm>> -> memref<8x128xf32, #tpu.memory_space<hbm>>
    %dma_start3A_794 = arith.constant 32 : i32
    %dma_start3A_795 = arith.constant 0 : i32
    %dma_start3A_796 = tpu.memref_slice %arg10[%dma_start3A_794, %dma_start3A_795] : memref<128x128xf32, #tpu.memory_space<vmem>> -> memref<8x128xf32, #tpu.memory_space<vmem>>
    %dma_start3A_797 = tpu.memref_slice %arg2[%shift_right_arithmetic3A_704, %multiple_of3A_783, %multiple_of3A_788] : memref<2x2048x32000xf32, #tpu.memory_space<hbm>> -> memref<1x8x128xf32, #tpu.memory_space<hbm>>
    %dma_start3A_798 = tpu.memref_squeeze %dma_start3A_797 : memref<1x8x128xf32, #tpu.memory_space<hbm>> -> memref<8x128xf32, #tpu.memory_space<hbm>>
    tpu.enqueue_dma source(%dma_start3A_798 : memref<8x128xf32, #tpu.memory_space<hbm>>) target(%dma_start3A_796 : memref<8x128xf32, #tpu.memory_space<vmem>>) target_semaphore(%arg20 : memref<!tpu.dma_semaphore, #tpu.memory_space<semaphore_mem>>)
    %add3A_799 = arith.constant 0 : i32
    %add3A_800 = arith.addi %and3A_708, %add3A_799 : i32
    %multiple_of3A_801 = tpu.assume_multiple %add3A_800, 8 : i32
    %slice3A_802 = vector.extract_strided_slice %get3A_700 {offsets = [5], sizes = [1], strides = [1]} : vector<16xi32> to vector<1xi32>
    %squeeze3A_803 = vector.extract %slice3A_802[0] : i32 from vector<1xi32>
    %and3A_804 = arith.constant -128 : i32
    %and3A_805 = arith.andi %squeeze3A_803, %and3A_804 : i32
    %multiple_of3A_806 = tpu.assume_multiple %and3A_805, 128 : i32
    %dma_start3A_807 = arith.constant 40 : i32
    %dma_start3A_808 = arith.constant 0 : i32
    %dma_start3A_809 = tpu.memref_slice %arg10[%dma_start3A_807, %dma_start3A_808] : memref<128x128xf32, #tpu.memory_space<vmem>> -> memref<8x128xf32, #tpu.memory_space<vmem>>
    %dma_start3A_810 = tpu.memref_slice %arg2[%shift_right_arithmetic3A_704, %multiple_of3A_801, %multiple_of3A_806] : memref<2x2048x32000xf32, #tpu.memory_space<hbm>> -> memref<1x8x128xf32, #tpu.memory_space<hbm>>
    %dma_start3A_811 = tpu.memref_squeeze %dma_start3A_810 : memref<1x8x128xf32, #tpu.memory_space<hbm>> -> memref<8x128xf32, #tpu.memory_space<hbm>>
    %dma_start3A_812 = arith.constant 40 : i32
    %dma_start3A_813 = arith.constant 0 : i32
    %dma_start3A_814 = tpu.memref_slice %arg10[%dma_start3A_812, %dma_start3A_813] : memref<128x128xf32, #tpu.memory_space<vmem>> -> memref<8x128xf32, #tpu.memory_space<vmem>>
    %dma_start3A_815 = tpu.memref_slice %arg2[%shift_right_arithmetic3A_704, %multiple_of3A_801, %multiple_of3A_806] : memref<2x2048x32000xf32, #tpu.memory_space<hbm>> -> memref<1x8x128xf32, #tpu.memory_space<hbm>>
    %dma_start3A_816 = tpu.memref_squeeze %dma_start3A_815 : memref<1x8x128xf32, #tpu.memory_space<hbm>> -> memref<8x128xf32, #tpu.memory_space<hbm>>
    tpu.enqueue_dma source(%dma_start3A_816 : memref<8x128xf32, #tpu.memory_space<hbm>>) target(%dma_start3A_814 : memref<8x128xf32, #tpu.memory_space<vmem>>) target_semaphore(%arg20 : memref<!tpu.dma_semaphore, #tpu.memory_space<semaphore_mem>>)
    %add3A_817 = arith.constant 0 : i32
    %add3A_818 = arith.addi %and3A_708, %add3A_817 : i32
    %multiple_of3A_819 = tpu.assume_multiple %add3A_818, 8 : i32
    %slice3A_820 = vector.extract_strided_slice %get3A_700 {offsets = [6], sizes = [1], strides = [1]} : vector<16xi32> to vector<1xi32>
    %squeeze3A_821 = vector.extract %slice3A_820[0] : i32 from vector<1xi32>
    %and3A_822 = arith.constant -128 : i32
    %and3A_823 = arith.andi %squeeze3A_821, %and3A_822 : i32
    %multiple_of3A_824 = tpu.assume_multiple %and3A_823, 128 : i32
    %dma_start3A_825 = arith.constant 48 : i32
    %dma_start3A_826 = arith.constant 0 : i32
    %dma_start3A_827 = tpu.memref_slice %arg10[%dma_start3A_825, %dma_start3A_826] : memref<128x128xf32, #tpu.memory_space<vmem>> -> memref<8x128xf32, #tpu.memory_space<vmem>>
    %dma_start3A_828 = tpu.memref_slice %arg2[%shift_right_arithmetic3A_704, %multiple_of3A_819, %multiple_of3A_824] : memref<2x2048x32000xf32, #tpu.memory_space<hbm>> -> memref<1x8x128xf32, #tpu.memory_space<hbm>>
    %dma_start3A_829 = tpu.memref_squeeze %dma_start3A_828 : memref<1x8x128xf32, #tpu.memory_space<hbm>> -> memref<8x128xf32, #tpu.memory_space<hbm>>
    %dma_start3A_830 = arith.constant 48 : i32
    %dma_start3A_831 = arith.constant 0 : i32
    %dma_start3A_832 = tpu.memref_slice %arg10[%dma_start3A_830, %dma_start3A_831] : memref<128x128xf32, #tpu.memory_space<vmem>> -> memref<8x128xf32, #tpu.memory_space<vmem>>
    %dma_start3A_833 = tpu.memref_slice %arg2[%shift_right_arithmetic3A_704, %multiple_of3A_819, %multiple_of3A_824] : memref<2x2048x32000xf32, #tpu.memory_space<hbm>> -> memref<1x8x128xf32, #tpu.memory_space<hbm>>
    %dma_start3A_834 = tpu.memref_squeeze %dma_start3A_833 : memref<1x8x128xf32, #tpu.memory_space<hbm>> -> memref<8x128xf32, #tpu.memory_space<hbm>>
    tpu.enqueue_dma source(%dma_start3A_834 : memref<8x128xf32, #tpu.memory_space<hbm>>) target(%dma_start3A_832 : memref<8x128xf32, #tpu.memory_space<vmem>>) target_semaphore(%arg20 : memref<!tpu.dma_semaphore, #tpu.memory_space<semaphore_mem>>)
    %add3A_835 = arith.constant 0 : i32
    %add3A_836 = arith.addi %and3A_708, %add3A_835 : i32
    %multiple_of3A_837 = tpu.assume_multiple %add3A_836, 8 : i32
    %slice3A_838 = vector.extract_strided_slice %get3A_700 {offsets = [7], sizes = [1], strides = [1]} : vector<16xi32> to vector<1xi32>
    %squeeze3A_839 = vector.extract %slice3A_838[0] : i32 from vector<1xi32>
    %and3A_840 = arith.constant -128 : i32
    %and3A_841 = arith.andi %squeeze3A_839, %and3A_840 : i32
    %multiple_of3A_842 = tpu.assume_multiple %and3A_841, 128 : i32
    %dma_start3A_843 = arith.constant 56 : i32
    %dma_start3A_844 = arith.constant 0 : i32
    %dma_start3A_845 = tpu.memref_slice %arg10[%dma_start3A_843, %dma_start3A_844] : memref<128x128xf32, #tpu.memory_space<vmem>> -> memref<8x128xf32, #tpu.memory_space<vmem>>
    %dma_start3A_846 = tpu.memref_slice %arg2[%shift_right_arithmetic3A_704, %multiple_of3A_837, %multiple_of3A_842] : memref<2x2048x32000xf32, #tpu.memory_space<hbm>> -> memref<1x8x128xf32, #tpu.memory_space<hbm>>
    %dma_start3A_847 = tpu.memref_squeeze %dma_start3A_846 : memref<1x8x128xf32, #tpu.memory_space<hbm>> -> memref<8x128xf32, #tpu.memory_space<hbm>>
    %dma_start3A_848 = arith.constant 56 : i32
    %dma_start3A_849 = arith.constant 0 : i32
    %dma_start3A_850 = tpu.memref_slice %arg10[%dma_start3A_848, %dma_start3A_849] : memref<128x128xf32, #tpu.memory_space<vmem>> -> memref<8x128xf32, #tpu.memory_space<vmem>>
    %dma_start3A_851 = tpu.memref_slice %arg2[%shift_right_arithmetic3A_704, %multiple_of3A_837, %multiple_of3A_842] : memref<2x2048x32000xf32, #tpu.memory_space<hbm>> -> memref<1x8x128xf32, #tpu.memory_space<hbm>>
    %dma_start3A_852 = tpu.memref_squeeze %dma_start3A_851 : memref<1x8x128xf32, #tpu.memory_space<hbm>> -> memref<8x128xf32, #tpu.memory_space<hbm>>
    tpu.enqueue_dma source(%dma_start3A_852 : memref<8x128xf32, #tpu.memory_space<hbm>>) target(%dma_start3A_850 : memref<8x128xf32, #tpu.memory_space<vmem>>) target_semaphore(%arg20 : memref<!tpu.dma_semaphore, #tpu.memory_space<semaphore_mem>>)
    %add3A_853 = arith.constant 8 : i32
    %add3A_854 = arith.addi %and3A_708, %add3A_853 : i32
    %multiple_of3A_855 = tpu.assume_multiple %add3A_854, 8 : i32
    %slice3A_856 = vector.extract_strided_slice %get3A_700 {offsets = [8], sizes = [1], strides = [1]} : vector<16xi32> to vector<1xi32>
    %squeeze3A_857 = vector.extract %slice3A_856[0] : i32 from vector<1xi32>
    %and3A_858 = arith.constant -128 : i32
    %and3A_859 = arith.andi %squeeze3A_857, %and3A_858 : i32
    %multiple_of3A_860 = tpu.assume_multiple %and3A_859, 128 : i32
    %dma_start3A_861 = arith.constant 64 : i32
    %dma_start3A_862 = arith.constant 0 : i32
    %dma_start3A_863 = tpu.memref_slice %arg10[%dma_start3A_861, %dma_start3A_862] : memref<128x128xf32, #tpu.memory_space<vmem>> -> memref<8x128xf32, #tpu.memory_space<vmem>>
    %dma_start3A_864 = tpu.memref_slice %arg2[%shift_right_arithmetic3A_704, %multiple_of3A_855, %multiple_of3A_860] : memref<2x2048x32000xf32, #tpu.memory_space<hbm>> -> memref<1x8x128xf32, #tpu.memory_space<hbm>>
    %dma_start3A_865 = tpu.memref_squeeze %dma_start3A_864 : memref<1x8x128xf32, #tpu.memory_space<hbm>> -> memref<8x128xf32, #tpu.memory_space<hbm>>
    %dma_start3A_866 = arith.constant 64 : i32
    %dma_start3A_867 = arith.constant 0 : i32
    %dma_start3A_868 = tpu.memref_slice %arg10[%dma_start3A_866, %dma_start3A_867] : memref<128x128xf32, #tpu.memory_space<vmem>> -> memref<8x128xf32, #tpu.memory_space<vmem>>
    %dma_start3A_869 = tpu.memref_slice %arg2[%shift_right_arithmetic3A_704, %multiple_of3A_855, %multiple_of3A_860] : memref<2x2048x32000xf32, #tpu.memory_space<hbm>> -> memref<1x8x128xf32, #tpu.memory_space<hbm>>
    %dma_start3A_870 = tpu.memref_squeeze %dma_start3A_869 : memref<1x8x128xf32, #tpu.memory_space<hbm>> -> memref<8x128xf32, #tpu.memory_space<hbm>>
    tpu.enqueue_dma source(%dma_start3A_870 : memref<8x128xf32, #tpu.memory_space<hbm>>) target(%dma_start3A_868 : memref<8x128xf32, #tpu.memory_space<vmem>>) target_semaphore(%arg20 : memref<!tpu.dma_semaphore, #tpu.memory_space<semaphore_mem>>)
    %add3A_871 = arith.constant 8 : i32
    %add3A_872 = arith.addi %and3A_708, %add3A_871 : i32
    %multiple_of3A_873 = tpu.assume_multiple %add3A_872, 8 : i32
    %slice3A_874 = vector.extract_strided_slice %get3A_700 {offsets = [9], sizes = [1], strides = [1]} : vector<16xi32> to vector<1xi32>
    %squeeze3A_875 = vector.extract %slice3A_874[0] : i32 from vector<1xi32>
    %and3A_876 = arith.constant -128 : i32
    %and3A_877 = arith.andi %squeeze3A_875, %and3A_876 : i32
    %multiple_of3A_878 = tpu.assume_multiple %and3A_877, 128 : i32
    %dma_start3A_879 = arith.constant 72 : i32
    %dma_start3A_880 = arith.constant 0 : i32
    %dma_start3A_881 = tpu.memref_slice %arg10[%dma_start3A_879, %dma_start3A_880] : memref<128x128xf32, #tpu.memory_space<vmem>> -> memref<8x128xf32, #tpu.memory_space<vmem>>
    %dma_start3A_882 = tpu.memref_slice %arg2[%shift_right_arithmetic3A_704, %multiple_of3A_873, %multiple_of3A_878] : memref<2x2048x32000xf32, #tpu.memory_space<hbm>> -> memref<1x8x128xf32, #tpu.memory_space<hbm>>
    %dma_start3A_883 = tpu.memref_squeeze %dma_start3A_882 : memref<1x8x128xf32, #tpu.memory_space<hbm>> -> memref<8x128xf32, #tpu.memory_space<hbm>>
    %dma_start3A_884 = arith.constant 72 : i32
    %dma_start3A_885 = arith.constant 0 : i32
    %dma_start3A_886 = tpu.memref_slice %arg10[%dma_start3A_884, %dma_start3A_885] : memref<128x128xf32, #tpu.memory_space<vmem>> -> memref<8x128xf32, #tpu.memory_space<vmem>>
    %dma_start3A_887 = tpu.memref_slice %arg2[%shift_right_arithmetic3A_704, %multiple_of3A_873, %multiple_of3A_878] : memref<2x2048x32000xf32, #tpu.memory_space<hbm>> -> memref<1x8x128xf32, #tpu.memory_space<hbm>>
    %dma_start3A_888 = tpu.memref_squeeze %dma_start3A_887 : memref<1x8x128xf32, #tpu.memory_space<hbm>> -> memref<8x128xf32, #tpu.memory_space<hbm>>
    tpu.enqueue_dma source(%dma_start3A_888 : memref<8x128xf32, #tpu.memory_space<hbm>>) target(%dma_start3A_886 : memref<8x128xf32, #tpu.memory_space<vmem>>) target_semaphore(%arg20 : memref<!tpu.dma_semaphore, #tpu.memory_space<semaphore_mem>>)
    %add3A_889 = arith.constant 8 : i32
    %add3A_890 = arith.addi %and3A_708, %add3A_889 : i32
    %multiple_of3A_891 = tpu.assume_multiple %add3A_890, 8 : i32
    %slice3A_892 = vector.extract_strided_slice %get3A_700 {offsets = [10], sizes = [1], strides = [1]} : vector<16xi32> to vector<1xi32>
    %squeeze3A_893 = vector.extract %slice3A_892[0] : i32 from vector<1xi32>
    %and3A_894 = arith.constant -128 : i32
    %and3A_895 = arith.andi %squeeze3A_893, %and3A_894 : i32
    %multiple_of3A_896 = tpu.assume_multiple %and3A_895, 128 : i32
    %dma_start3A_897 = arith.constant 80 : i32
    %dma_start3A_898 = arith.constant 0 : i32
    %dma_start3A_899 = tpu.memref_slice %arg10[%dma_start3A_897, %dma_start3A_898] : memref<128x128xf32, #tpu.memory_space<vmem>> -> memref<8x128xf32, #tpu.memory_space<vmem>>
    %dma_start3A_900 = tpu.memref_slice %arg2[%shift_right_arithmetic3A_704, %multiple_of3A_891, %multiple_of3A_896] : memref<2x2048x32000xf32, #tpu.memory_space<hbm>> -> memref<1x8x128xf32, #tpu.memory_space<hbm>>
    %dma_start3A_901 = tpu.memref_squeeze %dma_start3A_900 : memref<1x8x128xf32, #tpu.memory_space<hbm>> -> memref<8x128xf32, #tpu.memory_space<hbm>>
    %dma_start3A_902 = arith.constant 80 : i32
    %dma_start3A_903 = arith.constant 0 : i32
    %dma_start3A_904 = tpu.memref_slice %arg10[%dma_start3A_902, %dma_start3A_903] : memref<128x128xf32, #tpu.memory_space<vmem>> -> memref<8x128xf32, #tpu.memory_space<vmem>>
    %dma_start3A_905 = tpu.memref_slice %arg2[%shift_right_arithmetic3A_704, %multiple_of3A_891, %multiple_of3A_896] : memref<2x2048x32000xf32, #tpu.memory_space<hbm>> -> memref<1x8x128xf32, #tpu.memory_space<hbm>>
    %dma_start3A_906 = tpu.memref_squeeze %dma_start3A_905 : memref<1x8x128xf32, #tpu.memory_space<hbm>> -> memref<8x128xf32, #tpu.memory_space<hbm>>
    tpu.enqueue_dma source(%dma_start3A_906 : memref<8x128xf32, #tpu.memory_space<hbm>>) target(%dma_start3A_904 : memref<8x128xf32, #tpu.memory_space<vmem>>) target_semaphore(%arg20 : memref<!tpu.dma_semaphore, #tpu.memory_space<semaphore_mem>>)
    %add3A_907 = arith.constant 8 : i32
    %add3A_908 = arith.addi %and3A_708, %add3A_907 : i32
    %multiple_of3A_909 = tpu.assume_multiple %add3A_908, 8 : i32
    %slice3A_910 = vector.extract_strided_slice %get3A_700 {offsets = [11], sizes = [1], strides = [1]} : vector<16xi32> to vector<1xi32>
    %squeeze3A_911 = vector.extract %slice3A_910[0] : i32 from vector<1xi32>
    %and3A_912 = arith.constant -128 : i32
    %and3A_913 = arith.andi %squeeze3A_911, %and3A_912 : i32
    %multiple_of3A_914 = tpu.assume_multiple %and3A_913, 128 : i32
    %dma_start3A_915 = arith.constant 88 : i32
    %dma_start3A_916 = arith.constant 0 : i32
    %dma_start3A_917 = tpu.memref_slice %arg10[%dma_start3A_915, %dma_start3A_916] : memref<128x128xf32, #tpu.memory_space<vmem>> -> memref<8x128xf32, #tpu.memory_space<vmem>>
    %dma_start3A_918 = tpu.memref_slice %arg2[%shift_right_arithmetic3A_704, %multiple_of3A_909, %multiple_of3A_914] : memref<2x2048x32000xf32, #tpu.memory_space<hbm>> -> memref<1x8x128xf32, #tpu.memory_space<hbm>>
    %dma_start3A_919 = tpu.memref_squeeze %dma_start3A_918 : memref<1x8x128xf32, #tpu.memory_space<hbm>> -> memref<8x128xf32, #tpu.memory_space<hbm>>
    %dma_start3A_920 = arith.constant 88 : i32
    %dma_start3A_921 = arith.constant 0 : i32
    %dma_start3A_922 = tpu.memref_slice %arg10[%dma_start3A_920, %dma_start3A_921] : memref<128x128xf32, #tpu.memory_space<vmem>> -> memref<8x128xf32, #tpu.memory_space<vmem>>
    %dma_start3A_923 = tpu.memref_slice %arg2[%shift_right_arithmetic3A_704, %multiple_of3A_909, %multiple_of3A_914] : memref<2x2048x32000xf32, #tpu.memory_space<hbm>> -> memref<1x8x128xf32, #tpu.memory_space<hbm>>
    %dma_start3A_924 = tpu.memref_squeeze %dma_start3A_923 : memref<1x8x128xf32, #tpu.memory_space<hbm>> -> memref<8x128xf32, #tpu.memory_space<hbm>>
    tpu.enqueue_dma source(%dma_start3A_924 : memref<8x128xf32, #tpu.memory_space<hbm>>) target(%dma_start3A_922 : memref<8x128xf32, #tpu.memory_space<vmem>>) target_semaphore(%arg20 : memref<!tpu.dma_semaphore, #tpu.memory_space<semaphore_mem>>)
    %add3A_925 = arith.constant 8 : i32
    %add3A_926 = arith.addi %and3A_708, %add3A_925 : i32
    %multiple_of3A_927 = tpu.assume_multiple %add3A_926, 8 : i32
    %slice3A_928 = vector.extract_strided_slice %get3A_700 {offsets = [12], sizes = [1], strides = [1]} : vector<16xi32> to vector<1xi32>
    %squeeze3A_929 = vector.extract %slice3A_928[0] : i32 from vector<1xi32>
    %and3A_930 = arith.constant -128 : i32
    %and3A_931 = arith.andi %squeeze3A_929, %and3A_930 : i32
    %multiple_of3A_932 = tpu.assume_multiple %and3A_931, 128 : i32
    %dma_start3A_933 = arith.constant 96 : i32
    %dma_start3A_934 = arith.constant 0 : i32
    %dma_start3A_935 = tpu.memref_slice %arg10[%dma_start3A_933, %dma_start3A_934] : memref<128x128xf32, #tpu.memory_space<vmem>> -> memref<8x128xf32, #tpu.memory_space<vmem>>
    %dma_start3A_936 = tpu.memref_slice %arg2[%shift_right_arithmetic3A_704, %multiple_of3A_927, %multiple_of3A_932] : memref<2x2048x32000xf32, #tpu.memory_space<hbm>> -> memref<1x8x128xf32, #tpu.memory_space<hbm>>
    %dma_start3A_937 = tpu.memref_squeeze %dma_start3A_936 : memref<1x8x128xf32, #tpu.memory_space<hbm>> -> memref<8x128xf32, #tpu.memory_space<hbm>>
    %dma_start3A_938 = arith.constant 96 : i32
    %dma_start3A_939 = arith.constant 0 : i32
    %dma_start3A_940 = tpu.memref_slice %arg10[%dma_start3A_938, %dma_start3A_939] : memref<128x128xf32, #tpu.memory_space<vmem>> -> memref<8x128xf32, #tpu.memory_space<vmem>>
    %dma_start3A_941 = tpu.memref_slice %arg2[%shift_right_arithmetic3A_704, %multiple_of3A_927, %multiple_of3A_932] : memref<2x2048x32000xf32, #tpu.memory_space<hbm>> -> memref<1x8x128xf32, #tpu.memory_space<hbm>>
    %dma_start3A_942 = tpu.memref_squeeze %dma_start3A_941 : memref<1x8x128xf32, #tpu.memory_space<hbm>> -> memref<8x128xf32, #tpu.memory_space<hbm>>
    tpu.enqueue_dma source(%dma_start3A_942 : memref<8x128xf32, #tpu.memory_space<hbm>>) target(%dma_start3A_940 : memref<8x128xf32, #tpu.memory_space<vmem>>) target_semaphore(%arg20 : memref<!tpu.dma_semaphore, #tpu.memory_space<semaphore_mem>>)
    %add3A_943 = arith.constant 8 : i32
    %add3A_944 = arith.addi %and3A_708, %add3A_943 : i32
    %multiple_of3A_945 = tpu.assume_multiple %add3A_944, 8 : i32
    %slice3A_946 = vector.extract_strided_slice %get3A_700 {offsets = [13], sizes = [1], strides = [1]} : vector<16xi32> to vector<1xi32>
    %squeeze3A_947 = vector.extract %slice3A_946[0] : i32 from vector<1xi32>
    %and3A_948 = arith.constant -128 : i32
    %and3A_949 = arith.andi %squeeze3A_947, %and3A_948 : i32
    %multiple_of3A_950 = tpu.assume_multiple %and3A_949, 128 : i32
    %dma_start3A_951 = arith.constant 104 : i32
    %dma_start3A_952 = arith.constant 0 : i32
    %dma_start3A_953 = tpu.memref_slice %arg10[%dma_start3A_951, %dma_start3A_952] : memref<128x128xf32, #tpu.memory_space<vmem>> -> memref<8x128xf32, #tpu.memory_space<vmem>>
    %dma_start3A_954 = tpu.memref_slice %arg2[%shift_right_arithmetic3A_704, %multiple_of3A_945, %multiple_of3A_950] : memref<2x2048x32000xf32, #tpu.memory_space<hbm>> -> memref<1x8x128xf32, #tpu.memory_space<hbm>>
    %dma_start3A_955 = tpu.memref_squeeze %dma_start3A_954 : memref<1x8x128xf32, #tpu.memory_space<hbm>> -> memref<8x128xf32, #tpu.memory_space<hbm>>
    %dma_start3A_956 = arith.constant 104 : i32
    %dma_start3A_957 = arith.constant 0 : i32
    %dma_start3A_958 = tpu.memref_slice %arg10[%dma_start3A_956, %dma_start3A_957] : memref<128x128xf32, #tpu.memory_space<vmem>> -> memref<8x128xf32, #tpu.memory_space<vmem>>
    %dma_start3A_959 = tpu.memref_slice %arg2[%shift_right_arithmetic3A_704, %multiple_of3A_945, %multiple_of3A_950] : memref<2x2048x32000xf32, #tpu.memory_space<hbm>> -> memref<1x8x128xf32, #tpu.memory_space<hbm>>
    %dma_start3A_960 = tpu.memref_squeeze %dma_start3A_959 : memref<1x8x128xf32, #tpu.memory_space<hbm>> -> memref<8x128xf32, #tpu.memory_space<hbm>>
    tpu.enqueue_dma source(%dma_start3A_960 : memref<8x128xf32, #tpu.memory_space<hbm>>) target(%dma_start3A_958 : memref<8x128xf32, #tpu.memory_space<vmem>>) target_semaphore(%arg20 : memref<!tpu.dma_semaphore, #tpu.memory_space<semaphore_mem>>)
    %add3A_961 = arith.constant 8 : i32
    %add3A_962 = arith.addi %and3A_708, %add3A_961 : i32
    %multiple_of3A_963 = tpu.assume_multiple %add3A_962, 8 : i32
    %slice3A_964 = vector.extract_strided_slice %get3A_700 {offsets = [14], sizes = [1], strides = [1]} : vector<16xi32> to vector<1xi32>
    %squeeze3A_965 = vector.extract %slice3A_964[0] : i32 from vector<1xi32>
    %and3A_966 = arith.constant -128 : i32
    %and3A_967 = arith.andi %squeeze3A_965, %and3A_966 : i32
    %multiple_of3A_968 = tpu.assume_multiple %and3A_967, 128 : i32
    %dma_start3A_969 = arith.constant 112 : i32
    %dma_start3A_970 = arith.constant 0 : i32
    %dma_start3A_971 = tpu.memref_slice %arg10[%dma_start3A_969, %dma_start3A_970] : memref<128x128xf32, #tpu.memory_space<vmem>> -> memref<8x128xf32, #tpu.memory_space<vmem>>
    %dma_start3A_972 = tpu.memref_slice %arg2[%shift_right_arithmetic3A_704, %multiple_of3A_963, %multiple_of3A_968] : memref<2x2048x32000xf32, #tpu.memory_space<hbm>> -> memref<1x8x128xf32, #tpu.memory_space<hbm>>
    %dma_start3A_973 = tpu.memref_squeeze %dma_start3A_972 : memref<1x8x128xf32, #tpu.memory_space<hbm>> -> memref<8x128xf32, #tpu.memory_space<hbm>>
    %dma_start3A_974 = arith.constant 112 : i32
    %dma_start3A_975 = arith.constant 0 : i32
    %dma_start3A_976 = tpu.memref_slice %arg10[%dma_start3A_974, %dma_start3A_975] : memref<128x128xf32, #tpu.memory_space<vmem>> -> memref<8x128xf32, #tpu.memory_space<vmem>>
    %dma_start3A_977 = tpu.memref_slice %arg2[%shift_right_arithmetic3A_704, %multiple_of3A_963, %multiple_of3A_968] : memref<2x2048x32000xf32, #tpu.memory_space<hbm>> -> memref<1x8x128xf32, #tpu.memory_space<hbm>>
    %dma_start3A_978 = tpu.memref_squeeze %dma_start3A_977 : memref<1x8x128xf32, #tpu.memory_space<hbm>> -> memref<8x128xf32, #tpu.memory_space<hbm>>
    tpu.enqueue_dma source(%dma_start3A_978 : memref<8x128xf32, #tpu.memory_space<hbm>>) target(%dma_start3A_976 : memref<8x128xf32, #tpu.memory_space<vmem>>) target_semaphore(%arg20 : memref<!tpu.dma_semaphore, #tpu.memory_space<semaphore_mem>>)
    %add3A_979 = arith.constant 8 : i32
    %add3A_980 = arith.addi %and3A_708, %add3A_979 : i32
    %multiple_of3A_981 = tpu.assume_multiple %add3A_980, 8 : i32
    %slice3A_982 = vector.extract_strided_slice %get3A_700 {offsets = [15], sizes = [1], strides = [1]} : vector<16xi32> to vector<1xi32>
    %squeeze3A_983 = vector.extract %slice3A_982[0] : i32 from vector<1xi32>
    %and3A_984 = arith.constant -128 : i32
    %and3A_985 = arith.andi %squeeze3A_983, %and3A_984 : i32
    %multiple_of3A_986 = tpu.assume_multiple %and3A_985, 128 : i32
    %dma_start3A_987 = arith.constant 120 : i32
    %dma_start3A_988 = arith.constant 0 : i32
    %dma_start3A_989 = tpu.memref_slice %arg10[%dma_start3A_987, %dma_start3A_988] : memref<128x128xf32, #tpu.memory_space<vmem>> -> memref<8x128xf32, #tpu.memory_space<vmem>>
    %dma_start3A_990 = tpu.memref_slice %arg2[%shift_right_arithmetic3A_704, %multiple_of3A_981, %multiple_of3A_986] : memref<2x2048x32000xf32, #tpu.memory_space<hbm>> -> memref<1x8x128xf32, #tpu.memory_space<hbm>>
    %dma_start3A_991 = tpu.memref_squeeze %dma_start3A_990 : memref<1x8x128xf32, #tpu.memory_space<hbm>> -> memref<8x128xf32, #tpu.memory_space<hbm>>
    %dma_start3A_992 = arith.constant 120 : i32
    %dma_start3A_993 = arith.constant 0 : i32
    %dma_start3A_994 = tpu.memref_slice %arg10[%dma_start3A_992, %dma_start3A_993] : memref<128x128xf32, #tpu.memory_space<vmem>> -> memref<8x128xf32, #tpu.memory_space<vmem>>
    %dma_start3A_995 = tpu.memref_slice %arg2[%shift_right_arithmetic3A_704, %multiple_of3A_981, %multiple_of3A_986] : memref<2x2048x32000xf32, #tpu.memory_space<hbm>> -> memref<1x8x128xf32, #tpu.memory_space<hbm>>
    %dma_start3A_996 = tpu.memref_squeeze %dma_start3A_995 : memref<1x8x128xf32, #tpu.memory_space<hbm>> -> memref<8x128xf32, #tpu.memory_space<hbm>>
    tpu.enqueue_dma source(%dma_start3A_996 : memref<8x128xf32, #tpu.memory_space<hbm>>) target(%dma_start3A_994 : memref<8x128xf32, #tpu.memory_space<vmem>>) target_semaphore(%arg20 : memref<!tpu.dma_semaphore, #tpu.memory_space<semaphore_mem>>)
    %get3A_997 = arith.constant 48 : index
    %get3A_998 = tpu.vector_load %arg6[%get3A_997] {strides = array<i32>} : memref<128xi32, #tpu.memory_space<vmem>>, vector<16xi32>,
    %add3A_999 = arith.constant 48 : i32
    %add3A_1000 = arith.addi %mul3A_2, %add3A_999 : i32
    %shift_right_arithmetic3A_1001 = arith.constant 11 : i32
    %shift_right_arithmetic3A_1002 = arith.shrsi %add3A_1000, %shift_right_arithmetic3A_1001 : i32
    %add3A_1003 = arith.constant 48 : i32
    %add3A_1004 = arith.addi %mul3A_2, %add3A_1003 : i32
    %and3A_1005 = arith.constant 2047 : i32
    %and3A_1006 = arith.andi %add3A_1004, %and3A_1005 : i32
    %add3A_1007 = arith.constant 0 : i32
    %add3A_1008 = arith.addi %and3A_1006, %add3A_1007 : i32
    %multiple_of3A_1009 = tpu.assume_multiple %add3A_1008, 8 : i32
    %slice3A_1010 = vector.extract_strided_slice %get3A_998 {offsets = [0], sizes = [1], strides = [1]} : vector<16xi32> to vector<1xi32>
    %squeeze3A_1011 = vector.extract %slice3A_1010[0] : i32 from vector<1xi32>
    %and3A_1012 = arith.constant -128 : i32
    %and3A_1013 = arith.andi %squeeze3A_1011, %and3A_1012 : i32
    %multiple_of3A_1014 = tpu.assume_multiple %and3A_1013, 128 : i32
    %dma_start3A_1015 = arith.constant 0 : i32
    %dma_start3A_1016 = arith.constant 0 : i32
    %dma_start3A_1017 = tpu.memref_slice %arg11[%dma_start3A_1015, %dma_start3A_1016] : memref<128x128xf32, #tpu.memory_space<vmem>> -> memref<8x128xf32, #tpu.memory_space<vmem>>
    %dma_start3A_1018 = tpu.memref_slice %arg2[%shift_right_arithmetic3A_1002, %multiple_of3A_1009, %multiple_of3A_1014] : memref<2x2048x32000xf32, #tpu.memory_space<hbm>> -> memref<1x8x128xf32, #tpu.memory_space<hbm>>
    %dma_start3A_1019 = tpu.memref_squeeze %dma_start3A_1018 : memref<1x8x128xf32, #tpu.memory_space<hbm>> -> memref<8x128xf32, #tpu.memory_space<hbm>>
    %dma_start3A_1020 = arith.constant 0 : i32
    %dma_start3A_1021 = arith.constant 0 : i32
    %dma_start3A_1022 = tpu.memref_slice %arg11[%dma_start3A_1020, %dma_start3A_1021] : memref<128x128xf32, #tpu.memory_space<vmem>> -> memref<8x128xf32, #tpu.memory_space<vmem>>
    %dma_start3A_1023 = tpu.memref_slice %arg2[%shift_right_arithmetic3A_1002, %multiple_of3A_1009, %multiple_of3A_1014] : memref<2x2048x32000xf32, #tpu.memory_space<hbm>> -> memref<1x8x128xf32, #tpu.memory_space<hbm>>
    %dma_start3A_1024 = tpu.memref_squeeze %dma_start3A_1023 : memref<1x8x128xf32, #tpu.memory_space<hbm>> -> memref<8x128xf32, #tpu.memory_space<hbm>>
    tpu.enqueue_dma source(%dma_start3A_1024 : memref<8x128xf32, #tpu.memory_space<hbm>>) target(%dma_start3A_1022 : memref<8x128xf32, #tpu.memory_space<vmem>>) target_semaphore(%arg21 : memref<!tpu.dma_semaphore, #tpu.memory_space<semaphore_mem>>)
    %add3A_1025 = arith.constant 0 : i32
    %add3A_1026 = arith.addi %and3A_1006, %add3A_1025 : i32
    %multiple_of3A_1027 = tpu.assume_multiple %add3A_1026, 8 : i32
    %slice3A_1028 = vector.extract_strided_slice %get3A_998 {offsets = [1], sizes = [1], strides = [1]} : vector<16xi32> to vector<1xi32>
    %squeeze3A_1029 = vector.extract %slice3A_1028[0] : i32 from vector<1xi32>
    %and3A_1030 = arith.constant -128 : i32
    %and3A_1031 = arith.andi %squeeze3A_1029, %and3A_1030 : i32
    %multiple_of3A_1032 = tpu.assume_multiple %and3A_1031, 128 : i32
    %dma_start3A_1033 = arith.constant 8 : i32
    %dma_start3A_1034 = arith.constant 0 : i32
    %dma_start3A_1035 = tpu.memref_slice %arg11[%dma_start3A_1033, %dma_start3A_1034] : memref<128x128xf32, #tpu.memory_space<vmem>> -> memref<8x128xf32, #tpu.memory_space<vmem>>
    %dma_start3A_1036 = tpu.memref_slice %arg2[%shift_right_arithmetic3A_1002, %multiple_of3A_1027, %multiple_of3A_1032] : memref<2x2048x32000xf32, #tpu.memory_space<hbm>> -> memref<1x8x128xf32, #tpu.memory_space<hbm>>
    %dma_start3A_1037 = tpu.memref_squeeze %dma_start3A_1036 : memref<1x8x128xf32, #tpu.memory_space<hbm>> -> memref<8x128xf32, #tpu.memory_space<hbm>>
    %dma_start3A_1038 = arith.constant 8 : i32
    %dma_start3A_1039 = arith.constant 0 : i32
    %dma_start3A_1040 = tpu.memref_slice %arg11[%dma_start3A_1038, %dma_start3A_1039] : memref<128x128xf32, #tpu.memory_space<vmem>> -> memref<8x128xf32, #tpu.memory_space<vmem>>
    %dma_start3A_1041 = tpu.memref_slice %arg2[%shift_right_arithmetic3A_1002, %multiple_of3A_1027, %multiple_of3A_1032] : memref<2x2048x32000xf32, #tpu.memory_space<hbm>> -> memref<1x8x128xf32, #tpu.memory_space<hbm>>
    %dma_start3A_1042 = tpu.memref_squeeze %dma_start3A_1041 : memref<1x8x128xf32, #tpu.memory_space<hbm>> -> memref<8x128xf32, #tpu.memory_space<hbm>>
    tpu.enqueue_dma source(%dma_start3A_1042 : memref<8x128xf32, #tpu.memory_space<hbm>>) target(%dma_start3A_1040 : memref<8x128xf32, #tpu.memory_space<vmem>>) target_semaphore(%arg21 : memref<!tpu.dma_semaphore, #tpu.memory_space<semaphore_mem>>)
    %add3A_1043 = arith.constant 0 : i32
    %add3A_1044 = arith.addi %and3A_1006, %add3A_1043 : i32
    %multiple_of3A_1045 = tpu.assume_multiple %add3A_1044, 8 : i32
    %slice3A_1046 = vector.extract_strided_slice %get3A_998 {offsets = [2], sizes = [1], strides = [1]} : vector<16xi32> to vector<1xi32>
    %squeeze3A_1047 = vector.extract %slice3A_1046[0] : i32 from vector<1xi32>
    %and3A_1048 = arith.constant -128 : i32
    %and3A_1049 = arith.andi %squeeze3A_1047, %and3A_1048 : i32
    %multiple_of3A_1050 = tpu.assume_multiple %and3A_1049, 128 : i32
    %dma_start3A_1051 = arith.constant 16 : i32
    %dma_start3A_1052 = arith.constant 0 : i32
    %dma_start3A_1053 = tpu.memref_slice %arg11[%dma_start3A_1051, %dma_start3A_1052] : memref<128x128xf32, #tpu.memory_space<vmem>> -> memref<8x128xf32, #tpu.memory_space<vmem>>
    %dma_start3A_1054 = tpu.memref_slice %arg2[%shift_right_arithmetic3A_1002, %multiple_of3A_1045, %multiple_of3A_1050] : memref<2x2048x32000xf32, #tpu.memory_space<hbm>> -> memref<1x8x128xf32, #tpu.memory_space<hbm>>
    %dma_start3A_1055 = tpu.memref_squeeze %dma_start3A_1054 : memref<1x8x128xf32, #tpu.memory_space<hbm>> -> memref<8x128xf32, #tpu.memory_space<hbm>>
    %dma_start3A_1056 = arith.constant 16 : i32
    %dma_start3A_1057 = arith.constant 0 : i32
    %dma_start3A_1058 = tpu.memref_slice %arg11[%dma_start3A_1056, %dma_start3A_1057] : memref<128x128xf32, #tpu.memory_space<vmem>> -> memref<8x128xf32, #tpu.memory_space<vmem>>
    %dma_start3A_1059 = tpu.memref_slice %arg2[%shift_right_arithmetic3A_1002, %multiple_of3A_1045, %multiple_of3A_1050] : memref<2x2048x32000xf32, #tpu.memory_space<hbm>> -> memref<1x8x128xf32, #tpu.memory_space<hbm>>
    %dma_start3A_1060 = tpu.memref_squeeze %dma_start3A_1059 : memref<1x8x128xf32, #tpu.memory_space<hbm>> -> memref<8x128xf32, #tpu.memory_space<hbm>>
    tpu.enqueue_dma source(%dma_start3A_1060 : memref<8x128xf32, #tpu.memory_space<hbm>>) target(%dma_start3A_1058 : memref<8x128xf32, #tpu.memory_space<vmem>>) target_semaphore(%arg21 : memref<!tpu.dma_semaphore, #tpu.memory_space<semaphore_mem>>)
    %add3A_1061 = arith.constant 0 : i32
    %add3A_1062 = arith.addi %and3A_1006, %add3A_1061 : i32
    %multiple_of3A_1063 = tpu.assume_multiple %add3A_1062, 8 : i32
    %slice3A_1064 = vector.extract_strided_slice %get3A_998 {offsets = [3], sizes = [1], strides = [1]} : vector<16xi32> to vector<1xi32>
    %squeeze3A_1065 = vector.extract %slice3A_1064[0] : i32 from vector<1xi32>
    %and3A_1066 = arith.constant -128 : i32
    %and3A_1067 = arith.andi %squeeze3A_1065, %and3A_1066 : i32
    %multiple_of3A_1068 = tpu.assume_multiple %and3A_1067, 128 : i32
    %dma_start3A_1069 = arith.constant 24 : i32
    %dma_start3A_1070 = arith.constant 0 : i32
    %dma_start3A_1071 = tpu.memref_slice %arg11[%dma_start3A_1069, %dma_start3A_1070] : memref<128x128xf32, #tpu.memory_space<vmem>> -> memref<8x128xf32, #tpu.memory_space<vmem>>
    %dma_start3A_1072 = tpu.memref_slice %arg2[%shift_right_arithmetic3A_1002, %multiple_of3A_1063, %multiple_of3A_1068] : memref<2x2048x32000xf32, #tpu.memory_space<hbm>> -> memref<1x8x128xf32, #tpu.memory_space<hbm>>
    %dma_start3A_1073 = tpu.memref_squeeze %dma_start3A_1072 : memref<1x8x128xf32, #tpu.memory_space<hbm>> -> memref<8x128xf32, #tpu.memory_space<hbm>>
    %dma_start3A_1074 = arith.constant 24 : i32
    %dma_start3A_1075 = arith.constant 0 : i32
    %dma_start3A_1076 = tpu.memref_slice %arg11[%dma_start3A_1074, %dma_start3A_1075] : memref<128x128xf32, #tpu.memory_space<vmem>> -> memref<8x128xf32, #tpu.memory_space<vmem>>
    %dma_start3A_1077 = tpu.memref_slice %arg2[%shift_right_arithmetic3A_1002, %multiple_of3A_1063, %multiple_of3A_1068] : memref<2x2048x32000xf32, #tpu.memory_space<hbm>> -> memref<1x8x128xf32, #tpu.memory_space<hbm>>
    %dma_start3A_1078 = tpu.memref_squeeze %dma_start3A_1077 : memref<1x8x128xf32, #tpu.memory_space<hbm>> -> memref<8x128xf32, #tpu.memory_space<hbm>>
    tpu.enqueue_dma source(%dma_start3A_1078 : memref<8x128xf32, #tpu.memory_space<hbm>>) target(%dma_start3A_1076 : memref<8x128xf32, #tpu.memory_space<vmem>>) target_semaphore(%arg21 : memref<!tpu.dma_semaphore, #tpu.memory_space<semaphore_mem>>)
    %add3A_1079 = arith.constant 0 : i32
    %add3A_1080 = arith.addi %and3A_1006, %add3A_1079 : i32
    %multiple_of3A_1081 = tpu.assume_multiple %add3A_1080, 8 : i32
    %slice3A_1082 = vector.extract_strided_slice %get3A_998 {offsets = [4], sizes = [1], strides = [1]} : vector<16xi32> to vector<1xi32>
    %squeeze3A_1083 = vector.extract %slice3A_1082[0] : i32 from vector<1xi32>
    %and3A_1084 = arith.constant -128 : i32
    %and3A_1085 = arith.andi %squeeze3A_1083, %and3A_1084 : i32
    %multiple_of3A_1086 = tpu.assume_multiple %and3A_1085, 128 : i32
    %dma_start3A_1087 = arith.constant 32 : i32
    %dma_start3A_1088 = arith.constant 0 : i32
    %dma_start3A_1089 = tpu.memref_slice %arg11[%dma_start3A_1087, %dma_start3A_1088] : memref<128x128xf32, #tpu.memory_space<vmem>> -> memref<8x128xf32, #tpu.memory_space<vmem>>
    %dma_start3A_1090 = tpu.memref_slice %arg2[%shift_right_arithmetic3A_1002, %multiple_of3A_1081, %multiple_of3A_1086] : memref<2x2048x32000xf32, #tpu.memory_space<hbm>> -> memref<1x8x128xf32, #tpu.memory_space<hbm>>
    %dma_start3A_1091 = tpu.memref_squeeze %dma_start3A_1090 : memref<1x8x128xf32, #tpu.memory_space<hbm>> -> memref<8x128xf32, #tpu.memory_space<hbm>>
    %dma_start3A_1092 = arith.constant 32 : i32
    %dma_start3A_1093 = arith.constant 0 : i32
    %dma_start3A_1094 = tpu.memref_slice %arg11[%dma_start3A_1092, %dma_start3A_1093] : memref<128x128xf32, #tpu.memory_space<vmem>> -> memref<8x128xf32, #tpu.memory_space<vmem>>
    %dma_start3A_1095 = tpu.memref_slice %arg2[%shift_right_arithmetic3A_1002, %multiple_of3A_1081, %multiple_of3A_1086] : memref<2x2048x32000xf32, #tpu.memory_space<hbm>> -> memref<1x8x128xf32, #tpu.memory_space<hbm>>
    %dma_start3A_1096 = tpu.memref_squeeze %dma_start3A_1095 : memref<1x8x128xf32, #tpu.memory_space<hbm>> -> memref<8x128xf32, #tpu.memory_space<hbm>>
    tpu.enqueue_dma source(%dma_start3A_1096 : memref<8x128xf32, #tpu.memory_space<hbm>>) target(%dma_start3A_1094 : memref<8x128xf32, #tpu.memory_space<vmem>>) target_semaphore(%arg21 : memref<!tpu.dma_semaphore, #tpu.memory_space<semaphore_mem>>)
    %add3A_1097 = arith.constant 0 : i32
    %add3A_1098 = arith.addi %and3A_1006, %add3A_1097 : i32
    %multiple_of3A_1099 = tpu.assume_multiple %add3A_1098, 8 : i32
    %slice3A_1100 = vector.extract_strided_slice %get3A_998 {offsets = [5], sizes = [1], strides = [1]} : vector<16xi32> to vector<1xi32>
    %squeeze3A_1101 = vector.extract %slice3A_1100[0] : i32 from vector<1xi32>
    %and3A_1102 = arith.constant -128 : i32
    %and3A_1103 = arith.andi %squeeze3A_1101, %and3A_1102 : i32
    %multiple_of3A_1104 = tpu.assume_multiple %and3A_1103, 128 : i32
    %dma_start3A_1105 = arith.constant 40 : i32
    %dma_start3A_1106 = arith.constant 0 : i32
    %dma_start3A_1107 = tpu.memref_slice %arg11[%dma_start3A_1105, %dma_start3A_1106] : memref<128x128xf32, #tpu.memory_space<vmem>> -> memref<8x128xf32, #tpu.memory_space<vmem>>
    %dma_start3A_1108 = tpu.memref_slice %arg2[%shift_right_arithmetic3A_1002, %multiple_of3A_1099, %multiple_of3A_1104] : memref<2x2048x32000xf32, #tpu.memory_space<hbm>> -> memref<1x8x128xf32, #tpu.memory_space<hbm>>
    %dma_start3A_1109 = tpu.memref_squeeze %dma_start3A_1108 : memref<1x8x128xf32, #tpu.memory_space<hbm>> -> memref<8x128xf32, #tpu.memory_space<hbm>>
    %dma_start3A_1110 = arith.constant 40 : i32
    %dma_start3A_1111 = arith.constant 0 : i32
    %dma_start3A_1112 = tpu.memref_slice %arg11[%dma_start3A_1110, %dma_start3A_1111] : memref<128x128xf32, #tpu.memory_space<vmem>> -> memref<8x128xf32, #tpu.memory_space<vmem>>
    %dma_start3A_1113 = tpu.memref_slice %arg2[%shift_right_arithmetic3A_1002, %multiple_of3A_1099, %multiple_of3A_1104] : memref<2x2048x32000xf32, #tpu.memory_space<hbm>> -> memref<1x8x128xf32, #tpu.memory_space<hbm>>
    %dma_start3A_1114 = tpu.memref_squeeze %dma_start3A_1113 : memref<1x8x128xf32, #tpu.memory_space<hbm>> -> memref<8x128xf32, #tpu.memory_space<hbm>>
    tpu.enqueue_dma source(%dma_start3A_1114 : memref<8x128xf32, #tpu.memory_space<hbm>>) target(%dma_start3A_1112 : memref<8x128xf32, #tpu.memory_space<vmem>>) target_semaphore(%arg21 : memref<!tpu.dma_semaphore, #tpu.memory_space<semaphore_mem>>)
    %add3A_1115 = arith.constant 0 : i32
    %add3A_1116 = arith.addi %and3A_1006, %add3A_1115 : i32
    %multiple_of3A_1117 = tpu.assume_multiple %add3A_1116, 8 : i32
    %slice3A_1118 = vector.extract_strided_slice %get3A_998 {offsets = [6], sizes = [1], strides = [1]} : vector<16xi32> to vector<1xi32>
    %squeeze3A_1119 = vector.extract %slice3A_1118[0] : i32 from vector<1xi32>
    %and3A_1120 = arith.constant -128 : i32
    %and3A_1121 = arith.andi %squeeze3A_1119, %and3A_1120 : i32
    %multiple_of3A_1122 = tpu.assume_multiple %and3A_1121, 128 : i32
    %dma_start3A_1123 = arith.constant 48 : i32
    %dma_start3A_1124 = arith.constant 0 : i32
    %dma_start3A_1125 = tpu.memref_slice %arg11[%dma_start3A_1123, %dma_start3A_1124] : memref<128x128xf32, #tpu.memory_space<vmem>> -> memref<8x128xf32, #tpu.memory_space<vmem>>
    %dma_start3A_1126 = tpu.memref_slice %arg2[%shift_right_arithmetic3A_1002, %multiple_of3A_1117, %multiple_of3A_1122] : memref<2x2048x32000xf32, #tpu.memory_space<hbm>> -> memref<1x8x128xf32, #tpu.memory_space<hbm>>
    %dma_start3A_1127 = tpu.memref_squeeze %dma_start3A_1126 : memref<1x8x128xf32, #tpu.memory_space<hbm>> -> memref<8x128xf32, #tpu.memory_space<hbm>>
    %dma_start3A_1128 = arith.constant 48 : i32
    %dma_start3A_1129 = arith.constant 0 : i32
    %dma_start3A_1130 = tpu.memref_slice %arg11[%dma_start3A_1128, %dma_start3A_1129] : memref<128x128xf32, #tpu.memory_space<vmem>> -> memref<8x128xf32, #tpu.memory_space<vmem>>
    %dma_start3A_1131 = tpu.memref_slice %arg2[%shift_right_arithmetic3A_1002, %multiple_of3A_1117, %multiple_of3A_1122] : memref<2x2048x32000xf32, #tpu.memory_space<hbm>> -> memref<1x8x128xf32, #tpu.memory_space<hbm>>
    %dma_start3A_1132 = tpu.memref_squeeze %dma_start3A_1131 : memref<1x8x128xf32, #tpu.memory_space<hbm>> -> memref<8x128xf32, #tpu.memory_space<hbm>>
    tpu.enqueue_dma source(%dma_start3A_1132 : memref<8x128xf32, #tpu.memory_space<hbm>>) target(%dma_start3A_1130 : memref<8x128xf32, #tpu.memory_space<vmem>>) target_semaphore(%arg21 : memref<!tpu.dma_semaphore, #tpu.memory_space<semaphore_mem>>)
    %add3A_1133 = arith.constant 0 : i32
    %add3A_1134 = arith.addi %and3A_1006, %add3A_1133 : i32
    %multiple_of3A_1135 = tpu.assume_multiple %add3A_1134, 8 : i32
    %slice3A_1136 = vector.extract_strided_slice %get3A_998 {offsets = [7], sizes = [1], strides = [1]} : vector<16xi32> to vector<1xi32>
    %squeeze3A_1137 = vector.extract %slice3A_1136[0] : i32 from vector<1xi32>
    %and3A_1138 = arith.constant -128 : i32
    %and3A_1139 = arith.andi %squeeze3A_1137, %and3A_1138 : i32
    %multiple_of3A_1140 = tpu.assume_multiple %and3A_1139, 128 : i32
    %dma_start3A_1141 = arith.constant 56 : i32
    %dma_start3A_1142 = arith.constant 0 : i32
    %dma_start3A_1143 = tpu.memref_slice %arg11[%dma_start3A_1141, %dma_start3A_1142] : memref<128x128xf32, #tpu.memory_space<vmem>> -> memref<8x128xf32, #tpu.memory_space<vmem>>
    %dma_start3A_1144 = tpu.memref_slice %arg2[%shift_right_arithmetic3A_1002, %multiple_of3A_1135, %multiple_of3A_1140] : memref<2x2048x32000xf32, #tpu.memory_space<hbm>> -> memref<1x8x128xf32, #tpu.memory_space<hbm>>
    %dma_start3A_1145 = tpu.memref_squeeze %dma_start3A_1144 : memref<1x8x128xf32, #tpu.memory_space<hbm>> -> memref<8x128xf32, #tpu.memory_space<hbm>>
    %dma_start3A_1146 = arith.constant 56 : i32
    %dma_start3A_1147 = arith.constant 0 : i32
    %dma_start3A_1148 = tpu.memref_slice %arg11[%dma_start3A_1146, %dma_start3A_1147] : memref<128x128xf32, #tpu.memory_space<vmem>> -> memref<8x128xf32, #tpu.memory_space<vmem>>
    %dma_start3A_1149 = tpu.memref_slice %arg2[%shift_right_arithmetic3A_1002, %multiple_of3A_1135, %multiple_of3A_1140] : memref<2x2048x32000xf32, #tpu.memory_space<hbm>> -> memref<1x8x128xf32, #tpu.memory_space<hbm>>
    %dma_start3A_1150 = tpu.memref_squeeze %dma_start3A_1149 : memref<1x8x128xf32, #tpu.memory_space<hbm>> -> memref<8x128xf32, #tpu.memory_space<hbm>>
    tpu.enqueue_dma source(%dma_start3A_1150 : memref<8x128xf32, #tpu.memory_space<hbm>>) target(%dma_start3A_1148 : memref<8x128xf32, #tpu.memory_space<vmem>>) target_semaphore(%arg21 : memref<!tpu.dma_semaphore, #tpu.memory_space<semaphore_mem>>)
    %add3A_1151 = arith.constant 8 : i32
    %add3A_1152 = arith.addi %and3A_1006, %add3A_1151 : i32
    %multiple_of3A_1153 = tpu.assume_multiple %add3A_1152, 8 : i32
    %slice3A_1154 = vector.extract_strided_slice %get3A_998 {offsets = [8], sizes = [1], strides = [1]} : vector<16xi32> to vector<1xi32>
    %squeeze3A_1155 = vector.extract %slice3A_1154[0] : i32 from vector<1xi32>
    %and3A_1156 = arith.constant -128 : i32
    %and3A_1157 = arith.andi %squeeze3A_1155, %and3A_1156 : i32
    %multiple_of3A_1158 = tpu.assume_multiple %and3A_1157, 128 : i32
    %dma_start3A_1159 = arith.constant 64 : i32
    %dma_start3A_1160 = arith.constant 0 : i32
    %dma_start3A_1161 = tpu.memref_slice %arg11[%dma_start3A_1159, %dma_start3A_1160] : memref<128x128xf32, #tpu.memory_space<vmem>> -> memref<8x128xf32, #tpu.memory_space<vmem>>
    %dma_start3A_1162 = tpu.memref_slice %arg2[%shift_right_arithmetic3A_1002, %multiple_of3A_1153, %multiple_of3A_1158] : memref<2x2048x32000xf32, #tpu.memory_space<hbm>> -> memref<1x8x128xf32, #tpu.memory_space<hbm>>
    %dma_start3A_1163 = tpu.memref_squeeze %dma_start3A_1162 : memref<1x8x128xf32, #tpu.memory_space<hbm>> -> memref<8x128xf32, #tpu.memory_space<hbm>>
    %dma_start3A_1164 = arith.constant 64 : i32
    %dma_start3A_1165 = arith.constant 0 : i32
    %dma_start3A_1166 = tpu.memref_slice %arg11[%dma_start3A_1164, %dma_start3A_1165] : memref<128x128xf32, #tpu.memory_space<vmem>> -> memref<8x128xf32, #tpu.memory_space<vmem>>
    %dma_start3A_1167 = tpu.memref_slice %arg2[%shift_right_arithmetic3A_1002, %multiple_of3A_1153, %multiple_of3A_1158] : memref<2x2048x32000xf32, #tpu.memory_space<hbm>> -> memref<1x8x128xf32, #tpu.memory_space<hbm>>
    %dma_start3A_1168 = tpu.memref_squeeze %dma_start3A_1167 : memref<1x8x128xf32, #tpu.memory_space<hbm>> -> memref<8x128xf32, #tpu.memory_space<hbm>>
    tpu.enqueue_dma source(%dma_start3A_1168 : memref<8x128xf32, #tpu.memory_space<hbm>>) target(%dma_start3A_1166 : memref<8x128xf32, #tpu.memory_space<vmem>>) target_semaphore(%arg21 : memref<!tpu.dma_semaphore, #tpu.memory_space<semaphore_mem>>)
    %add3A_1169 = arith.constant 8 : i32
    %add3A_1170 = arith.addi %and3A_1006, %add3A_1169 : i32
    %multiple_of3A_1171 = tpu.assume_multiple %add3A_1170, 8 : i32
    %slice3A_1172 = vector.extract_strided_slice %get3A_998 {offsets = [9], sizes = [1], strides = [1]} : vector<16xi32> to vector<1xi32>
    %squeeze3A_1173 = vector.extract %slice3A_1172[0] : i32 from vector<1xi32>
    %and3A_1174 = arith.constant -128 : i32
    %and3A_1175 = arith.andi %squeeze3A_1173, %and3A_1174 : i32
    %multiple_of3A_1176 = tpu.assume_multiple %and3A_1175, 128 : i32
    %dma_start3A_1177 = arith.constant 72 : i32
    %dma_start3A_1178 = arith.constant 0 : i32
    %dma_start3A_1179 = tpu.memref_slice %arg11[%dma_start3A_1177, %dma_start3A_1178] : memref<128x128xf32, #tpu.memory_space<vmem>> -> memref<8x128xf32, #tpu.memory_space<vmem>>
    %dma_start3A_1180 = tpu.memref_slice %arg2[%shift_right_arithmetic3A_1002, %multiple_of3A_1171, %multiple_of3A_1176] : memref<2x2048x32000xf32, #tpu.memory_space<hbm>> -> memref<1x8x128xf32, #tpu.memory_space<hbm>>
    %dma_start3A_1181 = tpu.memref_squeeze %dma_start3A_1180 : memref<1x8x128xf32, #tpu.memory_space<hbm>> -> memref<8x128xf32, #tpu.memory_space<hbm>>
    %dma_start3A_1182 = arith.constant 72 : i32
    %dma_start3A_1183 = arith.constant 0 : i32
    %dma_start3A_1184 = tpu.memref_slice %arg11[%dma_start3A_1182, %dma_start3A_1183] : memref<128x128xf32, #tpu.memory_space<vmem>> -> memref<8x128xf32, #tpu.memory_space<vmem>>
    %dma_start3A_1185 = tpu.memref_slice %arg2[%shift_right_arithmetic3A_1002, %multiple_of3A_1171, %multiple_of3A_1176] : memref<2x2048x32000xf32, #tpu.memory_space<hbm>> -> memref<1x8x128xf32, #tpu.memory_space<hbm>>
    %dma_start3A_1186 = tpu.memref_squeeze %dma_start3A_1185 : memref<1x8x128xf32, #tpu.memory_space<hbm>> -> memref<8x128xf32, #tpu.memory_space<hbm>>
    tpu.enqueue_dma source(%dma_start3A_1186 : memref<8x128xf32, #tpu.memory_space<hbm>>) target(%dma_start3A_1184 : memref<8x128xf32, #tpu.memory_space<vmem>>) target_semaphore(%arg21 : memref<!tpu.dma_semaphore, #tpu.memory_space<semaphore_mem>>)
    %add3A_1187 = arith.constant 8 : i32
    %add3A_1188 = arith.addi %and3A_1006, %add3A_1187 : i32
    %multiple_of3A_1189 = tpu.assume_multiple %add3A_1188, 8 : i32
    %slice3A_1190 = vector.extract_strided_slice %get3A_998 {offsets = [10], sizes = [1], strides = [1]} : vector<16xi32> to vector<1xi32>
    %squeeze3A_1191 = vector.extract %slice3A_1190[0] : i32 from vector<1xi32>
    %and3A_1192 = arith.constant -128 : i32
    %and3A_1193 = arith.andi %squeeze3A_1191, %and3A_1192 : i32
    %multiple_of3A_1194 = tpu.assume_multiple %and3A_1193, 128 : i32
    %dma_start3A_1195 = arith.constant 80 : i32
    %dma_start3A_1196 = arith.constant 0 : i32
    %dma_start3A_1197 = tpu.memref_slice %arg11[%dma_start3A_1195, %dma_start3A_1196] : memref<128x128xf32, #tpu.memory_space<vmem>> -> memref<8x128xf32, #tpu.memory_space<vmem>>
    %dma_start3A_1198 = tpu.memref_slice %arg2[%shift_right_arithmetic3A_1002, %multiple_of3A_1189, %multiple_of3A_1194] : memref<2x2048x32000xf32, #tpu.memory_space<hbm>> -> memref<1x8x128xf32, #tpu.memory_space<hbm>>
    %dma_start3A_1199 = tpu.memref_squeeze %dma_start3A_1198 : memref<1x8x128xf32, #tpu.memory_space<hbm>> -> memref<8x128xf32, #tpu.memory_space<hbm>>
    %dma_start3A_1200 = arith.constant 80 : i32
    %dma_start3A_1201 = arith.constant 0 : i32
    %dma_start3A_1202 = tpu.memref_slice %arg11[%dma_start3A_1200, %dma_start3A_1201] : memref<128x128xf32, #tpu.memory_space<vmem>> -> memref<8x128xf32, #tpu.memory_space<vmem>>
    %dma_start3A_1203 = tpu.memref_slice %arg2[%shift_right_arithmetic3A_1002, %multiple_of3A_1189, %multiple_of3A_1194] : memref<2x2048x32000xf32, #tpu.memory_space<hbm>> -> memref<1x8x128xf32, #tpu.memory_space<hbm>>
    %dma_start3A_1204 = tpu.memref_squeeze %dma_start3A_1203 : memref<1x8x128xf32, #tpu.memory_space<hbm>> -> memref<8x128xf32, #tpu.memory_space<hbm>>
    tpu.enqueue_dma source(%dma_start3A_1204 : memref<8x128xf32, #tpu.memory_space<hbm>>) target(%dma_start3A_1202 : memref<8x128xf32, #tpu.memory_space<vmem>>) target_semaphore(%arg21 : memref<!tpu.dma_semaphore, #tpu.memory_space<semaphore_mem>>)
    %add3A_1205 = arith.constant 8 : i32
    %add3A_1206 = arith.addi %and3A_1006, %add3A_1205 : i32
    %multiple_of3A_1207 = tpu.assume_multiple %add3A_1206, 8 : i32
    %slice3A_1208 = vector.extract_strided_slice %get3A_998 {offsets = [11], sizes = [1], strides = [1]} : vector<16xi32> to vector<1xi32>
    %squeeze3A_1209 = vector.extract %slice3A_1208[0] : i32 from vector<1xi32>
    %and3A_1210 = arith.constant -128 : i32
    %and3A_1211 = arith.andi %squeeze3A_1209, %and3A_1210 : i32
    %multiple_of3A_1212 = tpu.assume_multiple %and3A_1211, 128 : i32
    %dma_start3A_1213 = arith.constant 88 : i32
    %dma_start3A_1214 = arith.constant 0 : i32
    %dma_start3A_1215 = tpu.memref_slice %arg11[%dma_start3A_1213, %dma_start3A_1214] : memref<128x128xf32, #tpu.memory_space<vmem>> -> memref<8x128xf32, #tpu.memory_space<vmem>>
    %dma_start3A_1216 = tpu.memref_slice %arg2[%shift_right_arithmetic3A_1002, %multiple_of3A_1207, %multiple_of3A_1212] : memref<2x2048x32000xf32, #tpu.memory_space<hbm>> -> memref<1x8x128xf32, #tpu.memory_space<hbm>>
    %dma_start3A_1217 = tpu.memref_squeeze %dma_start3A_1216 : memref<1x8x128xf32, #tpu.memory_space<hbm>> -> memref<8x128xf32, #tpu.memory_space<hbm>>
    %dma_start3A_1218 = arith.constant 88 : i32
    %dma_start3A_1219 = arith.constant 0 : i32
    %dma_start3A_1220 = tpu.memref_slice %arg11[%dma_start3A_1218, %dma_start3A_1219] : memref<128x128xf32, #tpu.memory_space<vmem>> -> memref<8x128xf32, #tpu.memory_space<vmem>>
    %dma_start3A_1221 = tpu.memref_slice %arg2[%shift_right_arithmetic3A_1002, %multiple_of3A_1207, %multiple_of3A_1212] : memref<2x2048x32000xf32, #tpu.memory_space<hbm>> -> memref<1x8x128xf32, #tpu.memory_space<hbm>>
    %dma_start3A_1222 = tpu.memref_squeeze %dma_start3A_1221 : memref<1x8x128xf32, #tpu.memory_space<hbm>> -> memref<8x128xf32, #tpu.memory_space<hbm>>
    tpu.enqueue_dma source(%dma_start3A_1222 : memref<8x128xf32, #tpu.memory_space<hbm>>) target(%dma_start3A_1220 : memref<8x128xf32, #tpu.memory_space<vmem>>) target_semaphore(%arg21 : memref<!tpu.dma_semaphore, #tpu.memory_space<semaphore_mem>>)
    %add3A_1223 = arith.constant 8 : i32
    %add3A_1224 = arith.addi %and3A_1006, %add3A_1223 : i32
    %multiple_of3A_1225 = tpu.assume_multiple %add3A_1224, 8 : i32
    %slice3A_1226 = vector.extract_strided_slice %get3A_998 {offsets = [12], sizes = [1], strides = [1]} : vector<16xi32> to vector<1xi32>
    %squeeze3A_1227 = vector.extract %slice3A_1226[0] : i32 from vector<1xi32>
    %and3A_1228 = arith.constant -128 : i32
    %and3A_1229 = arith.andi %squeeze3A_1227, %and3A_1228 : i32
    %multiple_of3A_1230 = tpu.assume_multiple %and3A_1229, 128 : i32
    %dma_start3A_1231 = arith.constant 96 : i32
    %dma_start3A_1232 = arith.constant 0 : i32
    %dma_start3A_1233 = tpu.memref_slice %arg11[%dma_start3A_1231, %dma_start3A_1232] : memref<128x128xf32, #tpu.memory_space<vmem>> -> memref<8x128xf32, #tpu.memory_space<vmem>>
    %dma_start3A_1234 = tpu.memref_slice %arg2[%shift_right_arithmetic3A_1002, %multiple_of3A_1225, %multiple_of3A_1230] : memref<2x2048x32000xf32, #tpu.memory_space<hbm>> -> memref<1x8x128xf32, #tpu.memory_space<hbm>>
    %dma_start3A_1235 = tpu.memref_squeeze %dma_start3A_1234 : memref<1x8x128xf32, #tpu.memory_space<hbm>> -> memref<8x128xf32, #tpu.memory_space<hbm>>
    %dma_start3A_1236 = arith.constant 96 : i32
    %dma_start3A_1237 = arith.constant 0 : i32
    %dma_start3A_1238 = tpu.memref_slice %arg11[%dma_start3A_1236, %dma_start3A_1237] : memref<128x128xf32, #tpu.memory_space<vmem>> -> memref<8x128xf32, #tpu.memory_space<vmem>>
    %dma_start3A_1239 = tpu.memref_slice %arg2[%shift_right_arithmetic3A_1002, %multiple_of3A_1225, %multiple_of3A_1230] : memref<2x2048x32000xf32, #tpu.memory_space<hbm>> -> memref<1x8x128xf32, #tpu.memory_space<hbm>>
    %dma_start3A_1240 = tpu.memref_squeeze %dma_start3A_1239 : memref<1x8x128xf32, #tpu.memory_space<hbm>> -> memref<8x128xf32, #tpu.memory_space<hbm>>
    tpu.enqueue_dma source(%dma_start3A_1240 : memref<8x128xf32, #tpu.memory_space<hbm>>) target(%dma_start3A_1238 : memref<8x128xf32, #tpu.memory_space<vmem>>) target_semaphore(%arg21 : memref<!tpu.dma_semaphore, #tpu.memory_space<semaphore_mem>>)
    %add3A_1241 = arith.constant 8 : i32
    %add3A_1242 = arith.addi %and3A_1006, %add3A_1241 : i32
    %multiple_of3A_1243 = tpu.assume_multiple %add3A_1242, 8 : i32
    %slice3A_1244 = vector.extract_strided_slice %get3A_998 {offsets = [13], sizes = [1], strides = [1]} : vector<16xi32> to vector<1xi32>
    %squeeze3A_1245 = vector.extract %slice3A_1244[0] : i32 from vector<1xi32>
    %and3A_1246 = arith.constant -128 : i32
    %and3A_1247 = arith.andi %squeeze3A_1245, %and3A_1246 : i32
    %multiple_of3A_1248 = tpu.assume_multiple %and3A_1247, 128 : i32
    %dma_start3A_1249 = arith.constant 104 : i32
    %dma_start3A_1250 = arith.constant 0 : i32
    %dma_start3A_1251 = tpu.memref_slice %arg11[%dma_start3A_1249, %dma_start3A_1250] : memref<128x128xf32, #tpu.memory_space<vmem>> -> memref<8x128xf32, #tpu.memory_space<vmem>>
    %dma_start3A_1252 = tpu.memref_slice %arg2[%shift_right_arithmetic3A_1002, %multiple_of3A_1243, %multiple_of3A_1248] : memref<2x2048x32000xf32, #tpu.memory_space<hbm>> -> memref<1x8x128xf32, #tpu.memory_space<hbm>>
    %dma_start3A_1253 = tpu.memref_squeeze %dma_start3A_1252 : memref<1x8x128xf32, #tpu.memory_space<hbm>> -> memref<8x128xf32, #tpu.memory_space<hbm>>
    %dma_start3A_1254 = arith.constant 104 : i32
    %dma_start3A_1255 = arith.constant 0 : i32
    %dma_start3A_1256 = tpu.memref_slice %arg11[%dma_start3A_1254, %dma_start3A_1255] : memref<128x128xf32, #tpu.memory_space<vmem>> -> memref<8x128xf32, #tpu.memory_space<vmem>>
    %dma_start3A_1257 = tpu.memref_slice %arg2[%shift_right_arithmetic3A_1002, %multiple_of3A_1243, %multiple_of3A_1248] : memref<2x2048x32000xf32, #tpu.memory_space<hbm>> -> memref<1x8x128xf32, #tpu.memory_space<hbm>>
    %dma_start3A_1258 = tpu.memref_squeeze %dma_start3A_1257 : memref<1x8x128xf32, #tpu.memory_space<hbm>> -> memref<8x128xf32, #tpu.memory_space<hbm>>
    tpu.enqueue_dma source(%dma_start3A_1258 : memref<8x128xf32, #tpu.memory_space<hbm>>) target(%dma_start3A_1256 : memref<8x128xf32, #tpu.memory_space<vmem>>) target_semaphore(%arg21 : memref<!tpu.dma_semaphore, #tpu.memory_space<semaphore_mem>>)
    %add3A_1259 = arith.constant 8 : i32
    %add3A_1260 = arith.addi %and3A_1006, %add3A_1259 : i32
    %multiple_of3A_1261 = tpu.assume_multiple %add3A_1260, 8 : i32
    %slice3A_1262 = vector.extract_strided_slice %get3A_998 {offsets = [14], sizes = [1], strides = [1]} : vector<16xi32> to vector<1xi32>
    %squeeze3A_1263 = vector.extract %slice3A_1262[0] : i32 from vector<1xi32>
    %and3A_1264 = arith.constant -128 : i32
    %and3A_1265 = arith.andi %squeeze3A_1263, %and3A_1264 : i32
    %multiple_of3A_1266 = tpu.assume_multiple %and3A_1265, 128 : i32
    %dma_start3A_1267 = arith.constant 112 : i32
    %dma_start3A_1268 = arith.constant 0 : i32
    %dma_start3A_1269 = tpu.memref_slice %arg11[%dma_start3A_1267, %dma_start3A_1268] : memref<128x128xf32, #tpu.memory_space<vmem>> -> memref<8x128xf32, #tpu.memory_space<vmem>>
    %dma_start3A_1270 = tpu.memref_slice %arg2[%shift_right_arithmetic3A_1002, %multiple_of3A_1261, %multiple_of3A_1266] : memref<2x2048x32000xf32, #tpu.memory_space<hbm>> -> memref<1x8x128xf32, #tpu.memory_space<hbm>>
    %dma_start3A_1271 = tpu.memref_squeeze %dma_start3A_1270 : memref<1x8x128xf32, #tpu.memory_space<hbm>> -> memref<8x128xf32, #tpu.memory_space<hbm>>
    %dma_start3A_1272 = arith.constant 112 : i32
    %dma_start3A_1273 = arith.constant 0 : i32
    %dma_start3A_1274 = tpu.memref_slice %arg11[%dma_start3A_1272, %dma_start3A_1273] : memref<128x128xf32, #tpu.memory_space<vmem>> -> memref<8x128xf32, #tpu.memory_space<vmem>>
    %dma_start3A_1275 = tpu.memref_slice %arg2[%shift_right_arithmetic3A_1002, %multiple_of3A_1261, %multiple_of3A_1266] : memref<2x2048x32000xf32, #tpu.memory_space<hbm>> -> memref<1x8x128xf32, #tpu.memory_space<hbm>>
    %dma_start3A_1276 = tpu.memref_squeeze %dma_start3A_1275 : memref<1x8x128xf32, #tpu.memory_space<hbm>> -> memref<8x128xf32, #tpu.memory_space<hbm>>
    tpu.enqueue_dma source(%dma_start3A_1276 : memref<8x128xf32, #tpu.memory_space<hbm>>) target(%dma_start3A_1274 : memref<8x128xf32, #tpu.memory_space<vmem>>) target_semaphore(%arg21 : memref<!tpu.dma_semaphore, #tpu.memory_space<semaphore_mem>>)
    %add3A_1277 = arith.constant 8 : i32
    %add3A_1278 = arith.addi %and3A_1006, %add3A_1277 : i32
    %multiple_of3A_1279 = tpu.assume_multiple %add3A_1278, 8 : i32
    %slice3A_1280 = vector.extract_strided_slice %get3A_998 {offsets = [15], sizes = [1], strides = [1]} : vector<16xi32> to vector<1xi32>
    %squeeze3A_1281 = vector.extract %slice3A_1280[0] : i32 from vector<1xi32>
    %and3A_1282 = arith.constant -128 : i32
    %and3A_1283 = arith.andi %squeeze3A_1281, %and3A_1282 : i32
    %multiple_of3A_1284 = tpu.assume_multiple %and3A_1283, 128 : i32
    %dma_start3A_1285 = arith.constant 120 : i32
    %dma_start3A_1286 = arith.constant 0 : i32
    %dma_start3A_1287 = tpu.memref_slice %arg11[%dma_start3A_1285, %dma_start3A_1286] : memref<128x128xf32, #tpu.memory_space<vmem>> -> memref<8x128xf32, #tpu.memory_space<vmem>>
    %dma_start3A_1288 = tpu.memref_slice %arg2[%shift_right_arithmetic3A_1002, %multiple_of3A_1279, %multiple_of3A_1284] : memref<2x2048x32000xf32, #tpu.memory_space<hbm>> -> memref<1x8x128xf32, #tpu.memory_space<hbm>>
    %dma_start3A_1289 = tpu.memref_squeeze %dma_start3A_1288 : memref<1x8x128xf32, #tpu.memory_space<hbm>> -> memref<8x128xf32, #tpu.memory_space<hbm>>
    %dma_start3A_1290 = arith.constant 120 : i32
    %dma_start3A_1291 = arith.constant 0 : i32
    %dma_start3A_1292 = tpu.memref_slice %arg11[%dma_start3A_1290, %dma_start3A_1291] : memref<128x128xf32, #tpu.memory_space<vmem>> -> memref<8x128xf32, #tpu.memory_space<vmem>>
    %dma_start3A_1293 = tpu.memref_slice %arg2[%shift_right_arithmetic3A_1002, %multiple_of3A_1279, %multiple_of3A_1284] : memref<2x2048x32000xf32, #tpu.memory_space<hbm>> -> memref<1x8x128xf32, #tpu.memory_space<hbm>>
    %dma_start3A_1294 = tpu.memref_squeeze %dma_start3A_1293 : memref<1x8x128xf32, #tpu.memory_space<hbm>> -> memref<8x128xf32, #tpu.memory_space<hbm>>
    tpu.enqueue_dma source(%dma_start3A_1294 : memref<8x128xf32, #tpu.memory_space<hbm>>) target(%dma_start3A_1292 : memref<8x128xf32, #tpu.memory_space<vmem>>) target_semaphore(%arg21 : memref<!tpu.dma_semaphore, #tpu.memory_space<semaphore_mem>>)
    %get3A_1295 = arith.constant 64 : index
    %get3A_1296 = tpu.vector_load %arg6[%get3A_1295] {strides = array<i32>} : memref<128xi32, #tpu.memory_space<vmem>>, vector<16xi32>,
    %add3A_1297 = arith.constant 64 : i32
    %add3A_1298 = arith.addi %mul3A_2, %add3A_1297 : i32
    %shift_right_arithmetic3A_1299 = arith.constant 11 : i32
    %shift_right_arithmetic3A_1300 = arith.shrsi %add3A_1298, %shift_right_arithmetic3A_1299 : i32
    %add3A_1301 = arith.constant 64 : i32
    %add3A_1302 = arith.addi %mul3A_2, %add3A_1301 : i32
    %and3A_1303 = arith.constant 2047 : i32
    %and3A_1304 = arith.andi %add3A_1302, %and3A_1303 : i32
    %add3A_1305 = arith.constant 0 : i32
    %add3A_1306 = arith.addi %and3A_1304, %add3A_1305 : i32
    %multiple_of3A_1307 = tpu.assume_multiple %add3A_1306, 8 : i32
    %slice3A_1308 = vector.extract_strided_slice %get3A_1296 {offsets = [0], sizes = [1], strides = [1]} : vector<16xi32> to vector<1xi32>
    %squeeze3A_1309 = vector.extract %slice3A_1308[0] : i32 from vector<1xi32>
    %and3A_1310 = arith.constant -128 : i32
    %and3A_1311 = arith.andi %squeeze3A_1309, %and3A_1310 : i32
    %multiple_of3A_1312 = tpu.assume_multiple %and3A_1311, 128 : i32
    %dma_start3A_1313 = arith.constant 0 : i32
    %dma_start3A_1314 = arith.constant 0 : i32
    %dma_start3A_1315 = tpu.memref_slice %arg12[%dma_start3A_1313, %dma_start3A_1314] : memref<128x128xf32, #tpu.memory_space<vmem>> -> memref<8x128xf32, #tpu.memory_space<vmem>>
    %dma_start3A_1316 = tpu.memref_slice %arg2[%shift_right_arithmetic3A_1300, %multiple_of3A_1307, %multiple_of3A_1312] : memref<2x2048x32000xf32, #tpu.memory_space<hbm>> -> memref<1x8x128xf32, #tpu.memory_space<hbm>>
    %dma_start3A_1317 = tpu.memref_squeeze %dma_start3A_1316 : memref<1x8x128xf32, #tpu.memory_space<hbm>> -> memref<8x128xf32, #tpu.memory_space<hbm>>
    %dma_start3A_1318 = arith.constant 0 : i32
    %dma_start3A_1319 = arith.constant 0 : i32
    %dma_start3A_1320 = tpu.memref_slice %arg12[%dma_start3A_1318, %dma_start3A_1319] : memref<128x128xf32, #tpu.memory_space<vmem>> -> memref<8x128xf32, #tpu.memory_space<vmem>>
    %dma_start3A_1321 = tpu.memref_slice %arg2[%shift_right_arithmetic3A_1300, %multiple_of3A_1307, %multiple_of3A_1312] : memref<2x2048x32000xf32, #tpu.memory_space<hbm>> -> memref<1x8x128xf32, #tpu.memory_space<hbm>>
    %dma_start3A_1322 = tpu.memref_squeeze %dma_start3A_1321 : memref<1x8x128xf32, #tpu.memory_space<hbm>> -> memref<8x128xf32, #tpu.memory_space<hbm>>
    tpu.enqueue_dma source(%dma_start3A_1322 : memref<8x128xf32, #tpu.memory_space<hbm>>) target(%dma_start3A_1320 : memref<8x128xf32, #tpu.memory_space<vmem>>) target_semaphore(%arg22 : memref<!tpu.dma_semaphore, #tpu.memory_space<semaphore_mem>>)
    %add3A_1323 = arith.constant 0 : i32
    %add3A_1324 = arith.addi %and3A_1304, %add3A_1323 : i32
    %multiple_of3A_1325 = tpu.assume_multiple %add3A_1324, 8 : i32
    %slice3A_1326 = vector.extract_strided_slice %get3A_1296 {offsets = [1], sizes = [1], strides = [1]} : vector<16xi32> to vector<1xi32>
    %squeeze3A_1327 = vector.extract %slice3A_1326[0] : i32 from vector<1xi32>
    %and3A_1328 = arith.constant -128 : i32
    %and3A_1329 = arith.andi %squeeze3A_1327, %and3A_1328 : i32
    %multiple_of3A_1330 = tpu.assume_multiple %and3A_1329, 128 : i32
    %dma_start3A_1331 = arith.constant 8 : i32
    %dma_start3A_1332 = arith.constant 0 : i32
    %dma_start3A_1333 = tpu.memref_slice %arg12[%dma_start3A_1331, %dma_start3A_1332] : memref<128x128xf32, #tpu.memory_space<vmem>> -> memref<8x128xf32, #tpu.memory_space<vmem>>
    %dma_start3A_1334 = tpu.memref_slice %arg2[%shift_right_arithmetic3A_1300, %multiple_of3A_1325, %multiple_of3A_1330] : memref<2x2048x32000xf32, #tpu.memory_space<hbm>> -> memref<1x8x128xf32, #tpu.memory_space<hbm>>
    %dma_start3A_1335 = tpu.memref_squeeze %dma_start3A_1334 : memref<1x8x128xf32, #tpu.memory_space<hbm>> -> memref<8x128xf32, #tpu.memory_space<hbm>>
    %dma_start3A_1336 = arith.constant 8 : i32
    %dma_start3A_1337 = arith.constant 0 : i32
    %dma_start3A_1338 = tpu.memref_slice %arg12[%dma_start3A_1336, %dma_start3A_1337] : memref<128x128xf32, #tpu.memory_space<vmem>> -> memref<8x128xf32, #tpu.memory_space<vmem>>
    %dma_start3A_1339 = tpu.memref_slice %arg2[%shift_right_arithmetic3A_1300, %multiple_of3A_1325, %multiple_of3A_1330] : memref<2x2048x32000xf32, #tpu.memory_space<hbm>> -> memref<1x8x128xf32, #tpu.memory_space<hbm>>
    %dma_start3A_1340 = tpu.memref_squeeze %dma_start3A_1339 : memref<1x8x128xf32, #tpu.memory_space<hbm>> -> memref<8x128xf32, #tpu.memory_space<hbm>>
    tpu.enqueue_dma source(%dma_start3A_1340 : memref<8x128xf32, #tpu.memory_space<hbm>>) target(%dma_start3A_1338 : memref<8x128xf32, #tpu.memory_space<vmem>>) target_semaphore(%arg22 : memref<!tpu.dma_semaphore, #tpu.memory_space<semaphore_mem>>)
    %add3A_1341 = arith.constant 0 : i32
    %add3A_1342 = arith.addi %and3A_1304, %add3A_1341 : i32
    %multiple_of3A_1343 = tpu.assume_multiple %add3A_1342, 8 : i32
    %slice3A_1344 = vector.extract_strided_slice %get3A_1296 {offsets = [2], sizes = [1], strides = [1]} : vector<16xi32> to vector<1xi32>
    %squeeze3A_1345 = vector.extract %slice3A_1344[0] : i32 from vector<1xi32>
    %and3A_1346 = arith.constant -128 : i32
    %and3A_1347 = arith.andi %squeeze3A_1345, %and3A_1346 : i32
    %multiple_of3A_1348 = tpu.assume_multiple %and3A_1347, 128 : i32
    %dma_start3A_1349 = arith.constant 16 : i32
    %dma_start3A_1350 = arith.constant 0 : i32
    %dma_start3A_1351 = tpu.memref_slice %arg12[%dma_start3A_1349, %dma_start3A_1350] : memref<128x128xf32, #tpu.memory_space<vmem>> -> memref<8x128xf32, #tpu.memory_space<vmem>>
    %dma_start3A_1352 = tpu.memref_slice %arg2[%shift_right_arithmetic3A_1300, %multiple_of3A_1343, %multiple_of3A_1348] : memref<2x2048x32000xf32, #tpu.memory_space<hbm>> -> memref<1x8x128xf32, #tpu.memory_space<hbm>>
    %dma_start3A_1353 = tpu.memref_squeeze %dma_start3A_1352 : memref<1x8x128xf32, #tpu.memory_space<hbm>> -> memref<8x128xf32, #tpu.memory_space<hbm>>
    %dma_start3A_1354 = arith.constant 16 : i32
    %dma_start3A_1355 = arith.constant 0 : i32
    %dma_start3A_1356 = tpu.memref_slice %arg12[%dma_start3A_1354, %dma_start3A_1355] : memref<128x128xf32, #tpu.memory_space<vmem>> -> memref<8x128xf32, #tpu.memory_space<vmem>>
    %dma_start3A_1357 = tpu.memref_slice %arg2[%shift_right_arithmetic3A_1300, %multiple_of3A_1343, %multiple_of3A_1348] : memref<2x2048x32000xf32, #tpu.memory_space<hbm>> -> memref<1x8x128xf32, #tpu.memory_space<hbm>>
    %dma_start3A_1358 = tpu.memref_squeeze %dma_start3A_1357 : memref<1x8x128xf32, #tpu.memory_space<hbm>> -> memref<8x128xf32, #tpu.memory_space<hbm>>
    tpu.enqueue_dma source(%dma_start3A_1358 : memref<8x128xf32, #tpu.memory_space<hbm>>) target(%dma_start3A_1356 : memref<8x128xf32, #tpu.memory_space<vmem>>) target_semaphore(%arg22 : memref<!tpu.dma_semaphore, #tpu.memory_space<semaphore_mem>>)
    %add3A_1359 = arith.constant 0 : i32
    %add3A_1360 = arith.addi %and3A_1304, %add3A_1359 : i32
    %multiple_of3A_1361 = tpu.assume_multiple %add3A_1360, 8 : i32
    %slice3A_1362 = vector.extract_strided_slice %get3A_1296 {offsets = [3], sizes = [1], strides = [1]} : vector<16xi32> to vector<1xi32>
    %squeeze3A_1363 = vector.extract %slice3A_1362[0] : i32 from vector<1xi32>
    %and3A_1364 = arith.constant -128 : i32
    %and3A_1365 = arith.andi %squeeze3A_1363, %and3A_1364 : i32
    %multiple_of3A_1366 = tpu.assume_multiple %and3A_1365, 128 : i32
    %dma_start3A_1367 = arith.constant 24 : i32
    %dma_start3A_1368 = arith.constant 0 : i32
    %dma_start3A_1369 = tpu.memref_slice %arg12[%dma_start3A_1367, %dma_start3A_1368] : memref<128x128xf32, #tpu.memory_space<vmem>> -> memref<8x128xf32, #tpu.memory_space<vmem>>
    %dma_start3A_1370 = tpu.memref_slice %arg2[%shift_right_arithmetic3A_1300, %multiple_of3A_1361, %multiple_of3A_1366] : memref<2x2048x32000xf32, #tpu.memory_space<hbm>> -> memref<1x8x128xf32, #tpu.memory_space<hbm>>
    %dma_start3A_1371 = tpu.memref_squeeze %dma_start3A_1370 : memref<1x8x128xf32, #tpu.memory_space<hbm>> -> memref<8x128xf32, #tpu.memory_space<hbm>>
    %dma_start3A_1372 = arith.constant 24 : i32
    %dma_start3A_1373 = arith.constant 0 : i32
    %dma_start3A_1374 = tpu.memref_slice %arg12[%dma_start3A_1372, %dma_start3A_1373] : memref<128x128xf32, #tpu.memory_space<vmem>> -> memref<8x128xf32, #tpu.memory_space<vmem>>
    %dma_start3A_1375 = tpu.memref_slice %arg2[%shift_right_arithmetic3A_1300, %multiple_of3A_1361, %multiple_of3A_1366] : memref<2x2048x32000xf32, #tpu.memory_space<hbm>> -> memref<1x8x128xf32, #tpu.memory_space<hbm>>
    %dma_start3A_1376 = tpu.memref_squeeze %dma_start3A_1375 : memref<1x8x128xf32, #tpu.memory_space<hbm>> -> memref<8x128xf32, #tpu.memory_space<hbm>>
    tpu.enqueue_dma source(%dma_start3A_1376 : memref<8x128xf32, #tpu.memory_space<hbm>>) target(%dma_start3A_1374 : memref<8x128xf32, #tpu.memory_space<vmem>>) target_semaphore(%arg22 : memref<!tpu.dma_semaphore, #tpu.memory_space<semaphore_mem>>)
    %add3A_1377 = arith.constant 0 : i32
    %add3A_1378 = arith.addi %and3A_1304, %add3A_1377 : i32
    %multiple_of3A_1379 = tpu.assume_multiple %add3A_1378, 8 : i32
    %slice3A_1380 = vector.extract_strided_slice %get3A_1296 {offsets = [4], sizes = [1], strides = [1]} : vector<16xi32> to vector<1xi32>
    %squeeze3A_1381 = vector.extract %slice3A_1380[0] : i32 from vector<1xi32>
    %and3A_1382 = arith.constant -128 : i32
    %and3A_1383 = arith.andi %squeeze3A_1381, %and3A_1382 : i32
    %multiple_of3A_1384 = tpu.assume_multiple %and3A_1383, 128 : i32
    %dma_start3A_1385 = arith.constant 32 : i32
    %dma_start3A_1386 = arith.constant 0 : i32
    %dma_start3A_1387 = tpu.memref_slice %arg12[%dma_start3A_1385, %dma_start3A_1386] : memref<128x128xf32, #tpu.memory_space<vmem>> -> memref<8x128xf32, #tpu.memory_space<vmem>>
    %dma_start3A_1388 = tpu.memref_slice %arg2[%shift_right_arithmetic3A_1300, %multiple_of3A_1379, %multiple_of3A_1384] : memref<2x2048x32000xf32, #tpu.memory_space<hbm>> -> memref<1x8x128xf32, #tpu.memory_space<hbm>>
    %dma_start3A_1389 = tpu.memref_squeeze %dma_start3A_1388 : memref<1x8x128xf32, #tpu.memory_space<hbm>> -> memref<8x128xf32, #tpu.memory_space<hbm>>
    %dma_start3A_1390 = arith.constant 32 : i32
    %dma_start3A_1391 = arith.constant 0 : i32
    %dma_start3A_1392 = tpu.memref_slice %arg12[%dma_start3A_1390, %dma_start3A_1391] : memref<128x128xf32, #tpu.memory_space<vmem>> -> memref<8x128xf32, #tpu.memory_space<vmem>>
    %dma_start3A_1393 = tpu.memref_slice %arg2[%shift_right_arithmetic3A_1300, %multiple_of3A_1379, %multiple_of3A_1384] : memref<2x2048x32000xf32, #tpu.memory_space<hbm>> -> memref<1x8x128xf32, #tpu.memory_space<hbm>>
    %dma_start3A_1394 = tpu.memref_squeeze %dma_start3A_1393 : memref<1x8x128xf32, #tpu.memory_space<hbm>> -> memref<8x128xf32, #tpu.memory_space<hbm>>
    tpu.enqueue_dma source(%dma_start3A_1394 : memref<8x128xf32, #tpu.memory_space<hbm>>) target(%dma_start3A_1392 : memref<8x128xf32, #tpu.memory_space<vmem>>) target_semaphore(%arg22 : memref<!tpu.dma_semaphore, #tpu.memory_space<semaphore_mem>>)
    %add3A_1395 = arith.constant 0 : i32
    %add3A_1396 = arith.addi %and3A_1304, %add3A_1395 : i32
    %multiple_of3A_1397 = tpu.assume_multiple %add3A_1396, 8 : i32
    %slice3A_1398 = vector.extract_strided_slice %get3A_1296 {offsets = [5], sizes = [1], strides = [1]} : vector<16xi32> to vector<1xi32>
    %squeeze3A_1399 = vector.extract %slice3A_1398[0] : i32 from vector<1xi32>
    %and3A_1400 = arith.constant -128 : i32
    %and3A_1401 = arith.andi %squeeze3A_1399, %and3A_1400 : i32
    %multiple_of3A_1402 = tpu.assume_multiple %and3A_1401, 128 : i32
    %dma_start3A_1403 = arith.constant 40 : i32
    %dma_start3A_1404 = arith.constant 0 : i32
    %dma_start3A_1405 = tpu.memref_slice %arg12[%dma_start3A_1403, %dma_start3A_1404] : memref<128x128xf32, #tpu.memory_space<vmem>> -> memref<8x128xf32, #tpu.memory_space<vmem>>
    %dma_start3A_1406 = tpu.memref_slice %arg2[%shift_right_arithmetic3A_1300, %multiple_of3A_1397, %multiple_of3A_1402] : memref<2x2048x32000xf32, #tpu.memory_space<hbm>> -> memref<1x8x128xf32, #tpu.memory_space<hbm>>
    %dma_start3A_1407 = tpu.memref_squeeze %dma_start3A_1406 : memref<1x8x128xf32, #tpu.memory_space<hbm>> -> memref<8x128xf32, #tpu.memory_space<hbm>>
    %dma_start3A_1408 = arith.constant 40 : i32
    %dma_start3A_1409 = arith.constant 0 : i32
    %dma_start3A_1410 = tpu.memref_slice %arg12[%dma_start3A_1408, %dma_start3A_1409] : memref<128x128xf32, #tpu.memory_space<vmem>> -> memref<8x128xf32, #tpu.memory_space<vmem>>
    %dma_start3A_1411 = tpu.memref_slice %arg2[%shift_right_arithmetic3A_1300, %multiple_of3A_1397, %multiple_of3A_1402] : memref<2x2048x32000xf32, #tpu.memory_space<hbm>> -> memref<1x8x128xf32, #tpu.memory_space<hbm>>
    %dma_start3A_1412 = tpu.memref_squeeze %dma_start3A_1411 : memref<1x8x128xf32, #tpu.memory_space<hbm>> -> memref<8x128xf32, #tpu.memory_space<hbm>>
    tpu.enqueue_dma source(%dma_start3A_1412 : memref<8x128xf32, #tpu.memory_space<hbm>>) target(%dma_start3A_1410 : memref<8x128xf32, #tpu.memory_space<vmem>>) target_semaphore(%arg22 : memref<!tpu.dma_semaphore, #tpu.memory_space<semaphore_mem>>)
    %add3A_1413 = arith.constant 0 : i32
    %add3A_1414 = arith.addi %and3A_1304, %add3A_1413 : i32
    %multiple_of3A_1415 = tpu.assume_multiple %add3A_1414, 8 : i32
    %slice3A_1416 = vector.extract_strided_slice %get3A_1296 {offsets = [6], sizes = [1], strides = [1]} : vector<16xi32> to vector<1xi32>
    %squeeze3A_1417 = vector.extract %slice3A_1416[0] : i32 from vector<1xi32>
    %and3A_1418 = arith.constant -128 : i32
    %and3A_1419 = arith.andi %squeeze3A_1417, %and3A_1418 : i32
    %multiple_of3A_1420 = tpu.assume_multiple %and3A_1419, 128 : i32
    %dma_start3A_1421 = arith.constant 48 : i32
    %dma_start3A_1422 = arith.constant 0 : i32
    %dma_start3A_1423 = tpu.memref_slice %arg12[%dma_start3A_1421, %dma_start3A_1422] : memref<128x128xf32, #tpu.memory_space<vmem>> -> memref<8x128xf32, #tpu.memory_space<vmem>>
    %dma_start3A_1424 = tpu.memref_slice %arg2[%shift_right_arithmetic3A_1300, %multiple_of3A_1415, %multiple_of3A_1420] : memref<2x2048x32000xf32, #tpu.memory_space<hbm>> -> memref<1x8x128xf32, #tpu.memory_space<hbm>>
    %dma_start3A_1425 = tpu.memref_squeeze %dma_start3A_1424 : memref<1x8x128xf32, #tpu.memory_space<hbm>> -> memref<8x128xf32, #tpu.memory_space<hbm>>
    %dma_start3A_1426 = arith.constant 48 : i32
    %dma_start3A_1427 = arith.constant 0 : i32
    %dma_start3A_1428 = tpu.memref_slice %arg12[%dma_start3A_1426, %dma_start3A_1427] : memref<128x128xf32, #tpu.memory_space<vmem>> -> memref<8x128xf32, #tpu.memory_space<vmem>>
    %dma_start3A_1429 = tpu.memref_slice %arg2[%shift_right_arithmetic3A_1300, %multiple_of3A_1415, %multiple_of3A_1420] : memref<2x2048x32000xf32, #tpu.memory_space<hbm>> -> memref<1x8x128xf32, #tpu.memory_space<hbm>>
    %dma_start3A_1430 = tpu.memref_squeeze %dma_start3A_1429 : memref<1x8x128xf32, #tpu.memory_space<hbm>> -> memref<8x128xf32, #tpu.memory_space<hbm>>
    tpu.enqueue_dma source(%dma_start3A_1430 : memref<8x128xf32, #tpu.memory_space<hbm>>) target(%dma_start3A_1428 : memref<8x128xf32, #tpu.memory_space<vmem>>) target_semaphore(%arg22 : memref<!tpu.dma_semaphore, #tpu.memory_space<semaphore_mem>>)
    %add3A_1431 = arith.constant 0 : i32
    %add3A_1432 = arith.addi %and3A_1304, %add3A_1431 : i32
    %multiple_of3A_1433 = tpu.assume_multiple %add3A_1432, 8 : i32
    %slice3A_1434 = vector.extract_strided_slice %get3A_1296 {offsets = [7], sizes = [1], strides = [1]} : vector<16xi32> to vector<1xi32>
    %squeeze3A_1435 = vector.extract %slice3A_1434[0] : i32 from vector<1xi32>
    %and3A_1436 = arith.constant -128 : i32
    %and3A_1437 = arith.andi %squeeze3A_1435, %and3A_1436 : i32
    %multiple_of3A_1438 = tpu.assume_multiple %and3A_1437, 128 : i32
    %dma_start3A_1439 = arith.constant 56 : i32
    %dma_start3A_1440 = arith.constant 0 : i32
    %dma_start3A_1441 = tpu.memref_slice %arg12[%dma_start3A_1439, %dma_start3A_1440] : memref<128x128xf32, #tpu.memory_space<vmem>> -> memref<8x128xf32, #tpu.memory_space<vmem>>
    %dma_start3A_1442 = tpu.memref_slice %arg2[%shift_right_arithmetic3A_1300, %multiple_of3A_1433, %multiple_of3A_1438] : memref<2x2048x32000xf32, #tpu.memory_space<hbm>> -> memref<1x8x128xf32, #tpu.memory_space<hbm>>
    %dma_start3A_1443 = tpu.memref_squeeze %dma_start3A_1442 : memref<1x8x128xf32, #tpu.memory_space<hbm>> -> memref<8x128xf32, #tpu.memory_space<hbm>>
    %dma_start3A_1444 = arith.constant 56 : i32
    %dma_start3A_1445 = arith.constant 0 : i32
    %dma_start3A_1446 = tpu.memref_slice %arg12[%dma_start3A_1444, %dma_start3A_1445] : memref<128x128xf32, #tpu.memory_space<vmem>> -> memref<8x128xf32, #tpu.memory_space<vmem>>
    %dma_start3A_1447 = tpu.memref_slice %arg2[%shift_right_arithmetic3A_1300, %multiple_of3A_1433, %multiple_of3A_1438] : memref<2x2048x32000xf32, #tpu.memory_space<hbm>> -> memref<1x8x128xf32, #tpu.memory_space<hbm>>
    %dma_start3A_1448 = tpu.memref_squeeze %dma_start3A_1447 : memref<1x8x128xf32, #tpu.memory_space<hbm>> -> memref<8x128xf32, #tpu.memory_space<hbm>>
    tpu.enqueue_dma source(%dma_start3A_1448 : memref<8x128xf32, #tpu.memory_space<hbm>>) target(%dma_start3A_1446 : memref<8x128xf32, #tpu.memory_space<vmem>>) target_semaphore(%arg22 : memref<!tpu.dma_semaphore, #tpu.memory_space<semaphore_mem>>)
    %add3A_1449 = arith.constant 8 : i32
    %add3A_1450 = arith.addi %and3A_1304, %add3A_1449 : i32
    %multiple_of3A_1451 = tpu.assume_multiple %add3A_1450, 8 : i32
    %slice3A_1452 = vector.extract_strided_slice %get3A_1296 {offsets = [8], sizes = [1], strides = [1]} : vector<16xi32> to vector<1xi32>
    %squeeze3A_1453 = vector.extract %slice3A_1452[0] : i32 from vector<1xi32>
    %and3A_1454 = arith.constant -128 : i32
    %and3A_1455 = arith.andi %squeeze3A_1453, %and3A_1454 : i32
    %multiple_of3A_1456 = tpu.assume_multiple %and3A_1455, 128 : i32
    %dma_start3A_1457 = arith.constant 64 : i32
    %dma_start3A_1458 = arith.constant 0 : i32
    %dma_start3A_1459 = tpu.memref_slice %arg12[%dma_start3A_1457, %dma_start3A_1458] : memref<128x128xf32, #tpu.memory_space<vmem>> -> memref<8x128xf32, #tpu.memory_space<vmem>>
    %dma_start3A_1460 = tpu.memref_slice %arg2[%shift_right_arithmetic3A_1300, %multiple_of3A_1451, %multiple_of3A_1456] : memref<2x2048x32000xf32, #tpu.memory_space<hbm>> -> memref<1x8x128xf32, #tpu.memory_space<hbm>>
    %dma_start3A_1461 = tpu.memref_squeeze %dma_start3A_1460 : memref<1x8x128xf32, #tpu.memory_space<hbm>> -> memref<8x128xf32, #tpu.memory_space<hbm>>
    %dma_start3A_1462 = arith.constant 64 : i32
    %dma_start3A_1463 = arith.constant 0 : i32
    %dma_start3A_1464 = tpu.memref_slice %arg12[%dma_start3A_1462, %dma_start3A_1463] : memref<128x128xf32, #tpu.memory_space<vmem>> -> memref<8x128xf32, #tpu.memory_space<vmem>>
    %dma_start3A_1465 = tpu.memref_slice %arg2[%shift_right_arithmetic3A_1300, %multiple_of3A_1451, %multiple_of3A_1456] : memref<2x2048x32000xf32, #tpu.memory_space<hbm>> -> memref<1x8x128xf32, #tpu.memory_space<hbm>>
    %dma_start3A_1466 = tpu.memref_squeeze %dma_start3A_1465 : memref<1x8x128xf32, #tpu.memory_space<hbm>> -> memref<8x128xf32, #tpu.memory_space<hbm>>
    tpu.enqueue_dma source(%dma_start3A_1466 : memref<8x128xf32, #tpu.memory_space<hbm>>) target(%dma_start3A_1464 : memref<8x128xf32, #tpu.memory_space<vmem>>) target_semaphore(%arg22 : memref<!tpu.dma_semaphore, #tpu.memory_space<semaphore_mem>>)
    %add3A_1467 = arith.constant 8 : i32
    %add3A_1468 = arith.addi %and3A_1304, %add3A_1467 : i32
    %multiple_of3A_1469 = tpu.assume_multiple %add3A_1468, 8 : i32
    %slice3A_1470 = vector.extract_strided_slice %get3A_1296 {offsets = [9], sizes = [1], strides = [1]} : vector<16xi32> to vector<1xi32>
    %squeeze3A_1471 = vector.extract %slice3A_1470[0] : i32 from vector<1xi32>
    %and3A_1472 = arith.constant -128 : i32
    %and3A_1473 = arith.andi %squeeze3A_1471, %and3A_1472 : i32
    %multiple_of3A_1474 = tpu.assume_multiple %and3A_1473, 128 : i32
    %dma_start3A_1475 = arith.constant 72 : i32
    %dma_start3A_1476 = arith.constant 0 : i32
    %dma_start3A_1477 = tpu.memref_slice %arg12[%dma_start3A_1475, %dma_start3A_1476] : memref<128x128xf32, #tpu.memory_space<vmem>> -> memref<8x128xf32, #tpu.memory_space<vmem>>
    %dma_start3A_1478 = tpu.memref_slice %arg2[%shift_right_arithmetic3A_1300, %multiple_of3A_1469, %multiple_of3A_1474] : memref<2x2048x32000xf32, #tpu.memory_space<hbm>> -> memref<1x8x128xf32, #tpu.memory_space<hbm>>
    %dma_start3A_1479 = tpu.memref_squeeze %dma_start3A_1478 : memref<1x8x128xf32, #tpu.memory_space<hbm>> -> memref<8x128xf32, #tpu.memory_space<hbm>>
    %dma_start3A_1480 = arith.constant 72 : i32
    %dma_start3A_1481 = arith.constant 0 : i32
    %dma_start3A_1482 = tpu.memref_slice %arg12[%dma_start3A_1480, %dma_start3A_1481] : memref<128x128xf32, #tpu.memory_space<vmem>> -> memref<8x128xf32, #tpu.memory_space<vmem>>
    %dma_start3A_1483 = tpu.memref_slice %arg2[%shift_right_arithmetic3A_1300, %multiple_of3A_1469, %multiple_of3A_1474] : memref<2x2048x32000xf32, #tpu.memory_space<hbm>> -> memref<1x8x128xf32, #tpu.memory_space<hbm>>
    %dma_start3A_1484 = tpu.memref_squeeze %dma_start3A_1483 : memref<1x8x128xf32, #tpu.memory_space<hbm>> -> memref<8x128xf32, #tpu.memory_space<hbm>>
    tpu.enqueue_dma source(%dma_start3A_1484 : memref<8x128xf32, #tpu.memory_space<hbm>>) target(%dma_start3A_1482 : memref<8x128xf32, #tpu.memory_space<vmem>>) target_semaphore(%arg22 : memref<!tpu.dma_semaphore, #tpu.memory_space<semaphore_mem>>)
    %add3A_1485 = arith.constant 8 : i32
    %add3A_1486 = arith.addi %and3A_1304, %add3A_1485 : i32
    %multiple_of3A_1487 = tpu.assume_multiple %add3A_1486, 8 : i32
    %slice3A_1488 = vector.extract_strided_slice %get3A_1296 {offsets = [10], sizes = [1], strides = [1]} : vector<16xi32> to vector<1xi32>
    %squeeze3A_1489 = vector.extract %slice3A_1488[0] : i32 from vector<1xi32>
    %and3A_1490 = arith.constant -128 : i32
    %and3A_1491 = arith.andi %squeeze3A_1489, %and3A_1490 : i32
    %multiple_of3A_1492 = tpu.assume_multiple %and3A_1491, 128 : i32
    %dma_start3A_1493 = arith.constant 80 : i32
    %dma_start3A_1494 = arith.constant 0 : i32
    %dma_start3A_1495 = tpu.memref_slice %arg12[%dma_start3A_1493, %dma_start3A_1494] : memref<128x128xf32, #tpu.memory_space<vmem>> -> memref<8x128xf32, #tpu.memory_space<vmem>>
    %dma_start3A_1496 = tpu.memref_slice %arg2[%shift_right_arithmetic3A_1300, %multiple_of3A_1487, %multiple_of3A_1492] : memref<2x2048x32000xf32, #tpu.memory_space<hbm>> -> memref<1x8x128xf32, #tpu.memory_space<hbm>>
    %dma_start3A_1497 = tpu.memref_squeeze %dma_start3A_1496 : memref<1x8x128xf32, #tpu.memory_space<hbm>> -> memref<8x128xf32, #tpu.memory_space<hbm>>
    %dma_start3A_1498 = arith.constant 80 : i32
    %dma_start3A_1499 = arith.constant 0 : i32
    %dma_start3A_1500 = tpu.memref_slice %arg12[%dma_start3A_1498, %dma_start3A_1499] : memref<128x128xf32, #tpu.memory_space<vmem>> -> memref<8x128xf32, #tpu.memory_space<vmem>>
    %dma_start3A_1501 = tpu.memref_slice %arg2[%shift_right_arithmetic3A_1300, %multiple_of3A_1487, %multiple_of3A_1492] : memref<2x2048x32000xf32, #tpu.memory_space<hbm>> -> memref<1x8x128xf32, #tpu.memory_space<hbm>>
    %dma_start3A_1502 = tpu.memref_squeeze %dma_start3A_1501 : memref<1x8x128xf32, #tpu.memory_space<hbm>> -> memref<8x128xf32, #tpu.memory_space<hbm>>
    tpu.enqueue_dma source(%dma_start3A_1502 : memref<8x128xf32, #tpu.memory_space<hbm>>) target(%dma_start3A_1500 : memref<8x128xf32, #tpu.memory_space<vmem>>) target_semaphore(%arg22 : memref<!tpu.dma_semaphore, #tpu.memory_space<semaphore_mem>>)
    %add3A_1503 = arith.constant 8 : i32
    %add3A_1504 = arith.addi %and3A_1304, %add3A_1503 : i32
    %multiple_of3A_1505 = tpu.assume_multiple %add3A_1504, 8 : i32
    %slice3A_1506 = vector.extract_strided_slice %get3A_1296 {offsets = [11], sizes = [1], strides = [1]} : vector<16xi32> to vector<1xi32>
    %squeeze3A_1507 = vector.extract %slice3A_1506[0] : i32 from vector<1xi32>
    %and3A_1508 = arith.constant -128 : i32
    %and3A_1509 = arith.andi %squeeze3A_1507, %and3A_1508 : i32
    %multiple_of3A_1510 = tpu.assume_multiple %and3A_1509, 128 : i32
    %dma_start3A_1511 = arith.constant 88 : i32
    %dma_start3A_1512 = arith.constant 0 : i32
    %dma_start3A_1513 = tpu.memref_slice %arg12[%dma_start3A_1511, %dma_start3A_1512] : memref<128x128xf32, #tpu.memory_space<vmem>> -> memref<8x128xf32, #tpu.memory_space<vmem>>
    %dma_start3A_1514 = tpu.memref_slice %arg2[%shift_right_arithmetic3A_1300, %multiple_of3A_1505, %multiple_of3A_1510] : memref<2x2048x32000xf32, #tpu.memory_space<hbm>> -> memref<1x8x128xf32, #tpu.memory_space<hbm>>
    %dma_start3A_1515 = tpu.memref_squeeze %dma_start3A_1514 : memref<1x8x128xf32, #tpu.memory_space<hbm>> -> memref<8x128xf32, #tpu.memory_space<hbm>>
    %dma_start3A_1516 = arith.constant 88 : i32
    %dma_start3A_1517 = arith.constant 0 : i32
    %dma_start3A_1518 = tpu.memref_slice %arg12[%dma_start3A_1516, %dma_start3A_1517] : memref<128x128xf32, #tpu.memory_space<vmem>> -> memref<8x128xf32, #tpu.memory_space<vmem>>
    %dma_start3A_1519 = tpu.memref_slice %arg2[%shift_right_arithmetic3A_1300, %multiple_of3A_1505, %multiple_of3A_1510] : memref<2x2048x32000xf32, #tpu.memory_space<hbm>> -> memref<1x8x128xf32, #tpu.memory_space<hbm>>
    %dma_start3A_1520 = tpu.memref_squeeze %dma_start3A_1519 : memref<1x8x128xf32, #tpu.memory_space<hbm>> -> memref<8x128xf32, #tpu.memory_space<hbm>>
    tpu.enqueue_dma source(%dma_start3A_1520 : memref<8x128xf32, #tpu.memory_space<hbm>>) target(%dma_start3A_1518 : memref<8x128xf32, #tpu.memory_space<vmem>>) target_semaphore(%arg22 : memref<!tpu.dma_semaphore, #tpu.memory_space<semaphore_mem>>)
    %add3A_1521 = arith.constant 8 : i32
    %add3A_1522 = arith.addi %and3A_1304, %add3A_1521 : i32
    %multiple_of3A_1523 = tpu.assume_multiple %add3A_1522, 8 : i32
    %slice3A_1524 = vector.extract_strided_slice %get3A_1296 {offsets = [12], sizes = [1], strides = [1]} : vector<16xi32> to vector<1xi32>
    %squeeze3A_1525 = vector.extract %slice3A_1524[0] : i32 from vector<1xi32>
    %and3A_1526 = arith.constant -128 : i32
    %and3A_1527 = arith.andi %squeeze3A_1525, %and3A_1526 : i32
    %multiple_of3A_1528 = tpu.assume_multiple %and3A_1527, 128 : i32
    %dma_start3A_1529 = arith.constant 96 : i32
    %dma_start3A_1530 = arith.constant 0 : i32
    %dma_start3A_1531 = tpu.memref_slice %arg12[%dma_start3A_1529, %dma_start3A_1530] : memref<128x128xf32, #tpu.memory_space<vmem>> -> memref<8x128xf32, #tpu.memory_space<vmem>>
    %dma_start3A_1532 = tpu.memref_slice %arg2[%shift_right_arithmetic3A_1300, %multiple_of3A_1523, %multiple_of3A_1528] : memref<2x2048x32000xf32, #tpu.memory_space<hbm>> -> memref<1x8x128xf32, #tpu.memory_space<hbm>>
    %dma_start3A_1533 = tpu.memref_squeeze %dma_start3A_1532 : memref<1x8x128xf32, #tpu.memory_space<hbm>> -> memref<8x128xf32, #tpu.memory_space<hbm>>
    %dma_start3A_1534 = arith.constant 96 : i32
    %dma_start3A_1535 = arith.constant 0 : i32
    %dma_start3A_1536 = tpu.memref_slice %arg12[%dma_start3A_1534, %dma_start3A_1535] : memref<128x128xf32, #tpu.memory_space<vmem>> -> memref<8x128xf32, #tpu.memory_space<vmem>>
    %dma_start3A_1537 = tpu.memref_slice %arg2[%shift_right_arithmetic3A_1300, %multiple_of3A_1523, %multiple_of3A_1528] : memref<2x2048x32000xf32, #tpu.memory_space<hbm>> -> memref<1x8x128xf32, #tpu.memory_space<hbm>>
    %dma_start3A_1538 = tpu.memref_squeeze %dma_start3A_1537 : memref<1x8x128xf32, #tpu.memory_space<hbm>> -> memref<8x128xf32, #tpu.memory_space<hbm>>
    tpu.enqueue_dma source(%dma_start3A_1538 : memref<8x128xf32, #tpu.memory_space<hbm>>) target(%dma_start3A_1536 : memref<8x128xf32, #tpu.memory_space<vmem>>) target_semaphore(%arg22 : memref<!tpu.dma_semaphore, #tpu.memory_space<semaphore_mem>>)
    %add3A_1539 = arith.constant 8 : i32
    %add3A_1540 = arith.addi %and3A_1304, %add3A_1539 : i32
    %multiple_of3A_1541 = tpu.assume_multiple %add3A_1540, 8 : i32
    %slice3A_1542 = vector.extract_strided_slice %get3A_1296 {offsets = [13], sizes = [1], strides = [1]} : vector<16xi32> to vector<1xi32>
    %squeeze3A_1543 = vector.extract %slice3A_1542[0] : i32 from vector<1xi32>
    %and3A_1544 = arith.constant -128 : i32
    %and3A_1545 = arith.andi %squeeze3A_1543, %and3A_1544 : i32
    %multiple_of3A_1546 = tpu.assume_multiple %and3A_1545, 128 : i32
    %dma_start3A_1547 = arith.constant 104 : i32
    %dma_start3A_1548 = arith.constant 0 : i32
    %dma_start3A_1549 = tpu.memref_slice %arg12[%dma_start3A_1547, %dma_start3A_1548] : memref<128x128xf32, #tpu.memory_space<vmem>> -> memref<8x128xf32, #tpu.memory_space<vmem>>
    %dma_start3A_1550 = tpu.memref_slice %arg2[%shift_right_arithmetic3A_1300, %multiple_of3A_1541, %multiple_of3A_1546] : memref<2x2048x32000xf32, #tpu.memory_space<hbm>> -> memref<1x8x128xf32, #tpu.memory_space<hbm>>
    %dma_start3A_1551 = tpu.memref_squeeze %dma_start3A_1550 : memref<1x8x128xf32, #tpu.memory_space<hbm>> -> memref<8x128xf32, #tpu.memory_space<hbm>>
    %dma_start3A_1552 = arith.constant 104 : i32
    %dma_start3A_1553 = arith.constant 0 : i32
    %dma_start3A_1554 = tpu.memref_slice %arg12[%dma_start3A_1552, %dma_start3A_1553] : memref<128x128xf32, #tpu.memory_space<vmem>> -> memref<8x128xf32, #tpu.memory_space<vmem>>
    %dma_start3A_1555 = tpu.memref_slice %arg2[%shift_right_arithmetic3A_1300, %multiple_of3A_1541, %multiple_of3A_1546] : memref<2x2048x32000xf32, #tpu.memory_space<hbm>> -> memref<1x8x128xf32, #tpu.memory_space<hbm>>
    %dma_start3A_1556 = tpu.memref_squeeze %dma_start3A_1555 : memref<1x8x128xf32, #tpu.memory_space<hbm>> -> memref<8x128xf32, #tpu.memory_space<hbm>>
    tpu.enqueue_dma source(%dma_start3A_1556 : memref<8x128xf32, #tpu.memory_space<hbm>>) target(%dma_start3A_1554 : memref<8x128xf32, #tpu.memory_space<vmem>>) target_semaphore(%arg22 : memref<!tpu.dma_semaphore, #tpu.memory_space<semaphore_mem>>)
    %add3A_1557 = arith.constant 8 : i32
    %add3A_1558 = arith.addi %and3A_1304, %add3A_1557 : i32
    %multiple_of3A_1559 = tpu.assume_multiple %add3A_1558, 8 : i32
    %slice3A_1560 = vector.extract_strided_slice %get3A_1296 {offsets = [14], sizes = [1], strides = [1]} : vector<16xi32> to vector<1xi32>
    %squeeze3A_1561 = vector.extract %slice3A_1560[0] : i32 from vector<1xi32>
    %and3A_1562 = arith.constant -128 : i32
    %and3A_1563 = arith.andi %squeeze3A_1561, %and3A_1562 : i32
    %multiple_of3A_1564 = tpu.assume_multiple %and3A_1563, 128 : i32
    %dma_start3A_1565 = arith.constant 112 : i32
    %dma_start3A_1566 = arith.constant 0 : i32
    %dma_start3A_1567 = tpu.memref_slice %arg12[%dma_start3A_1565, %dma_start3A_1566] : memref<128x128xf32, #tpu.memory_space<vmem>> -> memref<8x128xf32, #tpu.memory_space<vmem>>
    %dma_start3A_1568 = tpu.memref_slice %arg2[%shift_right_arithmetic3A_1300, %multiple_of3A_1559, %multiple_of3A_1564] : memref<2x2048x32000xf32, #tpu.memory_space<hbm>> -> memref<1x8x128xf32, #tpu.memory_space<hbm>>
    %dma_start3A_1569 = tpu.memref_squeeze %dma_start3A_1568 : memref<1x8x128xf32, #tpu.memory_space<hbm>> -> memref<8x128xf32, #tpu.memory_space<hbm>>
    %dma_start3A_1570 = arith.constant 112 : i32
    %dma_start3A_1571 = arith.constant 0 : i32
    %dma_start3A_1572 = tpu.memref_slice %arg12[%dma_start3A_1570, %dma_start3A_1571] : memref<128x128xf32, #tpu.memory_space<vmem>> -> memref<8x128xf32, #tpu.memory_space<vmem>>
    %dma_start3A_1573 = tpu.memref_slice %arg2[%shift_right_arithmetic3A_1300, %multiple_of3A_1559, %multiple_of3A_1564] : memref<2x2048x32000xf32, #tpu.memory_space<hbm>> -> memref<1x8x128xf32, #tpu.memory_space<hbm>>
    %dma_start3A_1574 = tpu.memref_squeeze %dma_start3A_1573 : memref<1x8x128xf32, #tpu.memory_space<hbm>> -> memref<8x128xf32, #tpu.memory_space<hbm>>
    tpu.enqueue_dma source(%dma_start3A_1574 : memref<8x128xf32, #tpu.memory_space<hbm>>) target(%dma_start3A_1572 : memref<8x128xf32, #tpu.memory_space<vmem>>) target_semaphore(%arg22 : memref<!tpu.dma_semaphore, #tpu.memory_space<semaphore_mem>>)
    %add3A_1575 = arith.constant 8 : i32
    %add3A_1576 = arith.addi %and3A_1304, %add3A_1575 : i32
    %multiple_of3A_1577 = tpu.assume_multiple %add3A_1576, 8 : i32
    %slice3A_1578 = vector.extract_strided_slice %get3A_1296 {offsets = [15], sizes = [1], strides = [1]} : vector<16xi32> to vector<1xi32>
    %squeeze3A_1579 = vector.extract %slice3A_1578[0] : i32 from vector<1xi32>
    %and3A_1580 = arith.constant -128 : i32
    %and3A_1581 = arith.andi %squeeze3A_1579, %and3A_1580 : i32
    %multiple_of3A_1582 = tpu.assume_multiple %and3A_1581, 128 : i32
    %dma_start3A_1583 = arith.constant 120 : i32
    %dma_start3A_1584 = arith.constant 0 : i32
    %dma_start3A_1585 = tpu.memref_slice %arg12[%dma_start3A_1583, %dma_start3A_1584] : memref<128x128xf32, #tpu.memory_space<vmem>> -> memref<8x128xf32, #tpu.memory_space<vmem>>
    %dma_start3A_1586 = tpu.memref_slice %arg2[%shift_right_arithmetic3A_1300, %multiple_of3A_1577, %multiple_of3A_1582] : memref<2x2048x32000xf32, #tpu.memory_space<hbm>> -> memref<1x8x128xf32, #tpu.memory_space<hbm>>
    %dma_start3A_1587 = tpu.memref_squeeze %dma_start3A_1586 : memref<1x8x128xf32, #tpu.memory_space<hbm>> -> memref<8x128xf32, #tpu.memory_space<hbm>>
    %dma_start3A_1588 = arith.constant 120 : i32
    %dma_start3A_1589 = arith.constant 0 : i32
    %dma_start3A_1590 = tpu.memref_slice %arg12[%dma_start3A_1588, %dma_start3A_1589] : memref<128x128xf32, #tpu.memory_space<vmem>> -> memref<8x128xf32, #tpu.memory_space<vmem>>
    %dma_start3A_1591 = tpu.memref_slice %arg2[%shift_right_arithmetic3A_1300, %multiple_of3A_1577, %multiple_of3A_1582] : memref<2x2048x32000xf32, #tpu.memory_space<hbm>> -> memref<1x8x128xf32, #tpu.memory_space<hbm>>
    %dma_start3A_1592 = tpu.memref_squeeze %dma_start3A_1591 : memref<1x8x128xf32, #tpu.memory_space<hbm>> -> memref<8x128xf32, #tpu.memory_space<hbm>>
    tpu.enqueue_dma source(%dma_start3A_1592 : memref<8x128xf32, #tpu.memory_space<hbm>>) target(%dma_start3A_1590 : memref<8x128xf32, #tpu.memory_space<vmem>>) target_semaphore(%arg22 : memref<!tpu.dma_semaphore, #tpu.memory_space<semaphore_mem>>)
    %get3A_1593 = arith.constant 80 : index
    %get3A_1594 = tpu.vector_load %arg6[%get3A_1593] {strides = array<i32>} : memref<128xi32, #tpu.memory_space<vmem>>, vector<16xi32>,
    %add3A_1595 = arith.constant 80 : i32
    %add3A_1596 = arith.addi %mul3A_2, %add3A_1595 : i32
    %shift_right_arithmetic3A_1597 = arith.constant 11 : i32
    %shift_right_arithmetic3A_1598 = arith.shrsi %add3A_1596, %shift_right_arithmetic3A_1597 : i32
    %add3A_1599 = arith.constant 80 : i32
    %add3A_1600 = arith.addi %mul3A_2, %add3A_1599 : i32
    %and3A_1601 = arith.constant 2047 : i32
    %and3A_1602 = arith.andi %add3A_1600, %and3A_1601 : i32
    %add3A_1603 = arith.constant 0 : i32
    %add3A_1604 = arith.addi %and3A_1602, %add3A_1603 : i32
    %multiple_of3A_1605 = tpu.assume_multiple %add3A_1604, 8 : i32
    %slice3A_1606 = vector.extract_strided_slice %get3A_1594 {offsets = [0], sizes = [1], strides = [1]} : vector<16xi32> to vector<1xi32>
    %squeeze3A_1607 = vector.extract %slice3A_1606[0] : i32 from vector<1xi32>
    %and3A_1608 = arith.constant -128 : i32
    %and3A_1609 = arith.andi %squeeze3A_1607, %and3A_1608 : i32
    %multiple_of3A_1610 = tpu.assume_multiple %and3A_1609, 128 : i32
    %dma_start3A_1611 = arith.constant 0 : i32
    %dma_start3A_1612 = arith.constant 0 : i32
    %dma_start3A_1613 = tpu.memref_slice %arg13[%dma_start3A_1611, %dma_start3A_1612] : memref<128x128xf32, #tpu.memory_space<vmem>> -> memref<8x128xf32, #tpu.memory_space<vmem>>
    %dma_start3A_1614 = tpu.memref_slice %arg2[%shift_right_arithmetic3A_1598, %multiple_of3A_1605, %multiple_of3A_1610] : memref<2x2048x32000xf32, #tpu.memory_space<hbm>> -> memref<1x8x128xf32, #tpu.memory_space<hbm>>
    %dma_start3A_1615 = tpu.memref_squeeze %dma_start3A_1614 : memref<1x8x128xf32, #tpu.memory_space<hbm>> -> memref<8x128xf32, #tpu.memory_space<hbm>>
    %dma_start3A_1616 = arith.constant 0 : i32
    %dma_start3A_1617 = arith.constant 0 : i32
    %dma_start3A_1618 = tpu.memref_slice %arg13[%dma_start3A_1616, %dma_start3A_1617] : memref<128x128xf32, #tpu.memory_space<vmem>> -> memref<8x128xf32, #tpu.memory_space<vmem>>
    %dma_start3A_1619 = tpu.memref_slice %arg2[%shift_right_arithmetic3A_1598, %multiple_of3A_1605, %multiple_of3A_1610] : memref<2x2048x32000xf32, #tpu.memory_space<hbm>> -> memref<1x8x128xf32, #tpu.memory_space<hbm>>
    %dma_start3A_1620 = tpu.memref_squeeze %dma_start3A_1619 : memref<1x8x128xf32, #tpu.memory_space<hbm>> -> memref<8x128xf32, #tpu.memory_space<hbm>>
    tpu.enqueue_dma source(%dma_start3A_1620 : memref<8x128xf32, #tpu.memory_space<hbm>>) target(%dma_start3A_1618 : memref<8x128xf32, #tpu.memory_space<vmem>>) target_semaphore(%arg23 : memref<!tpu.dma_semaphore, #tpu.memory_space<semaphore_mem>>)
    %add3A_1621 = arith.constant 0 : i32
    %add3A_1622 = arith.addi %and3A_1602, %add3A_1621 : i32
    %multiple_of3A_1623 = tpu.assume_multiple %add3A_1622, 8 : i32
    %slice3A_1624 = vector.extract_strided_slice %get3A_1594 {offsets = [1], sizes = [1], strides = [1]} : vector<16xi32> to vector<1xi32>
    %squeeze3A_1625 = vector.extract %slice3A_1624[0] : i32 from vector<1xi32>
    %and3A_1626 = arith.constant -128 : i32
    %and3A_1627 = arith.andi %squeeze3A_1625, %and3A_1626 : i32
    %multiple_of3A_1628 = tpu.assume_multiple %and3A_1627, 128 : i32
    %dma_start3A_1629 = arith.constant 8 : i32
    %dma_start3A_1630 = arith.constant 0 : i32
    %dma_start3A_1631 = tpu.memref_slice %arg13[%dma_start3A_1629, %dma_start3A_1630] : memref<128x128xf32, #tpu.memory_space<vmem>> -> memref<8x128xf32, #tpu.memory_space<vmem>>
    %dma_start3A_1632 = tpu.memref_slice %arg2[%shift_right_arithmetic3A_1598, %multiple_of3A_1623, %multiple_of3A_1628] : memref<2x2048x32000xf32, #tpu.memory_space<hbm>> -> memref<1x8x128xf32, #tpu.memory_space<hbm>>
    %dma_start3A_1633 = tpu.memref_squeeze %dma_start3A_1632 : memref<1x8x128xf32, #tpu.memory_space<hbm>> -> memref<8x128xf32, #tpu.memory_space<hbm>>
    %dma_start3A_1634 = arith.constant 8 : i32
    %dma_start3A_1635 = arith.constant 0 : i32
    %dma_start3A_1636 = tpu.memref_slice %arg13[%dma_start3A_1634, %dma_start3A_1635] : memref<128x128xf32, #tpu.memory_space<vmem>> -> memref<8x128xf32, #tpu.memory_space<vmem>>
    %dma_start3A_1637 = tpu.memref_slice %arg2[%shift_right_arithmetic3A_1598, %multiple_of3A_1623, %multiple_of3A_1628] : memref<2x2048x32000xf32, #tpu.memory_space<hbm>> -> memref<1x8x128xf32, #tpu.memory_space<hbm>>
    %dma_start3A_1638 = tpu.memref_squeeze %dma_start3A_1637 : memref<1x8x128xf32, #tpu.memory_space<hbm>> -> memref<8x128xf32, #tpu.memory_space<hbm>>
    tpu.enqueue_dma source(%dma_start3A_1638 : memref<8x128xf32, #tpu.memory_space<hbm>>) target(%dma_start3A_1636 : memref<8x128xf32, #tpu.memory_space<vmem>>) target_semaphore(%arg23 : memref<!tpu.dma_semaphore, #tpu.memory_space<semaphore_mem>>)
    %add3A_1639 = arith.constant 0 : i32
    %add3A_1640 = arith.addi %and3A_1602, %add3A_1639 : i32
    %multiple_of3A_1641 = tpu.assume_multiple %add3A_1640, 8 : i32
    %slice3A_1642 = vector.extract_strided_slice %get3A_1594 {offsets = [2], sizes = [1], strides = [1]} : vector<16xi32> to vector<1xi32>
    %squeeze3A_1643 = vector.extract %slice3A_1642[0] : i32 from vector<1xi32>
    %and3A_1644 = arith.constant -128 : i32
    %and3A_1645 = arith.andi %squeeze3A_1643, %and3A_1644 : i32
    %multiple_of3A_1646 = tpu.assume_multiple %and3A_1645, 128 : i32
    %dma_start3A_1647 = arith.constant 16 : i32
    %dma_start3A_1648 = arith.constant 0 : i32
    %dma_start3A_1649 = tpu.memref_slice %arg13[%dma_start3A_1647, %dma_start3A_1648] : memref<128x128xf32, #tpu.memory_space<vmem>> -> memref<8x128xf32, #tpu.memory_space<vmem>>
    %dma_start3A_1650 = tpu.memref_slice %arg2[%shift_right_arithmetic3A_1598, %multiple_of3A_1641, %multiple_of3A_1646] : memref<2x2048x32000xf32, #tpu.memory_space<hbm>> -> memref<1x8x128xf32, #tpu.memory_space<hbm>>
    %dma_start3A_1651 = tpu.memref_squeeze %dma_start3A_1650 : memref<1x8x128xf32, #tpu.memory_space<hbm>> -> memref<8x128xf32, #tpu.memory_space<hbm>>
    %dma_start3A_1652 = arith.constant 16 : i32
    %dma_start3A_1653 = arith.constant 0 : i32
    %dma_start3A_1654 = tpu.memref_slice %arg13[%dma_start3A_1652, %dma_start3A_1653] : memref<128x128xf32, #tpu.memory_space<vmem>> -> memref<8x128xf32, #tpu.memory_space<vmem>>
    %dma_start3A_1655 = tpu.memref_slice %arg2[%shift_right_arithmetic3A_1598, %multiple_of3A_1641, %multiple_of3A_1646] : memref<2x2048x32000xf32, #tpu.memory_space<hbm>> -> memref<1x8x128xf32, #tpu.memory_space<hbm>>
    %dma_start3A_1656 = tpu.memref_squeeze %dma_start3A_1655 : memref<1x8x128xf32, #tpu.memory_space<hbm>> -> memref<8x128xf32, #tpu.memory_space<hbm>>
    tpu.enqueue_dma source(%dma_start3A_1656 : memref<8x128xf32, #tpu.memory_space<hbm>>) target(%dma_start3A_1654 : memref<8x128xf32, #tpu.memory_space<vmem>>) target_semaphore(%arg23 : memref<!tpu.dma_semaphore, #tpu.memory_space<semaphore_mem>>)
    %add3A_1657 = arith.constant 0 : i32
    %add3A_1658 = arith.addi %and3A_1602, %add3A_1657 : i32
    %multiple_of3A_1659 = tpu.assume_multiple %add3A_1658, 8 : i32
    %slice3A_1660 = vector.extract_strided_slice %get3A_1594 {offsets = [3], sizes = [1], strides = [1]} : vector<16xi32> to vector<1xi32>
    %squeeze3A_1661 = vector.extract %slice3A_1660[0] : i32 from vector<1xi32>
    %and3A_1662 = arith.constant -128 : i32
    %and3A_1663 = arith.andi %squeeze3A_1661, %and3A_1662 : i32
    %multiple_of3A_1664 = tpu.assume_multiple %and3A_1663, 128 : i32
    %dma_start3A_1665 = arith.constant 24 : i32
    %dma_start3A_1666 = arith.constant 0 : i32
    %dma_start3A_1667 = tpu.memref_slice %arg13[%dma_start3A_1665, %dma_start3A_1666] : memref<128x128xf32, #tpu.memory_space<vmem>> -> memref<8x128xf32, #tpu.memory_space<vmem>>
    %dma_start3A_1668 = tpu.memref_slice %arg2[%shift_right_arithmetic3A_1598, %multiple_of3A_1659, %multiple_of3A_1664] : memref<2x2048x32000xf32, #tpu.memory_space<hbm>> -> memref<1x8x128xf32, #tpu.memory_space<hbm>>
    %dma_start3A_1669 = tpu.memref_squeeze %dma_start3A_1668 : memref<1x8x128xf32, #tpu.memory_space<hbm>> -> memref<8x128xf32, #tpu.memory_space<hbm>>
    %dma_start3A_1670 = arith.constant 24 : i32
    %dma_start3A_1671 = arith.constant 0 : i32
    %dma_start3A_1672 = tpu.memref_slice %arg13[%dma_start3A_1670, %dma_start3A_1671] : memref<128x128xf32, #tpu.memory_space<vmem>> -> memref<8x128xf32, #tpu.memory_space<vmem>>
    %dma_start3A_1673 = tpu.memref_slice %arg2[%shift_right_arithmetic3A_1598, %multiple_of3A_1659, %multiple_of3A_1664] : memref<2x2048x32000xf32, #tpu.memory_space<hbm>> -> memref<1x8x128xf32, #tpu.memory_space<hbm>>
    %dma_start3A_1674 = tpu.memref_squeeze %dma_start3A_1673 : memref<1x8x128xf32, #tpu.memory_space<hbm>> -> memref<8x128xf32, #tpu.memory_space<hbm>>
    tpu.enqueue_dma source(%dma_start3A_1674 : memref<8x128xf32, #tpu.memory_space<hbm>>) target(%dma_start3A_1672 : memref<8x128xf32, #tpu.memory_space<vmem>>) target_semaphore(%arg23 : memref<!tpu.dma_semaphore, #tpu.memory_space<semaphore_mem>>)
    %add3A_1675 = arith.constant 0 : i32
    %add3A_1676 = arith.addi %and3A_1602, %add3A_1675 : i32
    %multiple_of3A_1677 = tpu.assume_multiple %add3A_1676, 8 : i32
    %slice3A_1678 = vector.extract_strided_slice %get3A_1594 {offsets = [4], sizes = [1], strides = [1]} : vector<16xi32> to vector<1xi32>
    %squeeze3A_1679 = vector.extract %slice3A_1678[0] : i32 from vector<1xi32>
    %and3A_1680 = arith.constant -128 : i32
    %and3A_1681 = arith.andi %squeeze3A_1679, %and3A_1680 : i32
    %multiple_of3A_1682 = tpu.assume_multiple %and3A_1681, 128 : i32
    %dma_start3A_1683 = arith.constant 32 : i32
    %dma_start3A_1684 = arith.constant 0 : i32
    %dma_start3A_1685 = tpu.memref_slice %arg13[%dma_start3A_1683, %dma_start3A_1684] : memref<128x128xf32, #tpu.memory_space<vmem>> -> memref<8x128xf32, #tpu.memory_space<vmem>>
    %dma_start3A_1686 = tpu.memref_slice %arg2[%shift_right_arithmetic3A_1598, %multiple_of3A_1677, %multiple_of3A_1682] : memref<2x2048x32000xf32, #tpu.memory_space<hbm>> -> memref<1x8x128xf32, #tpu.memory_space<hbm>>
    %dma_start3A_1687 = tpu.memref_squeeze %dma_start3A_1686 : memref<1x8x128xf32, #tpu.memory_space<hbm>> -> memref<8x128xf32, #tpu.memory_space<hbm>>
    %dma_start3A_1688 = arith.constant 32 : i32
    %dma_start3A_1689 = arith.constant 0 : i32
    %dma_start3A_1690 = tpu.memref_slice %arg13[%dma_start3A_1688, %dma_start3A_1689] : memref<128x128xf32, #tpu.memory_space<vmem>> -> memref<8x128xf32, #tpu.memory_space<vmem>>
    %dma_start3A_1691 = tpu.memref_slice %arg2[%shift_right_arithmetic3A_1598, %multiple_of3A_1677, %multiple_of3A_1682] : memref<2x2048x32000xf32, #tpu.memory_space<hbm>> -> memref<1x8x128xf32, #tpu.memory_space<hbm>>
    %dma_start3A_1692 = tpu.memref_squeeze %dma_start3A_1691 : memref<1x8x128xf32, #tpu.memory_space<hbm>> -> memref<8x128xf32, #tpu.memory_space<hbm>>
    tpu.enqueue_dma source(%dma_start3A_1692 : memref<8x128xf32, #tpu.memory_space<hbm>>) target(%dma_start3A_1690 : memref<8x128xf32, #tpu.memory_space<vmem>>) target_semaphore(%arg23 : memref<!tpu.dma_semaphore, #tpu.memory_space<semaphore_mem>>)
    %add3A_1693 = arith.constant 0 : i32
    %add3A_1694 = arith.addi %and3A_1602, %add3A_1693 : i32
    %multiple_of3A_1695 = tpu.assume_multiple %add3A_1694, 8 : i32
    %slice3A_1696 = vector.extract_strided_slice %get3A_1594 {offsets = [5], sizes = [1], strides = [1]} : vector<16xi32> to vector<1xi32>
    %squeeze3A_1697 = vector.extract %slice3A_1696[0] : i32 from vector<1xi32>
    %and3A_1698 = arith.constant -128 : i32
    %and3A_1699 = arith.andi %squeeze3A_1697, %and3A_1698 : i32
    %multiple_of3A_1700 = tpu.assume_multiple %and3A_1699, 128 : i32
    %dma_start3A_1701 = arith.constant 40 : i32
    %dma_start3A_1702 = arith.constant 0 : i32
    %dma_start3A_1703 = tpu.memref_slice %arg13[%dma_start3A_1701, %dma_start3A_1702] : memref<128x128xf32, #tpu.memory_space<vmem>> -> memref<8x128xf32, #tpu.memory_space<vmem>>
    %dma_start3A_1704 = tpu.memref_slice %arg2[%shift_right_arithmetic3A_1598, %multiple_of3A_1695, %multiple_of3A_1700] : memref<2x2048x32000xf32, #tpu.memory_space<hbm>> -> memref<1x8x128xf32, #tpu.memory_space<hbm>>
    %dma_start3A_1705 = tpu.memref_squeeze %dma_start3A_1704 : memref<1x8x128xf32, #tpu.memory_space<hbm>> -> memref<8x128xf32, #tpu.memory_space<hbm>>
    %dma_start3A_1706 = arith.constant 40 : i32
    %dma_start3A_1707 = arith.constant 0 : i32
    %dma_start3A_1708 = tpu.memref_slice %arg13[%dma_start3A_1706, %dma_start3A_1707] : memref<128x128xf32, #tpu.memory_space<vmem>> -> memref<8x128xf32, #tpu.memory_space<vmem>>
    %dma_start3A_1709 = tpu.memref_slice %arg2[%shift_right_arithmetic3A_1598, %multiple_of3A_1695, %multiple_of3A_1700] : memref<2x2048x32000xf32, #tpu.memory_space<hbm>> -> memref<1x8x128xf32, #tpu.memory_space<hbm>>
    %dma_start3A_1710 = tpu.memref_squeeze %dma_start3A_1709 : memref<1x8x128xf32, #tpu.memory_space<hbm>> -> memref<8x128xf32, #tpu.memory_space<hbm>>
    tpu.enqueue_dma source(%dma_start3A_1710 : memref<8x128xf32, #tpu.memory_space<hbm>>) target(%dma_start3A_1708 : memref<8x128xf32, #tpu.memory_space<vmem>>) target_semaphore(%arg23 : memref<!tpu.dma_semaphore, #tpu.memory_space<semaphore_mem>>)
    %add3A_1711 = arith.constant 0 : i32
    %add3A_1712 = arith.addi %and3A_1602, %add3A_1711 : i32
    %multiple_of3A_1713 = tpu.assume_multiple %add3A_1712, 8 : i32
    %slice3A_1714 = vector.extract_strided_slice %get3A_1594 {offsets = [6], sizes = [1], strides = [1]} : vector<16xi32> to vector<1xi32>
    %squeeze3A_1715 = vector.extract %slice3A_1714[0] : i32 from vector<1xi32>
    %and3A_1716 = arith.constant -128 : i32
    %and3A_1717 = arith.andi %squeeze3A_1715, %and3A_1716 : i32
    %multiple_of3A_1718 = tpu.assume_multiple %and3A_1717, 128 : i32
    %dma_start3A_1719 = arith.constant 48 : i32
    %dma_start3A_1720 = arith.constant 0 : i32
    %dma_start3A_1721 = tpu.memref_slice %arg13[%dma_start3A_1719, %dma_start3A_1720] : memref<128x128xf32, #tpu.memory_space<vmem>> -> memref<8x128xf32, #tpu.memory_space<vmem>>
    %dma_start3A_1722 = tpu.memref_slice %arg2[%shift_right_arithmetic3A_1598, %multiple_of3A_1713, %multiple_of3A_1718] : memref<2x2048x32000xf32, #tpu.memory_space<hbm>> -> memref<1x8x128xf32, #tpu.memory_space<hbm>>
    %dma_start3A_1723 = tpu.memref_squeeze %dma_start3A_1722 : memref<1x8x128xf32, #tpu.memory_space<hbm>> -> memref<8x128xf32, #tpu.memory_space<hbm>>
    %dma_start3A_1724 = arith.constant 48 : i32
    %dma_start3A_1725 = arith.constant 0 : i32
    %dma_start3A_1726 = tpu.memref_slice %arg13[%dma_start3A_1724, %dma_start3A_1725] : memref<128x128xf32, #tpu.memory_space<vmem>> -> memref<8x128xf32, #tpu.memory_space<vmem>>
    %dma_start3A_1727 = tpu.memref_slice %arg2[%shift_right_arithmetic3A_1598, %multiple_of3A_1713, %multiple_of3A_1718] : memref<2x2048x32000xf32, #tpu.memory_space<hbm>> -> memref<1x8x128xf32, #tpu.memory_space<hbm>>
    %dma_start3A_1728 = tpu.memref_squeeze %dma_start3A_1727 : memref<1x8x128xf32, #tpu.memory_space<hbm>> -> memref<8x128xf32, #tpu.memory_space<hbm>>
    tpu.enqueue_dma source(%dma_start3A_1728 : memref<8x128xf32, #tpu.memory_space<hbm>>) target(%dma_start3A_1726 : memref<8x128xf32, #tpu.memory_space<vmem>>) target_semaphore(%arg23 : memref<!tpu.dma_semaphore, #tpu.memory_space<semaphore_mem>>)
    %add3A_1729 = arith.constant 0 : i32
    %add3A_1730 = arith.addi %and3A_1602, %add3A_1729 : i32
    %multiple_of3A_1731 = tpu.assume_multiple %add3A_1730, 8 : i32
    %slice3A_1732 = vector.extract_strided_slice %get3A_1594 {offsets = [7], sizes = [1], strides = [1]} : vector<16xi32> to vector<1xi32>
    %squeeze3A_1733 = vector.extract %slice3A_1732[0] : i32 from vector<1xi32>
    %and3A_1734 = arith.constant -128 : i32
    %and3A_1735 = arith.andi %squeeze3A_1733, %and3A_1734 : i32
    %multiple_of3A_1736 = tpu.assume_multiple %and3A_1735, 128 : i32
    %dma_start3A_1737 = arith.constant 56 : i32
    %dma_start3A_1738 = arith.constant 0 : i32
    %dma_start3A_1739 = tpu.memref_slice %arg13[%dma_start3A_1737, %dma_start3A_1738] : memref<128x128xf32, #tpu.memory_space<vmem>> -> memref<8x128xf32, #tpu.memory_space<vmem>>
    %dma_start3A_1740 = tpu.memref_slice %arg2[%shift_right_arithmetic3A_1598, %multiple_of3A_1731, %multiple_of3A_1736] : memref<2x2048x32000xf32, #tpu.memory_space<hbm>> -> memref<1x8x128xf32, #tpu.memory_space<hbm>>
    %dma_start3A_1741 = tpu.memref_squeeze %dma_start3A_1740 : memref<1x8x128xf32, #tpu.memory_space<hbm>> -> memref<8x128xf32, #tpu.memory_space<hbm>>
    %dma_start3A_1742 = arith.constant 56 : i32
    %dma_start3A_1743 = arith.constant 0 : i32
    %dma_start3A_1744 = tpu.memref_slice %arg13[%dma_start3A_1742, %dma_start3A_1743] : memref<128x128xf32, #tpu.memory_space<vmem>> -> memref<8x128xf32, #tpu.memory_space<vmem>>
    %dma_start3A_1745 = tpu.memref_slice %arg2[%shift_right_arithmetic3A_1598, %multiple_of3A_1731, %multiple_of3A_1736] : memref<2x2048x32000xf32, #tpu.memory_space<hbm>> -> memref<1x8x128xf32, #tpu.memory_space<hbm>>
    %dma_start3A_1746 = tpu.memref_squeeze %dma_start3A_1745 : memref<1x8x128xf32, #tpu.memory_space<hbm>> -> memref<8x128xf32, #tpu.memory_space<hbm>>
    tpu.enqueue_dma source(%dma_start3A_1746 : memref<8x128xf32, #tpu.memory_space<hbm>>) target(%dma_start3A_1744 : memref<8x128xf32, #tpu.memory_space<vmem>>) target_semaphore(%arg23 : memref<!tpu.dma_semaphore, #tpu.memory_space<semaphore_mem>>)
    %add3A_1747 = arith.constant 8 : i32
    %add3A_1748 = arith.addi %and3A_1602, %add3A_1747 : i32
    %multiple_of3A_1749 = tpu.assume_multiple %add3A_1748, 8 : i32
    %slice3A_1750 = vector.extract_strided_slice %get3A_1594 {offsets = [8], sizes = [1], strides = [1]} : vector<16xi32> to vector<1xi32>
    %squeeze3A_1751 = vector.extract %slice3A_1750[0] : i32 from vector<1xi32>
    %and3A_1752 = arith.constant -128 : i32
    %and3A_1753 = arith.andi %squeeze3A_1751, %and3A_1752 : i32
    %multiple_of3A_1754 = tpu.assume_multiple %and3A_1753, 128 : i32
    %dma_start3A_1755 = arith.constant 64 : i32
    %dma_start3A_1756 = arith.constant 0 : i32
    %dma_start3A_1757 = tpu.memref_slice %arg13[%dma_start3A_1755, %dma_start3A_1756] : memref<128x128xf32, #tpu.memory_space<vmem>> -> memref<8x128xf32, #tpu.memory_space<vmem>>
    %dma_start3A_1758 = tpu.memref_slice %arg2[%shift_right_arithmetic3A_1598, %multiple_of3A_1749, %multiple_of3A_1754] : memref<2x2048x32000xf32, #tpu.memory_space<hbm>> -> memref<1x8x128xf32, #tpu.memory_space<hbm>>
    %dma_start3A_1759 = tpu.memref_squeeze %dma_start3A_1758 : memref<1x8x128xf32, #tpu.memory_space<hbm>> -> memref<8x128xf32, #tpu.memory_space<hbm>>
    %dma_start3A_1760 = arith.constant 64 : i32
    %dma_start3A_1761 = arith.constant 0 : i32
    %dma_start3A_1762 = tpu.memref_slice %arg13[%dma_start3A_1760, %dma_start3A_1761] : memref<128x128xf32, #tpu.memory_space<vmem>> -> memref<8x128xf32, #tpu.memory_space<vmem>>
    %dma_start3A_1763 = tpu.memref_slice %arg2[%shift_right_arithmetic3A_1598, %multiple_of3A_1749, %multiple_of3A_1754] : memref<2x2048x32000xf32, #tpu.memory_space<hbm>> -> memref<1x8x128xf32, #tpu.memory_space<hbm>>
    %dma_start3A_1764 = tpu.memref_squeeze %dma_start3A_1763 : memref<1x8x128xf32, #tpu.memory_space<hbm>> -> memref<8x128xf32, #tpu.memory_space<hbm>>
    tpu.enqueue_dma source(%dma_start3A_1764 : memref<8x128xf32, #tpu.memory_space<hbm>>) target(%dma_start3A_1762 : memref<8x128xf32, #tpu.memory_space<vmem>>) target_semaphore(%arg23 : memref<!tpu.dma_semaphore, #tpu.memory_space<semaphore_mem>>)
    %add3A_1765 = arith.constant 8 : i32
    %add3A_1766 = arith.addi %and3A_1602, %add3A_1765 : i32
    %multiple_of3A_1767 = tpu.assume_multiple %add3A_1766, 8 : i32
    %slice3A_1768 = vector.extract_strided_slice %get3A_1594 {offsets = [9], sizes = [1], strides = [1]} : vector<16xi32> to vector<1xi32>
    %squeeze3A_1769 = vector.extract %slice3A_1768[0] : i32 from vector<1xi32>
    %and3A_1770 = arith.constant -128 : i32
    %and3A_1771 = arith.andi %squeeze3A_1769, %and3A_1770 : i32
    %multiple_of3A_1772 = tpu.assume_multiple %and3A_1771, 128 : i32
    %dma_start3A_1773 = arith.constant 72 : i32
    %dma_start3A_1774 = arith.constant 0 : i32
    %dma_start3A_1775 = tpu.memref_slice %arg13[%dma_start3A_1773, %dma_start3A_1774] : memref<128x128xf32, #tpu.memory_space<vmem>> -> memref<8x128xf32, #tpu.memory_space<vmem>>
    %dma_start3A_1776 = tpu.memref_slice %arg2[%shift_right_arithmetic3A_1598, %multiple_of3A_1767, %multiple_of3A_1772] : memref<2x2048x32000xf32, #tpu.memory_space<hbm>> -> memref<1x8x128xf32, #tpu.memory_space<hbm>>
    %dma_start3A_1777 = tpu.memref_squeeze %dma_start3A_1776 : memref<1x8x128xf32, #tpu.memory_space<hbm>> -> memref<8x128xf32, #tpu.memory_space<hbm>>
    %dma_start3A_1778 = arith.constant 72 : i32
    %dma_start3A_1779 = arith.constant 0 : i32
    %dma_start3A_1780 = tpu.memref_slice %arg13[%dma_start3A_1778, %dma_start3A_1779] : memref<128x128xf32, #tpu.memory_space<vmem>> -> memref<8x128xf32, #tpu.memory_space<vmem>>
    %dma_start3A_1781 = tpu.memref_slice %arg2[%shift_right_arithmetic3A_1598, %multiple_of3A_1767, %multiple_of3A_1772] : memref<2x2048x32000xf32, #tpu.memory_space<hbm>> -> memref<1x8x128xf32, #tpu.memory_space<hbm>>
    %dma_start3A_1782 = tpu.memref_squeeze %dma_start3A_1781 : memref<1x8x128xf32, #tpu.memory_space<hbm>> -> memref<8x128xf32, #tpu.memory_space<hbm>>
    tpu.enqueue_dma source(%dma_start3A_1782 : memref<8x128xf32, #tpu.memory_space<hbm>>) target(%dma_start3A_1780 : memref<8x128xf32, #tpu.memory_space<vmem>>) target_semaphore(%arg23 : memref<!tpu.dma_semaphore, #tpu.memory_space<semaphore_mem>>)
    %add3A_1783 = arith.constant 8 : i32
    %add3A_1784 = arith.addi %and3A_1602, %add3A_1783 : i32
    %multiple_of3A_1785 = tpu.assume_multiple %add3A_1784, 8 : i32
    %slice3A_1786 = vector.extract_strided_slice %get3A_1594 {offsets = [10], sizes = [1], strides = [1]} : vector<16xi32> to vector<1xi32>
    %squeeze3A_1787 = vector.extract %slice3A_1786[0] : i32 from vector<1xi32>
    %and3A_1788 = arith.constant -128 : i32
    %and3A_1789 = arith.andi %squeeze3A_1787, %and3A_1788 : i32
    %multiple_of3A_1790 = tpu.assume_multiple %and3A_1789, 128 : i32
    %dma_start3A_1791 = arith.constant 80 : i32
    %dma_start3A_1792 = arith.constant 0 : i32
    %dma_start3A_1793 = tpu.memref_slice %arg13[%dma_start3A_1791, %dma_start3A_1792] : memref<128x128xf32, #tpu.memory_space<vmem>> -> memref<8x128xf32, #tpu.memory_space<vmem>>
    %dma_start3A_1794 = tpu.memref_slice %arg2[%shift_right_arithmetic3A_1598, %multiple_of3A_1785, %multiple_of3A_1790] : memref<2x2048x32000xf32, #tpu.memory_space<hbm>> -> memref<1x8x128xf32, #tpu.memory_space<hbm>>
    %dma_start3A_1795 = tpu.memref_squeeze %dma_start3A_1794 : memref<1x8x128xf32, #tpu.memory_space<hbm>> -> memref<8x128xf32, #tpu.memory_space<hbm>>
    %dma_start3A_1796 = arith.constant 80 : i32
    %dma_start3A_1797 = arith.constant 0 : i32
    %dma_start3A_1798 = tpu.memref_slice %arg13[%dma_start3A_1796, %dma_start3A_1797] : memref<128x128xf32, #tpu.memory_space<vmem>> -> memref<8x128xf32, #tpu.memory_space<vmem>>
    %dma_start3A_1799 = tpu.memref_slice %arg2[%shift_right_arithmetic3A_1598, %multiple_of3A_1785, %multiple_of3A_1790] : memref<2x2048x32000xf32, #tpu.memory_space<hbm>> -> memref<1x8x128xf32, #tpu.memory_space<hbm>>
    %dma_start3A_1800 = tpu.memref_squeeze %dma_start3A_1799 : memref<1x8x128xf32, #tpu.memory_space<hbm>> -> memref<8x128xf32, #tpu.memory_space<hbm>>
    tpu.enqueue_dma source(%dma_start3A_1800 : memref<8x128xf32, #tpu.memory_space<hbm>>) target(%dma_start3A_1798 : memref<8x128xf32, #tpu.memory_space<vmem>>) target_semaphore(%arg23 : memref<!tpu.dma_semaphore, #tpu.memory_space<semaphore_mem>>)
    %add3A_1801 = arith.constant 8 : i32
    %add3A_1802 = arith.addi %and3A_1602, %add3A_1801 : i32
    %multiple_of3A_1803 = tpu.assume_multiple %add3A_1802, 8 : i32
    %slice3A_1804 = vector.extract_strided_slice %get3A_1594 {offsets = [11], sizes = [1], strides = [1]} : vector<16xi32> to vector<1xi32>
    %squeeze3A_1805 = vector.extract %slice3A_1804[0] : i32 from vector<1xi32>
    %and3A_1806 = arith.constant -128 : i32
    %and3A_1807 = arith.andi %squeeze3A_1805, %and3A_1806 : i32
    %multiple_of3A_1808 = tpu.assume_multiple %and3A_1807, 128 : i32
    %dma_start3A_1809 = arith.constant 88 : i32
    %dma_start3A_1810 = arith.constant 0 : i32
    %dma_start3A_1811 = tpu.memref_slice %arg13[%dma_start3A_1809, %dma_start3A_1810] : memref<128x128xf32, #tpu.memory_space<vmem>> -> memref<8x128xf32, #tpu.memory_space<vmem>>
    %dma_start3A_1812 = tpu.memref_slice %arg2[%shift_right_arithmetic3A_1598, %multiple_of3A_1803, %multiple_of3A_1808] : memref<2x2048x32000xf32, #tpu.memory_space<hbm>> -> memref<1x8x128xf32, #tpu.memory_space<hbm>>
    %dma_start3A_1813 = tpu.memref_squeeze %dma_start3A_1812 : memref<1x8x128xf32, #tpu.memory_space<hbm>> -> memref<8x128xf32, #tpu.memory_space<hbm>>
    %dma_start3A_1814 = arith.constant 88 : i32
    %dma_start3A_1815 = arith.constant 0 : i32
    %dma_start3A_1816 = tpu.memref_slice %arg13[%dma_start3A_1814, %dma_start3A_1815] : memref<128x128xf32, #tpu.memory_space<vmem>> -> memref<8x128xf32, #tpu.memory_space<vmem>>
    %dma_start3A_1817 = tpu.memref_slice %arg2[%shift_right_arithmetic3A_1598, %multiple_of3A_1803, %multiple_of3A_1808] : memref<2x2048x32000xf32, #tpu.memory_space<hbm>> -> memref<1x8x128xf32, #tpu.memory_space<hbm>>
    %dma_start3A_1818 = tpu.memref_squeeze %dma_start3A_1817 : memref<1x8x128xf32, #tpu.memory_space<hbm>> -> memref<8x128xf32, #tpu.memory_space<hbm>>
    tpu.enqueue_dma source(%dma_start3A_1818 : memref<8x128xf32, #tpu.memory_space<hbm>>) target(%dma_start3A_1816 : memref<8x128xf32, #tpu.memory_space<vmem>>) target_semaphore(%arg23 : memref<!tpu.dma_semaphore, #tpu.memory_space<semaphore_mem>>)
    %add3A_1819 = arith.constant 8 : i32
    %add3A_1820 = arith.addi %and3A_1602, %add3A_1819 : i32
    %multiple_of3A_1821 = tpu.assume_multiple %add3A_1820, 8 : i32
    %slice3A_1822 = vector.extract_strided_slice %get3A_1594 {offsets = [12], sizes = [1], strides = [1]} : vector<16xi32> to vector<1xi32>
    %squeeze3A_1823 = vector.extract %slice3A_1822[0] : i32 from vector<1xi32>
    %and3A_1824 = arith.constant -128 : i32
    %and3A_1825 = arith.andi %squeeze3A_1823, %and3A_1824 : i32
    %multiple_of3A_1826 = tpu.assume_multiple %and3A_1825, 128 : i32
    %dma_start3A_1827 = arith.constant 96 : i32
    %dma_start3A_1828 = arith.constant 0 : i32
    %dma_start3A_1829 = tpu.memref_slice %arg13[%dma_start3A_1827, %dma_start3A_1828] : memref<128x128xf32, #tpu.memory_space<vmem>> -> memref<8x128xf32, #tpu.memory_space<vmem>>
    %dma_start3A_1830 = tpu.memref_slice %arg2[%shift_right_arithmetic3A_1598, %multiple_of3A_1821, %multiple_of3A_1826] : memref<2x2048x32000xf32, #tpu.memory_space<hbm>> -> memref<1x8x128xf32, #tpu.memory_space<hbm>>
    %dma_start3A_1831 = tpu.memref_squeeze %dma_start3A_1830 : memref<1x8x128xf32, #tpu.memory_space<hbm>> -> memref<8x128xf32, #tpu.memory_space<hbm>>
    %dma_start3A_1832 = arith.constant 96 : i32
    %dma_start3A_1833 = arith.constant 0 : i32
    %dma_start3A_1834 = tpu.memref_slice %arg13[%dma_start3A_1832, %dma_start3A_1833] : memref<128x128xf32, #tpu.memory_space<vmem>> -> memref<8x128xf32, #tpu.memory_space<vmem>>
    %dma_start3A_1835 = tpu.memref_slice %arg2[%shift_right_arithmetic3A_1598, %multiple_of3A_1821, %multiple_of3A_1826] : memref<2x2048x32000xf32, #tpu.memory_space<hbm>> -> memref<1x8x128xf32, #tpu.memory_space<hbm>>
    %dma_start3A_1836 = tpu.memref_squeeze %dma_start3A_1835 : memref<1x8x128xf32, #tpu.memory_space<hbm>> -> memref<8x128xf32, #tpu.memory_space<hbm>>
    tpu.enqueue_dma source(%dma_start3A_1836 : memref<8x128xf32, #tpu.memory_space<hbm>>) target(%dma_start3A_1834 : memref<8x128xf32, #tpu.memory_space<vmem>>) target_semaphore(%arg23 : memref<!tpu.dma_semaphore, #tpu.memory_space<semaphore_mem>>)
    %add3A_1837 = arith.constant 8 : i32
    %add3A_1838 = arith.addi %and3A_1602, %add3A_1837 : i32
    %multiple_of3A_1839 = tpu.assume_multiple %add3A_1838, 8 : i32
    %slice3A_1840 = vector.extract_strided_slice %get3A_1594 {offsets = [13], sizes = [1], strides = [1]} : vector<16xi32> to vector<1xi32>
    %squeeze3A_1841 = vector.extract %slice3A_1840[0] : i32 from vector<1xi32>
    %and3A_1842 = arith.constant -128 : i32
    %and3A_1843 = arith.andi %squeeze3A_1841, %and3A_1842 : i32
    %multiple_of3A_1844 = tpu.assume_multiple %and3A_1843, 128 : i32
    %dma_start3A_1845 = arith.constant 104 : i32
    %dma_start3A_1846 = arith.constant 0 : i32
    %dma_start3A_1847 = tpu.memref_slice %arg13[%dma_start3A_1845, %dma_start3A_1846] : memref<128x128xf32, #tpu.memory_space<vmem>> -> memref<8x128xf32, #tpu.memory_space<vmem>>
    %dma_start3A_1848 = tpu.memref_slice %arg2[%shift_right_arithmetic3A_1598, %multiple_of3A_1839, %multiple_of3A_1844] : memref<2x2048x32000xf32, #tpu.memory_space<hbm>> -> memref<1x8x128xf32, #tpu.memory_space<hbm>>
    %dma_start3A_1849 = tpu.memref_squeeze %dma_start3A_1848 : memref<1x8x128xf32, #tpu.memory_space<hbm>> -> memref<8x128xf32, #tpu.memory_space<hbm>>
    %dma_start3A_1850 = arith.constant 104 : i32
    %dma_start3A_1851 = arith.constant 0 : i32
    %dma_start3A_1852 = tpu.memref_slice %arg13[%dma_start3A_1850, %dma_start3A_1851] : memref<128x128xf32, #tpu.memory_space<vmem>> -> memref<8x128xf32, #tpu.memory_space<vmem>>
    %dma_start3A_1853 = tpu.memref_slice %arg2[%shift_right_arithmetic3A_1598, %multiple_of3A_1839, %multiple_of3A_1844] : memref<2x2048x32000xf32, #tpu.memory_space<hbm>> -> memref<1x8x128xf32, #tpu.memory_space<hbm>>
    %dma_start3A_1854 = tpu.memref_squeeze %dma_start3A_1853 : memref<1x8x128xf32, #tpu.memory_space<hbm>> -> memref<8x128xf32, #tpu.memory_space<hbm>>
    tpu.enqueue_dma source(%dma_start3A_1854 : memref<8x128xf32, #tpu.memory_space<hbm>>) target(%dma_start3A_1852 : memref<8x128xf32, #tpu.memory_space<vmem>>) target_semaphore(%arg23 : memref<!tpu.dma_semaphore, #tpu.memory_space<semaphore_mem>>)
    %add3A_1855 = arith.constant 8 : i32
    %add3A_1856 = arith.addi %and3A_1602, %add3A_1855 : i32
    %multiple_of3A_1857 = tpu.assume_multiple %add3A_1856, 8 : i32
    %slice3A_1858 = vector.extract_strided_slice %get3A_1594 {offsets = [14], sizes = [1], strides = [1]} : vector<16xi32> to vector<1xi32>
    %squeeze3A_1859 = vector.extract %slice3A_1858[0] : i32 from vector<1xi32>
    %and3A_1860 = arith.constant -128 : i32
    %and3A_1861 = arith.andi %squeeze3A_1859, %and3A_1860 : i32
    %multiple_of3A_1862 = tpu.assume_multiple %and3A_1861, 128 : i32
    %dma_start3A_1863 = arith.constant 112 : i32
    %dma_start3A_1864 = arith.constant 0 : i32
    %dma_start3A_1865 = tpu.memref_slice %arg13[%dma_start3A_1863, %dma_start3A_1864] : memref<128x128xf32, #tpu.memory_space<vmem>> -> memref<8x128xf32, #tpu.memory_space<vmem>>
    %dma_start3A_1866 = tpu.memref_slice %arg2[%shift_right_arithmetic3A_1598, %multiple_of3A_1857, %multiple_of3A_1862] : memref<2x2048x32000xf32, #tpu.memory_space<hbm>> -> memref<1x8x128xf32, #tpu.memory_space<hbm>>
    %dma_start3A_1867 = tpu.memref_squeeze %dma_start3A_1866 : memref<1x8x128xf32, #tpu.memory_space<hbm>> -> memref<8x128xf32, #tpu.memory_space<hbm>>
    %dma_start3A_1868 = arith.constant 112 : i32
    %dma_start3A_1869 = arith.constant 0 : i32
    %dma_start3A_1870 = tpu.memref_slice %arg13[%dma_start3A_1868, %dma_start3A_1869] : memref<128x128xf32, #tpu.memory_space<vmem>> -> memref<8x128xf32, #tpu.memory_space<vmem>>
    %dma_start3A_1871 = tpu.memref_slice %arg2[%shift_right_arithmetic3A_1598, %multiple_of3A_1857, %multiple_of3A_1862] : memref<2x2048x32000xf32, #tpu.memory_space<hbm>> -> memref<1x8x128xf32, #tpu.memory_space<hbm>>
    %dma_start3A_1872 = tpu.memref_squeeze %dma_start3A_1871 : memref<1x8x128xf32, #tpu.memory_space<hbm>> -> memref<8x128xf32, #tpu.memory_space<hbm>>
    tpu.enqueue_dma source(%dma_start3A_1872 : memref<8x128xf32, #tpu.memory_space<hbm>>) target(%dma_start3A_1870 : memref<8x128xf32, #tpu.memory_space<vmem>>) target_semaphore(%arg23 : memref<!tpu.dma_semaphore, #tpu.memory_space<semaphore_mem>>)
    %add3A_1873 = arith.constant 8 : i32
    %add3A_1874 = arith.addi %and3A_1602, %add3A_1873 : i32
    %multiple_of3A_1875 = tpu.assume_multiple %add3A_1874, 8 : i32
    %slice3A_1876 = vector.extract_strided_slice %get3A_1594 {offsets = [15], sizes = [1], strides = [1]} : vector<16xi32> to vector<1xi32>
    %squeeze3A_1877 = vector.extract %slice3A_1876[0] : i32 from vector<1xi32>
    %and3A_1878 = arith.constant -128 : i32
    %and3A_1879 = arith.andi %squeeze3A_1877, %and3A_1878 : i32
    %multiple_of3A_1880 = tpu.assume_multiple %and3A_1879, 128 : i32
    %dma_start3A_1881 = arith.constant 120 : i32
    %dma_start3A_1882 = arith.constant 0 : i32
    %dma_start3A_1883 = tpu.memref_slice %arg13[%dma_start3A_1881, %dma_start3A_1882] : memref<128x128xf32, #tpu.memory_space<vmem>> -> memref<8x128xf32, #tpu.memory_space<vmem>>
    %dma_start3A_1884 = tpu.memref_slice %arg2[%shift_right_arithmetic3A_1598, %multiple_of3A_1875, %multiple_of3A_1880] : memref<2x2048x32000xf32, #tpu.memory_space<hbm>> -> memref<1x8x128xf32, #tpu.memory_space<hbm>>
    %dma_start3A_1885 = tpu.memref_squeeze %dma_start3A_1884 : memref<1x8x128xf32, #tpu.memory_space<hbm>> -> memref<8x128xf32, #tpu.memory_space<hbm>>
    %dma_start3A_1886 = arith.constant 120 : i32
    %dma_start3A_1887 = arith.constant 0 : i32
    %dma_start3A_1888 = tpu.memref_slice %arg13[%dma_start3A_1886, %dma_start3A_1887] : memref<128x128xf32, #tpu.memory_space<vmem>> -> memref<8x128xf32, #tpu.memory_space<vmem>>
    %dma_start3A_1889 = tpu.memref_slice %arg2[%shift_right_arithmetic3A_1598, %multiple_of3A_1875, %multiple_of3A_1880] : memref<2x2048x32000xf32, #tpu.memory_space<hbm>> -> memref<1x8x128xf32, #tpu.memory_space<hbm>>
    %dma_start3A_1890 = tpu.memref_squeeze %dma_start3A_1889 : memref<1x8x128xf32, #tpu.memory_space<hbm>> -> memref<8x128xf32, #tpu.memory_space<hbm>>
    tpu.enqueue_dma source(%dma_start3A_1890 : memref<8x128xf32, #tpu.memory_space<hbm>>) target(%dma_start3A_1888 : memref<8x128xf32, #tpu.memory_space<vmem>>) target_semaphore(%arg23 : memref<!tpu.dma_semaphore, #tpu.memory_space<semaphore_mem>>)
    %dma_wait3A = arith.constant 0 : i32
    %dma_wait3A_1891 = arith.constant 0 : i32
    %dma_wait3A_1892 = arith.constant 0 : i32
    %dma_wait3A_1893 = tpu.memref_slice %arg2[%dma_wait3A, %dma_wait3A_1891, %dma_wait3A_1892] : memref<2x2048x32000xf32, #tpu.memory_space<hbm>> -> memref<1x128x128xf32, #tpu.memory_space<hbm>>
    %dma_wait3A_1894 = tpu.memref_squeeze %dma_wait3A_1893 : memref<1x128x128xf32, #tpu.memory_space<hbm>> -> memref<128x128xf32, #tpu.memory_space<hbm>>
    %dma_wait3A_1895 = arith.constant 0 : i32
    %dma_wait3A_1896 = arith.constant 0 : i32
    %dma_wait3A_1897 = tpu.memref_slice %arg2[%dma_wait3A, %dma_wait3A_1895, %dma_wait3A_1896] : memref<2x2048x32000xf32, #tpu.memory_space<hbm>> -> memref<1x128x128xf32, #tpu.memory_space<hbm>>
    %dma_wait3A_1898 = tpu.memref_squeeze %dma_wait3A_1897 : memref<1x128x128xf32, #tpu.memory_space<hbm>> -> memref<128x128xf32, #tpu.memory_space<hbm>>
    tpu.wait_dma2 semaphore(%arg18 : memref<!tpu.dma_semaphore, #tpu.memory_space<semaphore_mem>>) src(%dma_wait3A_1898 : memref<128x128xf32, #tpu.memory_space<hbm>>) dst(%arg8 : memref<128x128xf32, #tpu.memory_space<vmem>>)
    %get3A_1899 = arith.constant 0 : index
    %get3A_1900 = tpu.vector_load %arg6[%get3A_1899] {strides = array<i32>} : memref<128xi32, #tpu.memory_space<vmem>>, vector<16xi32>,
    %and3A_1901 = arith.constant 127 : i32
    %and3A_1902 = vector.broadcast %and3A_1901 : i32 to vector<16xi32>
    %and3A_1903 = arith.andi %get3A_1900, %and3A_1902 : vector<16xi32>
    %gather3A = tpu.vector_load_idx %arg8[%add3A_108, %and3A_1903] : memref<128x128xf32, #tpu.memory_space<vmem>>[vector<16xi32>, vector<16xi32>], vector<16xf32>,
    %get3A_1904 = arith.constant 0 : index
    %get3A_1905 = tpu.vector_load %arg7[%get3A_1904] {strides = array<i32>} : memref<128xf32, #tpu.memory_space<vmem>>, vector<16xf32>,
    %mul3A_1906 = arith.mulf %gather3A, %get3A_1905 : vector<16xf32>
    %add3A_1907 = arith.addf %broadcast_in_dim3A_100, %mul3A_1906 : vector<16xf32>
    %add3A_1908 = arith.addf %broadcast_in_dim3A_102, %get3A_1905 : vector<16xf32>
    %get3A_1909 = arith.constant 96 : index
    %get3A_1910 = tpu.vector_load %arg6[%get3A_1909] {strides = array<i32>} : memref<128xi32, #tpu.memory_space<vmem>>, vector<16xi32>,
    %add3A_1911 = arith.constant 96 : i32
    %add3A_1912 = arith.addi %mul3A_2, %add3A_1911 : i32
    %shift_right_arithmetic3A_1913 = arith.constant 11 : i32
    %shift_right_arithmetic3A_1914 = arith.shrsi %add3A_1912, %shift_right_arithmetic3A_1913 : i32
    %add3A_1915 = arith.constant 96 : i32
    %add3A_1916 = arith.addi %mul3A_2, %add3A_1915 : i32
    %and3A_1917 = arith.constant 2047 : i32
    %and3A_1918 = arith.andi %add3A_1916, %and3A_1917 : i32
    %add3A_1919 = arith.constant 0 : i32
    %add3A_1920 = arith.addi %and3A_1918, %add3A_1919 : i32
    %multiple_of3A_1921 = tpu.assume_multiple %add3A_1920, 8 : i32
    %slice3A_1922 = vector.extract_strided_slice %get3A_1910 {offsets = [0], sizes = [1], strides = [1]} : vector<16xi32> to vector<1xi32>
    %squeeze3A_1923 = vector.extract %slice3A_1922[0] : i32 from vector<1xi32>
    %and3A_1924 = arith.constant -128 : i32
    %and3A_1925 = arith.andi %squeeze3A_1923, %and3A_1924 : i32
    %multiple_of3A_1926 = tpu.assume_multiple %and3A_1925, 128 : i32
    %dma_start3A_1927 = arith.constant 0 : i32
    %dma_start3A_1928 = arith.constant 0 : i32
    %dma_start3A_1929 = tpu.memref_slice %arg8[%dma_start3A_1927, %dma_start3A_1928] : memref<128x128xf32, #tpu.memory_space<vmem>> -> memref<8x128xf32, #tpu.memory_space<vmem>>
    %dma_start3A_1930 = tpu.memref_slice %arg2[%shift_right_arithmetic3A_1914, %multiple_of3A_1921, %multiple_of3A_1926] : memref<2x2048x32000xf32, #tpu.memory_space<hbm>> -> memref<1x8x128xf32, #tpu.memory_space<hbm>>
    %dma_start3A_1931 = tpu.memref_squeeze %dma_start3A_1930 : memref<1x8x128xf32, #tpu.memory_space<hbm>> -> memref<8x128xf32, #tpu.memory_space<hbm>>
    %dma_start3A_1932 = arith.constant 0 : i32
    %dma_start3A_1933 = arith.constant 0 : i32
    %dma_start3A_1934 = tpu.memref_slice %arg8[%dma_start3A_1932, %dma_start3A_1933] : memref<128x128xf32, #tpu.memory_space<vmem>> -> memref<8x128xf32, #tpu.memory_space<vmem>>
    %dma_start3A_1935 = tpu.memref_slice %arg2[%shift_right_arithmetic3A_1914, %multiple_of3A_1921, %multiple_of3A_1926] : memref<2x2048x32000xf32, #tpu.memory_space<hbm>> -> memref<1x8x128xf32, #tpu.memory_space<hbm>>
    %dma_start3A_1936 = tpu.memref_squeeze %dma_start3A_1935 : memref<1x8x128xf32, #tpu.memory_space<hbm>> -> memref<8x128xf32, #tpu.memory_space<hbm>>
    tpu.enqueue_dma source(%dma_start3A_1936 : memref<8x128xf32, #tpu.memory_space<hbm>>) target(%dma_start3A_1934 : memref<8x128xf32, #tpu.memory_space<vmem>>) target_semaphore(%arg18 : memref<!tpu.dma_semaphore, #tpu.memory_space<semaphore_mem>>)
    %add3A_1937 = arith.constant 0 : i32
    %add3A_1938 = arith.addi %and3A_1918, %add3A_1937 : i32
    %multiple_of3A_1939 = tpu.assume_multiple %add3A_1938, 8 : i32
    %slice3A_1940 = vector.extract_strided_slice %get3A_1910 {offsets = [1], sizes = [1], strides = [1]} : vector<16xi32> to vector<1xi32>
    %squeeze3A_1941 = vector.extract %slice3A_1940[0] : i32 from vector<1xi32>
    %and3A_1942 = arith.constant -128 : i32
    %and3A_1943 = arith.andi %squeeze3A_1941, %and3A_1942 : i32
    %multiple_of3A_1944 = tpu.assume_multiple %and3A_1943, 128 : i32
    %dma_start3A_1945 = arith.constant 8 : i32
    %dma_start3A_1946 = arith.constant 0 : i32
    %dma_start3A_1947 = tpu.memref_slice %arg8[%dma_start3A_1945, %dma_start3A_1946] : memref<128x128xf32, #tpu.memory_space<vmem>> -> memref<8x128xf32, #tpu.memory_space<vmem>>
    %dma_start3A_1948 = tpu.memref_slice %arg2[%shift_right_arithmetic3A_1914, %multiple_of3A_1939, %multiple_of3A_1944] : memref<2x2048x32000xf32, #tpu.memory_space<hbm>> -> memref<1x8x128xf32, #tpu.memory_space<hbm>>
    %dma_start3A_1949 = tpu.memref_squeeze %dma_start3A_1948 : memref<1x8x128xf32, #tpu.memory_space<hbm>> -> memref<8x128xf32, #tpu.memory_space<hbm>>
    %dma_start3A_1950 = arith.constant 8 : i32
    %dma_start3A_1951 = arith.constant 0 : i32
    %dma_start3A_1952 = tpu.memref_slice %arg8[%dma_start3A_1950, %dma_start3A_1951] : memref<128x128xf32, #tpu.memory_space<vmem>> -> memref<8x128xf32, #tpu.memory_space<vmem>>
    %dma_start3A_1953 = tpu.memref_slice %arg2[%shift_right_arithmetic3A_1914, %multiple_of3A_1939, %multiple_of3A_1944] : memref<2x2048x32000xf32, #tpu.memory_space<hbm>> -> memref<1x8x128xf32, #tpu.memory_space<hbm>>
    %dma_start3A_1954 = tpu.memref_squeeze %dma_start3A_1953 : memref<1x8x128xf32, #tpu.memory_space<hbm>> -> memref<8x128xf32, #tpu.memory_space<hbm>>
    tpu.enqueue_dma source(%dma_start3A_1954 : memref<8x128xf32, #tpu.memory_space<hbm>>) target(%dma_start3A_1952 : memref<8x128xf32, #tpu.memory_space<vmem>>) target_semaphore(%arg18 : memref<!tpu.dma_semaphore, #tpu.memory_space<semaphore_mem>>)
    %add3A_1955 = arith.constant 0 : i32
    %add3A_1956 = arith.addi %and3A_1918, %add3A_1955 : i32
    %multiple_of3A_1957 = tpu.assume_multiple %add3A_1956, 8 : i32
    %slice3A_1958 = vector.extract_strided_slice %get3A_1910 {offsets = [2], sizes = [1], strides = [1]} : vector<16xi32> to vector<1xi32>
    %squeeze3A_1959 = vector.extract %slice3A_1958[0] : i32 from vector<1xi32>
    %and3A_1960 = arith.constant -128 : i32
    %and3A_1961 = arith.andi %squeeze3A_1959, %and3A_1960 : i32
    %multiple_of3A_1962 = tpu.assume_multiple %and3A_1961, 128 : i32
    %dma_start3A_1963 = arith.constant 16 : i32
    %dma_start3A_1964 = arith.constant 0 : i32
    %dma_start3A_1965 = tpu.memref_slice %arg8[%dma_start3A_1963, %dma_start3A_1964] : memref<128x128xf32, #tpu.memory_space<vmem>> -> memref<8x128xf32, #tpu.memory_space<vmem>>
    %dma_start3A_1966 = tpu.memref_slice %arg2[%shift_right_arithmetic3A_1914, %multiple_of3A_1957, %multiple_of3A_1962] : memref<2x2048x32000xf32, #tpu.memory_space<hbm>> -> memref<1x8x128xf32, #tpu.memory_space<hbm>>
    %dma_start3A_1967 = tpu.memref_squeeze %dma_start3A_1966 : memref<1x8x128xf32, #tpu.memory_space<hbm>> -> memref<8x128xf32, #tpu.memory_space<hbm>>
    %dma_start3A_1968 = arith.constant 16 : i32
    %dma_start3A_1969 = arith.constant 0 : i32
    %dma_start3A_1970 = tpu.memref_slice %arg8[%dma_start3A_1968, %dma_start3A_1969] : memref<128x128xf32, #tpu.memory_space<vmem>> -> memref<8x128xf32, #tpu.memory_space<vmem>>
    %dma_start3A_1971 = tpu.memref_slice %arg2[%shift_right_arithmetic3A_1914, %multiple_of3A_1957, %multiple_of3A_1962] : memref<2x2048x32000xf32, #tpu.memory_space<hbm>> -> memref<1x8x128xf32, #tpu.memory_space<hbm>>
    %dma_start3A_1972 = tpu.memref_squeeze %dma_start3A_1971 : memref<1x8x128xf32, #tpu.memory_space<hbm>> -> memref<8x128xf32, #tpu.memory_space<hbm>>
    tpu.enqueue_dma source(%dma_start3A_1972 : memref<8x128xf32, #tpu.memory_space<hbm>>) target(%dma_start3A_1970 : memref<8x128xf32, #tpu.memory_space<vmem>>) target_semaphore(%arg18 : memref<!tpu.dma_semaphore, #tpu.memory_space<semaphore_mem>>)
    %add3A_1973 = arith.constant 0 : i32
    %add3A_1974 = arith.addi %and3A_1918, %add3A_1973 : i32
    %multiple_of3A_1975 = tpu.assume_multiple %add3A_1974, 8 : i32
    %slice3A_1976 = vector.extract_strided_slice %get3A_1910 {offsets = [3], sizes = [1], strides = [1]} : vector<16xi32> to vector<1xi32>
    %squeeze3A_1977 = vector.extract %slice3A_1976[0] : i32 from vector<1xi32>
    %and3A_1978 = arith.constant -128 : i32
    %and3A_1979 = arith.andi %squeeze3A_1977, %and3A_1978 : i32
    %multiple_of3A_1980 = tpu.assume_multiple %and3A_1979, 128 : i32
    %dma_start3A_1981 = arith.constant 24 : i32
    %dma_start3A_1982 = arith.constant 0 : i32
    %dma_start3A_1983 = tpu.memref_slice %arg8[%dma_start3A_1981, %dma_start3A_1982] : memref<128x128xf32, #tpu.memory_space<vmem>> -> memref<8x128xf32, #tpu.memory_space<vmem>>
    %dma_start3A_1984 = tpu.memref_slice %arg2[%shift_right_arithmetic3A_1914, %multiple_of3A_1975, %multiple_of3A_1980] : memref<2x2048x32000xf32, #tpu.memory_space<hbm>> -> memref<1x8x128xf32, #tpu.memory_space<hbm>>
    %dma_start3A_1985 = tpu.memref_squeeze %dma_start3A_1984 : memref<1x8x128xf32, #tpu.memory_space<hbm>> -> memref<8x128xf32, #tpu.memory_space<hbm>>
    %dma_start3A_1986 = arith.constant 24 : i32
    %dma_start3A_1987 = arith.constant 0 : i32
    %dma_start3A_1988 = tpu.memref_slice %arg8[%dma_start3A_1986, %dma_start3A_1987] : memref<128x128xf32, #tpu.memory_space<vmem>> -> memref<8x128xf32, #tpu.memory_space<vmem>>
    %dma_start3A_1989 = tpu.memref_slice %arg2[%shift_right_arithmetic3A_1914, %multiple_of3A_1975, %multiple_of3A_1980] : memref<2x2048x32000xf32, #tpu.memory_space<hbm>> -> memref<1x8x128xf32, #tpu.memory_space<hbm>>
    %dma_start3A_1990 = tpu.memref_squeeze %dma_start3A_1989 : memref<1x8x128xf32, #tpu.memory_space<hbm>> -> memref<8x128xf32, #tpu.memory_space<hbm>>
    tpu.enqueue_dma source(%dma_start3A_1990 : memref<8x128xf32, #tpu.memory_space<hbm>>) target(%dma_start3A_1988 : memref<8x128xf32, #tpu.memory_space<vmem>>) target_semaphore(%arg18 : memref<!tpu.dma_semaphore, #tpu.memory_space<semaphore_mem>>)
    %add3A_1991 = arith.constant 0 : i32
    %add3A_1992 = arith.addi %and3A_1918, %add3A_1991 : i32
    %multiple_of3A_1993 = tpu.assume_multiple %add3A_1992, 8 : i32
    %slice3A_1994 = vector.extract_strided_slice %get3A_1910 {offsets = [4], sizes = [1], strides = [1]} : vector<16xi32> to vector<1xi32>
    %squeeze3A_1995 = vector.extract %slice3A_1994[0] : i32 from vector<1xi32>
    %and3A_1996 = arith.constant -128 : i32
    %and3A_1997 = arith.andi %squeeze3A_1995, %and3A_1996 : i32
    %multiple_of3A_1998 = tpu.assume_multiple %and3A_1997, 128 : i32
    %dma_start3A_1999 = arith.constant 32 : i32
    %dma_start3A_2000 = arith.constant 0 : i32
    %dma_start3A_2001 = tpu.memref_slice %arg8[%dma_start3A_1999, %dma_start3A_2000] : memref<128x128xf32, #tpu.memory_space<vmem>> -> memref<8x128xf32, #tpu.memory_space<vmem>>
    %dma_start3A_2002 = tpu.memref_slice %arg2[%shift_right_arithmetic3A_1914, %multiple_of3A_1993, %multiple_of3A_1998] : memref<2x2048x32000xf32, #tpu.memory_space<hbm>> -> memref<1x8x128xf32, #tpu.memory_space<hbm>>
    %dma_start3A_2003 = tpu.memref_squeeze %dma_start3A_2002 : memref<1x8x128xf32, #tpu.memory_space<hbm>> -> memref<8x128xf32, #tpu.memory_space<hbm>>
    %dma_start3A_2004 = arith.constant 32 : i32
    %dma_start3A_2005 = arith.constant 0 : i32
    %dma_start3A_2006 = tpu.memref_slice %arg8[%dma_start3A_2004, %dma_start3A_2005] : memref<128x128xf32, #tpu.memory_space<vmem>> -> memref<8x128xf32, #tpu.memory_space<vmem>>
    %dma_start3A_2007 = tpu.memref_slice %arg2[%shift_right_arithmetic3A_1914, %multiple_of3A_1993, %multiple_of3A_1998] : memref<2x2048x32000xf32, #tpu.memory_space<hbm>> -> memref<1x8x128xf32, #tpu.memory_space<hbm>>
    %dma_start3A_2008 = tpu.memref_squeeze %dma_start3A_2007 : memref<1x8x128xf32, #tpu.memory_space<hbm>> -> memref<8x128xf32, #tpu.memory_space<hbm>>
    tpu.enqueue_dma source(%dma_start3A_2008 : memref<8x128xf32, #tpu.memory_space<hbm>>) target(%dma_start3A_2006 : memref<8x128xf32, #tpu.memory_space<vmem>>) target_semaphore(%arg18 : memref<!tpu.dma_semaphore, #tpu.memory_space<semaphore_mem>>)
    %add3A_2009 = arith.constant 0 : i32
    %add3A_2010 = arith.addi %and3A_1918, %add3A_2009 : i32
    %multiple_of3A_2011 = tpu.assume_multiple %add3A_2010, 8 : i32
    %slice3A_2012 = vector.extract_strided_slice %get3A_1910 {offsets = [5], sizes = [1], strides = [1]} : vector<16xi32> to vector<1xi32>
    %squeeze3A_2013 = vector.extract %slice3A_2012[0] : i32 from vector<1xi32>
    %and3A_2014 = arith.constant -128 : i32
    %and3A_2015 = arith.andi %squeeze3A_2013, %and3A_2014 : i32
    %multiple_of3A_2016 = tpu.assume_multiple %and3A_2015, 128 : i32
    %dma_start3A_2017 = arith.constant 40 : i32
    %dma_start3A_2018 = arith.constant 0 : i32
    %dma_start3A_2019 = tpu.memref_slice %arg8[%dma_start3A_2017, %dma_start3A_2018] : memref<128x128xf32, #tpu.memory_space<vmem>> -> memref<8x128xf32, #tpu.memory_space<vmem>>
    %dma_start3A_2020 = tpu.memref_slice %arg2[%shift_right_arithmetic3A_1914, %multiple_of3A_2011, %multiple_of3A_2016] : memref<2x2048x32000xf32, #tpu.memory_space<hbm>> -> memref<1x8x128xf32, #tpu.memory_space<hbm>>
    %dma_start3A_2021 = tpu.memref_squeeze %dma_start3A_2020 : memref<1x8x128xf32, #tpu.memory_space<hbm>> -> memref<8x128xf32, #tpu.memory_space<hbm>>
    %dma_start3A_2022 = arith.constant 40 : i32
    %dma_start3A_2023 = arith.constant 0 : i32
    %dma_start3A_2024 = tpu.memref_slice %arg8[%dma_start3A_2022, %dma_start3A_2023] : memref<128x128xf32, #tpu.memory_space<vmem>> -> memref<8x128xf32, #tpu.memory_space<vmem>>
    %dma_start3A_2025 = tpu.memref_slice %arg2[%shift_right_arithmetic3A_1914, %multiple_of3A_2011, %multiple_of3A_2016] : memref<2x2048x32000xf32, #tpu.memory_space<hbm>> -> memref<1x8x128xf32, #tpu.memory_space<hbm>>
    %dma_start3A_2026 = tpu.memref_squeeze %dma_start3A_2025 : memref<1x8x128xf32, #tpu.memory_space<hbm>> -> memref<8x128xf32, #tpu.memory_space<hbm>>
    tpu.enqueue_dma source(%dma_start3A_2026 : memref<8x128xf32, #tpu.memory_space<hbm>>) target(%dma_start3A_2024 : memref<8x128xf32, #tpu.memory_space<vmem>>) target_semaphore(%arg18 : memref<!tpu.dma_semaphore, #tpu.memory_space<semaphore_mem>>)
    %add3A_2027 = arith.constant 0 : i32
    %add3A_2028 = arith.addi %and3A_1918, %add3A_2027 : i32
    %multiple_of3A_2029 = tpu.assume_multiple %add3A_2028, 8 : i32
    %slice3A_2030 = vector.extract_strided_slice %get3A_1910 {offsets = [6], sizes = [1], strides = [1]} : vector<16xi32> to vector<1xi32>
    %squeeze3A_2031 = vector.extract %slice3A_2030[0] : i32 from vector<1xi32>
    %and3A_2032 = arith.constant -128 : i32
    %and3A_2033 = arith.andi %squeeze3A_2031, %and3A_2032 : i32
    %multiple_of3A_2034 = tpu.assume_multiple %and3A_2033, 128 : i32
    %dma_start3A_2035 = arith.constant 48 : i32
    %dma_start3A_2036 = arith.constant 0 : i32
    %dma_start3A_2037 = tpu.memref_slice %arg8[%dma_start3A_2035, %dma_start3A_2036] : memref<128x128xf32, #tpu.memory_space<vmem>> -> memref<8x128xf32, #tpu.memory_space<vmem>>
    %dma_start3A_2038 = tpu.memref_slice %arg2[%shift_right_arithmetic3A_1914, %multiple_of3A_2029, %multiple_of3A_2034] : memref<2x2048x32000xf32, #tpu.memory_space<hbm>> -> memref<1x8x128xf32, #tpu.memory_space<hbm>>
    %dma_start3A_2039 = tpu.memref_squeeze %dma_start3A_2038 : memref<1x8x128xf32, #tpu.memory_space<hbm>> -> memref<8x128xf32, #tpu.memory_space<hbm>>
    %dma_start3A_2040 = arith.constant 48 : i32
    %dma_start3A_2041 = arith.constant 0 : i32
    %dma_start3A_2042 = tpu.memref_slice %arg8[%dma_start3A_2040, %dma_start3A_2041] : memref<128x128xf32, #tpu.memory_space<vmem>> -> memref<8x128xf32, #tpu.memory_space<vmem>>
    %dma_start3A_2043 = tpu.memref_slice %arg2[%shift_right_arithmetic3A_1914, %multiple_of3A_2029, %multiple_of3A_2034] : memref<2x2048x32000xf32, #tpu.memory_space<hbm>> -> memref<1x8x128xf32, #tpu.memory_space<hbm>>
    %dma_start3A_2044 = tpu.memref_squeeze %dma_start3A_2043 : memref<1x8x128xf32, #tpu.memory_space<hbm>> -> memref<8x128xf32, #tpu.memory_space<hbm>>
    tpu.enqueue_dma source(%dma_start3A_2044 : memref<8x128xf32, #tpu.memory_space<hbm>>) target(%dma_start3A_2042 : memref<8x128xf32, #tpu.memory_space<vmem>>) target_semaphore(%arg18 : memref<!tpu.dma_semaphore, #tpu.memory_space<semaphore_mem>>)
    %add3A_2045 = arith.constant 0 : i32
    %add3A_2046 = arith.addi %and3A_1918, %add3A_2045 : i32
    %multiple_of3A_2047 = tpu.assume_multiple %add3A_2046, 8 : i32
    %slice3A_2048 = vector.extract_strided_slice %get3A_1910 {offsets = [7], sizes = [1], strides = [1]} : vector<16xi32> to vector<1xi32>
    %squeeze3A_2049 = vector.extract %slice3A_2048[0] : i32 from vector<1xi32>
    %and3A_2050 = arith.constant -128 : i32
    %and3A_2051 = arith.andi %squeeze3A_2049, %and3A_2050 : i32
    %multiple_of3A_2052 = tpu.assume_multiple %and3A_2051, 128 : i32
    %dma_start3A_2053 = arith.constant 56 : i32
    %dma_start3A_2054 = arith.constant 0 : i32
    %dma_start3A_2055 = tpu.memref_slice %arg8[%dma_start3A_2053, %dma_start3A_2054] : memref<128x128xf32, #tpu.memory_space<vmem>> -> memref<8x128xf32, #tpu.memory_space<vmem>>
    %dma_start3A_2056 = tpu.memref_slice %arg2[%shift_right_arithmetic3A_1914, %multiple_of3A_2047, %multiple_of3A_2052] : memref<2x2048x32000xf32, #tpu.memory_space<hbm>> -> memref<1x8x128xf32, #tpu.memory_space<hbm>>
    %dma_start3A_2057 = tpu.memref_squeeze %dma_start3A_2056 : memref<1x8x128xf32, #tpu.memory_space<hbm>> -> memref<8x128xf32, #tpu.memory_space<hbm>>
    %dma_start3A_2058 = arith.constant 56 : i32
    %dma_start3A_2059 = arith.constant 0 : i32
    %dma_start3A_2060 = tpu.memref_slice %arg8[%dma_start3A_2058, %dma_start3A_2059] : memref<128x128xf32, #tpu.memory_space<vmem>> -> memref<8x128xf32, #tpu.memory_space<vmem>>
    %dma_start3A_2061 = tpu.memref_slice %arg2[%shift_right_arithmetic3A_1914, %multiple_of3A_2047, %multiple_of3A_2052] : memref<2x2048x32000xf32, #tpu.memory_space<hbm>> -> memref<1x8x128xf32, #tpu.memory_space<hbm>>
    %dma_start3A_2062 = tpu.memref_squeeze %dma_start3A_2061 : memref<1x8x128xf32, #tpu.memory_space<hbm>> -> memref<8x128xf32, #tpu.memory_space<hbm>>
    tpu.enqueue_dma source(%dma_start3A_2062 : memref<8x128xf32, #tpu.memory_space<hbm>>) target(%dma_start3A_2060 : memref<8x128xf32, #tpu.memory_space<vmem>>) target_semaphore(%arg18 : memref<!tpu.dma_semaphore, #tpu.memory_space<semaphore_mem>>)
    %add3A_2063 = arith.constant 8 : i32
    %add3A_2064 = arith.addi %and3A_1918, %add3A_2063 : i32
    %multiple_of3A_2065 = tpu.assume_multiple %add3A_2064, 8 : i32
    %slice3A_2066 = vector.extract_strided_slice %get3A_1910 {offsets = [8], sizes = [1], strides = [1]} : vector<16xi32> to vector<1xi32>
    %squeeze3A_2067 = vector.extract %slice3A_2066[0] : i32 from vector<1xi32>
    %and3A_2068 = arith.constant -128 : i32
    %and3A_2069 = arith.andi %squeeze3A_2067, %and3A_2068 : i32
    %multiple_of3A_2070 = tpu.assume_multiple %and3A_2069, 128 : i32
    %dma_start3A_2071 = arith.constant 64 : i32
    %dma_start3A_2072 = arith.constant 0 : i32
    %dma_start3A_2073 = tpu.memref_slice %arg8[%dma_start3A_2071, %dma_start3A_2072] : memref<128x128xf32, #tpu.memory_space<vmem>> -> memref<8x128xf32, #tpu.memory_space<vmem>>
    %dma_start3A_2074 = tpu.memref_slice %arg2[%shift_right_arithmetic3A_1914, %multiple_of3A_2065, %multiple_of3A_2070] : memref<2x2048x32000xf32, #tpu.memory_space<hbm>> -> memref<1x8x128xf32, #tpu.memory_space<hbm>>
    %dma_start3A_2075 = tpu.memref_squeeze %dma_start3A_2074 : memref<1x8x128xf32, #tpu.memory_space<hbm>> -> memref<8x128xf32, #tpu.memory_space<hbm>>
    %dma_start3A_2076 = arith.constant 64 : i32
    %dma_start3A_2077 = arith.constant 0 : i32
    %dma_start3A_2078 = tpu.memref_slice %arg8[%dma_start3A_2076, %dma_start3A_2077] : memref<128x128xf32, #tpu.memory_space<vmem>> -> memref<8x128xf32, #tpu.memory_space<vmem>>
    %dma_start3A_2079 = tpu.memref_slice %arg2[%shift_right_arithmetic3A_1914, %multiple_of3A_2065, %multiple_of3A_2070] : memref<2x2048x32000xf32, #tpu.memory_space<hbm>> -> memref<1x8x128xf32, #tpu.memory_space<hbm>>
    %dma_start3A_2080 = tpu.memref_squeeze %dma_start3A_2079 : memref<1x8x128xf32, #tpu.memory_space<hbm>> -> memref<8x128xf32, #tpu.memory_space<hbm>>
    tpu.enqueue_dma source(%dma_start3A_2080 : memref<8x128xf32, #tpu.memory_space<hbm>>) target(%dma_start3A_2078 : memref<8x128xf32, #tpu.memory_space<vmem>>) target_semaphore(%arg18 : memref<!tpu.dma_semaphore, #tpu.memory_space<semaphore_mem>>)
    %add3A_2081 = arith.constant 8 : i32
    %add3A_2082 = arith.addi %and3A_1918, %add3A_2081 : i32
    %multiple_of3A_2083 = tpu.assume_multiple %add3A_2082, 8 : i32
    %slice3A_2084 = vector.extract_strided_slice %get3A_1910 {offsets = [9], sizes = [1], strides = [1]} : vector<16xi32> to vector<1xi32>
    %squeeze3A_2085 = vector.extract %slice3A_2084[0] : i32 from vector<1xi32>
    %and3A_2086 = arith.constant -128 : i32
    %and3A_2087 = arith.andi %squeeze3A_2085, %and3A_2086 : i32
    %multiple_of3A_2088 = tpu.assume_multiple %and3A_2087, 128 : i32
    %dma_start3A_2089 = arith.constant 72 : i32
    %dma_start3A_2090 = arith.constant 0 : i32
    %dma_start3A_2091 = tpu.memref_slice %arg8[%dma_start3A_2089, %dma_start3A_2090] : memref<128x128xf32, #tpu.memory_space<vmem>> -> memref<8x128xf32, #tpu.memory_space<vmem>>
    %dma_start3A_2092 = tpu.memref_slice %arg2[%shift_right_arithmetic3A_1914, %multiple_of3A_2083, %multiple_of3A_2088] : memref<2x2048x32000xf32, #tpu.memory_space<hbm>> -> memref<1x8x128xf32, #tpu.memory_space<hbm>>
    %dma_start3A_2093 = tpu.memref_squeeze %dma_start3A_2092 : memref<1x8x128xf32, #tpu.memory_space<hbm>> -> memref<8x128xf32, #tpu.memory_space<hbm>>
    %dma_start3A_2094 = arith.constant 72 : i32
    %dma_start3A_2095 = arith.constant 0 : i32
    %dma_start3A_2096 = tpu.memref_slice %arg8[%dma_start3A_2094, %dma_start3A_2095] : memref<128x128xf32, #tpu.memory_space<vmem>> -> memref<8x128xf32, #tpu.memory_space<vmem>>
    %dma_start3A_2097 = tpu.memref_slice %arg2[%shift_right_arithmetic3A_1914, %multiple_of3A_2083, %multiple_of3A_2088] : memref<2x2048x32000xf32, #tpu.memory_space<hbm>> -> memref<1x8x128xf32, #tpu.memory_space<hbm>>
    %dma_start3A_2098 = tpu.memref_squeeze %dma_start3A_2097 : memref<1x8x128xf32, #tpu.memory_space<hbm>> -> memref<8x128xf32, #tpu.memory_space<hbm>>
    tpu.enqueue_dma source(%dma_start3A_2098 : memref<8x128xf32, #tpu.memory_space<hbm>>) target(%dma_start3A_2096 : memref<8x128xf32, #tpu.memory_space<vmem>>) target_semaphore(%arg18 : memref<!tpu.dma_semaphore, #tpu.memory_space<semaphore_mem>>)
    %add3A_2099 = arith.constant 8 : i32
    %add3A_2100 = arith.addi %and3A_1918, %add3A_2099 : i32
    %multiple_of3A_2101 = tpu.assume_multiple %add3A_2100, 8 : i32
    %slice3A_2102 = vector.extract_strided_slice %get3A_1910 {offsets = [10], sizes = [1], strides = [1]} : vector<16xi32> to vector<1xi32>
    %squeeze3A_2103 = vector.extract %slice3A_2102[0] : i32 from vector<1xi32>
    %and3A_2104 = arith.constant -128 : i32
    %and3A_2105 = arith.andi %squeeze3A_2103, %and3A_2104 : i32
    %multiple_of3A_2106 = tpu.assume_multiple %and3A_2105, 128 : i32
    %dma_start3A_2107 = arith.constant 80 : i32
    %dma_start3A_2108 = arith.constant 0 : i32
    %dma_start3A_2109 = tpu.memref_slice %arg8[%dma_start3A_2107, %dma_start3A_2108] : memref<128x128xf32, #tpu.memory_space<vmem>> -> memref<8x128xf32, #tpu.memory_space<vmem>>
    %dma_start3A_2110 = tpu.memref_slice %arg2[%shift_right_arithmetic3A_1914, %multiple_of3A_2101, %multiple_of3A_2106] : memref<2x2048x32000xf32, #tpu.memory_space<hbm>> -> memref<1x8x128xf32, #tpu.memory_space<hbm>>
    %dma_start3A_2111 = tpu.memref_squeeze %dma_start3A_2110 : memref<1x8x128xf32, #tpu.memory_space<hbm>> -> memref<8x128xf32, #tpu.memory_space<hbm>>
    %dma_start3A_2112 = arith.constant 80 : i32
    %dma_start3A_2113 = arith.constant 0 : i32
    %dma_start3A_2114 = tpu.memref_slice %arg8[%dma_start3A_2112, %dma_start3A_2113] : memref<128x128xf32, #tpu.memory_space<vmem>> -> memref<8x128xf32, #tpu.memory_space<vmem>>
    %dma_start3A_2115 = tpu.memref_slice %arg2[%shift_right_arithmetic3A_1914, %multiple_of3A_2101, %multiple_of3A_2106] : memref<2x2048x32000xf32, #tpu.memory_space<hbm>> -> memref<1x8x128xf32, #tpu.memory_space<hbm>>
    %dma_start3A_2116 = tpu.memref_squeeze %dma_start3A_2115 : memref<1x8x128xf32, #tpu.memory_space<hbm>> -> memref<8x128xf32, #tpu.memory_space<hbm>>
    tpu.enqueue_dma source(%dma_start3A_2116 : memref<8x128xf32, #tpu.memory_space<hbm>>) target(%dma_start3A_2114 : memref<8x128xf32, #tpu.memory_space<vmem>>) target_semaphore(%arg18 : memref<!tpu.dma_semaphore, #tpu.memory_space<semaphore_mem>>)
    %add3A_2117 = arith.constant 8 : i32
    %add3A_2118 = arith.addi %and3A_1918, %add3A_2117 : i32
    %multiple_of3A_2119 = tpu.assume_multiple %add3A_2118, 8 : i32
    %slice3A_2120 = vector.extract_strided_slice %get3A_1910 {offsets = [11], sizes = [1], strides = [1]} : vector<16xi32> to vector<1xi32>
    %squeeze3A_2121 = vector.extract %slice3A_2120[0] : i32 from vector<1xi32>
    %and3A_2122 = arith.constant -128 : i32
    %and3A_2123 = arith.andi %squeeze3A_2121, %and3A_2122 : i32
    %multiple_of3A_2124 = tpu.assume_multiple %and3A_2123, 128 : i32
    %dma_start3A_2125 = arith.constant 88 : i32
    %dma_start3A_2126 = arith.constant 0 : i32
    %dma_start3A_2127 = tpu.memref_slice %arg8[%dma_start3A_2125, %dma_start3A_2126] : memref<128x128xf32, #tpu.memory_space<vmem>> -> memref<8x128xf32, #tpu.memory_space<vmem>>
    %dma_start3A_2128 = tpu.memref_slice %arg2[%shift_right_arithmetic3A_1914, %multiple_of3A_2119, %multiple_of3A_2124] : memref<2x2048x32000xf32, #tpu.memory_space<hbm>> -> memref<1x8x128xf32, #tpu.memory_space<hbm>>
    %dma_start3A_2129 = tpu.memref_squeeze %dma_start3A_2128 : memref<1x8x128xf32, #tpu.memory_space<hbm>> -> memref<8x128xf32, #tpu.memory_space<hbm>>
    %dma_start3A_2130 = arith.constant 88 : i32
    %dma_start3A_2131 = arith.constant 0 : i32
    %dma_start3A_2132 = tpu.memref_slice %arg8[%dma_start3A_2130, %dma_start3A_2131] : memref<128x128xf32, #tpu.memory_space<vmem>> -> memref<8x128xf32, #tpu.memory_space<vmem>>
    %dma_start3A_2133 = tpu.memref_slice %arg2[%shift_right_arithmetic3A_1914, %multiple_of3A_2119, %multiple_of3A_2124] : memref<2x2048x32000xf32, #tpu.memory_space<hbm>> -> memref<1x8x128xf32, #tpu.memory_space<hbm>>
    %dma_start3A_2134 = tpu.memref_squeeze %dma_start3A_2133 : memref<1x8x128xf32, #tpu.memory_space<hbm>> -> memref<8x128xf32, #tpu.memory_space<hbm>>
    tpu.enqueue_dma source(%dma_start3A_2134 : memref<8x128xf32, #tpu.memory_space<hbm>>) target(%dma_start3A_2132 : memref<8x128xf32, #tpu.memory_space<vmem>>) target_semaphore(%arg18 : memref<!tpu.dma_semaphore, #tpu.memory_space<semaphore_mem>>)
    %add3A_2135 = arith.constant 8 : i32
    %add3A_2136 = arith.addi %and3A_1918, %add3A_2135 : i32
    %multiple_of3A_2137 = tpu.assume_multiple %add3A_2136, 8 : i32
    %slice3A_2138 = vector.extract_strided_slice %get3A_1910 {offsets = [12], sizes = [1], strides = [1]} : vector<16xi32> to vector<1xi32>
    %squeeze3A_2139 = vector.extract %slice3A_2138[0] : i32 from vector<1xi32>
    %and3A_2140 = arith.constant -128 : i32
    %and3A_2141 = arith.andi %squeeze3A_2139, %and3A_2140 : i32
    %multiple_of3A_2142 = tpu.assume_multiple %and3A_2141, 128 : i32
    %dma_start3A_2143 = arith.constant 96 : i32
    %dma_start3A_2144 = arith.constant 0 : i32
    %dma_start3A_2145 = tpu.memref_slice %arg8[%dma_start3A_2143, %dma_start3A_2144] : memref<128x128xf32, #tpu.memory_space<vmem>> -> memref<8x128xf32, #tpu.memory_space<vmem>>
    %dma_start3A_2146 = tpu.memref_slice %arg2[%shift_right_arithmetic3A_1914, %multiple_of3A_2137, %multiple_of3A_2142] : memref<2x2048x32000xf32, #tpu.memory_space<hbm>> -> memref<1x8x128xf32, #tpu.memory_space<hbm>>
    %dma_start3A_2147 = tpu.memref_squeeze %dma_start3A_2146 : memref<1x8x128xf32, #tpu.memory_space<hbm>> -> memref<8x128xf32, #tpu.memory_space<hbm>>
    %dma_start3A_2148 = arith.constant 96 : i32
    %dma_start3A_2149 = arith.constant 0 : i32
    %dma_start3A_2150 = tpu.memref_slice %arg8[%dma_start3A_2148, %dma_start3A_2149] : memref<128x128xf32, #tpu.memory_space<vmem>> -> memref<8x128xf32, #tpu.memory_space<vmem>>
    %dma_start3A_2151 = tpu.memref_slice %arg2[%shift_right_arithmetic3A_1914, %multiple_of3A_2137, %multiple_of3A_2142] : memref<2x2048x32000xf32, #tpu.memory_space<hbm>> -> memref<1x8x128xf32, #tpu.memory_space<hbm>>
    %dma_start3A_2152 = tpu.memref_squeeze %dma_start3A_2151 : memref<1x8x128xf32, #tpu.memory_space<hbm>> -> memref<8x128xf32, #tpu.memory_space<hbm>>
    tpu.enqueue_dma source(%dma_start3A_2152 : memref<8x128xf32, #tpu.memory_space<hbm>>) target(%dma_start3A_2150 : memref<8x128xf32, #tpu.memory_space<vmem>>) target_semaphore(%arg18 : memref<!tpu.dma_semaphore, #tpu.memory_space<semaphore_mem>>)
    %add3A_2153 = arith.constant 8 : i32
    %add3A_2154 = arith.addi %and3A_1918, %add3A_2153 : i32
    %multiple_of3A_2155 = tpu.assume_multiple %add3A_2154, 8 : i32
    %slice3A_2156 = vector.extract_strided_slice %get3A_1910 {offsets = [13], sizes = [1], strides = [1]} : vector<16xi32> to vector<1xi32>
    %squeeze3A_2157 = vector.extract %slice3A_2156[0] : i32 from vector<1xi32>
    %and3A_2158 = arith.constant -128 : i32
    %and3A_2159 = arith.andi %squeeze3A_2157, %and3A_2158 : i32
    %multiple_of3A_2160 = tpu.assume_multiple %and3A_2159, 128 : i32
    %dma_start3A_2161 = arith.constant 104 : i32
    %dma_start3A_2162 = arith.constant 0 : i32
    %dma_start3A_2163 = tpu.memref_slice %arg8[%dma_start3A_2161, %dma_start3A_2162] : memref<128x128xf32, #tpu.memory_space<vmem>> -> memref<8x128xf32, #tpu.memory_space<vmem>>
    %dma_start3A_2164 = tpu.memref_slice %arg2[%shift_right_arithmetic3A_1914, %multiple_of3A_2155, %multiple_of3A_2160] : memref<2x2048x32000xf32, #tpu.memory_space<hbm>> -> memref<1x8x128xf32, #tpu.memory_space<hbm>>
    %dma_start3A_2165 = tpu.memref_squeeze %dma_start3A_2164 : memref<1x8x128xf32, #tpu.memory_space<hbm>> -> memref<8x128xf32, #tpu.memory_space<hbm>>
    %dma_start3A_2166 = arith.constant 104 : i32
    %dma_start3A_2167 = arith.constant 0 : i32
    %dma_start3A_2168 = tpu.memref_slice %arg8[%dma_start3A_2166, %dma_start3A_2167] : memref<128x128xf32, #tpu.memory_space<vmem>> -> memref<8x128xf32, #tpu.memory_space<vmem>>
    %dma_start3A_2169 = tpu.memref_slice %arg2[%shift_right_arithmetic3A_1914, %multiple_of3A_2155, %multiple_of3A_2160] : memref<2x2048x32000xf32, #tpu.memory_space<hbm>> -> memref<1x8x128xf32, #tpu.memory_space<hbm>>
    %dma_start3A_2170 = tpu.memref_squeeze %dma_start3A_2169 : memref<1x8x128xf32, #tpu.memory_space<hbm>> -> memref<8x128xf32, #tpu.memory_space<hbm>>
    tpu.enqueue_dma source(%dma_start3A_2170 : memref<8x128xf32, #tpu.memory_space<hbm>>) target(%dma_start3A_2168 : memref<8x128xf32, #tpu.memory_space<vmem>>) target_semaphore(%arg18 : memref<!tpu.dma_semaphore, #tpu.memory_space<semaphore_mem>>)
    %add3A_2171 = arith.constant 8 : i32
    %add3A_2172 = arith.addi %and3A_1918, %add3A_2171 : i32
    %multiple_of3A_2173 = tpu.assume_multiple %add3A_2172, 8 : i32
    %slice3A_2174 = vector.extract_strided_slice %get3A_1910 {offsets = [14], sizes = [1], strides = [1]} : vector<16xi32> to vector<1xi32>
    %squeeze3A_2175 = vector.extract %slice3A_2174[0] : i32 from vector<1xi32>
    %and3A_2176 = arith.constant -128 : i32
    %and3A_2177 = arith.andi %squeeze3A_2175, %and3A_2176 : i32
    %multiple_of3A_2178 = tpu.assume_multiple %and3A_2177, 128 : i32
    %dma_start3A_2179 = arith.constant 112 : i32
    %dma_start3A_2180 = arith.constant 0 : i32
    %dma_start3A_2181 = tpu.memref_slice %arg8[%dma_start3A_2179, %dma_start3A_2180] : memref<128x128xf32, #tpu.memory_space<vmem>> -> memref<8x128xf32, #tpu.memory_space<vmem>>
    %dma_start3A_2182 = tpu.memref_slice %arg2[%shift_right_arithmetic3A_1914, %multiple_of3A_2173, %multiple_of3A_2178] : memref<2x2048x32000xf32, #tpu.memory_space<hbm>> -> memref<1x8x128xf32, #tpu.memory_space<hbm>>
    %dma_start3A_2183 = tpu.memref_squeeze %dma_start3A_2182 : memref<1x8x128xf32, #tpu.memory_space<hbm>> -> memref<8x128xf32, #tpu.memory_space<hbm>>
    %dma_start3A_2184 = arith.constant 112 : i32
    %dma_start3A_2185 = arith.constant 0 : i32
    %dma_start3A_2186 = tpu.memref_slice %arg8[%dma_start3A_2184, %dma_start3A_2185] : memref<128x128xf32, #tpu.memory_space<vmem>> -> memref<8x128xf32, #tpu.memory_space<vmem>>
    %dma_start3A_2187 = tpu.memref_slice %arg2[%shift_right_arithmetic3A_1914, %multiple_of3A_2173, %multiple_of3A_2178] : memref<2x2048x32000xf32, #tpu.memory_space<hbm>> -> memref<1x8x128xf32, #tpu.memory_space<hbm>>
    %dma_start3A_2188 = tpu.memref_squeeze %dma_start3A_2187 : memref<1x8x128xf32, #tpu.memory_space<hbm>> -> memref<8x128xf32, #tpu.memory_space<hbm>>
    tpu.enqueue_dma source(%dma_start3A_2188 : memref<8x128xf32, #tpu.memory_space<hbm>>) target(%dma_start3A_2186 : memref<8x128xf32, #tpu.memory_space<vmem>>) target_semaphore(%arg18 : memref<!tpu.dma_semaphore, #tpu.memory_space<semaphore_mem>>)
    %add3A_2189 = arith.constant 8 : i32
    %add3A_2190 = arith.addi %and3A_1918, %add3A_2189 : i32
    %multiple_of3A_2191 = tpu.assume_multiple %add3A_2190, 8 : i32
    %slice3A_2192 = vector.extract_strided_slice %get3A_1910 {offsets = [15], sizes = [1], strides = [1]} : vector<16xi32> to vector<1xi32>
    %squeeze3A_2193 = vector.extract %slice3A_2192[0] : i32 from vector<1xi32>
    %and3A_2194 = arith.constant -128 : i32
    %and3A_2195 = arith.andi %squeeze3A_2193, %and3A_2194 : i32
    %multiple_of3A_2196 = tpu.assume_multiple %and3A_2195, 128 : i32
    %dma_start3A_2197 = arith.constant 120 : i32
    %dma_start3A_2198 = arith.constant 0 : i32
    %dma_start3A_2199 = tpu.memref_slice %arg8[%dma_start3A_2197, %dma_start3A_2198] : memref<128x128xf32, #tpu.memory_space<vmem>> -> memref<8x128xf32, #tpu.memory_space<vmem>>
    %dma_start3A_2200 = tpu.memref_slice %arg2[%shift_right_arithmetic3A_1914, %multiple_of3A_2191, %multiple_of3A_2196] : memref<2x2048x32000xf32, #tpu.memory_space<hbm>> -> memref<1x8x128xf32, #tpu.memory_space<hbm>>
    %dma_start3A_2201 = tpu.memref_squeeze %dma_start3A_2200 : memref<1x8x128xf32, #tpu.memory_space<hbm>> -> memref<8x128xf32, #tpu.memory_space<hbm>>
    %dma_start3A_2202 = arith.constant 120 : i32
    %dma_start3A_2203 = arith.constant 0 : i32
    %dma_start3A_2204 = tpu.memref_slice %arg8[%dma_start3A_2202, %dma_start3A_2203] : memref<128x128xf32, #tpu.memory_space<vmem>> -> memref<8x128xf32, #tpu.memory_space<vmem>>
    %dma_start3A_2205 = tpu.memref_slice %arg2[%shift_right_arithmetic3A_1914, %multiple_of3A_2191, %multiple_of3A_2196] : memref<2x2048x32000xf32, #tpu.memory_space<hbm>> -> memref<1x8x128xf32, #tpu.memory_space<hbm>>
    %dma_start3A_2206 = tpu.memref_squeeze %dma_start3A_2205 : memref<1x8x128xf32, #tpu.memory_space<hbm>> -> memref<8x128xf32, #tpu.memory_space<hbm>>
    tpu.enqueue_dma source(%dma_start3A_2206 : memref<8x128xf32, #tpu.memory_space<hbm>>) target(%dma_start3A_2204 : memref<8x128xf32, #tpu.memory_space<vmem>>) target_semaphore(%arg18 : memref<!tpu.dma_semaphore, #tpu.memory_space<semaphore_mem>>)
    %dma_wait3A_2207 = arith.constant 0 : i32
    %dma_wait3A_2208 = arith.constant 0 : i32
    %dma_wait3A_2209 = arith.constant 0 : i32
    %dma_wait3A_2210 = tpu.memref_slice %arg2[%dma_wait3A_2207, %dma_wait3A_2208, %dma_wait3A_2209] : memref<2x2048x32000xf32, #tpu.memory_space<hbm>> -> memref<1x128x128xf32, #tpu.memory_space<hbm>>
    %dma_wait3A_2211 = tpu.memref_squeeze %dma_wait3A_2210 : memref<1x128x128xf32, #tpu.memory_space<hbm>> -> memref<128x128xf32, #tpu.memory_space<hbm>>
    %dma_wait3A_2212 = arith.constant 0 : i32
    %dma_wait3A_2213 = arith.constant 0 : i32
    %dma_wait3A_2214 = tpu.memref_slice %arg2[%dma_wait3A_2207, %dma_wait3A_2212, %dma_wait3A_2213] : memref<2x2048x32000xf32, #tpu.memory_space<hbm>> -> memref<1x128x128xf32, #tpu.memory_space<hbm>>
    %dma_wait3A_2215 = tpu.memref_squeeze %dma_wait3A_2214 : memref<1x128x128xf32, #tpu.memory_space<hbm>> -> memref<128x128xf32, #tpu.memory_space<hbm>>
    tpu.wait_dma2 semaphore(%arg19 : memref<!tpu.dma_semaphore, #tpu.memory_space<semaphore_mem>>) src(%dma_wait3A_2215 : memref<128x128xf32, #tpu.memory_space<hbm>>) dst(%arg9 : memref<128x128xf32, #tpu.memory_space<vmem>>)
    %get3A_2216 = arith.constant 16 : index
    %get3A_2217 = tpu.vector_load %arg6[%get3A_2216] {strides = array<i32>} : memref<128xi32, #tpu.memory_space<vmem>>, vector<16xi32>,
    %and3A_2218 = arith.constant 127 : i32
    %and3A_2219 = vector.broadcast %and3A_2218 : i32 to vector<16xi32>
    %and3A_2220 = arith.andi %get3A_2217, %and3A_2219 : vector<16xi32>
    %gather3A_2221 = tpu.vector_load_idx %arg9[%add3A_108, %and3A_2220] : memref<128x128xf32, #tpu.memory_space<vmem>>[vector<16xi32>, vector<16xi32>], vector<16xf32>,
    %get3A_2222 = arith.constant 16 : index
    %get3A_2223 = tpu.vector_load %arg7[%get3A_2222] {strides = array<i32>} : memref<128xf32, #tpu.memory_space<vmem>>, vector<16xf32>,
    %mul3A_2224 = arith.mulf %gather3A_2221, %get3A_2223 : vector<16xf32>
    %add3A_2225 = arith.addf %add3A_1907, %mul3A_2224 : vector<16xf32>
    %add3A_2226 = arith.addf %add3A_1908, %get3A_2223 : vector<16xf32>
    %get3A_2227 = arith.constant 112 : index
    %get3A_2228 = tpu.vector_load %arg6[%get3A_2227] {strides = array<i32>} : memref<128xi32, #tpu.memory_space<vmem>>, vector<16xi32>,
    %add3A_2229 = arith.constant 112 : i32
    %add3A_2230 = arith.addi %mul3A_2, %add3A_2229 : i32
    %shift_right_arithmetic3A_2231 = arith.constant 11 : i32
    %shift_right_arithmetic3A_2232 = arith.shrsi %add3A_2230, %shift_right_arithmetic3A_2231 : i32
    %add3A_2233 = arith.constant 112 : i32
    %add3A_2234 = arith.addi %mul3A_2, %add3A_2233 : i32
    %and3A_2235 = arith.constant 2047 : i32
    %and3A_2236 = arith.andi %add3A_2234, %and3A_2235 : i32
    %add3A_2237 = arith.constant 0 : i32
    %add3A_2238 = arith.addi %and3A_2236, %add3A_2237 : i32
    %multiple_of3A_2239 = tpu.assume_multiple %add3A_2238, 8 : i32
    %slice3A_2240 = vector.extract_strided_slice %get3A_2228 {offsets = [0], sizes = [1], strides = [1]} : vector<16xi32> to vector<1xi32>
    %squeeze3A_2241 = vector.extract %slice3A_2240[0] : i32 from vector<1xi32>
    %and3A_2242 = arith.constant -128 : i32
    %and3A_2243 = arith.andi %squeeze3A_2241, %and3A_2242 : i32
    %multiple_of3A_2244 = tpu.assume_multiple %and3A_2243, 128 : i32
    %dma_start3A_2245 = arith.constant 0 : i32
    %dma_start3A_2246 = arith.constant 0 : i32
    %dma_start3A_2247 = tpu.memref_slice %arg9[%dma_start3A_2245, %dma_start3A_2246] : memref<128x128xf32, #tpu.memory_space<vmem>> -> memref<8x128xf32, #tpu.memory_space<vmem>>
    %dma_start3A_2248 = tpu.memref_slice %arg2[%shift_right_arithmetic3A_2232, %multiple_of3A_2239, %multiple_of3A_2244] : memref<2x2048x32000xf32, #tpu.memory_space<hbm>> -> memref<1x8x128xf32, #tpu.memory_space<hbm>>
    %dma_start3A_2249 = tpu.memref_squeeze %dma_start3A_2248 : memref<1x8x128xf32, #tpu.memory_space<hbm>> -> memref<8x128xf32, #tpu.memory_space<hbm>>
    %dma_start3A_2250 = arith.constant 0 : i32
    %dma_start3A_2251 = arith.constant 0 : i32
    %dma_start3A_2252 = tpu.memref_slice %arg9[%dma_start3A_2250, %dma_start3A_2251] : memref<128x128xf32, #tpu.memory_space<vmem>> -> memref<8x128xf32, #tpu.memory_space<vmem>>
    %dma_start3A_2253 = tpu.memref_slice %arg2[%shift_right_arithmetic3A_2232, %multiple_of3A_2239, %multiple_of3A_2244] : memref<2x2048x32000xf32, #tpu.memory_space<hbm>> -> memref<1x8x128xf32, #tpu.memory_space<hbm>>
    %dma_start3A_2254 = tpu.memref_squeeze %dma_start3A_2253 : memref<1x8x128xf32, #tpu.memory_space<hbm>> -> memref<8x128xf32, #tpu.memory_space<hbm>>
    tpu.enqueue_dma source(%dma_start3A_2254 : memref<8x128xf32, #tpu.memory_space<hbm>>) target(%dma_start3A_2252 : memref<8x128xf32, #tpu.memory_space<vmem>>) target_semaphore(%arg19 : memref<!tpu.dma_semaphore, #tpu.memory_space<semaphore_mem>>)
    %add3A_2255 = arith.constant 0 : i32
    %add3A_2256 = arith.addi %and3A_2236, %add3A_2255 : i32
    %multiple_of3A_2257 = tpu.assume_multiple %add3A_2256, 8 : i32
    %slice3A_2258 = vector.extract_strided_slice %get3A_2228 {offsets = [1], sizes = [1], strides = [1]} : vector<16xi32> to vector<1xi32>
    %squeeze3A_2259 = vector.extract %slice3A_2258[0] : i32 from vector<1xi32>
    %and3A_2260 = arith.constant -128 : i32
    %and3A_2261 = arith.andi %squeeze3A_2259, %and3A_2260 : i32
    %multiple_of3A_2262 = tpu.assume_multiple %and3A_2261, 128 : i32
    %dma_start3A_2263 = arith.constant 8 : i32
    %dma_start3A_2264 = arith.constant 0 : i32
    %dma_start3A_2265 = tpu.memref_slice %arg9[%dma_start3A_2263, %dma_start3A_2264] : memref<128x128xf32, #tpu.memory_space<vmem>> -> memref<8x128xf32, #tpu.memory_space<vmem>>
    %dma_start3A_2266 = tpu.memref_slice %arg2[%shift_right_arithmetic3A_2232, %multiple_of3A_2257, %multiple_of3A_2262] : memref<2x2048x32000xf32, #tpu.memory_space<hbm>> -> memref<1x8x128xf32, #tpu.memory_space<hbm>>
    %dma_start3A_2267 = tpu.memref_squeeze %dma_start3A_2266 : memref<1x8x128xf32, #tpu.memory_space<hbm>> -> memref<8x128xf32, #tpu.memory_space<hbm>>
    %dma_start3A_2268 = arith.constant 8 : i32
    %dma_start3A_2269 = arith.constant 0 : i32
    %dma_start3A_2270 = tpu.memref_slice %arg9[%dma_start3A_2268, %dma_start3A_2269] : memref<128x128xf32, #tpu.memory_space<vmem>> -> memref<8x128xf32, #tpu.memory_space<vmem>>
    %dma_start3A_2271 = tpu.memref_slice %arg2[%shift_right_arithmetic3A_2232, %multiple_of3A_2257, %multiple_of3A_2262] : memref<2x2048x32000xf32, #tpu.memory_space<hbm>> -> memref<1x8x128xf32, #tpu.memory_space<hbm>>
    %dma_start3A_2272 = tpu.memref_squeeze %dma_start3A_2271 : memref<1x8x128xf32, #tpu.memory_space<hbm>> -> memref<8x128xf32, #tpu.memory_space<hbm>>
    tpu.enqueue_dma source(%dma_start3A_2272 : memref<8x128xf32, #tpu.memory_space<hbm>>) target(%dma_start3A_2270 : memref<8x128xf32, #tpu.memory_space<vmem>>) target_semaphore(%arg19 : memref<!tpu.dma_semaphore, #tpu.memory_space<semaphore_mem>>)
    %add3A_2273 = arith.constant 0 : i32
    %add3A_2274 = arith.addi %and3A_2236, %add3A_2273 : i32
    %multiple_of3A_2275 = tpu.assume_multiple %add3A_2274, 8 : i32
    %slice3A_2276 = vector.extract_strided_slice %get3A_2228 {offsets = [2], sizes = [1], strides = [1]} : vector<16xi32> to vector<1xi32>
    %squeeze3A_2277 = vector.extract %slice3A_2276[0] : i32 from vector<1xi32>
    %and3A_2278 = arith.constant -128 : i32
    %and3A_2279 = arith.andi %squeeze3A_2277, %and3A_2278 : i32
    %multiple_of3A_2280 = tpu.assume_multiple %and3A_2279, 128 : i32
    %dma_start3A_2281 = arith.constant 16 : i32
    %dma_start3A_2282 = arith.constant 0 : i32
    %dma_start3A_2283 = tpu.memref_slice %arg9[%dma_start3A_2281, %dma_start3A_2282] : memref<128x128xf32, #tpu.memory_space<vmem>> -> memref<8x128xf32, #tpu.memory_space<vmem>>
    %dma_start3A_2284 = tpu.memref_slice %arg2[%shift_right_arithmetic3A_2232, %multiple_of3A_2275, %multiple_of3A_2280] : memref<2x2048x32000xf32, #tpu.memory_space<hbm>> -> memref<1x8x128xf32, #tpu.memory_space<hbm>>
    %dma_start3A_2285 = tpu.memref_squeeze %dma_start3A_2284 : memref<1x8x128xf32, #tpu.memory_space<hbm>> -> memref<8x128xf32, #tpu.memory_space<hbm>>
    %dma_start3A_2286 = arith.constant 16 : i32
    %dma_start3A_2287 = arith.constant 0 : i32
    %dma_start3A_2288 = tpu.memref_slice %arg9[%dma_start3A_2286, %dma_start3A_2287] : memref<128x128xf32, #tpu.memory_space<vmem>> -> memref<8x128xf32, #tpu.memory_space<vmem>>
    %dma_start3A_2289 = tpu.memref_slice %arg2[%shift_right_arithmetic3A_2232, %multiple_of3A_2275, %multiple_of3A_2280] : memref<2x2048x32000xf32, #tpu.memory_space<hbm>> -> memref<1x8x128xf32, #tpu.memory_space<hbm>>
    %dma_start3A_2290 = tpu.memref_squeeze %dma_start3A_2289 : memref<1x8x128xf32, #tpu.memory_space<hbm>> -> memref<8x128xf32, #tpu.memory_space<hbm>>
    tpu.enqueue_dma source(%dma_start3A_2290 : memref<8x128xf32, #tpu.memory_space<hbm>>) target(%dma_start3A_2288 : memref<8x128xf32, #tpu.memory_space<vmem>>) target_semaphore(%arg19 : memref<!tpu.dma_semaphore, #tpu.memory_space<semaphore_mem>>)
    %add3A_2291 = arith.constant 0 : i32
    %add3A_2292 = arith.addi %and3A_2236, %add3A_2291 : i32
    %multiple_of3A_2293 = tpu.assume_multiple %add3A_2292, 8 : i32
    %slice3A_2294 = vector.extract_strided_slice %get3A_2228 {offsets = [3], sizes = [1], strides = [1]} : vector<16xi32> to vector<1xi32>
    %squeeze3A_2295 = vector.extract %slice3A_2294[0] : i32 from vector<1xi32>
    %and3A_2296 = arith.constant -128 : i32
    %and3A_2297 = arith.andi %squeeze3A_2295, %and3A_2296 : i32
    %multiple_of3A_2298 = tpu.assume_multiple %and3A_2297, 128 : i32
    %dma_start3A_2299 = arith.constant 24 : i32
    %dma_start3A_2300 = arith.constant 0 : i32
    %dma_start3A_2301 = tpu.memref_slice %arg9[%dma_start3A_2299, %dma_start3A_2300] : memref<128x128xf32, #tpu.memory_space<vmem>> -> memref<8x128xf32, #tpu.memory_space<vmem>>
    %dma_start3A_2302 = tpu.memref_slice %arg2[%shift_right_arithmetic3A_2232, %multiple_of3A_2293, %multiple_of3A_2298] : memref<2x2048x32000xf32, #tpu.memory_space<hbm>> -> memref<1x8x128xf32, #tpu.memory_space<hbm>>
    %dma_start3A_2303 = tpu.memref_squeeze %dma_start3A_2302 : memref<1x8x128xf32, #tpu.memory_space<hbm>> -> memref<8x128xf32, #tpu.memory_space<hbm>>
    %dma_start3A_2304 = arith.constant 24 : i32
    %dma_start3A_2305 = arith.constant 0 : i32
    %dma_start3A_2306 = tpu.memref_slice %arg9[%dma_start3A_2304, %dma_start3A_2305] : memref<128x128xf32, #tpu.memory_space<vmem>> -> memref<8x128xf32, #tpu.memory_space<vmem>>
    %dma_start3A_2307 = tpu.memref_slice %arg2[%shift_right_arithmetic3A_2232, %multiple_of3A_2293, %multiple_of3A_2298] : memref<2x2048x32000xf32, #tpu.memory_space<hbm>> -> memref<1x8x128xf32, #tpu.memory_space<hbm>>
    %dma_start3A_2308 = tpu.memref_squeeze %dma_start3A_2307 : memref<1x8x128xf32, #tpu.memory_space<hbm>> -> memref<8x128xf32, #tpu.memory_space<hbm>>
    tpu.enqueue_dma source(%dma_start3A_2308 : memref<8x128xf32, #tpu.memory_space<hbm>>) target(%dma_start3A_2306 : memref<8x128xf32, #tpu.memory_space<vmem>>) target_semaphore(%arg19 : memref<!tpu.dma_semaphore, #tpu.memory_space<semaphore_mem>>)
    %add3A_2309 = arith.constant 0 : i32
    %add3A_2310 = arith.addi %and3A_2236, %add3A_2309 : i32
    %multiple_of3A_2311 = tpu.assume_multiple %add3A_2310, 8 : i32
    %slice3A_2312 = vector.extract_strided_slice %get3A_2228 {offsets = [4], sizes = [1], strides = [1]} : vector<16xi32> to vector<1xi32>
    %squeeze3A_2313 = vector.extract %slice3A_2312[0] : i32 from vector<1xi32>
    %and3A_2314 = arith.constant -128 : i32
    %and3A_2315 = arith.andi %squeeze3A_2313, %and3A_2314 : i32
    %multiple_of3A_2316 = tpu.assume_multiple %and3A_2315, 128 : i32
    %dma_start3A_2317 = arith.constant 32 : i32
    %dma_start3A_2318 = arith.constant 0 : i32
    %dma_start3A_2319 = tpu.memref_slice %arg9[%dma_start3A_2317, %dma_start3A_2318] : memref<128x128xf32, #tpu.memory_space<vmem>> -> memref<8x128xf32, #tpu.memory_space<vmem>>
    %dma_start3A_2320 = tpu.memref_slice %arg2[%shift_right_arithmetic3A_2232, %multiple_of3A_2311, %multiple_of3A_2316] : memref<2x2048x32000xf32, #tpu.memory_space<hbm>> -> memref<1x8x128xf32, #tpu.memory_space<hbm>>
    %dma_start3A_2321 = tpu.memref_squeeze %dma_start3A_2320 : memref<1x8x128xf32, #tpu.memory_space<hbm>> -> memref<8x128xf32, #tpu.memory_space<hbm>>
    %dma_start3A_2322 = arith.constant 32 : i32
    %dma_start3A_2323 = arith.constant 0 : i32
    %dma_start3A_2324 = tpu.memref_slice %arg9[%dma_start3A_2322, %dma_start3A_2323] : memref<128x128xf32, #tpu.memory_space<vmem>> -> memref<8x128xf32, #tpu.memory_space<vmem>>
    %dma_start3A_2325 = tpu.memref_slice %arg2[%shift_right_arithmetic3A_2232, %multiple_of3A_2311, %multiple_of3A_2316] : memref<2x2048x32000xf32, #tpu.memory_space<hbm>> -> memref<1x8x128xf32, #tpu.memory_space<hbm>>
    %dma_start3A_2326 = tpu.memref_squeeze %dma_start3A_2325 : memref<1x8x128xf32, #tpu.memory_space<hbm>> -> memref<8x128xf32, #tpu.memory_space<hbm>>
    tpu.enqueue_dma source(%dma_start3A_2326 : memref<8x128xf32, #tpu.memory_space<hbm>>) target(%dma_start3A_2324 : memref<8x128xf32, #tpu.memory_space<vmem>>) target_semaphore(%arg19 : memref<!tpu.dma_semaphore, #tpu.memory_space<semaphore_mem>>)
    %add3A_2327 = arith.constant 0 : i32
    %add3A_2328 = arith.addi %and3A_2236, %add3A_2327 : i32
    %multiple_of3A_2329 = tpu.assume_multiple %add3A_2328, 8 : i32
    %slice3A_2330 = vector.extract_strided_slice %get3A_2228 {offsets = [5], sizes = [1], strides = [1]} : vector<16xi32> to vector<1xi32>
    %squeeze3A_2331 = vector.extract %slice3A_2330[0] : i32 from vector<1xi32>
    %and3A_2332 = arith.constant -128 : i32
    %and3A_2333 = arith.andi %squeeze3A_2331, %and3A_2332 : i32
    %multiple_of3A_2334 = tpu.assume_multiple %and3A_2333, 128 : i32
    %dma_start3A_2335 = arith.constant 40 : i32
    %dma_start3A_2336 = arith.constant 0 : i32
    %dma_start3A_2337 = tpu.memref_slice %arg9[%dma_start3A_2335, %dma_start3A_2336] : memref<128x128xf32, #tpu.memory_space<vmem>> -> memref<8x128xf32, #tpu.memory_space<vmem>>
    %dma_start3A_2338 = tpu.memref_slice %arg2[%shift_right_arithmetic3A_2232, %multiple_of3A_2329, %multiple_of3A_2334] : memref<2x2048x32000xf32, #tpu.memory_space<hbm>> -> memref<1x8x128xf32, #tpu.memory_space<hbm>>
    %dma_start3A_2339 = tpu.memref_squeeze %dma_start3A_2338 : memref<1x8x128xf32, #tpu.memory_space<hbm>> -> memref<8x128xf32, #tpu.memory_space<hbm>>
    %dma_start3A_2340 = arith.constant 40 : i32
    %dma_start3A_2341 = arith.constant 0 : i32
    %dma_start3A_2342 = tpu.memref_slice %arg9[%dma_start3A_2340, %dma_start3A_2341] : memref<128x128xf32, #tpu.memory_space<vmem>> -> memref<8x128xf32, #tpu.memory_space<vmem>>
    %dma_start3A_2343 = tpu.memref_slice %arg2[%shift_right_arithmetic3A_2232, %multiple_of3A_2329, %multiple_of3A_2334] : memref<2x2048x32000xf32, #tpu.memory_space<hbm>> -> memref<1x8x128xf32, #tpu.memory_space<hbm>>
    %dma_start3A_2344 = tpu.memref_squeeze %dma_start3A_2343 : memref<1x8x128xf32, #tpu.memory_space<hbm>> -> memref<8x128xf32, #tpu.memory_space<hbm>>
    tpu.enqueue_dma source(%dma_start3A_2344 : memref<8x128xf32, #tpu.memory_space<hbm>>) target(%dma_start3A_2342 : memref<8x128xf32, #tpu.memory_space<vmem>>) target_semaphore(%arg19 : memref<!tpu.dma_semaphore, #tpu.memory_space<semaphore_mem>>)
    %add3A_2345 = arith.constant 0 : i32
    %add3A_2346 = arith.addi %and3A_2236, %add3A_2345 : i32
    %multiple_of3A_2347 = tpu.assume_multiple %add3A_2346, 8 : i32
    %slice3A_2348 = vector.extract_strided_slice %get3A_2228 {offsets = [6], sizes = [1], strides = [1]} : vector<16xi32> to vector<1xi32>
    %squeeze3A_2349 = vector.extract %slice3A_2348[0] : i32 from vector<1xi32>
    %and3A_2350 = arith.constant -128 : i32
    %and3A_2351 = arith.andi %squeeze3A_2349, %and3A_2350 : i32
    %multiple_of3A_2352 = tpu.assume_multiple %and3A_2351, 128 : i32
    %dma_start3A_2353 = arith.constant 48 : i32
    %dma_start3A_2354 = arith.constant 0 : i32
    %dma_start3A_2355 = tpu.memref_slice %arg9[%dma_start3A_2353, %dma_start3A_2354] : memref<128x128xf32, #tpu.memory_space<vmem>> -> memref<8x128xf32, #tpu.memory_space<vmem>>
    %dma_start3A_2356 = tpu.memref_slice %arg2[%shift_right_arithmetic3A_2232, %multiple_of3A_2347, %multiple_of3A_2352] : memref<2x2048x32000xf32, #tpu.memory_space<hbm>> -> memref<1x8x128xf32, #tpu.memory_space<hbm>>
    %dma_start3A_2357 = tpu.memref_squeeze %dma_start3A_2356 : memref<1x8x128xf32, #tpu.memory_space<hbm>> -> memref<8x128xf32, #tpu.memory_space<hbm>>
    %dma_start3A_2358 = arith.constant 48 : i32
    %dma_start3A_2359 = arith.constant 0 : i32
    %dma_start3A_2360 = tpu.memref_slice %arg9[%dma_start3A_2358, %dma_start3A_2359] : memref<128x128xf32, #tpu.memory_space<vmem>> -> memref<8x128xf32, #tpu.memory_space<vmem>>
    %dma_start3A_2361 = tpu.memref_slice %arg2[%shift_right_arithmetic3A_2232, %multiple_of3A_2347, %multiple_of3A_2352] : memref<2x2048x32000xf32, #tpu.memory_space<hbm>> -> memref<1x8x128xf32, #tpu.memory_space<hbm>>
    %dma_start3A_2362 = tpu.memref_squeeze %dma_start3A_2361 : memref<1x8x128xf32, #tpu.memory_space<hbm>> -> memref<8x128xf32, #tpu.memory_space<hbm>>
    tpu.enqueue_dma source(%dma_start3A_2362 : memref<8x128xf32, #tpu.memory_space<hbm>>) target(%dma_start3A_2360 : memref<8x128xf32, #tpu.memory_space<vmem>>) target_semaphore(%arg19 : memref<!tpu.dma_semaphore, #tpu.memory_space<semaphore_mem>>)
    %add3A_2363 = arith.constant 0 : i32
    %add3A_2364 = arith.addi %and3A_2236, %add3A_2363 : i32
    %multiple_of3A_2365 = tpu.assume_multiple %add3A_2364, 8 : i32
    %slice3A_2366 = vector.extract_strided_slice %get3A_2228 {offsets = [7], sizes = [1], strides = [1]} : vector<16xi32> to vector<1xi32>
    %squeeze3A_2367 = vector.extract %slice3A_2366[0] : i32 from vector<1xi32>
    %and3A_2368 = arith.constant -128 : i32
    %and3A_2369 = arith.andi %squeeze3A_2367, %and3A_2368 : i32
    %multiple_of3A_2370 = tpu.assume_multiple %and3A_2369, 128 : i32
    %dma_start3A_2371 = arith.constant 56 : i32
    %dma_start3A_2372 = arith.constant 0 : i32
    %dma_start3A_2373 = tpu.memref_slice %arg9[%dma_start3A_2371, %dma_start3A_2372] : memref<128x128xf32, #tpu.memory_space<vmem>> -> memref<8x128xf32, #tpu.memory_space<vmem>>
    %dma_start3A_2374 = tpu.memref_slice %arg2[%shift_right_arithmetic3A_2232, %multiple_of3A_2365, %multiple_of3A_2370] : memref<2x2048x32000xf32, #tpu.memory_space<hbm>> -> memref<1x8x128xf32, #tpu.memory_space<hbm>>
    %dma_start3A_2375 = tpu.memref_squeeze %dma_start3A_2374 : memref<1x8x128xf32, #tpu.memory_space<hbm>> -> memref<8x128xf32, #tpu.memory_space<hbm>>
    %dma_start3A_2376 = arith.constant 56 : i32
    %dma_start3A_2377 = arith.constant 0 : i32
    %dma_start3A_2378 = tpu.memref_slice %arg9[%dma_start3A_2376, %dma_start3A_2377] : memref<128x128xf32, #tpu.memory_space<vmem>> -> memref<8x128xf32, #tpu.memory_space<vmem>>
    %dma_start3A_2379 = tpu.memref_slice %arg2[%shift_right_arithmetic3A_2232, %multiple_of3A_2365, %multiple_of3A_2370] : memref<2x2048x32000xf32, #tpu.memory_space<hbm>> -> memref<1x8x128xf32, #tpu.memory_space<hbm>>
    %dma_start3A_2380 = tpu.memref_squeeze %dma_start3A_2379 : memref<1x8x128xf32, #tpu.memory_space<hbm>> -> memref<8x128xf32, #tpu.memory_space<hbm>>
    tpu.enqueue_dma source(%dma_start3A_2380 : memref<8x128xf32, #tpu.memory_space<hbm>>) target(%dma_start3A_2378 : memref<8x128xf32, #tpu.memory_space<vmem>>) target_semaphore(%arg19 : memref<!tpu.dma_semaphore, #tpu.memory_space<semaphore_mem>>)
    %add3A_2381 = arith.constant 8 : i32
    %add3A_2382 = arith.addi %and3A_2236, %add3A_2381 : i32
    %multiple_of3A_2383 = tpu.assume_multiple %add3A_2382, 8 : i32
    %slice3A_2384 = vector.extract_strided_slice %get3A_2228 {offsets = [8], sizes = [1], strides = [1]} : vector<16xi32> to vector<1xi32>
    %squeeze3A_2385 = vector.extract %slice3A_2384[0] : i32 from vector<1xi32>
    %and3A_2386 = arith.constant -128 : i32
    %and3A_2387 = arith.andi %squeeze3A_2385, %and3A_2386 : i32
    %multiple_of3A_2388 = tpu.assume_multiple %and3A_2387, 128 : i32
    %dma_start3A_2389 = arith.constant 64 : i32
    %dma_start3A_2390 = arith.constant 0 : i32
    %dma_start3A_2391 = tpu.memref_slice %arg9[%dma_start3A_2389, %dma_start3A_2390] : memref<128x128xf32, #tpu.memory_space<vmem>> -> memref<8x128xf32, #tpu.memory_space<vmem>>
    %dma_start3A_2392 = tpu.memref_slice %arg2[%shift_right_arithmetic3A_2232, %multiple_of3A_2383, %multiple_of3A_2388] : memref<2x2048x32000xf32, #tpu.memory_space<hbm>> -> memref<1x8x128xf32, #tpu.memory_space<hbm>>
    %dma_start3A_2393 = tpu.memref_squeeze %dma_start3A_2392 : memref<1x8x128xf32, #tpu.memory_space<hbm>> -> memref<8x128xf32, #tpu.memory_space<hbm>>
    %dma_start3A_2394 = arith.constant 64 : i32
    %dma_start3A_2395 = arith.constant 0 : i32
    %dma_start3A_2396 = tpu.memref_slice %arg9[%dma_start3A_2394, %dma_start3A_2395] : memref<128x128xf32, #tpu.memory_space<vmem>> -> memref<8x128xf32, #tpu.memory_space<vmem>>
    %dma_start3A_2397 = tpu.memref_slice %arg2[%shift_right_arithmetic3A_2232, %multiple_of3A_2383, %multiple_of3A_2388] : memref<2x2048x32000xf32, #tpu.memory_space<hbm>> -> memref<1x8x128xf32, #tpu.memory_space<hbm>>
    %dma_start3A_2398 = tpu.memref_squeeze %dma_start3A_2397 : memref<1x8x128xf32, #tpu.memory_space<hbm>> -> memref<8x128xf32, #tpu.memory_space<hbm>>
    tpu.enqueue_dma source(%dma_start3A_2398 : memref<8x128xf32, #tpu.memory_space<hbm>>) target(%dma_start3A_2396 : memref<8x128xf32, #tpu.memory_space<vmem>>) target_semaphore(%arg19 : memref<!tpu.dma_semaphore, #tpu.memory_space<semaphore_mem>>)
    %add3A_2399 = arith.constant 8 : i32
    %add3A_2400 = arith.addi %and3A_2236, %add3A_2399 : i32
    %multiple_of3A_2401 = tpu.assume_multiple %add3A_2400, 8 : i32
    %slice3A_2402 = vector.extract_strided_slice %get3A_2228 {offsets = [9], sizes = [1], strides = [1]} : vector<16xi32> to vector<1xi32>
    %squeeze3A_2403 = vector.extract %slice3A_2402[0] : i32 from vector<1xi32>
    %and3A_2404 = arith.constant -128 : i32
    %and3A_2405 = arith.andi %squeeze3A_2403, %and3A_2404 : i32
    %multiple_of3A_2406 = tpu.assume_multiple %and3A_2405, 128 : i32
    %dma_start3A_2407 = arith.constant 72 : i32
    %dma_start3A_2408 = arith.constant 0 : i32
    %dma_start3A_2409 = tpu.memref_slice %arg9[%dma_start3A_2407, %dma_start3A_2408] : memref<128x128xf32, #tpu.memory_space<vmem>> -> memref<8x128xf32, #tpu.memory_space<vmem>>
    %dma_start3A_2410 = tpu.memref_slice %arg2[%shift_right_arithmetic3A_2232, %multiple_of3A_2401, %multiple_of3A_2406] : memref<2x2048x32000xf32, #tpu.memory_space<hbm>> -> memref<1x8x128xf32, #tpu.memory_space<hbm>>
    %dma_start3A_2411 = tpu.memref_squeeze %dma_start3A_2410 : memref<1x8x128xf32, #tpu.memory_space<hbm>> -> memref<8x128xf32, #tpu.memory_space<hbm>>
    %dma_start3A_2412 = arith.constant 72 : i32
    %dma_start3A_2413 = arith.constant 0 : i32
    %dma_start3A_2414 = tpu.memref_slice %arg9[%dma_start3A_2412, %dma_start3A_2413] : memref<128x128xf32, #tpu.memory_space<vmem>> -> memref<8x128xf32, #tpu.memory_space<vmem>>
    %dma_start3A_2415 = tpu.memref_slice %arg2[%shift_right_arithmetic3A_2232, %multiple_of3A_2401, %multiple_of3A_2406] : memref<2x2048x32000xf32, #tpu.memory_space<hbm>> -> memref<1x8x128xf32, #tpu.memory_space<hbm>>
    %dma_start3A_2416 = tpu.memref_squeeze %dma_start3A_2415 : memref<1x8x128xf32, #tpu.memory_space<hbm>> -> memref<8x128xf32, #tpu.memory_space<hbm>>
    tpu.enqueue_dma source(%dma_start3A_2416 : memref<8x128xf32, #tpu.memory_space<hbm>>) target(%dma_start3A_2414 : memref<8x128xf32, #tpu.memory_space<vmem>>) target_semaphore(%arg19 : memref<!tpu.dma_semaphore, #tpu.memory_space<semaphore_mem>>)
    %add3A_2417 = arith.constant 8 : i32
    %add3A_2418 = arith.addi %and3A_2236, %add3A_2417 : i32
    %multiple_of3A_2419 = tpu.assume_multiple %add3A_2418, 8 : i32
    %slice3A_2420 = vector.extract_strided_slice %get3A_2228 {offsets = [10], sizes = [1], strides = [1]} : vector<16xi32> to vector<1xi32>
    %squeeze3A_2421 = vector.extract %slice3A_2420[0] : i32 from vector<1xi32>
    %and3A_2422 = arith.constant -128 : i32
    %and3A_2423 = arith.andi %squeeze3A_2421, %and3A_2422 : i32
    %multiple_of3A_2424 = tpu.assume_multiple %and3A_2423, 128 : i32
    %dma_start3A_2425 = arith.constant 80 : i32
    %dma_start3A_2426 = arith.constant 0 : i32
    %dma_start3A_2427 = tpu.memref_slice %arg9[%dma_start3A_2425, %dma_start3A_2426] : memref<128x128xf32, #tpu.memory_space<vmem>> -> memref<8x128xf32, #tpu.memory_space<vmem>>
    %dma_start3A_2428 = tpu.memref_slice %arg2[%shift_right_arithmetic3A_2232, %multiple_of3A_2419, %multiple_of3A_2424] : memref<2x2048x32000xf32, #tpu.memory_space<hbm>> -> memref<1x8x128xf32, #tpu.memory_space<hbm>>
    %dma_start3A_2429 = tpu.memref_squeeze %dma_start3A_2428 : memref<1x8x128xf32, #tpu.memory_space<hbm>> -> memref<8x128xf32, #tpu.memory_space<hbm>>
    %dma_start3A_2430 = arith.constant 80 : i32
    %dma_start3A_2431 = arith.constant 0 : i32
    %dma_start3A_2432 = tpu.memref_slice %arg9[%dma_start3A_2430, %dma_start3A_2431] : memref<128x128xf32, #tpu.memory_space<vmem>> -> memref<8x128xf32, #tpu.memory_space<vmem>>
    %dma_start3A_2433 = tpu.memref_slice %arg2[%shift_right_arithmetic3A_2232, %multiple_of3A_2419, %multiple_of3A_2424] : memref<2x2048x32000xf32, #tpu.memory_space<hbm>> -> memref<1x8x128xf32, #tpu.memory_space<hbm>>
    %dma_start3A_2434 = tpu.memref_squeeze %dma_start3A_2433 : memref<1x8x128xf32, #tpu.memory_space<hbm>> -> memref<8x128xf32, #tpu.memory_space<hbm>>
    tpu.enqueue_dma source(%dma_start3A_2434 : memref<8x128xf32, #tpu.memory_space<hbm>>) target(%dma_start3A_2432 : memref<8x128xf32, #tpu.memory_space<vmem>>) target_semaphore(%arg19 : memref<!tpu.dma_semaphore, #tpu.memory_space<semaphore_mem>>)
    %add3A_2435 = arith.constant 8 : i32
    %add3A_2436 = arith.addi %and3A_2236, %add3A_2435 : i32
    %multiple_of3A_2437 = tpu.assume_multiple %add3A_2436, 8 : i32
    %slice3A_2438 = vector.extract_strided_slice %get3A_2228 {offsets = [11], sizes = [1], strides = [1]} : vector<16xi32> to vector<1xi32>
    %squeeze3A_2439 = vector.extract %slice3A_2438[0] : i32 from vector<1xi32>
    %and3A_2440 = arith.constant -128 : i32
    %and3A_2441 = arith.andi %squeeze3A_2439, %and3A_2440 : i32
    %multiple_of3A_2442 = tpu.assume_multiple %and3A_2441, 128 : i32
    %dma_start3A_2443 = arith.constant 88 : i32
    %dma_start3A_2444 = arith.constant 0 : i32
    %dma_start3A_2445 = tpu.memref_slice %arg9[%dma_start3A_2443, %dma_start3A_2444] : memref<128x128xf32, #tpu.memory_space<vmem>> -> memref<8x128xf32, #tpu.memory_space<vmem>>
    %dma_start3A_2446 = tpu.memref_slice %arg2[%shift_right_arithmetic3A_2232, %multiple_of3A_2437, %multiple_of3A_2442] : memref<2x2048x32000xf32, #tpu.memory_space<hbm>> -> memref<1x8x128xf32, #tpu.memory_space<hbm>>
    %dma_start3A_2447 = tpu.memref_squeeze %dma_start3A_2446 : memref<1x8x128xf32, #tpu.memory_space<hbm>> -> memref<8x128xf32, #tpu.memory_space<hbm>>
    %dma_start3A_2448 = arith.constant 88 : i32
    %dma_start3A_2449 = arith.constant 0 : i32
    %dma_start3A_2450 = tpu.memref_slice %arg9[%dma_start3A_2448, %dma_start3A_2449] : memref<128x128xf32, #tpu.memory_space<vmem>> -> memref<8x128xf32, #tpu.memory_space<vmem>>
    %dma_start3A_2451 = tpu.memref_slice %arg2[%shift_right_arithmetic3A_2232, %multiple_of3A_2437, %multiple_of3A_2442] : memref<2x2048x32000xf32, #tpu.memory_space<hbm>> -> memref<1x8x128xf32, #tpu.memory_space<hbm>>
    %dma_start3A_2452 = tpu.memref_squeeze %dma_start3A_2451 : memref<1x8x128xf32, #tpu.memory_space<hbm>> -> memref<8x128xf32, #tpu.memory_space<hbm>>
    tpu.enqueue_dma source(%dma_start3A_2452 : memref<8x128xf32, #tpu.memory_space<hbm>>) target(%dma_start3A_2450 : memref<8x128xf32, #tpu.memory_space<vmem>>) target_semaphore(%arg19 : memref<!tpu.dma_semaphore, #tpu.memory_space<semaphore_mem>>)
    %add3A_2453 = arith.constant 8 : i32
    %add3A_2454 = arith.addi %and3A_2236, %add3A_2453 : i32
    %multiple_of3A_2455 = tpu.assume_multiple %add3A_2454, 8 : i32
    %slice3A_2456 = vector.extract_strided_slice %get3A_2228 {offsets = [12], sizes = [1], strides = [1]} : vector<16xi32> to vector<1xi32>
    %squeeze3A_2457 = vector.extract %slice3A_2456[0] : i32 from vector<1xi32>
    %and3A_2458 = arith.constant -128 : i32
    %and3A_2459 = arith.andi %squeeze3A_2457, %and3A_2458 : i32
    %multiple_of3A_2460 = tpu.assume_multiple %and3A_2459, 128 : i32
    %dma_start3A_2461 = arith.constant 96 : i32
    %dma_start3A_2462 = arith.constant 0 : i32
    %dma_start3A_2463 = tpu.memref_slice %arg9[%dma_start3A_2461, %dma_start3A_2462] : memref<128x128xf32, #tpu.memory_space<vmem>> -> memref<8x128xf32, #tpu.memory_space<vmem>>
    %dma_start3A_2464 = tpu.memref_slice %arg2[%shift_right_arithmetic3A_2232, %multiple_of3A_2455, %multiple_of3A_2460] : memref<2x2048x32000xf32, #tpu.memory_space<hbm>> -> memref<1x8x128xf32, #tpu.memory_space<hbm>>
    %dma_start3A_2465 = tpu.memref_squeeze %dma_start3A_2464 : memref<1x8x128xf32, #tpu.memory_space<hbm>> -> memref<8x128xf32, #tpu.memory_space<hbm>>
    %dma_start3A_2466 = arith.constant 96 : i32
    %dma_start3A_2467 = arith.constant 0 : i32
    %dma_start3A_2468 = tpu.memref_slice %arg9[%dma_start3A_2466, %dma_start3A_2467] : memref<128x128xf32, #tpu.memory_space<vmem>> -> memref<8x128xf32, #tpu.memory_space<vmem>>
    %dma_start3A_2469 = tpu.memref_slice %arg2[%shift_right_arithmetic3A_2232, %multiple_of3A_2455, %multiple_of3A_2460] : memref<2x2048x32000xf32, #tpu.memory_space<hbm>> -> memref<1x8x128xf32, #tpu.memory_space<hbm>>
    %dma_start3A_2470 = tpu.memref_squeeze %dma_start3A_2469 : memref<1x8x128xf32, #tpu.memory_space<hbm>> -> memref<8x128xf32, #tpu.memory_space<hbm>>
    tpu.enqueue_dma source(%dma_start3A_2470 : memref<8x128xf32, #tpu.memory_space<hbm>>) target(%dma_start3A_2468 : memref<8x128xf32, #tpu.memory_space<vmem>>) target_semaphore(%arg19 : memref<!tpu.dma_semaphore, #tpu.memory_space<semaphore_mem>>)
    %add3A_2471 = arith.constant 8 : i32
    %add3A_2472 = arith.addi %and3A_2236, %add3A_2471 : i32
    %multiple_of3A_2473 = tpu.assume_multiple %add3A_2472, 8 : i32
    %slice3A_2474 = vector.extract_strided_slice %get3A_2228 {offsets = [13], sizes = [1], strides = [1]} : vector<16xi32> to vector<1xi32>
    %squeeze3A_2475 = vector.extract %slice3A_2474[0] : i32 from vector<1xi32>
    %and3A_2476 = arith.constant -128 : i32
    %and3A_2477 = arith.andi %squeeze3A_2475, %and3A_2476 : i32
    %multiple_of3A_2478 = tpu.assume_multiple %and3A_2477, 128 : i32
    %dma_start3A_2479 = arith.constant 104 : i32
    %dma_start3A_2480 = arith.constant 0 : i32
    %dma_start3A_2481 = tpu.memref_slice %arg9[%dma_start3A_2479, %dma_start3A_2480] : memref<128x128xf32, #tpu.memory_space<vmem>> -> memref<8x128xf32, #tpu.memory_space<vmem>>
    %dma_start3A_2482 = tpu.memref_slice %arg2[%shift_right_arithmetic3A_2232, %multiple_of3A_2473, %multiple_of3A_2478] : memref<2x2048x32000xf32, #tpu.memory_space<hbm>> -> memref<1x8x128xf32, #tpu.memory_space<hbm>>
    %dma_start3A_2483 = tpu.memref_squeeze %dma_start3A_2482 : memref<1x8x128xf32, #tpu.memory_space<hbm>> -> memref<8x128xf32, #tpu.memory_space<hbm>>
    %dma_start3A_2484 = arith.constant 104 : i32
    %dma_start3A_2485 = arith.constant 0 : i32
    %dma_start3A_2486 = tpu.memref_slice %arg9[%dma_start3A_2484, %dma_start3A_2485] : memref<128x128xf32, #tpu.memory_space<vmem>> -> memref<8x128xf32, #tpu.memory_space<vmem>>
    %dma_start3A_2487 = tpu.memref_slice %arg2[%shift_right_arithmetic3A_2232, %multiple_of3A_2473, %multiple_of3A_2478] : memref<2x2048x32000xf32, #tpu.memory_space<hbm>> -> memref<1x8x128xf32, #tpu.memory_space<hbm>>
    %dma_start3A_2488 = tpu.memref_squeeze %dma_start3A_2487 : memref<1x8x128xf32, #tpu.memory_space<hbm>> -> memref<8x128xf32, #tpu.memory_space<hbm>>
    tpu.enqueue_dma source(%dma_start3A_2488 : memref<8x128xf32, #tpu.memory_space<hbm>>) target(%dma_start3A_2486 : memref<8x128xf32, #tpu.memory_space<vmem>>) target_semaphore(%arg19 : memref<!tpu.dma_semaphore, #tpu.memory_space<semaphore_mem>>)
    %add3A_2489 = arith.constant 8 : i32
    %add3A_2490 = arith.addi %and3A_2236, %add3A_2489 : i32
    %multiple_of3A_2491 = tpu.assume_multiple %add3A_2490, 8 : i32
    %slice3A_2492 = vector.extract_strided_slice %get3A_2228 {offsets = [14], sizes = [1], strides = [1]} : vector<16xi32> to vector<1xi32>
    %squeeze3A_2493 = vector.extract %slice3A_2492[0] : i32 from vector<1xi32>
    %and3A_2494 = arith.constant -128 : i32
    %and3A_2495 = arith.andi %squeeze3A_2493, %and3A_2494 : i32
    %multiple_of3A_2496 = tpu.assume_multiple %and3A_2495, 128 : i32
    %dma_start3A_2497 = arith.constant 112 : i32
    %dma_start3A_2498 = arith.constant 0 : i32
    %dma_start3A_2499 = tpu.memref_slice %arg9[%dma_start3A_2497, %dma_start3A_2498] : memref<128x128xf32, #tpu.memory_space<vmem>> -> memref<8x128xf32, #tpu.memory_space<vmem>>
    %dma_start3A_2500 = tpu.memref_slice %arg2[%shift_right_arithmetic3A_2232, %multiple_of3A_2491, %multiple_of3A_2496] : memref<2x2048x32000xf32, #tpu.memory_space<hbm>> -> memref<1x8x128xf32, #tpu.memory_space<hbm>>
    %dma_start3A_2501 = tpu.memref_squeeze %dma_start3A_2500 : memref<1x8x128xf32, #tpu.memory_space<hbm>> -> memref<8x128xf32, #tpu.memory_space<hbm>>
    %dma_start3A_2502 = arith.constant 112 : i32
    %dma_start3A_2503 = arith.constant 0 : i32
    %dma_start3A_2504 = tpu.memref_slice %arg9[%dma_start3A_2502, %dma_start3A_2503] : memref<128x128xf32, #tpu.memory_space<vmem>> -> memref<8x128xf32, #tpu.memory_space<vmem>>
    %dma_start3A_2505 = tpu.memref_slice %arg2[%shift_right_arithmetic3A_2232, %multiple_of3A_2491, %multiple_of3A_2496] : memref<2x2048x32000xf32, #tpu.memory_space<hbm>> -> memref<1x8x128xf32, #tpu.memory_space<hbm>>
    %dma_start3A_2506 = tpu.memref_squeeze %dma_start3A_2505 : memref<1x8x128xf32, #tpu.memory_space<hbm>> -> memref<8x128xf32, #tpu.memory_space<hbm>>
    tpu.enqueue_dma source(%dma_start3A_2506 : memref<8x128xf32, #tpu.memory_space<hbm>>) target(%dma_start3A_2504 : memref<8x128xf32, #tpu.memory_space<vmem>>) target_semaphore(%arg19 : memref<!tpu.dma_semaphore, #tpu.memory_space<semaphore_mem>>)
    %add3A_2507 = arith.constant 8 : i32
    %add3A_2508 = arith.addi %and3A_2236, %add3A_2507 : i32
    %multiple_of3A_2509 = tpu.assume_multiple %add3A_2508, 8 : i32
    %slice3A_2510 = vector.extract_strided_slice %get3A_2228 {offsets = [15], sizes = [1], strides = [1]} : vector<16xi32> to vector<1xi32>
    %squeeze3A_2511 = vector.extract %slice3A_2510[0] : i32 from vector<1xi32>
    %and3A_2512 = arith.constant -128 : i32
    %and3A_2513 = arith.andi %squeeze3A_2511, %and3A_2512 : i32
    %multiple_of3A_2514 = tpu.assume_multiple %and3A_2513, 128 : i32
    %dma_start3A_2515 = arith.constant 120 : i32
    %dma_start3A_2516 = arith.constant 0 : i32
    %dma_start3A_2517 = tpu.memref_slice %arg9[%dma_start3A_2515, %dma_start3A_2516] : memref<128x128xf32, #tpu.memory_space<vmem>> -> memref<8x128xf32, #tpu.memory_space<vmem>>
    %dma_start3A_2518 = tpu.memref_slice %arg2[%shift_right_arithmetic3A_2232, %multiple_of3A_2509, %multiple_of3A_2514] : memref<2x2048x32000xf32, #tpu.memory_space<hbm>> -> memref<1x8x128xf32, #tpu.memory_space<hbm>>
    %dma_start3A_2519 = tpu.memref_squeeze %dma_start3A_2518 : memref<1x8x128xf32, #tpu.memory_space<hbm>> -> memref<8x128xf32, #tpu.memory_space<hbm>>
    %dma_start3A_2520 = arith.constant 120 : i32
    %dma_start3A_2521 = arith.constant 0 : i32
    %dma_start3A_2522 = tpu.memref_slice %arg9[%dma_start3A_2520, %dma_start3A_2521] : memref<128x128xf32, #tpu.memory_space<vmem>> -> memref<8x128xf32, #tpu.memory_space<vmem>>
    %dma_start3A_2523 = tpu.memref_slice %arg2[%shift_right_arithmetic3A_2232, %multiple_of3A_2509, %multiple_of3A_2514] : memref<2x2048x32000xf32, #tpu.memory_space<hbm>> -> memref<1x8x128xf32, #tpu.memory_space<hbm>>
    %dma_start3A_2524 = tpu.memref_squeeze %dma_start3A_2523 : memref<1x8x128xf32, #tpu.memory_space<hbm>> -> memref<8x128xf32, #tpu.memory_space<hbm>>
    tpu.enqueue_dma source(%dma_start3A_2524 : memref<8x128xf32, #tpu.memory_space<hbm>>) target(%dma_start3A_2522 : memref<8x128xf32, #tpu.memory_space<vmem>>) target_semaphore(%arg19 : memref<!tpu.dma_semaphore, #tpu.memory_space<semaphore_mem>>)
    %dma_wait3A_2525 = arith.constant 0 : i32
    %dma_wait3A_2526 = arith.constant 0 : i32
    %dma_wait3A_2527 = arith.constant 0 : i32
    %dma_wait3A_2528 = tpu.memref_slice %arg2[%dma_wait3A_2525, %dma_wait3A_2526, %dma_wait3A_2527] : memref<2x2048x32000xf32, #tpu.memory_space<hbm>> -> memref<1x128x128xf32, #tpu.memory_space<hbm>>
    %dma_wait3A_2529 = tpu.memref_squeeze %dma_wait3A_2528 : memref<1x128x128xf32, #tpu.memory_space<hbm>> -> memref<128x128xf32, #tpu.memory_space<hbm>>
    %dma_wait3A_2530 = arith.constant 0 : i32
    %dma_wait3A_2531 = arith.constant 0 : i32
    %dma_wait3A_2532 = tpu.memref_slice %arg2[%dma_wait3A_2525, %dma_wait3A_2530, %dma_wait3A_2531] : memref<2x2048x32000xf32, #tpu.memory_space<hbm>> -> memref<1x128x128xf32, #tpu.memory_space<hbm>>
    %dma_wait3A_2533 = tpu.memref_squeeze %dma_wait3A_2532 : memref<1x128x128xf32, #tpu.memory_space<hbm>> -> memref<128x128xf32, #tpu.memory_space<hbm>>
    tpu.wait_dma2 semaphore(%arg20 : memref<!tpu.dma_semaphore, #tpu.memory_space<semaphore_mem>>) src(%dma_wait3A_2533 : memref<128x128xf32, #tpu.memory_space<hbm>>) dst(%arg10 : memref<128x128xf32, #tpu.memory_space<vmem>>)
    %get3A_2534 = arith.constant 32 : index
    %get3A_2535 = tpu.vector_load %arg6[%get3A_2534] {strides = array<i32>} : memref<128xi32, #tpu.memory_space<vmem>>, vector<16xi32>,
    %and3A_2536 = arith.constant 127 : i32
    %and3A_2537 = vector.broadcast %and3A_2536 : i32 to vector<16xi32>
    %and3A_2538 = arith.andi %get3A_2535, %and3A_2537 : vector<16xi32>
    %gather3A_2539 = tpu.vector_load_idx %arg10[%add3A_108, %and3A_2538] : memref<128x128xf32, #tpu.memory_space<vmem>>[vector<16xi32>, vector<16xi32>], vector<16xf32>,
    %get3A_2540 = arith.constant 32 : index
    %get3A_2541 = tpu.vector_load %arg7[%get3A_2540] {strides = array<i32>} : memref<128xf32, #tpu.memory_space<vmem>>, vector<16xf32>,
    %mul3A_2542 = arith.mulf %gather3A_2539, %get3A_2541 : vector<16xf32>
    %add3A_2543 = arith.addf %add3A_2225, %mul3A_2542 : vector<16xf32>
    %add3A_2544 = arith.addf %add3A_2226, %get3A_2541 : vector<16xf32>
    %dma_wait3A_2545 = arith.constant 0 : i32
    %dma_wait3A_2546 = arith.constant 0 : i32
    %dma_wait3A_2547 = arith.constant 0 : i32
    %dma_wait3A_2548 = tpu.memref_slice %arg2[%dma_wait3A_2545, %dma_wait3A_2546, %dma_wait3A_2547] : memref<2x2048x32000xf32, #tpu.memory_space<hbm>> -> memref<1x128x128xf32, #tpu.memory_space<hbm>>
    %dma_wait3A_2549 = tpu.memref_squeeze %dma_wait3A_2548 : memref<1x128x128xf32, #tpu.memory_space<hbm>> -> memref<128x128xf32, #tpu.memory_space<hbm>>
    %dma_wait3A_2550 = arith.constant 0 : i32
    %dma_wait3A_2551 = arith.constant 0 : i32
    %dma_wait3A_2552 = tpu.memref_slice %arg2[%dma_wait3A_2545, %dma_wait3A_2550, %dma_wait3A_2551] : memref<2x2048x32000xf32, #tpu.memory_space<hbm>> -> memref<1x128x128xf32, #tpu.memory_space<hbm>>
    %dma_wait3A_2553 = tpu.memref_squeeze %dma_wait3A_2552 : memref<1x128x128xf32, #tpu.memory_space<hbm>> -> memref<128x128xf32, #tpu.memory_space<hbm>>
    tpu.wait_dma2 semaphore(%arg21 : memref<!tpu.dma_semaphore, #tpu.memory_space<semaphore_mem>>) src(%dma_wait3A_2553 : memref<128x128xf32, #tpu.memory_space<hbm>>) dst(%arg11 : memref<128x128xf32, #tpu.memory_space<vmem>>)
    %get3A_2554 = arith.constant 48 : index
    %get3A_2555 = tpu.vector_load %arg6[%get3A_2554] {strides = array<i32>} : memref<128xi32, #tpu.memory_space<vmem>>, vector<16xi32>,
    %and3A_2556 = arith.constant 127 : i32
    %and3A_2557 = vector.broadcast %and3A_2556 : i32 to vector<16xi32>
    %and3A_2558 = arith.andi %get3A_2555, %and3A_2557 : vector<16xi32>
    %gather3A_2559 = tpu.vector_load_idx %arg11[%add3A_108, %and3A_2558] : memref<128x128xf32, #tpu.memory_space<vmem>>[vector<16xi32>, vector<16xi32>], vector<16xf32>,
    %get3A_2560 = arith.constant 48 : index
    %get3A_2561 = tpu.vector_load %arg7[%get3A_2560] {strides = array<i32>} : memref<128xf32, #tpu.memory_space<vmem>>, vector<16xf32>,
    %mul3A_2562 = arith.mulf %gather3A_2559, %get3A_2561 : vector<16xf32>
    %add3A_2563 = arith.addf %add3A_2543, %mul3A_2562 : vector<16xf32>
    %add3A_2564 = arith.addf %add3A_2544, %get3A_2561 : vector<16xf32>
    %dma_wait3A_2565 = arith.constant 0 : i32
    %dma_wait3A_2566 = arith.constant 0 : i32
    %dma_wait3A_2567 = arith.constant 0 : i32
    %dma_wait3A_2568 = tpu.memref_slice %arg2[%dma_wait3A_2565, %dma_wait3A_2566, %dma_wait3A_2567] : memref<2x2048x32000xf32, #tpu.memory_space<hbm>> -> memref<1x128x128xf32, #tpu.memory_space<hbm>>
    %dma_wait3A_2569 = tpu.memref_squeeze %dma_wait3A_2568 : memref<1x128x128xf32, #tpu.memory_space<hbm>> -> memref<128x128xf32, #tpu.memory_space<hbm>>
    %dma_wait3A_2570 = arith.constant 0 : i32
    %dma_wait3A_2571 = arith.constant 0 : i32
    %dma_wait3A_2572 = tpu.memref_slice %arg2[%dma_wait3A_2565, %dma_wait3A_2570, %dma_wait3A_2571] : memref<2x2048x32000xf32, #tpu.memory_space<hbm>> -> memref<1x128x128xf32, #tpu.memory_space<hbm>>
    %dma_wait3A_2573 = tpu.memref_squeeze %dma_wait3A_2572 : memref<1x128x128xf32, #tpu.memory_space<hbm>> -> memref<128x128xf32, #tpu.memory_space<hbm>>
    tpu.wait_dma2 semaphore(%arg22 : memref<!tpu.dma_semaphore, #tpu.memory_space<semaphore_mem>>) src(%dma_wait3A_2573 : memref<128x128xf32, #tpu.memory_space<hbm>>) dst(%arg12 : memref<128x128xf32, #tpu.memory_space<vmem>>)
    %get3A_2574 = arith.constant 64 : index
    %get3A_2575 = tpu.vector_load %arg6[%get3A_2574] {strides = array<i32>} : memref<128xi32, #tpu.memory_space<vmem>>, vector<16xi32>,
    %and3A_2576 = arith.constant 127 : i32
    %and3A_2577 = vector.broadcast %and3A_2576 : i32 to vector<16xi32>
    %and3A_2578 = arith.andi %get3A_2575, %and3A_2577 : vector<16xi32>
    %gather3A_2579 = tpu.vector_load_idx %arg12[%add3A_108, %and3A_2578] : memref<128x128xf32, #tpu.memory_space<vmem>>[vector<16xi32>, vector<16xi32>], vector<16xf32>,
    %get3A_2580 = arith.constant 64 : index
    %get3A_2581 = tpu.vector_load %arg7[%get3A_2580] {strides = array<i32>} : memref<128xf32, #tpu.memory_space<vmem>>, vector<16xf32>,
    %mul3A_2582 = arith.mulf %gather3A_2579, %get3A_2581 : vector<16xf32>
    %add3A_2583 = arith.addf %add3A_2563, %mul3A_2582 : vector<16xf32>
    %add3A_2584 = arith.addf %add3A_2564, %get3A_2581 : vector<16xf32>
    %dma_wait3A_2585 = arith.constant 0 : i32
    %dma_wait3A_2586 = arith.constant 0 : i32
    %dma_wait3A_2587 = arith.constant 0 : i32
    %dma_wait3A_2588 = tpu.memref_slice %arg2[%dma_wait3A_2585, %dma_wait3A_2586, %dma_wait3A_2587] : memref<2x2048x32000xf32, #tpu.memory_space<hbm>> -> memref<1x128x128xf32, #tpu.memory_space<hbm>>
    %dma_wait3A_2589 = tpu.memref_squeeze %dma_wait3A_2588 : memref<1x128x128xf32, #tpu.memory_space<hbm>> -> memref<128x128xf32, #tpu.memory_space<hbm>>
    %dma_wait3A_2590 = arith.constant 0 : i32
    %dma_wait3A_2591 = arith.constant 0 : i32
    %dma_wait3A_2592 = tpu.memref_slice %arg2[%dma_wait3A_2585, %dma_wait3A_2590, %dma_wait3A_2591] : memref<2x2048x32000xf32, #tpu.memory_space<hbm>> -> memref<1x128x128xf32, #tpu.memory_space<hbm>>
    %dma_wait3A_2593 = tpu.memref_squeeze %dma_wait3A_2592 : memref<1x128x128xf32, #tpu.memory_space<hbm>> -> memref<128x128xf32, #tpu.memory_space<hbm>>
    tpu.wait_dma2 semaphore(%arg23 : memref<!tpu.dma_semaphore, #tpu.memory_space<semaphore_mem>>) src(%dma_wait3A_2593 : memref<128x128xf32, #tpu.memory_space<hbm>>) dst(%arg13 : memref<128x128xf32, #tpu.memory_space<vmem>>)
    %get3A_2594 = arith.constant 80 : index
    %get3A_2595 = tpu.vector_load %arg6[%get3A_2594] {strides = array<i32>} : memref<128xi32, #tpu.memory_space<vmem>>, vector<16xi32>,
    %and3A_2596 = arith.constant 127 : i32
    %and3A_2597 = vector.broadcast %and3A_2596 : i32 to vector<16xi32>
    %and3A_2598 = arith.andi %get3A_2595, %and3A_2597 : vector<16xi32>
    %gather3A_2599 = tpu.vector_load_idx %arg13[%add3A_108, %and3A_2598] : memref<128x128xf32, #tpu.memory_space<vmem>>[vector<16xi32>, vector<16xi32>], vector<16xf32>,
    %get3A_2600 = arith.constant 80 : index
    %get3A_2601 = tpu.vector_load %arg7[%get3A_2600] {strides = array<i32>} : memref<128xf32, #tpu.memory_space<vmem>>, vector<16xf32>,
    %mul3A_2602 = arith.mulf %gather3A_2599, %get3A_2601 : vector<16xf32>
    %add3A_2603 = arith.addf %add3A_2583, %mul3A_2602 : vector<16xf32>
    %add3A_2604 = arith.addf %add3A_2584, %get3A_2601 : vector<16xf32>
    %dma_wait3A_2605 = arith.constant 0 : i32
    %dma_wait3A_2606 = arith.constant 0 : i32
    %dma_wait3A_2607 = arith.constant 0 : i32
    %dma_wait3A_2608 = tpu.memref_slice %arg2[%dma_wait3A_2605, %dma_wait3A_2606, %dma_wait3A_2607] : memref<2x2048x32000xf32, #tpu.memory_space<hbm>> -> memref<1x128x128xf32, #tpu.memory_space<hbm>>
    %dma_wait3A_2609 = tpu.memref_squeeze %dma_wait3A_2608 : memref<1x128x128xf32, #tpu.memory_space<hbm>> -> memref<128x128xf32, #tpu.memory_space<hbm>>
    %dma_wait3A_2610 = arith.constant 0 : i32
    %dma_wait3A_2611 = arith.constant 0 : i32
    %dma_wait3A_2612 = tpu.memref_slice %arg2[%dma_wait3A_2605, %dma_wait3A_2610, %dma_wait3A_2611] : memref<2x2048x32000xf32, #tpu.memory_space<hbm>> -> memref<1x128x128xf32, #tpu.memory_space<hbm>>
    %dma_wait3A_2613 = tpu.memref_squeeze %dma_wait3A_2612 : memref<1x128x128xf32, #tpu.memory_space<hbm>> -> memref<128x128xf32, #tpu.memory_space<hbm>>
    tpu.wait_dma2 semaphore(%arg18 : memref<!tpu.dma_semaphore, #tpu.memory_space<semaphore_mem>>) src(%dma_wait3A_2613 : memref<128x128xf32, #tpu.memory_space<hbm>>) dst(%arg8 : memref<128x128xf32, #tpu.memory_space<vmem>>)
    %get3A_2614 = arith.constant 96 : index
    %get3A_2615 = tpu.vector_load %arg6[%get3A_2614] {strides = array<i32>} : memref<128xi32, #tpu.memory_space<vmem>>, vector<16xi32>,
    %and3A_2616 = arith.constant 127 : i32
    %and3A_2617 = vector.broadcast %and3A_2616 : i32 to vector<16xi32>
    %and3A_2618 = arith.andi %get3A_2615, %and3A_2617 : vector<16xi32>
    %gather3A_2619 = tpu.vector_load_idx %arg8[%add3A_108, %and3A_2618] : memref<128x128xf32, #tpu.memory_space<vmem>>[vector<16xi32>, vector<16xi32>], vector<16xf32>,
    %get3A_2620 = arith.constant 96 : index
    %get3A_2621 = tpu.vector_load %arg7[%get3A_2620] {strides = array<i32>} : memref<128xf32, #tpu.memory_space<vmem>>, vector<16xf32>,
    %mul3A_2622 = arith.mulf %gather3A_2619, %get3A_2621 : vector<16xf32>
    %add3A_2623 = arith.addf %add3A_2603, %mul3A_2622 : vector<16xf32>
    %add3A_2624 = arith.addf %add3A_2604, %get3A_2621 : vector<16xf32>
    %dma_wait3A_2625 = arith.constant 0 : i32
    %dma_wait3A_2626 = arith.constant 0 : i32
    %dma_wait3A_2627 = arith.constant 0 : i32
    %dma_wait3A_2628 = tpu.memref_slice %arg2[%dma_wait3A_2625, %dma_wait3A_2626, %dma_wait3A_2627] : memref<2x2048x32000xf32, #tpu.memory_space<hbm>> -> memref<1x128x128xf32, #tpu.memory_space<hbm>>
    %dma_wait3A_2629 = tpu.memref_squeeze %dma_wait3A_2628 : memref<1x128x128xf32, #tpu.memory_space<hbm>> -> memref<128x128xf32, #tpu.memory_space<hbm>>
    %dma_wait3A_2630 = arith.constant 0 : i32
    %dma_wait3A_2631 = arith.constant 0 : i32
    %dma_wait3A_2632 = tpu.memref_slice %arg2[%dma_wait3A_2625, %dma_wait3A_2630, %dma_wait3A_2631] : memref<2x2048x32000xf32, #tpu.memory_space<hbm>> -> memref<1x128x128xf32, #tpu.memory_space<hbm>>
    %dma_wait3A_2633 = tpu.memref_squeeze %dma_wait3A_2632 : memref<1x128x128xf32, #tpu.memory_space<hbm>> -> memref<128x128xf32, #tpu.memory_space<hbm>>
    tpu.wait_dma2 semaphore(%arg19 : memref<!tpu.dma_semaphore, #tpu.memory_space<semaphore_mem>>) src(%dma_wait3A_2633 : memref<128x128xf32, #tpu.memory_space<hbm>>) dst(%arg9 : memref<128x128xf32, #tpu.memory_space<vmem>>)
    %get3A_2634 = arith.constant 112 : index
    %get3A_2635 = tpu.vector_load %arg6[%get3A_2634] {strides = array<i32>} : memref<128xi32, #tpu.memory_space<vmem>>, vector<16xi32>,
    %and3A_2636 = arith.constant 127 : i32
    %and3A_2637 = vector.broadcast %and3A_2636 : i32 to vector<16xi32>
    %and3A_2638 = arith.andi %get3A_2635, %and3A_2637 : vector<16xi32>
    %gather3A_2639 = tpu.vector_load_idx %arg9[%add3A_108, %and3A_2638] : memref<128x128xf32, #tpu.memory_space<vmem>>[vector<16xi32>, vector<16xi32>], vector<16xf32>,
    %get3A_2640 = arith.constant 112 : index
    %get3A_2641 = tpu.vector_load %arg7[%get3A_2640] {strides = array<i32>} : memref<128xf32, #tpu.memory_space<vmem>>, vector<16xf32>,
    %mul3A_2642 = arith.mulf %gather3A_2639, %get3A_2641 : vector<16xf32>
    %add3A_2643 = arith.addf %add3A_2623, %mul3A_2642 : vector<16xf32>
    %add3A_2644 = arith.addf %add3A_2624, %get3A_2641 : vector<16xf32>
    %swap3A_2645 = arith.constant 0 : i32
    %swap3A_2646 = arith.index_cast %swap3A_2645 : i32 to index
    %swap3A_2647 = arith.constant 0 : index
    %swap3A_2648 = tpu.vector_load %arg14[%swap3A_2646, %swap3A_2647] {strides = array<i32>} : memref<16x16xf32, #tpu.memory_space<vmem>>, vector<16xf32>,
    tpu.vector_store %arg14[%swap3A_2646, %swap3A_2647], %add3A_2643 {strides = array<i32>} : memref<16x16xf32, #tpu.memory_space<vmem>>, vector<16xf32>,
    %swap3A_2649 = arith.constant 1 : i32
    %swap3A_2650 = arith.index_cast %swap3A_2649 : i32 to index
    %swap3A_2651 = arith.constant 0 : index
    %swap3A_2652 = tpu.vector_load %arg14[%swap3A_2650, %swap3A_2651] {strides = array<i32>} : memref<16x16xf32, #tpu.memory_space<vmem>>, vector<16xf32>,
    tpu.vector_store %arg14[%swap3A_2650, %swap3A_2651], %add3A_2644 {strides = array<i32>} : memref<16x16xf32, #tpu.memory_space<vmem>>, vector<16xf32>,
    %barrier3A = arith.constant 0 : index
    tpu.barrier barrier_id(%barrier3A)
    %iota3A_2653 = tpu.iota {dimensions = array<i32: 0>} : vector<16xi32>
    "tpu.region"() ({
      %run_scoped3A = tpu.sem_alloc : memref<!tpu.dma_semaphore, #tpu.memory_space<semaphore_mem>>
      %dma_start3A_2731 = arith.constant 0 : i32
      %dma_start3A_2732 = arith.constant 0 : i32
      %dma_start3A_2733 = tpu.memref_slice %arg17[%dma_start3A_2731, %dma_start3A_2732] : memref<16x16xf32, #tpu.memory_space<vmem_shared>> -> memref<16x16xf32, #tpu.memory_space<vmem_shared>>
      tpu.enqueue_indirect_dma source(%arg14 : memref<16x16xf32, #tpu.memory_space<vmem>>) target(%dma_start3A_2733 : memref<16x16xf32, #tpu.memory_space<vmem_shared>>) offsets(%iota3A_2653 : vector<16xi32>) semaphore(%run_scoped3A : memref<!tpu.dma_semaphore, #tpu.memory_space<semaphore_mem>>) {add = true}
      %dma_wait3A_2734 = arith.constant 0 : i32
      %dma_wait3A_2735 = arith.constant 0 : i32
      %dma_wait3A_2736 = tpu.memref_slice %arg17[%dma_wait3A_2734, %dma_wait3A_2735] : memref<16x16xf32, #tpu.memory_space<vmem_shared>> -> memref<16x16xf32, #tpu.memory_space<vmem_shared>>
      tpu.wait_indirect_dma semaphore(%run_scoped3A : memref<!tpu.dma_semaphore, #tpu.memory_space<semaphore_mem>>) src(%arg14 : memref<16x16xf32, #tpu.memory_space<vmem>>) dst(%dma_wait3A_2736 : memref<16x16xf32, #tpu.memory_space<vmem_shared>>)
      tpu.yield
    }) : () -> ()
    %barrier3A_2654 = arith.constant 0 : index
    tpu.barrier barrier_id(%barrier3A_2654)
    "tpu.region"() ({
      %run_scoped3A = tpu.sem_alloc : memref<!tpu.dma_semaphore, #tpu.memory_space<semaphore_mem>>
      tpu.enqueue_dma source(%arg17 : memref<16x16xf32, #tpu.memory_space<vmem_shared>>) target(%arg15 : memref<16x16xf32, #tpu.memory_space<vmem>>) target_semaphore(%run_scoped3A : memref<!tpu.dma_semaphore, #tpu.memory_space<semaphore_mem>>)
      tpu.wait_dma2 semaphore(%run_scoped3A : memref<!tpu.dma_semaphore, #tpu.memory_space<semaphore_mem>>) src(%arg17 : memref<16x16xf32, #tpu.memory_space<vmem_shared>>) dst(%arg15 : memref<16x16xf32, #tpu.memory_space<vmem>>)
      tpu.yield
    }) : () -> ()
    %get3A_2655 = arith.constant 0 : i32
    %get3A_2656 = arith.index_cast %get3A_2655 : i32 to index
    %get3A_2657 = arith.constant 0 : index
    %get3A_2658 = tpu.vector_load %arg15[%get3A_2656, %get3A_2657] {strides = array<i32>} : memref<16x16xf32, #tpu.memory_space<vmem>>, vector<16xf32>,
    %get3A_2659 = arith.constant 1 : i32
    %get3A_2660 = arith.index_cast %get3A_2659 : i32 to index
    %get3A_2661 = arith.constant 0 : index
    %get3A_2662 = tpu.vector_load %arg15[%get3A_2660, %get3A_2661] {strides = array<i32>} : memref<16x16xf32, #tpu.memory_space<vmem>>, vector<16xf32>,
    %swap3A_2663 = arith.constant 0 : index
    %swap3A_2664 = tpu.vector_load %arg16[%swap3A_2663] {strides = array<i32>} : memref<16xf32, #tpu.memory_space<vmem>>, vector<16xf32>,
    tpu.vector_store %arg16[%swap3A_2663], %get3A_2658 {strides = array<i32>} : memref<16xf32, #tpu.memory_space<vmem>>, vector<16xf32>,
    %xor3A = arith.constant 8 : i32
    %xor3A_2665 = vector.broadcast %xor3A : i32 to vector<16xi32>
    %xor3A_2666 = arith.xori %iota3A, %xor3A_2665 : vector<16xi32>
    %gather3A_2667 = tpu.vector_load_idx %arg16[%xor3A_2666] : memref<16xf32, #tpu.memory_space<vmem>>[vector<16xi32>], vector<16xf32>,
    %add3A_2668 = arith.addf %get3A_2658, %gather3A_2667 : vector<16xf32>
    %swap3A_2669 = arith.constant 0 : index
    %swap3A_2670 = tpu.vector_load %arg16[%swap3A_2669] {strides = array<i32>} : memref<16xf32, #tpu.memory_space<vmem>>, vector<16xf32>,
    tpu.vector_store %arg16[%swap3A_2669], %get3A_2662 {strides = array<i32>} : memref<16xf32, #tpu.memory_space<vmem>>, vector<16xf32>,
    %xor3A_2671 = arith.constant 8 : i32
    %xor3A_2672 = vector.broadcast %xor3A_2671 : i32 to vector<16xi32>
    %xor3A_2673 = arith.xori %iota3A, %xor3A_2672 : vector<16xi32>
    %gather3A_2674 = tpu.vector_load_idx %arg16[%xor3A_2673] : memref<16xf32, #tpu.memory_space<vmem>>[vector<16xi32>], vector<16xf32>,
    %add3A_2675 = arith.addf %get3A_2662, %gather3A_2674 : vector<16xf32>
    %swap3A_2676 = arith.constant 0 : index
    %swap3A_2677 = tpu.vector_load %arg16[%swap3A_2676] {strides = array<i32>} : memref<16xf32, #tpu.memory_space<vmem>>, vector<16xf32>,
    tpu.vector_store %arg16[%swap3A_2676], %add3A_2668 {strides = array<i32>} : memref<16xf32, #tpu.memory_space<vmem>>, vector<16xf32>,
    %xor3A_2678 = arith.constant 4 : i32
    %xor3A_2679 = vector.broadcast %xor3A_2678 : i32 to vector<16xi32>
    %xor3A_2680 = arith.xori %iota3A, %xor3A_2679 : vector<16xi32>
    %gather3A_2681 = tpu.vector_load_idx %arg16[%xor3A_2680] : memref<16xf32, #tpu.memory_space<vmem>>[vector<16xi32>], vector<16xf32>,
    %add3A_2682 = arith.addf %add3A_2668, %gather3A_2681 : vector<16xf32>
    %swap3A_2683 = arith.constant 0 : index
    %swap3A_2684 = tpu.vector_load %arg16[%swap3A_2683] {strides = array<i32>} : memref<16xf32, #tpu.memory_space<vmem>>, vector<16xf32>,
    tpu.vector_store %arg16[%swap3A_2683], %add3A_2675 {strides = array<i32>} : memref<16xf32, #tpu.memory_space<vmem>>, vector<16xf32>,
    %xor3A_2685 = arith.constant 4 : i32
    %xor3A_2686 = vector.broadcast %xor3A_2685 : i32 to vector<16xi32>
    %xor3A_2687 = arith.xori %iota3A, %xor3A_2686 : vector<16xi32>
    %gather3A_2688 = tpu.vector_load_idx %arg16[%xor3A_2687] : memref<16xf32, #tpu.memory_space<vmem>>[vector<16xi32>], vector<16xf32>,
    %add3A_2689 = arith.addf %add3A_2675, %gather3A_2688 : vector<16xf32>
    %swap3A_2690 = arith.constant 0 : index
    %swap3A_2691 = tpu.vector_load %arg16[%swap3A_2690] {strides = array<i32>} : memref<16xf32, #tpu.memory_space<vmem>>, vector<16xf32>,
    tpu.vector_store %arg16[%swap3A_2690], %add3A_2682 {strides = array<i32>} : memref<16xf32, #tpu.memory_space<vmem>>, vector<16xf32>,
    %xor3A_2692 = arith.constant 2 : i32
    %xor3A_2693 = vector.broadcast %xor3A_2692 : i32 to vector<16xi32>
    %xor3A_2694 = arith.xori %iota3A, %xor3A_2693 : vector<16xi32>
    %gather3A_2695 = tpu.vector_load_idx %arg16[%xor3A_2694] : memref<16xf32, #tpu.memory_space<vmem>>[vector<16xi32>], vector<16xf32>,
    %add3A_2696 = arith.addf %add3A_2682, %gather3A_2695 : vector<16xf32>
    %swap3A_2697 = arith.constant 0 : index
    %swap3A_2698 = tpu.vector_load %arg16[%swap3A_2697] {strides = array<i32>} : memref<16xf32, #tpu.memory_space<vmem>>, vector<16xf32>,
    tpu.vector_store %arg16[%swap3A_2697], %add3A_2689 {strides = array<i32>} : memref<16xf32, #tpu.memory_space<vmem>>, vector<16xf32>,
    %xor3A_2699 = arith.constant 2 : i32
    %xor3A_2700 = vector.broadcast %xor3A_2699 : i32 to vector<16xi32>
    %xor3A_2701 = arith.xori %iota3A, %xor3A_2700 : vector<16xi32>
    %gather3A_2702 = tpu.vector_load_idx %arg16[%xor3A_2701] : memref<16xf32, #tpu.memory_space<vmem>>[vector<16xi32>], vector<16xf32>,
    %add3A_2703 = arith.addf %add3A_2689, %gather3A_2702 : vector<16xf32>
    %swap3A_2704 = arith.constant 0 : index
    %swap3A_2705 = tpu.vector_load %arg16[%swap3A_2704] {strides = array<i32>} : memref<16xf32, #tpu.memory_space<vmem>>, vector<16xf32>,
    tpu.vector_store %arg16[%swap3A_2704], %add3A_2696 {strides = array<i32>} : memref<16xf32, #tpu.memory_space<vmem>>, vector<16xf32>,
    %xor3A_2706 = arith.constant 1 : i32
    %xor3A_2707 = vector.broadcast %xor3A_2706 : i32 to vector<16xi32>
    %xor3A_2708 = arith.xori %iota3A, %xor3A_2707 : vector<16xi32>
    %gather3A_2709 = tpu.vector_load_idx %arg16[%xor3A_2708] : memref<16xf32, #tpu.memory_space<vmem>>[vector<16xi32>], vector<16xf32>,
    %add3A_2710 = arith.addf %add3A_2696, %gather3A_2709 : vector<16xf32>
    %swap3A_2711 = arith.constant 0 : index
    %swap3A_2712 = tpu.vector_load %arg16[%swap3A_2711] {strides = array<i32>} : memref<16xf32, #tpu.memory_space<vmem>>, vector<16xf32>,
    tpu.vector_store %arg16[%swap3A_2711], %add3A_2703 {strides = array<i32>} : memref<16xf32, #tpu.memory_space<vmem>>, vector<16xf32>,
    %xor3A_2713 = arith.constant 1 : i32
    %xor3A_2714 = vector.broadcast %xor3A_2713 : i32 to vector<16xi32>
    %xor3A_2715 = arith.xori %iota3A, %xor3A_2714 : vector<16xi32>
    %gather3A_2716 = tpu.vector_load_idx %arg16[%xor3A_2715] : memref<16xf32, #tpu.memory_space<vmem>>[vector<16xi32>], vector<16xf32>,
    %add3A_2717 = arith.addf %add3A_2703, %gather3A_2716 : vector<16xf32>
    %swap3A_2718 = arith.constant 0 : i32
    %swap3A_2719 = arith.index_cast %swap3A_2718 : i32 to index
    %swap3A_2720 = arith.constant 0 : index
    %swap3A_2721 = tpu.vector_load %arg14[%swap3A_2719, %swap3A_2720] {strides = array<i32>} : memref<16x16xf32, #tpu.memory_space<vmem>>, vector<16xf32>,
    tpu.vector_store %arg14[%swap3A_2719, %swap3A_2720], %add3A_2710 {strides = array<i32>} : memref<16x16xf32, #tpu.memory_space<vmem>>, vector<16xf32>,
    %swap3A_2722 = arith.constant 1 : i32
    %swap3A_2723 = arith.index_cast %swap3A_2722 : i32 to index
    %swap3A_2724 = arith.constant 0 : index
    %swap3A_2725 = tpu.vector_load %arg14[%swap3A_2723, %swap3A_2724] {strides = array<i32>} : memref<16x16xf32, #tpu.memory_space<vmem>>, vector<16xf32>,
    tpu.vector_store %arg14[%swap3A_2723, %swap3A_2724], %add3A_2717 {strides = array<i32>} : memref<16x16xf32, #tpu.memory_space<vmem>>, vector<16xf32>,
    %eq3A_2726 = arith.constant 0 : i32
    %eq3A_2727 = arith.cmpi eq, %arg1, %eq3A_2726 : i32
    %convert_element_type3A_2728 = arith.extui %eq3A_2727 : i1 to i32
    %cond3A_2729 = arith.constant 0 : i32
    %cond3A_2730 = arith.cmpi ne, %convert_element_type3A_2728, %cond3A_2729 : i32
    scf.if %cond3A_2730 {
      "tpu.region"() ({
        %run_scoped3A = tpu.sem_alloc : memref<!tpu.dma_semaphore, #tpu.memory_space<semaphore_mem>>
        %dma_start3A_2731 = arith.constant 0 : i32
        %dma_start3A_2732 = arith.constant 0 : i32
        %dma_start3A_2733 = tpu.memref_slice %arg14[%dma_start3A_2731, %dma_start3A_2732] : memref<16x16xf32, #tpu.memory_space<vmem>> -> memref<2x16xf32, #tpu.memory_space<vmem>>
        %dma_start3A_2734 = arith.constant 0 : i32
        %dma_start3A_2735 = arith.constant 0 : i32
        %dma_start3A_2736 = tpu.memref_slice %arg5[%arg0, %dma_start3A_2734, %dma_start3A_2735] : memref<2x2x16xf32, #tpu.memory_space<hbm>> -> memref<1x2x16xf32, #tpu.memory_space<hbm>>
        %dma_start3A_2737 = tpu.memref_squeeze %dma_start3A_2736 : memref<1x2x16xf32, #tpu.memory_space<hbm>> -> memref<2x16xf32, #tpu.memory_space<hbm>>
        %dma_start3A_2738 = arith.constant 0 : i32
        %dma_start3A_2739 = arith.constant 0 : i32
        %dma_start3A_2740 = tpu.memref_slice %arg5[%arg0, %dma_start3A_2738, %dma_start3A_2739] : memref<2x2x16xf32, #tpu.memory_space<hbm>> -> memref<1x2x16xf32, #tpu.memory_space<hbm>>
        %dma_start3A_2741 = tpu.memref_squeeze %dma_start3A_2740 : memref<1x2x16xf32, #tpu.memory_space<hbm>> -> memref<2x16xf32, #tpu.memory_space<hbm>>
        %dma_start3A_2742 = arith.constant 0 : i32
        %dma_start3A_2743 = arith.constant 0 : i32
        %dma_start3A_2744 = tpu.memref_slice %arg14[%dma_start3A_2742, %dma_start3A_2743] : memref<16x16xf32, #tpu.memory_space<vmem>> -> memref<2x16xf32, #tpu.memory_space<vmem>>
        tpu.enqueue_dma source(%dma_start3A_2744 : memref<2x16xf32, #tpu.memory_space<vmem>>) target(%dma_start3A_2741 : memref<2x16xf32, #tpu.memory_space<hbm>>) target_semaphore(%run_scoped3A : memref<!tpu.dma_semaphore, #tpu.memory_space<semaphore_mem>>)
        %dma_wait3A_2745 = arith.constant 0 : i32
        %dma_wait3A_2746 = arith.constant 0 : i32
        %dma_wait3A_2747 = tpu.memref_slice %arg14[%dma_wait3A_2745, %dma_wait3A_2746] : memref<16x16xf32, #tpu.memory_space<vmem>> -> memref<2x16xf32, #tpu.memory_space<vmem>>
        %dma_wait3A_2748 = arith.constant 0 : i32
        %dma_wait3A_2749 = arith.constant 0 : i32
        %dma_wait3A_2750 = tpu.memref_slice %arg5[%arg0, %dma_wait3A_2748, %dma_wait3A_2749] : memref<2x2x16xf32, #tpu.memory_space<hbm>> -> memref<1x2x16xf32, #tpu.memory_space<hbm>>
        %dma_wait3A_2751 = tpu.memref_squeeze %dma_wait3A_2750 : memref<1x2x16xf32, #tpu.memory_space<hbm>> -> memref<2x16xf32, #tpu.memory_space<hbm>>
        %dma_wait3A_2752 = arith.constant 0 : i32
        %dma_wait3A_2753 = arith.constant 0 : i32
        %dma_wait3A_2754 = tpu.memref_slice %arg5[%arg0, %dma_wait3A_2752, %dma_wait3A_2753] : memref<2x2x16xf32, #tpu.memory_space<hbm>> -> memref<1x2x16xf32, #tpu.memory_space<hbm>>
        %dma_wait3A_2755 = tpu.memref_squeeze %dma_wait3A_2754 : memref<1x2x16xf32, #tpu.memory_space<hbm>> -> memref<2x16xf32, #tpu.memory_space<hbm>>
        %dma_wait3A_2756 = arith.constant 0 : i32
        %dma_wait3A_2757 = arith.constant 0 : i32
        %dma_wait3A_2758 = tpu.memref_slice %arg14[%dma_wait3A_2756, %dma_wait3A_2757] : memref<16x16xf32, #tpu.memory_space<vmem>> -> memref<2x16xf32, #tpu.memory_space<vmem>>
        tpu.wait_dma2 semaphore(%run_scoped3A : memref<!tpu.dma_semaphore, #tpu.memory_space<semaphore_mem>>) src(%dma_wait3A_2758 : memref<2x16xf32, #tpu.memory_space<vmem>>) dst(%dma_wait3A_2755 : memref<2x16xf32, #tpu.memory_space<hbm>>)
        tpu.yield
      }) : () -> ()
    } else {
    }
    return
  }
}

</mosaic_0001>

<sc_bundles>
// kernel: kernel.3.cloned.1.call-start
scs
__scs_entry_jumppad:
0x0: {  	(pc) =	sbr.rel $0x88, $3  }
0x1: {  	(tag) =	ssettag $0x0;
	lr =	simm.s32 $0x1  }
0x2: {  	[smem:$0x3F9E] =	sst lr;
	_ =	strace $0xD0000000  }
0x3: {  	_ = 	snop  }
0x4: {  	_ = 	snop  }
0x5: {  	_ = 	snop  }
0x6: {  	_ = 	snop  }
0x7: {  	_ = 	snop  }
__scs_overlays_trampoline_lowered:
0x8: {  	[smem:$0x3FAD] =	sst s0  }
0x9: {  	[smem:$0x3FAE] =	sst s1  }
0xa: {  	[smem:$0x3FAF] =	sst s2  }
0xb: {  	[smem:$0x3FB0] =	sst s3  }
0xc: {  	[smem:$0x3FB1] =	sst s4  }
0xd: {  	[smem:$0x3FB2] =	sst s5  }
0xe: {  	[smem:$0x3FB3] =	sst s6  }
0xf: {  	[smem:$0x3FB4] =	sst s7  }
0x10: {  	[smem:$0x3FB5] =	sst s8  }
0x11: {  	[smem:$0x3FB6] =	sst s9;
	s0 =	simm.s32 @!p0 $0x0  }
0x12: {  	s1 =	sld [smem:$0x3F9C];
	s0 =	simm.s32 @p0 $0x1  }
0x13: {  	[smem:$0x3FB7] =	sst s0;
	s0 =	simm.s32 @!p1 $0x0  }
0x14: {  	s2 =	sld [smem:$0x3F9B];
	s0 =	simm.s32 @p1 $0x1  }
0x15: {  	[smem:$0x3FB8] =	sst s0;
	s0 =	simm.s32 @!p2 $0x0  }
0x16: {  	s3 =	sld [smem:$0x3FDB];
	s0 =	simm.s32 @p2 $0x1  }
0x17: {  	s4 =	simm.s32 $0x1BF5;
	[smem:$0x3FBA] =	sst s0  }
0x18: {  	s0 =	sld [smem:$0x3F9D];
	_ =	swait.ge [sflag:s4], $0x0  }
0x19: {  	s7 =	sld [smem:$0x3F9E]  }
0x1a: {  	s8 =	sadd.s32 $0xFFFFE003, lr  }
0x1b: {  	s9 =	sadd.s32 $0xFFFFFEF7, lr;
	s5 =	simm.s32 $0xFFFFFFFF;
	p2 =	slt.u32 s8, $0xFFFFF086  }
0x1c: {  	p1 =	slt.u32 s9, $0xF7A;
	s5 =	simm.s32 @!p2 $0x0  }
0x1d: {  	s5 =	simm.s32 @p1 $0x1;
	p0 =	seq.s32 s7, s2  }
0x1e: {  	s7 =	smul.u32 @!p0 $0xF7A, s2;
	p2 =	seq.s32 @!p0 s5, $0x0  }
0x1f: {  	s9 =	smul.u32 $0xF7A, s1;
	s8 =	simm.s32 @!p0 $0x1BF5;
	p2 =	por !p2, p0  }
0x20: {  	[sflag:s8] =	ssyncset.s32 @!p0 $0xFFFFF086;
	s6 =	sadd.s32 @!p0 s3, s7;
	s7 =	simm.s32 @!p0 $0x108  }
0x21: {  	s3 =	sadd.s32 s3, s9;
	s6 =	sadd.s32 @!p0 $0x88, s6;
	s7 =	simm.s32 @p2 $0x1082  }
0x22: {  	[simem:s7], [sflag:s8] =	dma.local @!p0 [hbm:s6], $0xF7A  }
0x23: {  	s9 =	sor.u32 $0xD0000000, s2;
	s6 =	simm.s32 $0x108;
	_ =	swait.ge @!p0 [sflag:s8], $0x0  }
0x24: {  	s3 =	sadd.s32 $0x88, s3;
	s6 =	simm.s32 @!p1 $0x1082;
	[sflag:s4] =	ssyncset.s32 $0xFFFFF086  }
0x25: {  	[simem:s6], [sflag:s4] =	dma.local [hbm:s3], $0xF7A  }
0x26: {  	[smem:$0x3F9E] =	sst s1;
	(tag) =	ssettag s2;
	_ =	strace s9  }
0x27: {  	s1 =	sld [smem:$0x3FAE]  }
0x28: {  	s2 =	sld [smem:$0x3FAF]  }
0x29: {  	s4 =	sld [smem:$0x3FB1]  }
0x2a: {  	p0 =	seq.s32 s5, $0x0;
	s5 =	sld [smem:$0x3FB2]  }
0x2b: {  	s6 =	sld [smem:$0x3FB3]  }
0x2c: {  	s7 =	sld [smem:$0x3FB4]  }
0x2d: {  	s3 =	simm.s32 $0x108;
	s8 =	sld [smem:$0x3FB5]  }
0x2e: {  	s3 =	simm.s32 @!p0 $0x1082;
	s9 =	sld [smem:$0x3FB6]  }
0x2f: {  	lr =	sadd.s32 s0, s3;
	s0 =	sld [smem:$0x3FAD]  }
0x30: {  	s3 =	sld [smem:$0x3FB0]  }
0x31: {  	[smem:$0x3FB9] =	sst s10  }
0x32: {  	s10 =	sld [smem:$0x3FB7];
	_ =	sdelay $0x3  }
0x33: {  	p0 =	seq.s32 s10, $0x1;
	s10 =	sld [smem:$0x3FB9];
	_ =	sdelay $0x3  }
0x34: {  	[smem:$0x3FB9] =	sst s10  }
0x35: {  	s10 =	sld [smem:$0x3FB8];
	_ =	sdelay $0x3  }
0x36: {  	p1 =	seq.s32 s10, $0x1;
	s10 =	sld [smem:$0x3FB9];
	_ =	sdelay $0x3  }
0x37: {  	[smem:$0x3FB9] =	sst s10  }
0x38: {  	s10 =	sld [smem:$0x3FBA]  }
0x39: {  	_ = 	snop;
	(pc) =	sbr.ind lr, $3  }
0x3a: {  	_ = 	snop  }
0x3b: {  	_ = 	snop  }
0x3c: {  	p2 =	seq.s32 s10, $0x1;
	s10 =	sld [smem:$0x3FB9]  }
0x3d: {  	_ =	shalt  }
0x3e: {  	_ =	shalt  }
0x3f: {  	_ =	shalt  }
0x40: {  	_ =	shalt  }
0x41: {  	_ =	shalt  }
0x42: {  	_ =	shalt  }
0x43: {  	_ =	shalt  }
0x44: {  	_ =	shalt  }
0x45: {  	_ =	shalt  }
0x46: {  	_ =	shalt  }
0x47: {  	_ =	shalt  }
0x48: {  	_ =	shalt  }
0x49: {  	_ =	shalt  }
0x4a: {  	_ =	shalt  }
0x4b: {  	_ =	shalt  }
0x4c: {  	_ =	shalt  }
0x4d: {  	_ =	shalt  }
0x4e: {  	_ =	shalt  }
0x4f: {  	_ =	shalt  }
0x50: {  	_ =	shalt  }
0x51: {  	_ =	shalt  }
0x52: {  	_ =	shalt  }
0x53: {  	_ =	shalt  }
0x54: {  	_ =	shalt  }
0x55: {  	_ =	shalt  }
0x56: {  	_ =	shalt  }
0x57: {  	_ =	shalt  }
0x58: {  	_ =	shalt  }
0x59: {  	_ =	shalt  }
0x5a: {  	_ =	shalt  }
0x5b: {  	_ =	shalt  }
0x5c: {  	_ =	shalt  }
0x5d: {  	_ =	shalt  }
0x5e: {  	_ =	shalt  }
0x5f: {  	_ =	shalt  }
0x60: {  	_ =	shalt  }
0x61: {  	_ =	shalt  }
0x62: {  	_ =	shalt  }
0x63: {  	_ =	shalt  }
0x64: {  	_ =	shalt  }
0x65: {  	_ =	shalt  }
0x66: {  	_ =	shalt  }
0x67: {  	_ =	shalt  }
0x68: {  	_ =	shalt  }
0x69: {  	_ =	shalt  }
0x6a: {  	_ =	shalt  }
0x6b: {  	_ =	shalt  }
0x6c: {  	_ =	shalt  }
0x6d: {  	_ =	shalt  }
0x6e: {  	_ =	shalt  }
0x6f: {  	_ =	shalt  }
0x70: {  	_ =	shalt  }
0x71: {  	_ =	shalt  }
0x72: {  	_ =	shalt  }
0x73: {  	_ =	shalt  }
0x74: {  	_ =	shalt  }
0x75: {  	_ =	shalt  }
0x76: {  	_ =	shalt  }
0x77: {  	_ =	shalt  }
0x78: {  	_ =	shalt  }
0x79: {  	_ =	shalt  }
0x7a: {  	_ =	shalt  }
0x7b: {  	_ =	shalt  }
0x7c: {  	_ =	shalt  }
0x7d: {  	_ =	shalt  }
0x7e: {  	_ =	shalt  }
0x7f: {  	_ =	shalt  }
0x80: {  	_ =	shalt  }
0x81: {  	_ =	shalt  }
0x82: {  	_ =	shalt  }
0x83: {  	_ =	shalt  }
0x84: {  	_ =	shalt  }
0x85: {  	_ =	shalt  }
0x86: {  	_ =	shalt  }
0x87: {  	_ =	shalt  }
.Lfunc_end0:
.L_simem_size_0:
called_computation_lowered:
.L_overlay_start_0:
0x88: {  	s2 =	sld [smem:$0x3FD9]  }
0x89: {  	s3 =	sld [smem:$0x3FFE];
	_ =	sdelay $0x1  }
0x8a: {  	s1 =	srdreg.scid  }
0x8b: {  	s0 =	sand.u32 $0x1, s1  }
0x8c: {  	s17 =	sshll.u32 s0, $0xA;
	s2 =	sadd.s32 s3, s2  }
0x8d: {  	s2 =	sadd.s32 s2, s17  }
0x8e: {  	[smem:$0x3FC5] =	sst s2  }
0x8f: {  	_ = 	snop  }
0x90: {  	s2 =	sld [smem:$0x3FC9];
	(tm) =	ssettm $0x1  }
0x91: {  	s18 =	sld [smem:$0x3FFB];
	_ =	sdelay $0x3  }
0x92: {  	_ =	strace s18  }
0x93: {  	s3 =	sld [smem:$0x3FFC];
	_ =	sdelay $0x3  }
0x94: {  	_ =	strace s3  }
0x95: {  	s3 =	sld [smem:$0x3FFD];
	_ =	sdelay $0x3  }
0x96: {  	_ =	strace s3  }
0x97: {  	_ =	strace $0x8FFFFFFF  }
0x98: {  	s19 =	sld [smem:$0x3FDB];
	_ =	sdelay $0x1  }
0x99: {  	s4 =	simm.s32 $_scs_section_size  }
0x9a: {  	s5 =	simm.s32 $_size__tile_overlayer_lowered;
	s6 =	simm.s32 $_tile_overlayer_lowered  }
0x9b: {  	s22 =	simm.s32 $0x1BFF;
	s21 =	sshll.u32 s6, $0x1;
	s3 =	sadd.s32 s4, s19  }
0x9c: {  	s7 =	simm.s32 $0x0;
	s20 =	sshll.u32 s5, $0x1;
	s5 =	sadd.s32 s21, s3  }
0x9d: {  	[timem:s7], [sflag:s22] =	dma.local [hbm:s5], s20  }
0x9e: {  	_ =	swait.ge [sflag:s22], s20  }
0x9f: {  	s4 =	ssub.s32 $0x0, s20;
	[sflag:s22] =	ssyncset.done $0x0  }
0xa0: {  	[sflag:s22] =	ssyncadd.s32 s4;
	_ =	sdelay $0x1  }
0xa1: {  	s23 =	simm.s32 $0x1B8B  }
0xa2: {  	_ =	swait.ge [sflag:s23], $0x1  }
0xa3: {  	[sflag:s23] =	ssyncset.done $0x0  }
0xa4: {  	s25 =	simm.s32 $0x1B8E;
	s24 =	sld [smem:$0x3FFE];
	[sflag:s23] =	ssyncadd.s32 $0xFFFFFFFF  }
0xa5: {  	s26 =	simm.s32 $execute0_lowered;
	[smem:$0x3FD2] =	sst s25  }
0xa6: {  	s5 =	sshll.u32 s26, $0x1;
	_ =	strace $0x80000046;
	[dreg:$0x1] =	wrdreg $0xFFFFFFFF  }
0xa7: {  	s28 =	simm.s32 $_size_execute0_lowered;
	s3 =	sadd.s32 s3, s5;
	[dreg:$0x0] =	wrdreg $0x0  }
0xa8: {  	s5 =	sshll.u32 s28, $0x1;
	[dreg:$0x2] =	wrdreg s3  }
0xa9: {  	[dreg:$0x3] =	wrdreg s5  }
0xaa: {  	[dreg:$0x4] =	wrdreg $0xC0  }
0xab: {  	_ =	task [dreg:s7], $0x5FFFF  }
0xac: {  	[dreg:$0x1] =	wrdreg $0xFFFFFFFF  }
0xad: {  	[dreg:$0x0] =	wrdreg $0x60  }
0xae: {  	[dreg:$0x2] =	wrdreg s2  }
0xaf: {  	[dreg:$0x3] =	wrdreg s24  }
0xb0: {  	[dreg:$0x4] =	wrdreg $0x191800  }
0xb1: {  	[dreg:$0x5] =	wrdreg $0x9  }
0xb2: {  	_ =	task.clear_ibuf [dreg:s7], $0x6FFFF;
	_ =	strace $0x90000046  }
0xb3: {  	s29 =	simm.s32 $0x9;
	_ =	strace $0x80000048  }
0xb4: {  	_ =	swait.ge [sflag:s29], $0x1  }
0xb5: {  	[sflag:s29] =	ssyncadd.s32 $0xFFFFFFFF  }
0xb6: {  	_ =	strace $0x90000048  }
0xb7: {  	_ =	sfence  }
0xb8: {  	s30 =	sld [smem:$0x0];
	_ =	sdelay $0x2  }
0xb9: {  	s31 =	sshll.u32 s1, $0xD;
	s1 =	sshrl.u32 s1, $0x2  }
0xba: {  	s3 =	sand.u32 $0x4000, s31;
	s1 =	sadd.s32 s1, s30  }
0xbb: {  	s0 =	sor.u32 s3, s0;
	s1 =	sshll.u32 s1, $0x11  }
0xbc: {  	s0 =	sor.u32 s1, s0  }
0xbd: {  	s0 =	sadd.s32 $0x8F2B, s0  }
0xbe: {  	[sflag:s0] =	ssyncadd.remote.s32 $0x1  }
0xbf: {  	_ =	sfence.sel $0xFFFF  }
0xc0: {  	[dreg:$0x0] =	wrdreg $0xFFFFFFFF;
	(pc) =	sbr.abs _section_cstart, $3  }
0xc1: {  	[dreg:$0x1] =	wrdreg $0xFFFFFFFF  }
0xc2: {  	_ =	task.clear_ibuf [dreg:s7], $0x2FFFF;
	_ =	strace $0x9FFFFFFF  }
0xc3: {  	(tm) =	ssettm $0x7FFFFFFF  }
tec
execute0_lowered:
.L_overlay_start_1:
0x0: {  	(tag) =	ssettag $0x1  }
0x1: {  	s0 =	rddreg [dreg:$0x0]  }
0x2: {  	s5 =	rddreg [dreg:$0x1];
	s3 =	simm.s32 $0x0  }
0x3: {  	s9 =	simm.s32 $0x8900;
	[smem:$0x7FF] =	sst s3  }
0x4: {  	s10 =	simm.s32 $0x8D00;
	_ =	strace $0x80000047;
	[dreg:$0x9] =	wrdreg s9  }
0x5: {  	s11 =	simm.s32 $0x9100;
	[dreg:$0xa] =	wrdreg s10  }
0x6: {  	s12 =	simm.s32 $0x9500;
	[dreg:$0xb] =	wrdreg s11  }
0x7: {  	s13 =	simm.s32 $0x9900;
	[dreg:$0xc] =	wrdreg s12  }
0x8: {  	s14 =	simm.s32 $0x9D00;
	[dreg:$0xd] =	wrdreg s13  }
0x9: {  	s15 =	simm.s32 $0xA100;
	[dreg:$0xe] =	wrdreg s14  }
0xa: {  	s16 =	simm.s32 $0xA500;
	[dreg:$0xf] =	wrdreg s15  }
0xb: {  	s17 =	simm.s32 $0xA900;
	[dreg:$0x10] =	wrdreg s16  }
0xc: {  	s18 =	simm.s32 $0xAD00;
	[dreg:$0x11] =	wrdreg s17  }
0xd: {  	s19 =	simm.s32 $0xB100;
	[dreg:$0x12] =	wrdreg s18  }
0xe: {  	s20 =	simm.s32 $0xB500;
	[dreg:$0x13] =	wrdreg s19  }
0xf: {  	s21 =	simm.s32 $0xB900;
	[dreg:$0x14] =	wrdreg s20  }
0x10: {  	s22 =	simm.s32 $0xBD00;
	[dreg:$0x15] =	wrdreg s21  }
0x11: {  	s23 =	simm.s32 $0xC500;
	[dreg:$0x16] =	wrdreg s22  }
0x12: {  	s24 =	simm.s32 $0xC900;
	[dreg:$0x17] =	wrdreg s23  }
0x13: {  	s25 =	simm.s32 $0xCD00;
	[dreg:$0x18] =	wrdreg s24  }
0x14: {  	s26 =	simm.s32 $0xD100;
	[dreg:$0x19] =	wrdreg s25  }
0x15: {  	s28 =	simm.s32 $0xD500;
	[dreg:$0x1a] =	wrdreg s26  }
0x16: {  	[dreg:$0x1b] =	wrdreg s28;
	s9 =	simm.s32 $0xE900  }
0x17: {  	s10 =	simm.s32 $0xED00;
	[smem:$0x7D8] =	sst s9  }
0x18: {  	s11 =	simm.s32 $0xF100;
	[smem:$0x7D9] =	sst s10  }
0x19: {  	s12 =	simm.s32 $0xF500;
	[smem:$0x7DA] =	sst s11  }
0x1a: {  	s13 =	simm.s32 $0xF900;
	[smem:$0x7DB] =	sst s12  }
0x1b: {  	s14 =	simm.s32 $0xFD00;
	[smem:$0x7DC] =	sst s13  }
0x1c: {  	s15 =	simm.s32 $0x10500;
	[smem:$0x7DD] =	sst s14  }
0x1d: {  	s16 =	simm.s32 $0x10900;
	[smem:$0x7DE] =	sst s15  }
0x1e: {  	s17 =	simm.s32 $0x10D00;
	[smem:$0x7DF] =	sst s16  }
0x1f: {  	s18 =	simm.s32 $0x11100;
	[smem:$0x7E0] =	sst s17  }
0x20: {  	s19 =	simm.s32 $0x11500;
	[smem:$0x7E1] =	sst s18  }
0x21: {  	s2 =	srdreg.scid;
	s21 =	simm.s32 $0x11900;
	[smem:$0x7E2] =	sst s19  }
0x22: {  	s1 =	stileid.u32;
	s23 =	simm.s32 $0x11D00;
	[smem:$0x7E3] =	sst s21  }
0x23: {  	s4 =	sand.u32 $0x1, s2;
	s24 =	simm.s32 $0x12100;
	[smem:$0x7E4] =	sst s23  }
0x24: {  	s29 =	sshll.u32 s1, $0x5;
	s25 =	simm.s32 $0x12500;
	[smem:$0x7E5] =	sst s24  }
0x25: {  	s6 =	sshll.u32 s4, $0x4;
	s28 =	simm.s32 $0x12900;
	[smem:$0x7E6] =	sst s25  }
0x26: {  	s2 =	sor.u32 s6, s29;
	s29 =	simm.s32 $0xD900;
	[smem:$0x7E7] =	sst s28  }
0x27: {  	s21 =	simm.s32 $0x13100;
	[dreg:$0x1c] =	wrdreg s29  }
0x28: {  	s23 =	simm.s32 $0x13900;
	[smem:$0x7E9] =	sst s21  }
0x29: {  	s9 =	simm.s32 $0x13D00;
	[smem:$0x7EB] =	sst s23  }
0x2a: {  	s10 =	simm.s32 $0x14500;
	[smem:$0x7EC] =	sst s9  }
0x2b: {  	s11 =	simm.s32 $0x14900;
	[smem:$0x7ED] =	sst s10  }
0x2c: {  	s12 =	simm.s32 $0x14D00;
	[smem:$0x7EE] =	sst s11  }
0x2d: {  	s13 =	simm.s32 $0x15100;
	[smem:$0x7EF] =	sst s12  }
0x2e: {  	s14 =	simm.s32 $0x15500;
	[smem:$0x7F0] =	sst s13  }
0x2f: {  	s15 =	simm.s32 $0x15900;
	[smem:$0x7F1] =	sst s14  }
0x30: {  	s16 =	simm.s32 $0x15D00;
	[smem:$0x7F2] =	sst s15  }
0x31: {  	s17 =	simm.s32 $0x16100;
	[smem:$0x7F3] =	sst s16  }
0x32: {  	s18 =	simm.s32 $0x16500;
	[smem:$0x7F4] =	sst s17  }
0x33: {  	s7 =	sshll.u32 s4, $0x5;
	s19 =	simm.s32 $0x16900;
	[smem:$0x7F5] =	sst s18  }
0x34: {  	v0 =	vimm.s32 $0x3F80;
	vm0 =	vcmask $0x300;
	s4 =	ssub.s32 $0x2, s4;
	s24 =	simm.s32 $0x17500;
	[smem:$0x7F6] =	sst s19  }
0x35: {  	v2 =	vimm.s32 $0xBA98FEDC;
	v3 =	vimm.s32 $0x32107654;
	s20 =	sshrl.u32 s4, $0x1;
	s25 =	simm.s32 $0x17900;
	[smem:$0x7F9] =	sst s24  }
0x36: {  	v4 =	vimm.s32 $0xDCFE98BA;
	v5 =	vimm.s32 $0x54761032;
	s28 =	simm.s32 $0x18100;
	s6 =	sadd.s32 s2, s5;
	[smem:$0x7FA] =	sst s25  }
0x37: {  	v6 =	vimm.s32 $0x76543210;
	v7 =	vimm.s32 $0xFEDCBA98;
	v0 =	vsel vm0, $0x0, v0;
	s5 =	sadd.s32 s7, s5;
	s7 =	simm.s32 $0x80;
	[smem:$0x7FC] =	sst s28  }
0x38: {  	vm0 =	vcmask $0x704;
	v2 =	vunpack.c.l.s4.s8 v2;
	v3 =	vunpack.c.l.s4.s8 v3;
	s29 =	ssub.s32 s4, s20;
	s20 =	simm.s32 $0x12D00;
	[dreg:$0x7] =	wrdreg s7  }
0x39: {  	v4 =	vunpack.c.l.s4.s8 v4;
	v0 =	vsel vm0, $0x480, v0;
	vm0 =	vcmask $0xB08;
	s21 =	simm.s32 $0x17100;
	[smem:$0x7E8] =	sst s20  }
0x3a: {  	s30 =	simm.s32 $0x100;
	v5 =	vunpack.c.l.s4.s8 v5;
	v6 =	vunpack.c.l.s4.s8 v6;
	v0 =	vsel vm0, $0x900, v0;
	s8 =	sadd.s32 $0x600, s6;
	[smem:$0x7F8] =	sst s21  }
0x3b: {  	s31 =	simm.s32 $0x14100;
	vm0 =	vcmask $0xF0C;
	v2 =	vunpack.c.0.s8.s32 v2;
	v3 =	vunpack.c.0.s8.s32 v3;
	s6 =	sadd.s32 $0x800, s6;
	[dreg:$0x4] =	wrdreg s8  }
0x3c: {  	p0 =	sne.s32 s1, $0x0;
	v4 =	vunpack.c.0.s8.s32 v4;
	v0 =	vsel vm0, $0xD80, v0;
	vm0 =	vcmask $0x1310;
	s5 =	sadd.s32 $0xA00, s5;
	[dreg:$0x5] =	wrdreg s6  }
0x3d: {  	s22 =	sshrl.u32 s1, $0x3;
	v5 =	vunpack.c.0.s8.s32 v5;
	v6 =	vunpack.c.0.s8.s32 v6;
	s7 =	simm.s32 $0xE100;
	v0 =	vsel vm0, $0x1200, v0;
	[dreg:$0x6] =	wrdreg s5  }
0x3e: {  	s1 =	simm.s32 $0x19100;
	s20 =	simm.s32 $0x16D00;
	vm0 =	vcmask $0x1714;
	v8 =	vcombine.low v3, v2;
	v2 =	vimm.s32 $0xEFCDAB89;
	[dreg:$0x1e] =	wrdreg s7  }
0x3f: {  	s2 =	sand.u32 $0xF0, s2;
	v5 =	vcombine.low v5, v4;
	v3 =	vimm.s32 $0x67452301;
	v4 =	vunpack.c.l.s4.s8 v7;
	s8 =	simm.s32 $0x8500;
	[smem:$0x7F7] =	sst s20  }
0x40: {  	s26 =	smul.u32 $0x3E800, s2;
	s6 =	simm.s32 $0xDD00;
	v0 =	vsel vm0, $0x1680, v0;
	vm0 =	vcmask $0x1B18;
	v2 =	vunpack.c.l.s4.s8 v2;
	[dreg:$0x8] =	wrdreg s8  }
0x41: {  	s7 =	smul.u32 $0x3E80000, s22;
	s22 =	simm.s32 $0x13500;
	v3 =	vunpack.c.l.s4.s8 v3;
	[dreg:$0x1d] =	wrdreg s6;
	v0 =	vsel vm0, $0x1B00, v0;
	vm0 =	vcmask $0x1F1C  }
0x42: {  	s20 =	smax.u32 s29, $0x1;
	s29 =	simm.s32 $0x18900;
	[smem:$0x7EA] =	sst s22;
	v4 =	vunpack.c.0.s8.s32 v4;
	v5 =	vand.u32 $0xF, v5;
	v0 =	vsel vm0, $0x1F80, v0  }
0x43: {  	s24 =	simm.s32 $0x7;
	s8 =	simm.s32 $0xE500;
	[smem:$0x7FD] =	sst s29;
	vm0 =	vcmask $0x2320;
	v2 =	vunpack.c.0.s8.s32 v2;
	v3 =	vunpack.c.0.s8.s32 v3  }
0x44: {  	[dreg:$0x1f] =	wrdreg s8;
	s4 =	sadd.s32 s7, s26;
	s26 =	simm.s32 $0x17D00;
	v0 =	vsel vm0, $0x2000, v0;
	vm0 =	vcmask $0x2724;
	v4 =	vand.u32 $0xF, v4  }
0x45: {  	s5 =	sadd.s32 $0x3E800, s4;
	s6 =	sadd.s32 $0x7D000, s4;
	s7 =	sadd.s32 $0xBB800, s4;
	v1 =	vsel vm0, $0x2480, v0;
	vm0 =	vcmask $0x2B28;
	v0 =	vimm.f32 $0.0e+00  }
0x46: {  	s8 =	sadd.s32 $0xFA000, s4;
	s9 =	sadd.s32 $0x138800, s4;
	s10 =	sadd.s32 $0x177000, s4;
	v7 =	vcombine.low v3, v2;
	v1 =	vsel vm0, $0x2900, v1;
	vm0 =	vcmask $0x2F2C  }
0x47: {  	s25 =	simm.s32 $0x1;
	s11 =	sadd.s32 $0x1B5800, s4;
	s13 =	sadd.s32 $0x232800, s4;
	v2 =	vlaneseq.u32;
	v1 =	vsel vm0, $0x2D80, v1;
	vm0 =	vcmask $0x3330  }
0x48: {  	s12 =	sadd.s32 $0x1F4000, s4;
	s14 =	sadd.s32 $0x271000, s4;
	s15 =	sadd.s32 $0x2AF800, s4;
	v3 =	vcombine.low v4, v6;
	v1 =	vsel vm0, $0x3200, v1;
	vm0 =	vcmask $0x3734  }
0x49: {  	s23 =	simm.s32 $0x2;
	s16 =	sadd.s32 $0x2EE000, s4;
	s17 =	sadd.s32 $0x32C800, s4;
	v4 =	vand.u32 $0xF, v8;
	v1 =	vsel vm0, $0x3680, v1;
	vm0 =	vcmask $0x3B38  }
0x4a: {  	s18 =	sadd.s32 $0x36B000, s4;
	s19 =	sadd.s32 $0x3A9800, s4;
	[smem:$0x7FB] =	sst s26;
	v6 =	vand.u32 $0xF, v7;
	v1 =	vsel vm0, $0x3B00, v1;
	vm0 =	vmmov $0xffff  }
.LBB2_1:
0x4b: {  	s2 =	rddreg [dreg:$0x4]  }
0x4c: {  	[tilespmem:s3], [sflag:$0x7] =	stream.linear.gather [hbm4b:s2+s3], $0x80, $0x38;
	[tilespmem:$0x19190] =	vst v63  }
0x4d: {  	_ =	swait.ge [sflag:s24], $0x80  }
0x4e: {  	s26 =	rddreg [dreg:$0x5];
	[sflag:s24] =	ssyncset.done $0x0  }
0x4f: {  	s21 =	rddreg [dreg:$0x7];
	[sflag:s24] =	ssyncadd.s32 $0xFFFFFF80  }
0x50: {  	[tilespmem:s21], [sflag:$0x7] =	stream.linear.gather [hbm4b:s26+s3], $0x80, $0x38;
	[tilespmem:$0x19190] =	vst v63  }
0x51: {  	_ =	swait.ge [sflag:s24], $0x80  }
0x52: {  	[sflag:s24] =	ssyncset.done $0x0  }
0x53: {  	[sflag:s24] =	ssyncadd.s32 $0xFFFFFF80  }
0x54: {  	[tilespmem:$0x18100] =	vst v0  }
0x55: {  	[tilespmem:$0x18180] =	vst v0  }
0x56: {  	[tilespmem:$0x18200] =	vst v0  }
0x57: {  	[tilespmem:$0x18280] =	vst v0  }
0x58: {  	[tilespmem:$0x18300] =	vst v0  }
0x59: {  	[tilespmem:$0x18380] =	vst v0  }
0x5a: {  	[tilespmem:$0x18400] =	vst v0  }
0x5b: {  	[tilespmem:$0x18480] =	vst v0  }
0x5c: {  	[tilespmem:$0x18500] =	vst v0  }
0x5d: {  	[tilespmem:$0x18580] =	vst v0  }
0x5e: {  	[tilespmem:$0x18600] =	vst v0  }
0x5f: {  	[tilespmem:$0x18680] =	vst v0  }
0x60: {  	[tilespmem:$0x18700] =	vst v0  }
0x61: {  	[tilespmem:$0x18780] =	vst v0  }
0x62: {  	[tilespmem:$0x18800] =	vst v0  }
0x63: {  	s2 =	simm.s32 @!p0 $0x18100;
	s21 =	simm.s32 @!p0 $0x7;
	[tilespmem:$0x18880] =	vst v0;
	s29 =	rddreg [dreg:$0x2]  }
0x64: {  	[spmem:s29] =	stream.linear.scatter @!p0 [tilespmem:s2], [sflag:$0x7], $0x800, $0x38;
	[tilespmem:$0x19190] =	vst v63  }
0x65: {  	_ =	swait.ge @!p0 [sflag:s21], $0x800  }
0x66: {  	[sflag:s21] =	ssyncset.done @!p0 $0x0  }
0x67: {  	[sflag:s21] =	ssyncadd.s32 @!p0 $0xFFFFF800  }
0x68: {  	v7 =	vld [tilespmem:$0x0];
	_ =	sdelay $0x4  }
0x69: {  	v7 =	vshll.u32 v7, $0x3  }
0x6a: {  	(v2sf) =	vpush v7, $0x0;
	_ =	sdelay $0x3  }
0x6b: {  	(v2sf) =	vpush v7, $0x1;
	_ =	sdelay $0x4  }
0x6c: {  	(v2sf) =	vpush v7, $0x2;
	_ =	sdelay $0x5  }
0x6d: {  	s26 =	spop (v2sf)  }
0x6e: {  	(v2sf) =	vpush v7, $0x3;
	s26 =	sand.u32 $0x7FFFFC00, s26  }
0x6f: {  	s26 =	sadd.s32 s4, s26  }
0x70: {  	s26 =	sshrl.u32 s26, $0x3  }
0x71: {  	s28 =	spop (v2sf);
	s26 =	sadd.s32 s0, s26  }
0x72: {  	(v2sf) =	vpush v7, $0x4;
	[tilespmem:s30], [sflag:$0x1] =	stream.linear.gather [hbm4b:s26+s3], $0x400, $0x38;
	[tilespmem:$0x19190] =	vst v63  }
0x73: {  	s26 =	sand.u32 $0x7FFFFC00, s28  }
0x74: {  	s26 =	sadd.s32 s4, s26  }
0x75: {  	s26 =	sshrl.u32 s26, $0x3  }
0x76: {  	s29 =	simm.s32 $0x500;
	s22 =	spop (v2sf);
	s26 =	sadd.s32 s0, s26  }
0x77: {  	(v2sf) =	vpush v7, $0x5;
	[tilespmem:s29], [sflag:$0x1] =	stream.linear.gather [hbm4b:s26+s3], $0x400, $0x38;
	[tilespmem:$0x19190] =	vst v63  }
0x78: {  	s26 =	sand.u32 $0x7FFFFC00, s22  }
0x79: {  	s26 =	sadd.s32 s4, s26  }
0x7a: {  	s26 =	sshrl.u32 s26, $0x3  }
0x7b: {  	s28 =	simm.s32 $0x900;
	s26 =	sadd.s32 s0, s26  }
0x7c: {  	[tilespmem:s28], [sflag:$0x1] =	stream.linear.gather [hbm4b:s26+s3], $0x400, $0x38;
	[tilespmem:$0x19190] =	vst v63  }
0x7d: {  	s22 =	spop (v2sf)  }
0x7e: {  	(v2sf) =	vpush v7, $0x6;
	s26 =	sand.u32 $0x7FFFFC00, s22  }
0x7f: {  	s26 =	sadd.s32 s4, s26  }
0x80: {  	s26 =	sshrl.u32 s26, $0x3  }
0x81: {  	s28 =	simm.s32 $0xD00;
	s22 =	spop (v2sf);
	s26 =	sadd.s32 s0, s26  }
0x82: {  	(v2sf) =	vpush v7, $0x7;
	[tilespmem:s28], [sflag:$0x1] =	stream.linear.gather [hbm4b:s26+s3], $0x400, $0x38;
	[tilespmem:$0x19190] =	vst v63  }
0x83: {  	s26 =	sand.u32 $0x7FFFFC00, s22  }
0x84: {  	s26 =	sadd.s32 s4, s26  }
0x85: {  	s26 =	sshrl.u32 s26, $0x3  }
0x86: {  	s28 =	simm.s32 $0x1100;
	s22 =	spop (v2sf);
	s26 =	sadd.s32 s0, s26  }
0x87: {  	(v2sf) =	vpush v7, $0x8;
	[tilespmem:s28], [sflag:$0x1] =	stream.linear.gather [hbm4b:s26+s3], $0x400, $0x38;
	[tilespmem:$0x19190] =	vst v63  }
0x88: {  	s26 =	sand.u32 $0x7FFFFC00, s22  }
0x89: {  	s26 =	sadd.s32 s4, s26  }
0x8a: {  	s26 =	sshrl.u32 s26, $0x3  }
0x8b: {  	s28 =	simm.s32 $0x1500;
	s26 =	sadd.s32 s0, s26  }
0x8c: {  	[tilespmem:s28], [sflag:$0x1] =	stream.linear.gather [hbm4b:s26+s3], $0x400, $0x38;
	[tilespmem:$0x19190] =	vst v63  }
0x8d: {  	s22 =	spop (v2sf)  }
0x8e: {  	s26 =	sand.u32 $0x7FFFFC00, s22  }
0x8f: {  	s26 =	sadd.s32 s4, s26  }
0x90: {  	s26 =	sshrl.u32 s26, $0x3  }
0x91: {  	s28 =	simm.s32 $0x1900;
	s22 =	spop (v2sf);
	s26 =	sadd.s32 s0, s26  }
0x92: {  	[tilespmem:s28], [sflag:$0x1] =	stream.linear.gather [hbm4b:s26+s3], $0x400, $0x38;
	[tilespmem:$0x19190] =	vst v63  }
0x93: {  	s26 =	sand.u32 $0x7FFFFC00, s22  }
0x94: {  	s26 =	sadd.s32 s4, s26  }
0x95: {  	s26 =	sshrl.u32 s26, $0x3  }
0x96: {  	s28 =	simm.s32 $0x1D00;
	s22 =	spop (v2sf);
	s26 =	sadd.s32 s0, s26  }
0x97: {  	[tilespmem:s28], [sflag:$0x1] =	stream.linear.gather [hbm4b:s26+s3], $0x400, $0x38;
	[tilespmem:$0x19190] =	vst v63  }
0x98: {  	(v2sf) =	vpush v7, $0x9;
	_ =	sdelay $0x3  }
0x99: {  	(v2sf) =	vpush v7, $0xA;
	_ =	sdelay $0x4  }
0x9a: {  	(v2sf) =	vpush v7, $0xB  }
0x9b: {  	s26 =	sand.u32 $0x7FFFFC00, s22  }
0x9c: {  	s26 =	sadd.s32 s5, s26  }
0x9d: {  	s26 =	sshrl.u32 s26, $0x3  }
0x9e: {  	s28 =	simm.s32 $0x2100;
	s26 =	sadd.s32 s0, s26  }
0x9f: {  	[tilespmem:s28], [sflag:$0x1] =	stream.linear.gather [hbm4b:s26+s3], $0x400, $0x38;
	[tilespmem:$0x19190] =	vst v63  }
0xa0: {  	s22 =	spop (v2sf)  }
0xa1: {  	(v2sf) =	vpush v7, $0xC;
	s26 =	sand.u32 $0x7FFFFC00, s22  }
0xa2: {  	s26 =	sadd.s32 s5, s26  }
0xa3: {  	s26 =	sshrl.u32 s26, $0x3  }
0xa4: {  	s28 =	simm.s32 $0x2500;
	s22 =	spop (v2sf);
	s26 =	sadd.s32 s0, s26  }
0xa5: {  	(v2sf) =	vpush v7, $0xD;
	[tilespmem:s28], [sflag:$0x1] =	stream.linear.gather [hbm4b:s26+s3], $0x400, $0x38;
	[tilespmem:$0x19190] =	vst v63  }
0xa6: {  	s26 =	sand.u32 $0x7FFFFC00, s22  }
0xa7: {  	s26 =	sadd.s32 s5, s26  }
0xa8: {  	s26 =	sshrl.u32 s26, $0x3  }
0xa9: {  	s28 =	simm.s32 $0x2900;
	s22 =	spop (v2sf);
	s26 =	sadd.s32 s0, s26  }
0xaa: {  	(v2sf) =	vpush v7, $0xE;
	[tilespmem:s28], [sflag:$0x1] =	stream.linear.gather [hbm4b:s26+s3], $0x400, $0x38;
	[tilespmem:$0x19190] =	vst v63  }
0xab: {  	s26 =	sand.u32 $0x7FFFFC00, s22  }
0xac: {  	s26 =	sadd.s32 s5, s26  }
0xad: {  	s26 =	sshrl.u32 s26, $0x3  }
0xae: {  	s28 =	simm.s32 $0x2D00;
	s26 =	sadd.s32 s0, s26  }
0xaf: {  	[tilespmem:s28], [sflag:$0x1] =	stream.linear.gather [hbm4b:s26+s3], $0x400, $0x38;
	[tilespmem:$0x19190] =	vst v63  }
0xb0: {  	s22 =	spop (v2sf)  }
0xb1: {  	(v2sf) =	vpush v7, $0xF;
	s26 =	sand.u32 $0x7FFFFC00, s22  }
0xb2: {  	s26 =	sadd.s32 s5, s26  }
0xb3: {  	s26 =	sshrl.u32 s26, $0x3  }
0xb4: {  	s28 =	simm.s32 $0x3100;
	s22 =	spop (v2sf);
	s26 =	sadd.s32 s0, s26  }
0xb5: {  	[tilespmem:s28], [sflag:$0x1] =	stream.linear.gather [hbm4b:s26+s3], $0x400, $0x38;
	[tilespmem:$0x19190] =	vst v63  }
0xb6: {  	s26 =	sand.u32 $0x7FFFFC00, s22  }
0xb7: {  	s26 =	sadd.s32 s5, s26  }
0xb8: {  	s26 =	sshrl.u32 s26, $0x3  }
0xb9: {  	s28 =	simm.s32 $0x3500;
	s22 =	spop (v2sf);
	s26 =	sadd.s32 s0, s26  }
0xba: {  	[tilespmem:s28], [sflag:$0x1] =	stream.linear.gather [hbm4b:s26+s3], $0x400, $0x38;
	[tilespmem:$0x19190] =	vst v63  }
0xbb: {  	s26 =	sand.u32 $0x7FFFFC00, s22  }
0xbc: {  	s26 =	sadd.s32 s5, s26  }
0xbd: {  	s26 =	sshrl.u32 s26, $0x3  }
0xbe: {  	s28 =	simm.s32 $0x3900;
	s26 =	sadd.s32 s0, s26  }
0xbf: {  	[tilespmem:s28], [sflag:$0x1] =	stream.linear.gather [hbm4b:s26+s3], $0x400, $0x38;
	[tilespmem:$0x19190] =	vst v63  }
0xc0: {  	s22 =	spop (v2sf)  }
0xc1: {  	s26 =	sand.u32 $0x7FFFFC00, s22  }
0xc2: {  	s26 =	sadd.s32 s5, s26  }
0xc3: {  	s26 =	sshrl.u32 s26, $0x3  }
0xc4: {  	s28 =	simm.s32 $0x3D00;
	s26 =	sadd.s32 s0, s26  }
0xc5: {  	[tilespmem:s28], [sflag:$0x1] =	stream.linear.gather [hbm4b:s26+s3], $0x400, $0x38;
	[tilespmem:$0x19190] =	vst v63  }
0xc6: {  	v7 =	vld [tilespmem:$0x10];
	_ =	sdelay $0x4  }
0xc7: {  	v7 =	vshll.u32 v7, $0x3  }
0xc8: {  	(v2sf) =	vpush v7, $0x0;
	_ =	sdelay $0x3  }
0xc9: {  	(v2sf) =	vpush v7, $0x1;
	_ =	sdelay $0x6  }
0xca: {  	(v2sf) =	vpush v7, $0x2;
	_ =	sdelay $0x3  }
0xcb: {  	s22 =	spop (v2sf)  }
0xcc: {  	s26 =	sand.u32 $0x7FFFFC00, s22  }
0xcd: {  	(v2sf) =	vpush v7, $0x3;
	s26 =	sadd.s32 s6, s26  }
0xce: {  	s26 =	sshrl.u32 s26, $0x3  }
0xcf: {  	s2 =	simm.s32 $0x4100;
	s28 =	spop (v2sf);
	s26 =	sadd.s32 s0, s26  }
0xd0: {  	[tilespmem:s2], [sflag:$0x2] =	stream.linear.gather [hbm4b:s26+s3], $0x400, $0x38;
	[tilespmem:$0x19190] =	vst v63  }
0xd1: {  	(v2sf) =	vpush v7, $0x4;
	s26 =	sand.u32 $0x7FFFFC00, s28  }
0xd2: {  	s26 =	sadd.s32 s6, s26  }
0xd3: {  	s26 =	sshrl.u32 s26, $0x3  }
0xd4: {  	s22 =	simm.s32 $0x4500;
	s26 =	sadd.s32 s0, s26  }
0xd5: {  	[tilespmem:s22], [sflag:$0x2] =	stream.linear.gather [hbm4b:s26+s3], $0x400, $0x38;
	[tilespmem:$0x19190] =	vst v63  }
0xd6: {  	s22 =	spop (v2sf)  }
0xd7: {  	s26 =	sand.u32 $0x7FFFFC00, s22  }
0xd8: {  	(v2sf) =	vpush v7, $0x5;
	s26 =	sadd.s32 s6, s26  }
0xd9: {  	s26 =	sshrl.u32 s26, $0x3  }
0xda: {  	s28 =	simm.s32 $0x4900;
	s26 =	sadd.s32 s0, s26  }
0xdb: {  	[tilespmem:s28], [sflag:$0x2] =	stream.linear.gather [hbm4b:s26+s3], $0x400, $0x38;
	[tilespmem:$0x19190] =	vst v63  }
0xdc: {  	s22 =	spop (v2sf)  }
0xdd: {  	s26 =	sand.u32 $0x7FFFFC00, s22  }
0xde: {  	(v2sf) =	vpush v7, $0x6;
	s26 =	sadd.s32 s6, s26  }
0xdf: {  	s26 =	sshrl.u32 s26, $0x3  }
0xe0: {  	s28 =	simm.s32 $0x4D00;
	s22 =	spop (v2sf);
	s26 =	sadd.s32 s0, s26  }
0xe1: {  	[tilespmem:s28], [sflag:$0x2] =	stream.linear.gather [hbm4b:s26+s3], $0x400, $0x38;
	[tilespmem:$0x19190] =	vst v63  }
0xe2: {  	(v2sf) =	vpush v7, $0x7;
	s26 =	sand.u32 $0x7FFFFC00, s22  }
0xe3: {  	s26 =	sadd.s32 s6, s26  }
0xe4: {  	s26 =	sshrl.u32 s26, $0x3  }
0xe5: {  	s28 =	simm.s32 $0x5100;
	s26 =	sadd.s32 s0, s26  }
0xe6: {  	[tilespmem:s28], [sflag:$0x2] =	stream.linear.gather [hbm4b:s26+s3], $0x400, $0x38;
	[tilespmem:$0x19190] =	vst v63  }
0xe7: {  	s22 =	spop (v2sf)  }
0xe8: {  	s26 =	sand.u32 $0x7FFFFC00, s22  }
0xe9: {  	(v2sf) =	vpush v7, $0x8;
	s26 =	sadd.s32 s6, s26  }
0xea: {  	s26 =	sshrl.u32 s26, $0x3  }
0xeb: {  	s28 =	simm.s32 $0x5500;
	s26 =	sadd.s32 s0, s26  }
0xec: {  	[tilespmem:s28], [sflag:$0x2] =	stream.linear.gather [hbm4b:s26+s3], $0x400, $0x38;
	[tilespmem:$0x19190] =	vst v63  }
0xed: {  	s22 =	spop (v2sf)  }
0xee: {  	s26 =	sand.u32 $0x7FFFFC00, s22  }
0xef: {  	(v2sf) =	vpush v7, $0x9;
	s26 =	sadd.s32 s6, s26  }
0xf0: {  	s26 =	sshrl.u32 s26, $0x3  }
0xf1: {  	s28 =	simm.s32 $0x5900;
	s22 =	spop (v2sf);
	s26 =	sadd.s32 s0, s26  }
0xf2: {  	[tilespmem:s28], [sflag:$0x2] =	stream.linear.gather [hbm4b:s26+s3], $0x400, $0x38;
	[tilespmem:$0x19190] =	vst v63  }
0xf3: {  	(v2sf) =	vpush v7, $0xA;
	s26 =	sand.u32 $0x7FFFFC00, s22  }
0xf4: {  	s26 =	sadd.s32 s6, s26  }
0xf5: {  	s26 =	sshrl.u32 s26, $0x3  }
0xf6: {  	s28 =	simm.s32 $0x5D00;
	s26 =	sadd.s32 s0, s26  }
0xf7: {  	[tilespmem:s28], [sflag:$0x2] =	stream.linear.gather [hbm4b:s26+s3], $0x400, $0x38;
	[tilespmem:$0x19190] =	vst v63  }
0xf8: {  	s22 =	spop (v2sf)  }
0xf9: {  	s26 =	sand.u32 $0x7FFFFC00, s22  }
0xfa: {  	(v2sf) =	vpush v7, $0xB;
	s26 =	sadd.s32 s7, s26  }
0xfb: {  	s26 =	sshrl.u32 s26, $0x3  }
0xfc: {  	s28 =	simm.s32 $0x6100;
	s26 =	sadd.s32 s0, s26  }
0xfd: {  	[tilespmem:s28], [sflag:$0x2] =	stream.linear.gather [hbm4b:s26+s3], $0x400, $0x38;
	[tilespmem:$0x19190] =	vst v63  }
0xfe: {  	s22 =	spop (v2sf)  }
0xff: {  	s26 =	sand.u32 $0x7FFFFC00, s22  }
0x100: {  	(v2sf) =	vpush v7, $0xC;
	s26 =	sadd.s32 s7, s26  }
0x101: {  	s26 =	sshrl.u32 s26, $0x3  }
0x102: {  	s28 =	simm.s32 $0x6500;
	s22 =	spop (v2sf);
	s26 =	sadd.s32 s0, s26  }
0x103: {  	[tilespmem:s28], [sflag:$0x2] =	stream.linear.gather [hbm4b:s26+s3], $0x400, $0x38;
	[tilespmem:$0x19190] =	vst v63  }
0x104: {  	(v2sf) =	vpush v7, $0xD;
	s26 =	sand.u32 $0x7FFFFC00, s22  }
0x105: {  	s26 =	sadd.s32 s7, s26  }
0x106: {  	s26 =	sshrl.u32 s26, $0x3  }
0x107: {  	s28 =	simm.s32 $0x6900;
	s26 =	sadd.s32 s0, s26  }
0x108: {  	[tilespmem:s28], [sflag:$0x2] =	stream.linear.gather [hbm4b:s26+s3], $0x400, $0x38;
	[tilespmem:$0x19190] =	vst v63  }
0x109: {  	s22 =	spop (v2sf)  }
0x10a: {  	s26 =	sand.u32 $0x7FFFFC00, s22  }
0x10b: {  	(v2sf) =	vpush v7, $0xE;
	s26 =	sadd.s32 s7, s26  }
0x10c: {  	s26 =	sshrl.u32 s26, $0x3  }
0x10d: {  	s28 =	simm.s32 $0x6D00;
	s26 =	sadd.s32 s0, s26  }
0x10e: {  	[tilespmem:s28], [sflag:$0x2] =	stream.linear.gather [hbm4b:s26+s3], $0x400, $0x38;
	[tilespmem:$0x19190] =	vst v63  }
0x10f: {  	s22 =	spop (v2sf)  }
0x110: {  	s26 =	sand.u32 $0x7FFFFC00, s22  }
0x111: {  	(v2sf) =	vpush v7, $0xF;
	s26 =	sadd.s32 s7, s26  }
0x112: {  	s26 =	sshrl.u32 s26, $0x3  }
0x113: {  	s28 =	simm.s32 $0x7100;
	s22 =	spop (v2sf);
	s26 =	sadd.s32 s0, s26  }
0x114: {  	[tilespmem:s28], [sflag:$0x2] =	stream.linear.gather [hbm4b:s26+s3], $0x400, $0x38;
	[tilespmem:$0x19190] =	vst v63  }
0x115: {  	s26 =	sand.u32 $0x7FFFFC00, s22  }
0x116: {  	s26 =	sadd.s32 s7, s26  }
0x117: {  	s26 =	sshrl.u32 s26, $0x3  }
0x118: {  	s28 =	simm.s32 $0x7500;
	s26 =	sadd.s32 s0, s26  }
0x119: {  	[tilespmem:s28], [sflag:$0x2] =	stream.linear.gather [hbm4b:s26+s3], $0x400, $0x38;
	[tilespmem:$0x19190] =	vst v63  }
0x11a: {  	s22 =	spop (v2sf)  }
0x11b: {  	s26 =	sand.u32 $0x7FFFFC00, s22  }
0x11c: {  	s26 =	sadd.s32 s7, s26  }
0x11d: {  	s26 =	sshrl.u32 s26, $0x3  }
0x11e: {  	s28 =	simm.s32 $0x7900;
	s26 =	sadd.s32 s0, s26  }
0x11f: {  	[tilespmem:s28], [sflag:$0x2] =	stream.linear.gather [hbm4b:s26+s3], $0x400, $0x38;
	[tilespmem:$0x19190] =	vst v63  }
0x120: {  	s22 =	spop (v2sf)  }
0x121: {  	s26 =	sand.u32 $0x7FFFFC00, s22  }
0x122: {  	s26 =	sadd.s32 s7, s26  }
0x123: {  	s26 =	sshrl.u32 s26, $0x3  }
0x124: {  	s28 =	simm.s32 $0x7D00;
	s26 =	sadd.s32 s0, s26  }
0x125: {  	[tilespmem:s28], [sflag:$0x2] =	stream.linear.gather [hbm4b:s26+s3], $0x400, $0x38;
	[tilespmem:$0x19190] =	vst v63  }
0x126: {  	v7 =	vld [tilespmem:$0x20];
	_ =	sdelay $0x4  }
0x127: {  	v7 =	vshll.u32 v7, $0x3  }
0x128: {  	(v2sf) =	vpush v7, $0x0;
	_ =	sdelay $0x3  }
0x129: {  	(v2sf) =	vpush v7, $0x1;
	_ =	sdelay $0x6  }
0x12a: {  	(v2sf) =	vpush v7, $0x2;
	_ =	sdelay $0x3  }
0x12b: {  	s22 =	spop (v2sf)  }
0x12c: {  	s26 =	sand.u32 $0x7FFFFC00, s22  }
0x12d: {  	(v2sf) =	vpush v7, $0x3;
	s26 =	sadd.s32 s8, s26  }
0x12e: {  	s26 =	sshrl.u32 s26, $0x3  }
0x12f: {  	s28 =	simm.s32 $0x8100;
	s22 =	spop (v2sf);
	s26 =	sadd.s32 s0, s26  }
0x130: {  	[tilespmem:s28], [sflag:$0x3] =	stream.linear.gather [hbm4b:s26+s3], $0x400, $0x38;
	[tilespmem:$0x19190] =	vst v63  }
0x131: {  	(v2sf) =	vpush v7, $0x4;
	s26 =	sand.u32 $0x7FFFFC00, s22  }
0x132: {  	s26 =	sadd.s32 s8, s26  }
0x133: {  	s26 =	sshrl.u32 s26, $0x3  }
0x134: {  	s28 =	rddreg [dreg:$0x8];
	s26 =	sadd.s32 s0, s26  }
0x135: {  	[tilespmem:s28], [sflag:$0x3] =	stream.linear.gather [hbm4b:s26+s3], $0x400, $0x38;
	[tilespmem:$0x19190] =	vst v63  }
0x136: {  	s28 =	spop (v2sf)  }
0x137: {  	s26 =	sand.u32 $0x7FFFFC00, s28  }
0x138: {  	(v2sf) =	vpush v7, $0x5;
	s26 =	sadd.s32 s8, s26  }
0x139: {  	s26 =	sshrl.u32 s26, $0x3  }
0x13a: {  	s22 =	rddreg [dreg:$0x9];
	s26 =	sadd.s32 s0, s26  }
0x13b: {  	[tilespmem:s22], [sflag:$0x3] =	stream.linear.gather [hbm4b:s26+s3], $0x400, $0x38;
	[tilespmem:$0x19190] =	vst v63  }
0x13c: {  	s28 =	spop (v2sf)  }
0x13d: {  	s26 =	sand.u32 $0x7FFFFC00, s28  }
0x13e: {  	(v2sf) =	vpush v7, $0x6;
	s26 =	sadd.s32 s8, s26  }
0x13f: {  	s26 =	sshrl.u32 s26, $0x3  }
0x140: {  	s22 =	rddreg [dreg:$0xa];
	s28 =	spop (v2sf);
	s26 =	sadd.s32 s0, s26  }
0x141: {  	[tilespmem:s22], [sflag:$0x3] =	stream.linear.gather [hbm4b:s26+s3], $0x400, $0x38;
	[tilespmem:$0x19190] =	vst v63  }
0x142: {  	(v2sf) =	vpush v7, $0x7;
	s26 =	sand.u32 $0x7FFFFC00, s28  }
0x143: {  	s26 =	sadd.s32 s8, s26  }
0x144: {  	s26 =	sshrl.u32 s26, $0x3  }
0x145: {  	s22 =	rddreg [dreg:$0xb];
	s26 =	sadd.s32 s0, s26  }
0x146: {  	[tilespmem:s22], [sflag:$0x3] =	stream.linear.gather [hbm4b:s26+s3], $0x400, $0x38;
	[tilespmem:$0x19190] =	vst v63  }
0x147: {  	s28 =	spop (v2sf)  }
0x148: {  	s26 =	sand.u32 $0x7FFFFC00, s28  }
0x149: {  	(v2sf) =	vpush v7, $0x8;
	s26 =	sadd.s32 s8, s26  }
0x14a: {  	s26 =	sshrl.u32 s26, $0x3  }
0x14b: {  	s22 =	rddreg [dreg:$0xc];
	s26 =	sadd.s32 s0, s26  }
0x14c: {  	[tilespmem:s22], [sflag:$0x3] =	stream.linear.gather [hbm4b:s26+s3], $0x400, $0x38;
	[tilespmem:$0x19190] =	vst v63  }
0x14d: {  	s28 =	spop (v2sf)  }
0x14e: {  	s26 =	sand.u32 $0x7FFFFC00, s28  }
0x14f: {  	(v2sf) =	vpush v7, $0x9;
	s26 =	sadd.s32 s8, s26  }
0x150: {  	s26 =	sshrl.u32 s26, $0x3  }
0x151: {  	s22 =	rddreg [dreg:$0xd];
	s28 =	spop (v2sf);
	s26 =	sadd.s32 s0, s26  }
0x152: {  	[tilespmem:s22], [sflag:$0x3] =	stream.linear.gather [hbm4b:s26+s3], $0x400, $0x38;
	[tilespmem:$0x19190] =	vst v63  }
0x153: {  	(v2sf) =	vpush v7, $0xA;
	s26 =	sand.u32 $0x7FFFFC00, s28  }
0x154: {  	s26 =	sadd.s32 s8, s26  }
0x155: {  	s26 =	sshrl.u32 s26, $0x3  }
0x156: {  	s22 =	rddreg [dreg:$0xe];
	s26 =	sadd.s32 s0, s26  }
0x157: {  	[tilespmem:s22], [sflag:$0x3] =	stream.linear.gather [hbm4b:s26+s3], $0x400, $0x38;
	[tilespmem:$0x19190] =	vst v63  }
0x158: {  	s28 =	spop (v2sf)  }
0x159: {  	s26 =	sand.u32 $0x7FFFFC00, s28  }
0x15a: {  	(v2sf) =	vpush v7, $0xB;
	s26 =	sadd.s32 s9, s26  }
0x15b: {  	s26 =	sshrl.u32 s26, $0x3  }
0x15c: {  	s22 =	rddreg [dreg:$0xf];
	s26 =	sadd.s32 s0, s26  }
0x15d: {  	[tilespmem:s22], [sflag:$0x3] =	stream.linear.gather [hbm4b:s26+s3], $0x400, $0x38;
	[tilespmem:$0x19190] =	vst v63  }
0x15e: {  	s28 =	spop (v2sf)  }
0x15f: {  	s26 =	sand.u32 $0x7FFFFC00, s28  }
0x160: {  	(v2sf) =	vpush v7, $0xC;
	s26 =	sadd.s32 s9, s26  }
0x161: {  	s26 =	sshrl.u32 s26, $0x3  }
0x162: {  	s22 =	rddreg [dreg:$0x10];
	s28 =	spop (v2sf);
	s26 =	sadd.s32 s0, s26  }
0x163: {  	[tilespmem:s22], [sflag:$0x3] =	stream.linear.gather [hbm4b:s26+s3], $0x400, $0x38;
	[tilespmem:$0x19190] =	vst v63  }
0x164: {  	(v2sf) =	vpush v7, $0xD;
	s26 =	sand.u32 $0x7FFFFC00, s28  }
0x165: {  	s26 =	sadd.s32 s9, s26  }
0x166: {  	s26 =	sshrl.u32 s26, $0x3  }
0x167: {  	s22 =	rddreg [dreg:$0x11];
	s26 =	sadd.s32 s0, s26  }
0x168: {  	[tilespmem:s22], [sflag:$0x3] =	stream.linear.gather [hbm4b:s26+s3], $0x400, $0x38;
	[tilespmem:$0x19190] =	vst v63  }
0x169: {  	s28 =	spop (v2sf)  }
0x16a: {  	s26 =	sand.u32 $0x7FFFFC00, s28  }
0x16b: {  	(v2sf) =	vpush v7, $0xE;
	s26 =	sadd.s32 s9, s26  }
0x16c: {  	s26 =	sshrl.u32 s26, $0x3  }
0x16d: {  	s22 =	rddreg [dreg:$0x12];
	s26 =	sadd.s32 s0, s26  }
0x16e: {  	[tilespmem:s22], [sflag:$0x3] =	stream.linear.gather [hbm4b:s26+s3], $0x400, $0x38;
	[tilespmem:$0x19190] =	vst v63  }
0x16f: {  	s28 =	spop (v2sf)  }
0x170: {  	s26 =	sand.u32 $0x7FFFFC00, s28  }
0x171: {  	(v2sf) =	vpush v7, $0xF;
	s26 =	sadd.s32 s9, s26  }
0x172: {  	s26 =	sshrl.u32 s26, $0x3  }
0x173: {  	s22 =	rddreg [dreg:$0x13];
	s28 =	spop (v2sf);
	s26 =	sadd.s32 s0, s26  }
0x174: {  	[tilespmem:s22], [sflag:$0x3] =	stream.linear.gather [hbm4b:s26+s3], $0x400, $0x38;
	[tilespmem:$0x19190] =	vst v63  }
0x175: {  	s26 =	sand.u32 $0x7FFFFC00, s28  }
0x176: {  	s26 =	sadd.s32 s9, s26  }
0x177: {  	s26 =	sshrl.u32 s26, $0x3  }
0x178: {  	s22 =	rddreg [dreg:$0x14];
	s26 =	sadd.s32 s0, s26  }
0x179: {  	[tilespmem:s22], [sflag:$0x3] =	stream.linear.gather [hbm4b:s26+s3], $0x400, $0x38;
	[tilespmem:$0x19190] =	vst v63  }
0x17a: {  	s28 =	spop (v2sf)  }
0x17b: {  	s26 =	sand.u32 $0x7FFFFC00, s28  }
0x17c: {  	s26 =	sadd.s32 s9, s26  }
0x17d: {  	s26 =	sshrl.u32 s26, $0x3  }
0x17e: {  	s22 =	rddreg [dreg:$0x15];
	s26 =	sadd.s32 s0, s26  }
0x17f: {  	[tilespmem:s22], [sflag:$0x3] =	stream.linear.gather [hbm4b:s26+s3], $0x400, $0x38;
	[tilespmem:$0x19190] =	vst v63  }
0x180: {  	s28 =	spop (v2sf)  }
0x181: {  	s26 =	sand.u32 $0x7FFFFC00, s28  }
0x182: {  	s26 =	sadd.s32 s9, s26  }
0x183: {  	s26 =	sshrl.u32 s26, $0x3  }
0x184: {  	s22 =	rddreg [dreg:$0x16];
	s26 =	sadd.s32 s0, s26  }
0x185: {  	[tilespmem:s22], [sflag:$0x3] =	stream.linear.gather [hbm4b:s26+s3], $0x400, $0x38;
	[tilespmem:$0x19190] =	vst v63  }
0x186: {  	v7 =	vld [tilespmem:$0x30];
	_ =	sdelay $0x4  }
0x187: {  	v7 =	vshll.u32 v7, $0x3  }
0x188: {  	(v2sf) =	vpush v7, $0x0;
	_ =	sdelay $0x5  }
0x189: {  	(v2sf) =	vpush v7, $0x1;
	_ =	sdelay $0x3  }
0x18a: {  	(v2sf) =	vpush v7, $0x2;
	_ =	sdelay $0x4  }
0x18b: {  	s22 =	spop (v2sf)  }
0x18c: {  	s26 =	sand.u32 $0x7FFFFC00, s22  }
0x18d: {  	(v2sf) =	vpush v7, $0x3;
	s26 =	sadd.s32 s10, s26  }
0x18e: {  	s26 =	sshrl.u32 s26, $0x3  }
0x18f: {  	s28 =	simm.s32 $0xC100;
	s26 =	sadd.s32 s0, s26  }
0x190: {  	[tilespmem:s28], [sflag:$0x4] =	stream.linear.gather [hbm4b:s26+s3], $0x400, $0x38;
	[tilespmem:$0x19190] =	vst v63  }
0x191: {  	s28 =	spop (v2sf)  }
0x192: {  	s26 =	sand.u32 $0x7FFFFC00, s28  }
0x193: {  	(v2sf) =	vpush v7, $0x4;
	s26 =	sadd.s32 s10, s26  }
0x194: {  	s26 =	sshrl.u32 s26, $0x3  }
0x195: {  	s22 =	rddreg [dreg:$0x17];
	s28 =	spop (v2sf);
	s26 =	sadd.s32 s0, s26  }
0x196: {  	[tilespmem:s22], [sflag:$0x4] =	stream.linear.gather [hbm4b:s26+s3], $0x400, $0x38;
	[tilespmem:$0x19190] =	vst v63  }
0x197: {  	(v2sf) =	vpush v7, $0x5;
	s26 =	sand.u32 $0x7FFFFC00, s28  }
0x198: {  	s26 =	sadd.s32 s10, s26  }
0x199: {  	s26 =	sshrl.u32 s26, $0x3  }
0x19a: {  	s22 =	rddreg [dreg:$0x18];
	s26 =	sadd.s32 s0, s26  }
0x19b: {  	[tilespmem:s22], [sflag:$0x4] =	stream.linear.gather [hbm4b:s26+s3], $0x400, $0x38;
	[tilespmem:$0x19190] =	vst v63  }
0x19c: {  	s28 =	spop (v2sf)  }
0x19d: {  	s26 =	sand.u32 $0x7FFFFC00, s28  }
0x19e: {  	(v2sf) =	vpush v7, $0x6;
	s26 =	sadd.s32 s10, s26  }
0x19f: {  	s26 =	sshrl.u32 s26, $0x3  }
0x1a0: {  	s22 =	rddreg [dreg:$0x19];
	s26 =	sadd.s32 s0, s26  }
0x1a1: {  	[tilespmem:s22], [sflag:$0x4] =	stream.linear.gather [hbm4b:s26+s3], $0x400, $0x38;
	[tilespmem:$0x19190] =	vst v63  }
0x1a2: {  	s28 =	spop (v2sf)  }
0x1a3: {  	s26 =	sand.u32 $0x7FFFFC00, s28  }
0x1a4: {  	(v2sf) =	vpush v7, $0x7;
	s26 =	sadd.s32 s10, s26  }
0x1a5: {  	s26 =	sshrl.u32 s26, $0x3  }
0x1a6: {  	s22 =	rddreg [dreg:$0x1a];
	s28 =	spop (v2sf);
	s26 =	sadd.s32 s0, s26  }
0x1a7: {  	[tilespmem:s22], [sflag:$0x4] =	stream.linear.gather [hbm4b:s26+s3], $0x400, $0x38;
	[tilespmem:$0x19190] =	vst v63  }
0x1a8: {  	(v2sf) =	vpush v7, $0x8;
	s26 =	sand.u32 $0x7FFFFC00, s28  }
0x1a9: {  	s26 =	sadd.s32 s10, s26  }
0x1aa: {  	s26 =	sshrl.u32 s26, $0x3  }
0x1ab: {  	s22 =	rddreg [dreg:$0x1b];
	s26 =	sadd.s32 s0, s26  }
0x1ac: {  	[tilespmem:s22], [sflag:$0x4] =	stream.linear.gather [hbm4b:s26+s3], $0x400, $0x38;
	[tilespmem:$0x19190] =	vst v63  }
0x1ad: {  	s28 =	spop (v2sf)  }
0x1ae: {  	s26 =	sand.u32 $0x7FFFFC00, s28  }
0x1af: {  	(v2sf) =	vpush v7, $0x9;
	s26 =	sadd.s32 s10, s26  }
0x1b0: {  	s26 =	sshrl.u32 s26, $0x3  }
0x1b1: {  	s22 =	rddreg [dreg:$0x1c];
	s26 =	sadd.s32 s0, s26  }
0x1b2: {  	[tilespmem:s22], [sflag:$0x4] =	stream.linear.gather [hbm4b:s26+s3], $0x400, $0x38;
	[tilespmem:$0x19190] =	vst v63  }
0x1b3: {  	s28 =	spop (v2sf)  }
0x1b4: {  	s26 =	sand.u32 $0x7FFFFC00, s28  }
0x1b5: {  	(v2sf) =	vpush v7, $0xA;
	s26 =	sadd.s32 s10, s26  }
0x1b6: {  	s26 =	sshrl.u32 s26, $0x3  }
0x1b7: {  	s22 =	rddreg [dreg:$0x1d];
	s28 =	spop (v2sf);
	s26 =	sadd.s32 s0, s26  }
0x1b8: {  	[tilespmem:s22], [sflag:$0x4] =	stream.linear.gather [hbm4b:s26+s3], $0x400, $0x38;
	[tilespmem:$0x19190] =	vst v63  }
0x1b9: {  	(v2sf) =	vpush v7, $0xB;
	s26 =	sand.u32 $0x7FFFFC00, s28  }
0x1ba: {  	s26 =	sadd.s32 s11, s26  }
0x1bb: {  	s26 =	sshrl.u32 s26, $0x3  }
0x1bc: {  	s22 =	rddreg [dreg:$0x1e];
	s26 =	sadd.s32 s0, s26  }
0x1bd: {  	[tilespmem:s22], [sflag:$0x4] =	stream.linear.gather [hbm4b:s26+s3], $0x400, $0x38;
	[tilespmem:$0x19190] =	vst v63  }
0x1be: {  	s28 =	spop (v2sf)  }
0x1bf: {  	s26 =	sand.u32 $0x7FFFFC00, s28  }
0x1c0: {  	(v2sf) =	vpush v7, $0xC;
	s26 =	sadd.s32 s11, s26  }
0x1c1: {  	s26 =	sshrl.u32 s26, $0x3  }
0x1c2: {  	s22 =	rddreg [dreg:$0x1f];
	s26 =	sadd.s32 s0, s26  }
0x1c3: {  	[tilespmem:s22], [sflag:$0x4] =	stream.linear.gather [hbm4b:s26+s3], $0x400, $0x38;
	[tilespmem:$0x19190] =	vst v63  }
0x1c4: {  	s28 =	spop (v2sf)  }
0x1c5: {  	s26 =	sand.u32 $0x7FFFFC00, s28  }
0x1c6: {  	s22 =	sld [smem:$0x7D8];
	(v2sf) =	vpush v7, $0xD;
	s26 =	sadd.s32 s11, s26  }
0x1c7: {  	s26 =	sshrl.u32 s26, $0x3  }
0x1c8: {  	s28 =	spop (v2sf);
	s26 =	sadd.s32 s0, s26  }
0x1c9: {  	[tilespmem:s22], [sflag:$0x4] =	stream.linear.gather [hbm4b:s26+s3], $0x400, $0x38;
	[tilespmem:$0x19190] =	vst v63  }
0x1ca: {  	(v2sf) =	vpush v7, $0xE;
	s26 =	sand.u32 $0x7FFFFC00, s28  }
0x1cb: {  	s22 =	sld [smem:$0x7D9];
	s26 =	sadd.s32 s11, s26  }
0x1cc: {  	s26 =	sshrl.u32 s26, $0x3  }
0x1cd: {  	s26 =	sadd.s32 s0, s26  }
0x1ce: {  	[tilespmem:s22], [sflag:$0x4] =	stream.linear.gather [hbm4b:s26+s3], $0x400, $0x38;
	[tilespmem:$0x19190] =	vst v63  }
0x1cf: {  	s28 =	spop (v2sf)  }
0x1d0: {  	s26 =	sand.u32 $0x7FFFFC00, s28  }
0x1d1: {  	s22 =	sld [smem:$0x7DA];
	(v2sf) =	vpush v7, $0xF;
	s26 =	sadd.s32 s11, s26  }
0x1d2: {  	s26 =	sshrl.u32 s26, $0x3  }
0x1d3: {  	s26 =	sadd.s32 s0, s26  }
0x1d4: {  	[tilespmem:s22], [sflag:$0x4] =	stream.linear.gather [hbm4b:s26+s3], $0x400, $0x38;
	[tilespmem:$0x19190] =	vst v63  }
0x1d5: {  	s28 =	spop (v2sf)  }
0x1d6: {  	s26 =	sand.u32 $0x7FFFFC00, s28  }
0x1d7: {  	s22 =	sld [smem:$0x7DB];
	s26 =	sadd.s32 s11, s26  }
0x1d8: {  	s26 =	sshrl.u32 s26, $0x3  }
0x1d9: {  	s28 =	spop (v2sf);
	s26 =	sadd.s32 s0, s26  }
0x1da: {  	[tilespmem:s22], [sflag:$0x4] =	stream.linear.gather [hbm4b:s26+s3], $0x400, $0x38;
	[tilespmem:$0x19190] =	vst v63  }
0x1db: {  	s26 =	sand.u32 $0x7FFFFC00, s28  }
0x1dc: {  	s22 =	sld [smem:$0x7DC];
	s26 =	sadd.s32 s11, s26  }
0x1dd: {  	s26 =	sshrl.u32 s26, $0x3  }
0x1de: {  	s26 =	sadd.s32 s0, s26  }
0x1df: {  	[tilespmem:s22], [sflag:$0x4] =	stream.linear.gather [hbm4b:s26+s3], $0x400, $0x38;
	[tilespmem:$0x19190] =	vst v63  }
0x1e0: {  	s28 =	spop (v2sf)  }
0x1e1: {  	s26 =	sand.u32 $0x7FFFFC00, s28  }
0x1e2: {  	s22 =	sld [smem:$0x7DD];
	s26 =	sadd.s32 s11, s26  }
0x1e3: {  	s26 =	sshrl.u32 s26, $0x3  }
0x1e4: {  	s26 =	sadd.s32 s0, s26  }
0x1e5: {  	[tilespmem:s22], [sflag:$0x4] =	stream.linear.gather [hbm4b:s26+s3], $0x400, $0x38;
	[tilespmem:$0x19190] =	vst v63  }
0x1e6: {  	v7 =	vld [tilespmem:$0x40];
	_ =	sdelay $0x4  }
0x1e7: {  	v7 =	vshll.u32 v7, $0x3  }
0x1e8: {  	(v2sf) =	vpush v7, $0x0;
	_ =	sdelay $0x3  }
0x1e9: {  	(v2sf) =	vpush v7, $0x1;
	_ =	sdelay $0x6  }
0x1ea: {  	(v2sf) =	vpush v7, $0x2;
	_ =	sdelay $0x3  }
0x1eb: {  	s22 =	spop (v2sf)  }
0x1ec: {  	s26 =	sand.u32 $0x7FFFFC00, s22  }
0x1ed: {  	(v2sf) =	vpush v7, $0x3;
	s26 =	sadd.s32 s12, s26  }
0x1ee: {  	s26 =	sshrl.u32 s26, $0x3  }
0x1ef: {  	s22 =	simm.s32 $0x10100;
	s28 =	spop (v2sf);
	s26 =	sadd.s32 s0, s26  }
0x1f0: {  	[tilespmem:s22], [sflag:$0x5] =	stream.linear.gather [hbm4b:s26+s3], $0x400, $0x38;
	[tilespmem:$0x19190] =	vst v63  }
0x1f1: {  	s26 =	sand.u32 $0x7FFFFC00, s28  }
0x1f2: {  	s28 =	sld [smem:$0x7DE];
	s26 =	sadd.s32 s12, s26  }
0x1f3: {  	(v2sf) =	vpush v7, $0x4;
	s26 =	sshrl.u32 s26, $0x3  }
0x1f4: {  	s26 =	sadd.s32 s0, s26  }
0x1f5: {  	[tilespmem:s28], [sflag:$0x5] =	stream.linear.gather [hbm4b:s26+s3], $0x400, $0x38;
	[tilespmem:$0x19190] =	vst v63  }
0x1f6: {  	s28 =	spop (v2sf)  }
0x1f7: {  	s26 =	sand.u32 $0x7FFFFC00, s28  }
0x1f8: {  	s28 =	sld [smem:$0x7DF];
	s26 =	sadd.s32 s12, s26  }
0x1f9: {  	(v2sf) =	vpush v7, $0x5;
	s26 =	sshrl.u32 s26, $0x3  }
0x1fa: {  	s26 =	sadd.s32 s0, s26  }
0x1fb: {  	[tilespmem:s28], [sflag:$0x5] =	stream.linear.gather [hbm4b:s26+s3], $0x400, $0x38;
	[tilespmem:$0x19190] =	vst v63  }
0x1fc: {  	s28 =	spop (v2sf)  }
0x1fd: {  	s26 =	sand.u32 $0x7FFFFC00, s28  }
0x1fe: {  	s28 =	sld [smem:$0x7E0];
	s26 =	sadd.s32 s12, s26  }
0x1ff: {  	(v2sf) =	vpush v7, $0x6;
	s26 =	sshrl.u32 s26, $0x3  }
0x200: {  	s26 =	sadd.s32 s0, s26  }
0x201: {  	[tilespmem:s28], [sflag:$0x5] =	stream.linear.gather [hbm4b:s26+s3], $0x400, $0x38;
	[tilespmem:$0x19190] =	vst v63  }
0x202: {  	s28 =	spop (v2sf)  }
0x203: {  	s26 =	sand.u32 $0x7FFFFC00, s28  }
0x204: {  	s28 =	sld [smem:$0x7E1];
	s26 =	sadd.s32 s12, s26  }
0x205: {  	(v2sf) =	vpush v7, $0x7;
	s26 =	sshrl.u32 s26, $0x3  }
0x206: {  	s26 =	sadd.s32 s0, s26  }
0x207: {  	[tilespmem:s28], [sflag:$0x5] =	stream.linear.gather [hbm4b:s26+s3], $0x400, $0x38;
	[tilespmem:$0x19190] =	vst v63  }
0x208: {  	s28 =	spop (v2sf)  }
0x209: {  	s26 =	sand.u32 $0x7FFFFC00, s28  }
0x20a: {  	s28 =	sld [smem:$0x7E2];
	s26 =	sadd.s32 s12, s26  }
0x20b: {  	(v2sf) =	vpush v7, $0x8;
	s26 =	sshrl.u32 s26, $0x3  }
0x20c: {  	s26 =	sadd.s32 s0, s26  }
0x20d: {  	[tilespmem:s28], [sflag:$0x5] =	stream.linear.gather [hbm4b:s26+s3], $0x400, $0x38;
	[tilespmem:$0x19190] =	vst v63  }
0x20e: {  	s28 =	spop (v2sf)  }
0x20f: {  	s26 =	sand.u32 $0x7FFFFC00, s28  }
0x210: {  	s28 =	sld [smem:$0x7E3];
	s26 =	sadd.s32 s12, s26  }
0x211: {  	(v2sf) =	vpush v7, $0x9;
	s26 =	sshrl.u32 s26, $0x3  }
0x212: {  	s26 =	sadd.s32 s0, s26  }
0x213: {  	[tilespmem:s28], [sflag:$0x5] =	stream.linear.gather [hbm4b:s26+s3], $0x400, $0x38;
	[tilespmem:$0x19190] =	vst v63  }
0x214: {  	s28 =	spop (v2sf)  }
0x215: {  	s26 =	sand.u32 $0x7FFFFC00, s28  }
0x216: {  	s28 =	sld [smem:$0x7E4];
	s26 =	sadd.s32 s12, s26  }
0x217: {  	(v2sf) =	vpush v7, $0xA;
	s26 =	sshrl.u32 s26, $0x3  }
0x218: {  	s26 =	sadd.s32 s0, s26  }
0x219: {  	[tilespmem:s28], [sflag:$0x5] =	stream.linear.gather [hbm4b:s26+s3], $0x400, $0x38;
	[tilespmem:$0x19190] =	vst v63  }
0x21a: {  	s28 =	spop (v2sf)  }
0x21b: {  	s26 =	sand.u32 $0x7FFFFC00, s28  }
0x21c: {  	s28 =	sld [smem:$0x7E5];
	s26 =	sadd.s32 s13, s26  }
0x21d: {  	(v2sf) =	vpush v7, $0xB;
	s26 =	sshrl.u32 s26, $0x3  }
0x21e: {  	s26 =	sadd.s32 s0, s26  }
0x21f: {  	[tilespmem:s28], [sflag:$0x5] =	stream.linear.gather [hbm4b:s26+s3], $0x400, $0x38;
	[tilespmem:$0x19190] =	vst v63  }
0x220: {  	s28 =	spop (v2sf)  }
0x221: {  	s26 =	sand.u32 $0x7FFFFC00, s28  }
0x222: {  	s28 =	sld [smem:$0x7E6];
	s26 =	sadd.s32 s13, s26  }
0x223: {  	(v2sf) =	vpush v7, $0xC;
	s26 =	sshrl.u32 s26, $0x3  }
0x224: {  	s26 =	sadd.s32 s0, s26  }
0x225: {  	[tilespmem:s28], [sflag:$0x5] =	stream.linear.gather [hbm4b:s26+s3], $0x400, $0x38;
	[tilespmem:$0x19190] =	vst v63  }
0x226: {  	s28 =	spop (v2sf)  }
0x227: {  	s26 =	sand.u32 $0x7FFFFC00, s28  }
0x228: {  	s28 =	sld [smem:$0x7E7];
	s26 =	sadd.s32 s13, s26  }
0x229: {  	(v2sf) =	vpush v7, $0xD;
	s26 =	sshrl.u32 s26, $0x3  }
0x22a: {  	s26 =	sadd.s32 s0, s26  }
0x22b: {  	[tilespmem:s28], [sflag:$0x5] =	stream.linear.gather [hbm4b:s26+s3], $0x400, $0x38;
	[tilespmem:$0x19190] =	vst v63  }
0x22c: {  	s28 =	spop (v2sf)  }
0x22d: {  	s26 =	sand.u32 $0x7FFFFC00, s28  }
0x22e: {  	s28 =	sld [smem:$0x7E8];
	s26 =	sadd.s32 s13, s26  }
0x22f: {  	(v2sf) =	vpush v7, $0xE;
	s26 =	sshrl.u32 s26, $0x3  }
0x230: {  	s26 =	sadd.s32 s0, s26  }
0x231: {  	[tilespmem:s28], [sflag:$0x5] =	stream.linear.gather [hbm4b:s26+s3], $0x400, $0x38;
	[tilespmem:$0x19190] =	vst v63  }
0x232: {  	s28 =	spop (v2sf)  }
0x233: {  	s26 =	sand.u32 $0x7FFFFC00, s28  }
0x234: {  	s28 =	sld [smem:$0x7E9];
	s26 =	sadd.s32 s13, s26  }
0x235: {  	(v2sf) =	vpush v7, $0xF;
	s26 =	sshrl.u32 s26, $0x3  }
0x236: {  	s26 =	sadd.s32 s0, s26  }
0x237: {  	[tilespmem:s28], [sflag:$0x5] =	stream.linear.gather [hbm4b:s26+s3], $0x400, $0x38;
	[tilespmem:$0x19190] =	vst v63  }
0x238: {  	s28 =	spop (v2sf)  }
0x239: {  	s26 =	sand.u32 $0x7FFFFC00, s28  }
0x23a: {  	s28 =	sld [smem:$0x7EA];
	s26 =	sadd.s32 s13, s26  }
0x23b: {  	s26 =	sshrl.u32 s26, $0x3  }
0x23c: {  	s26 =	sadd.s32 s0, s26  }
0x23d: {  	[tilespmem:s28], [sflag:$0x5] =	stream.linear.gather [hbm4b:s26+s3], $0x400, $0x38;
	[tilespmem:$0x19190] =	vst v63  }
0x23e: {  	s28 =	spop (v2sf)  }
0x23f: {  	s26 =	sand.u32 $0x7FFFFC00, s28  }
0x240: {  	s28 =	sld [smem:$0x7EB];
	s26 =	sadd.s32 s13, s26  }
0x241: {  	s26 =	sshrl.u32 s26, $0x3  }
0x242: {  	s26 =	sadd.s32 s0, s26  }
0x243: {  	[tilespmem:s28], [sflag:$0x5] =	stream.linear.gather [hbm4b:s26+s3], $0x400, $0x38;
	[tilespmem:$0x19190] =	vst v63  }
0x244: {  	s28 =	spop (v2sf)  }
0x245: {  	s26 =	sand.u32 $0x7FFFFC00, s28  }
0x246: {  	s28 =	sld [smem:$0x7EC];
	s26 =	sadd.s32 s13, s26  }
0x247: {  	s26 =	sshrl.u32 s26, $0x3  }
0x248: {  	s26 =	sadd.s32 s0, s26  }
0x249: {  	[tilespmem:s28], [sflag:$0x5] =	stream.linear.gather [hbm4b:s26+s3], $0x400, $0x38;
	[tilespmem:$0x19190] =	vst v63  }
0x24a: {  	v7 =	vld [tilespmem:$0x50];
	_ =	sdelay $0x4  }
0x24b: {  	v7 =	vshll.u32 v7, $0x3  }
0x24c: {  	(v2sf) =	vpush v7, $0x0;
	_ =	sdelay $0x3  }
0x24d: {  	(v2sf) =	vpush v7, $0x1;
	_ =	sdelay $0x6  }
0x24e: {  	(v2sf) =	vpush v7, $0x2;
	_ =	sdelay $0x3  }
0x24f: {  	s28 =	spop (v2sf)  }
0x250: {  	s26 =	sand.u32 $0x7FFFFC00, s28  }
0x251: {  	(v2sf) =	vpush v7, $0x3;
	s26 =	sadd.s32 s14, s26  }
0x252: {  	s26 =	sshrl.u32 s26, $0x3  }
0x253: {  	s28 =	spop (v2sf);
	s26 =	sadd.s32 s0, s26  }
0x254: {  	[tilespmem:s31], [sflag:$0x6] =	stream.linear.gather [hbm4b:s26+s3], $0x400, $0x38;
	[tilespmem:$0x19190] =	vst v63  }
0x255: {  	s26 =	sand.u32 $0x7FFFFC00, s28  }
0x256: {  	s28 =	sld [smem:$0x7ED];
	s26 =	sadd.s32 s14, s26  }
0x257: {  	(v2sf) =	vpush v7, $0x4;
	s26 =	sshrl.u32 s26, $0x3  }
0x258: {  	s26 =	sadd.s32 s0, s26  }
0x259: {  	[tilespmem:s28], [sflag:$0x6] =	stream.linear.gather [hbm4b:s26+s3], $0x400, $0x38;
	[tilespmem:$0x19190] =	vst v63  }
0x25a: {  	s28 =	spop (v2sf)  }
0x25b: {  	s26 =	sand.u32 $0x7FFFFC00, s28  }
0x25c: {  	s28 =	sld [smem:$0x7EE];
	s26 =	sadd.s32 s14, s26  }
0x25d: {  	(v2sf) =	vpush v7, $0x5;
	s26 =	sshrl.u32 s26, $0x3  }
0x25e: {  	s26 =	sadd.s32 s0, s26  }
0x25f: {  	[tilespmem:s28], [sflag:$0x6] =	stream.linear.gather [hbm4b:s26+s3], $0x400, $0x38;
	[tilespmem:$0x19190] =	vst v63  }
0x260: {  	s28 =	spop (v2sf)  }
0x261: {  	s26 =	sand.u32 $0x7FFFFC00, s28  }
0x262: {  	s28 =	sld [smem:$0x7EF];
	s26 =	sadd.s32 s14, s26  }
0x263: {  	(v2sf) =	vpush v7, $0x6;
	s26 =	sshrl.u32 s26, $0x3  }
0x264: {  	s26 =	sadd.s32 s0, s26  }
0x265: {  	[tilespmem:s28], [sflag:$0x6] =	stream.linear.gather [hbm4b:s26+s3], $0x400, $0x38;
	[tilespmem:$0x19190] =	vst v63  }
0x266: {  	s28 =	spop (v2sf)  }
0x267: {  	s26 =	sand.u32 $0x7FFFFC00, s28  }
0x268: {  	s28 =	sld [smem:$0x7F0];
	s26 =	sadd.s32 s14, s26  }
0x269: {  	(v2sf) =	vpush v7, $0x7;
	s26 =	sshrl.u32 s26, $0x3  }
0x26a: {  	s26 =	sadd.s32 s0, s26  }
0x26b: {  	[tilespmem:s28], [sflag:$0x6] =	stream.linear.gather [hbm4b:s26+s3], $0x400, $0x38;
	[tilespmem:$0x19190] =	vst v63  }
0x26c: {  	s28 =	spop (v2sf)  }
0x26d: {  	s26 =	sand.u32 $0x7FFFFC00, s28  }
0x26e: {  	s28 =	sld [smem:$0x7F1];
	s26 =	sadd.s32 s14, s26  }
0x26f: {  	(v2sf) =	vpush v7, $0x8;
	s26 =	sshrl.u32 s26, $0x3  }
0x270: {  	s26 =	sadd.s32 s0, s26  }
0x271: {  	[tilespmem:s28], [sflag:$0x6] =	stream.linear.gather [hbm4b:s26+s3], $0x400, $0x38;
	[tilespmem:$0x19190] =	vst v63  }
0x272: {  	s28 =	spop (v2sf)  }
0x273: {  	s26 =	sand.u32 $0x7FFFFC00, s28  }
0x274: {  	s28 =	sld [smem:$0x7F2];
	s26 =	sadd.s32 s14, s26  }
0x275: {  	(v2sf) =	vpush v7, $0x9;
	s26 =	sshrl.u32 s26, $0x3  }
0x276: {  	s26 =	sadd.s32 s0, s26  }
0x277: {  	[tilespmem:s28], [sflag:$0x6] =	stream.linear.gather [hbm4b:s26+s3], $0x400, $0x38;
	[tilespmem:$0x19190] =	vst v63  }
0x278: {  	s28 =	spop (v2sf)  }
0x279: {  	s26 =	sand.u32 $0x7FFFFC00, s28  }
0x27a: {  	s28 =	sld [smem:$0x7F3];
	s26 =	sadd.s32 s14, s26  }
0x27b: {  	(v2sf) =	vpush v7, $0xA;
	s26 =	sshrl.u32 s26, $0x3  }
0x27c: {  	s26 =	sadd.s32 s0, s26  }
0x27d: {  	[tilespmem:s28], [sflag:$0x6] =	stream.linear.gather [hbm4b:s26+s3], $0x400, $0x38;
	[tilespmem:$0x19190] =	vst v63  }
0x27e: {  	s28 =	spop (v2sf)  }
0x27f: {  	s26 =	sand.u32 $0x7FFFFC00, s28  }
0x280: {  	s28 =	sld [smem:$0x7F4];
	s26 =	sadd.s32 s15, s26  }
0x281: {  	(v2sf) =	vpush v7, $0xB;
	s26 =	sshrl.u32 s26, $0x3  }
0x282: {  	s26 =	sadd.s32 s0, s26  }
0x283: {  	[tilespmem:s28], [sflag:$0x6] =	stream.linear.gather [hbm4b:s26+s3], $0x400, $0x38;
	[tilespmem:$0x19190] =	vst v63  }
0x284: {  	s28 =	spop (v2sf)  }
0x285: {  	s26 =	sand.u32 $0x7FFFFC00, s28  }
0x286: {  	s28 =	sld [smem:$0x7F5];
	s26 =	sadd.s32 s15, s26  }
0x287: {  	(v2sf) =	vpush v7, $0xC;
	s26 =	sshrl.u32 s26, $0x3  }
0x288: {  	s26 =	sadd.s32 s0, s26  }
0x289: {  	[tilespmem:s28], [sflag:$0x6] =	stream.linear.gather [hbm4b:s26+s3], $0x400, $0x38;
	[tilespmem:$0x19190] =	vst v63  }
0x28a: {  	s28 =	spop (v2sf)  }
0x28b: {  	s26 =	sand.u32 $0x7FFFFC00, s28  }
0x28c: {  	s28 =	sld [smem:$0x7F6];
	s26 =	sadd.s32 s15, s26  }
0x28d: {  	(v2sf) =	vpush v7, $0xD;
	s26 =	sshrl.u32 s26, $0x3  }
0x28e: {  	s26 =	sadd.s32 s0, s26  }
0x28f: {  	[tilespmem:s28], [sflag:$0x6] =	stream.linear.gather [hbm4b:s26+s3], $0x400, $0x38;
	[tilespmem:$0x19190] =	vst v63  }
0x290: {  	s28 =	spop (v2sf)  }
0x291: {  	s26 =	sand.u32 $0x7FFFFC00, s28  }
0x292: {  	s28 =	sld [smem:$0x7F7];
	s26 =	sadd.s32 s15, s26  }
0x293: {  	(v2sf) =	vpush v7, $0xE;
	s26 =	sshrl.u32 s26, $0x3  }
0x294: {  	s26 =	sadd.s32 s0, s26  }
0x295: {  	[tilespmem:s28], [sflag:$0x6] =	stream.linear.gather [hbm4b:s26+s3], $0x400, $0x38;
	[tilespmem:$0x19190] =	vst v63  }
0x296: {  	s28 =	spop (v2sf)  }
0x297: {  	s26 =	sand.u32 $0x7FFFFC00, s28  }
0x298: {  	s28 =	sld [smem:$0x7F8];
	s26 =	sadd.s32 s15, s26  }
0x299: {  	(v2sf) =	vpush v7, $0xF;
	s26 =	sshrl.u32 s26, $0x3  }
0x29a: {  	s26 =	sadd.s32 s0, s26  }
0x29b: {  	[tilespmem:s28], [sflag:$0x6] =	stream.linear.gather [hbm4b:s26+s3], $0x400, $0x38;
	[tilespmem:$0x19190] =	vst v63  }
0x29c: {  	s28 =	spop (v2sf)  }
0x29d: {  	s26 =	sand.u32 $0x7FFFFC00, s28  }
0x29e: {  	s28 =	sld [smem:$0x7F9];
	s26 =	sadd.s32 s15, s26  }
0x29f: {  	s26 =	sshrl.u32 s26, $0x3  }
0x2a0: {  	s26 =	sadd.s32 s0, s26  }
0x2a1: {  	[tilespmem:s28], [sflag:$0x6] =	stream.linear.gather [hbm4b:s26+s3], $0x400, $0x38;
	[tilespmem:$0x19190] =	vst v63  }
0x2a2: {  	s28 =	spop (v2sf)  }
0x2a3: {  	s26 =	sand.u32 $0x7FFFFC00, s28  }
0x2a4: {  	s28 =	sld [smem:$0x7FA];
	s26 =	sadd.s32 s15, s26  }
0x2a5: {  	s26 =	sshrl.u32 s26, $0x3  }
0x2a6: {  	s26 =	sadd.s32 s0, s26  }
0x2a7: {  	[tilespmem:s28], [sflag:$0x6] =	stream.linear.gather [hbm4b:s26+s3], $0x400, $0x38;
	[tilespmem:$0x19190] =	vst v63  }
0x2a8: {  	s28 =	spop (v2sf)  }
0x2a9: {  	s26 =	sand.u32 $0x7FFFFC00, s28  }
0x2aa: {  	s28 =	sld [smem:$0x7FB];
	s26 =	sadd.s32 s15, s26  }
0x2ab: {  	s26 =	sshrl.u32 s26, $0x3  }
0x2ac: {  	s26 =	sadd.s32 s0, s26  }
0x2ad: {  	[tilespmem:s28], [sflag:$0x6] =	stream.linear.gather [hbm4b:s26+s3], $0x400, $0x38;
	[tilespmem:$0x19190] =	vst v63  }
0x2ae: {  	_ =	swait.ge [sflag:s25], $0x4000  }
0x2af: {  	[sflag:s25] =	ssyncset.done $0x0  }
0x2b0: {  	[sflag:s25] =	ssyncadd.s32 $0xFFFFC000  }
0x2b1: {  	v7 =	vld [tilespmem:$0x60];
	_ =	sdelay $0x4  }
0x2b2: {  	v9 =	vshll.u32 v7, $0x3  }
0x2b3: {  	(v2sf) =	vpush v9, $0x0;
	_ =	sdelay $0x3  }
0x2b4: {  	(v2sf) =	vpush v9, $0x1;
	_ =	sdelay $0x3  }
0x2b5: {  	v7 =	vld [tilespmem:$0x0]  }
0x2b6: {  	(v2sf) =	vpush v9, $0x2;
	_ =	sdelay $0x3  }
0x2b7: {  	v7 =	vand.u32 $0x7F, v7  }
0x2b8: {  	v7 =	vor.u32 v1, v7  }
0x2b9: {  	s28 =	spop (v2sf)  }
0x2ba: {  	(v2sf) =	vpush v9, $0x3;
	s26 =	sand.u32 $0x7FFFFC00, s28  }
0x2bb: {  	s26 =	sadd.s32 s16, s26  }
0x2bc: {  	s26 =	sshrl.u32 s26, $0x3  }
0x2bd: {  	v8 =	vld.idx.msk [tilespmem:v7+s30+$0x0], $0xffff;
	s28 =	spop (v2sf);
	s26 =	sadd.s32 s0, s26  }
0x2be: {  	v7 =	vld [tilespmem:$0x80];
	(v2sf) =	vpush v9, $0x4;
	[tilespmem:s30], [sflag:$0x1] =	stream.linear.gather [hbm4b:s26+s3], $0x400, $0x38  }
0x2bf: {  	s26 =	sand.u32 $0x7FFFFC00, s28  }
0x2c0: {  	s26 =	sadd.s32 s16, s26  }
0x2c1: {  	s26 =	sshrl.u32 s26, $0x3  }
0x2c2: {  	s29 =	simm.s32 $0x500;
	s28 =	spop (v2sf);
	s26 =	sadd.s32 s0, s26  }
0x2c3: {  	(v2sf) =	vpush v9, $0x5;
	[tilespmem:s29], [sflag:$0x1] =	stream.linear.gather [hbm4b:s26+s3], $0x400, $0x38;
	[tilespmem:$0x19190] =	vst v63  }
0x2c4: {  	s26 =	sand.u32 $0x7FFFFC00, s28  }
0x2c5: {  	s26 =	sadd.s32 s16, s26  }
0x2c6: {  	s26 =	sshrl.u32 s26, $0x3  }
0x2c7: {  	s29 =	simm.s32 $0x900;
	s26 =	sadd.s32 s0, s26  }
0x2c8: {  	[tilespmem:s29], [sflag:$0x1] =	stream.linear.gather [hbm4b:s26+s3], $0x400, $0x38;
	[tilespmem:$0x19190] =	vst v63  }
0x2c9: {  	s28 =	spop (v2sf)  }
0x2ca: {  	(v2sf) =	vpush v9, $0x6;
	s26 =	sand.u32 $0x7FFFFC00, s28  }
0x2cb: {  	s26 =	sadd.s32 s16, s26  }
0x2cc: {  	s26 =	sshrl.u32 s26, $0x3  }
0x2cd: {  	s29 =	simm.s32 $0xD00;
	s28 =	spop (v2sf);
	s26 =	sadd.s32 s0, s26  }
0x2ce: {  	(v2sf) =	vpush v9, $0x7;
	[tilespmem:s29], [sflag:$0x1] =	stream.linear.gather [hbm4b:s26+s3], $0x400, $0x38;
	[tilespmem:$0x19190] =	vst v63  }
0x2cf: {  	s26 =	sand.u32 $0x7FFFFC00, s28  }
0x2d0: {  	s26 =	sadd.s32 s16, s26  }
0x2d1: {  	s26 =	sshrl.u32 s26, $0x3  }
0x2d2: {  	s29 =	simm.s32 $0x1100;
	s28 =	spop (v2sf);
	s26 =	sadd.s32 s0, s26  }
0x2d3: {  	(v2sf) =	vpush v9, $0x8;
	[tilespmem:s29], [sflag:$0x1] =	stream.linear.gather [hbm4b:s26+s3], $0x400, $0x38;
	[tilespmem:$0x19190] =	vst v63  }
0x2d4: {  	s26 =	sand.u32 $0x7FFFFC00, s28  }
0x2d5: {  	s26 =	sadd.s32 s16, s26  }
0x2d6: {  	s26 =	sshrl.u32 s26, $0x3  }
0x2d7: {  	s29 =	simm.s32 $0x1500;
	s26 =	sadd.s32 s0, s26  }
0x2d8: {  	[tilespmem:s29], [sflag:$0x1] =	stream.linear.gather [hbm4b:s26+s3], $0x400, $0x38;
	[tilespmem:$0x19190] =	vst v63  }
0x2d9: {  	s28 =	spop (v2sf)  }
0x2da: {  	(v2sf) =	vpush v9, $0x9;
	s26 =	sand.u32 $0x7FFFFC00, s28  }
0x2db: {  	s26 =	sadd.s32 s16, s26  }
0x2dc: {  	s26 =	sshrl.u32 s26, $0x3  }
0x2dd: {  	s29 =	simm.s32 $0x1900;
	s28 =	spop (v2sf);
	s26 =	sadd.s32 s0, s26  }
0x2de: {  	(v2sf) =	vpush v9, $0xA;
	[tilespmem:s29], [sflag:$0x1] =	stream.linear.gather [hbm4b:s26+s3], $0x400, $0x38;
	[tilespmem:$0x19190] =	vst v63  }
0x2df: {  	s26 =	sand.u32 $0x7FFFFC00, s28  }
0x2e0: {  	s26 =	sadd.s32 s16, s26  }
0x2e1: {  	s26 =	sshrl.u32 s26, $0x3  }
0x2e2: {  	s29 =	simm.s32 $0x1D00;
	s28 =	spop (v2sf);
	s26 =	sadd.s32 s0, s26  }
0x2e3: {  	(v2sf) =	vpush v9, $0xB;
	[tilespmem:s29], [sflag:$0x1] =	stream.linear.gather [hbm4b:s26+s3], $0x400, $0x38;
	[tilespmem:$0x19190] =	vst v63  }
0x2e4: {  	s26 =	sand.u32 $0x7FFFFC00, s28  }
0x2e5: {  	s26 =	sadd.s32 s17, s26  }
0x2e6: {  	s26 =	sshrl.u32 s26, $0x3  }
0x2e7: {  	s29 =	simm.s32 $0x2100;
	s26 =	sadd.s32 s0, s26  }
0x2e8: {  	[tilespmem:s29], [sflag:$0x1] =	stream.linear.gather [hbm4b:s26+s3], $0x400, $0x38;
	[tilespmem:$0x19190] =	vst v63  }
0x2e9: {  	s28 =	spop (v2sf)  }
0x2ea: {  	(v2sf) =	vpush v9, $0xC;
	s26 =	sand.u32 $0x7FFFFC00, s28  }
0x2eb: {  	s26 =	sadd.s32 s17, s26  }
0x2ec: {  	s26 =	sshrl.u32 s26, $0x3  }
0x2ed: {  	s29 =	simm.s32 $0x2500;
	s28 =	spop (v2sf);
	s26 =	sadd.s32 s0, s26  }
0x2ee: {  	(v2sf) =	vpush v9, $0xD;
	[tilespmem:s29], [sflag:$0x1] =	stream.linear.gather [hbm4b:s26+s3], $0x400, $0x38;
	[tilespmem:$0x19190] =	vst v63  }
0x2ef: {  	s26 =	sand.u32 $0x7FFFFC00, s28  }
0x2f0: {  	s26 =	sadd.s32 s17, s26  }
0x2f1: {  	s26 =	sshrl.u32 s26, $0x3  }
0x2f2: {  	s29 =	simm.s32 $0x2900;
	s28 =	spop (v2sf);
	s26 =	sadd.s32 s0, s26  }
0x2f3: {  	(v2sf) =	vpush v9, $0xE;
	[tilespmem:s29], [sflag:$0x1] =	stream.linear.gather [hbm4b:s26+s3], $0x400, $0x38;
	[tilespmem:$0x19190] =	vst v63  }
0x2f4: {  	s26 =	sand.u32 $0x7FFFFC00, s28  }
0x2f5: {  	s26 =	sadd.s32 s17, s26  }
0x2f6: {  	s26 =	sshrl.u32 s26, $0x3  }
0x2f7: {  	s29 =	simm.s32 $0x2D00;
	s26 =	sadd.s32 s0, s26  }
0x2f8: {  	[tilespmem:s29], [sflag:$0x1] =	stream.linear.gather [hbm4b:s26+s3], $0x400, $0x38;
	[tilespmem:$0x19190] =	vst v63  }
0x2f9: {  	s28 =	spop (v2sf)  }
0x2fa: {  	(v2sf) =	vpush v9, $0xF;
	s26 =	sand.u32 $0x7FFFFC00, s28  }
0x2fb: {  	s26 =	sadd.s32 s17, s26  }
0x2fc: {  	s26 =	sshrl.u32 s26, $0x3  }
0x2fd: {  	s29 =	simm.s32 $0x3100;
	s28 =	spop (v2sf);
	s26 =	sadd.s32 s0, s26  }
0x2fe: {  	[tilespmem:s29], [sflag:$0x1] =	stream.linear.gather [hbm4b:s26+s3], $0x400, $0x38;
	[tilespmem:$0x19190] =	vst v63  }
0x2ff: {  	s26 =	sand.u32 $0x7FFFFC00, s28  }
0x300: {  	s26 =	sadd.s32 s17, s26  }
0x301: {  	s26 =	sshrl.u32 s26, $0x3  }
0x302: {  	s29 =	simm.s32 $0x3500;
	s28 =	spop (v2sf);
	s26 =	sadd.s32 s0, s26  }
0x303: {  	[tilespmem:s29], [sflag:$0x1] =	stream.linear.gather [hbm4b:s26+s3], $0x400, $0x38;
	[tilespmem:$0x19190] =	vst v63  }
0x304: {  	s26 =	sand.u32 $0x7FFFFC00, s28  }
0x305: {  	s26 =	sadd.s32 s17, s26  }
0x306: {  	s26 =	sshrl.u32 s26, $0x3  }
0x307: {  	s29 =	simm.s32 $0x3900;
	s26 =	sadd.s32 s0, s26  }
0x308: {  	[tilespmem:s29], [sflag:$0x1] =	stream.linear.gather [hbm4b:s26+s3], $0x400, $0x38;
	[tilespmem:$0x19190] =	vst v63  }
0x309: {  	s28 =	spop (v2sf)  }
0x30a: {  	s26 =	sand.u32 $0x7FFFFC00, s28  }
0x30b: {  	s26 =	sadd.s32 s17, s26  }
0x30c: {  	s26 =	sshrl.u32 s26, $0x3  }
0x30d: {  	s29 =	simm.s32 $0x3D00;
	s26 =	sadd.s32 s0, s26  }
0x30e: {  	[tilespmem:s29], [sflag:$0x1] =	stream.linear.gather [hbm4b:s26+s3], $0x400, $0x38;
	[tilespmem:$0x19190] =	vst v63  }
0x30f: {  	_ =	swait.ge [sflag:s23], $0x4000  }
0x310: {  	[sflag:s23] =	ssyncset.done $0x0  }
0x311: {  	[sflag:s23] =	ssyncadd.s32 $0xFFFFC000  }
0x312: {  	v44 =	vld [tilespmem:$0x70];
	_ =	sdelay $0x4  }
0x313: {  	v11 =	vshll.u32 v44, $0x3  }
0x314: {  	(v2sf) =	vpush v11, $0x0;
	_ =	sdelay $0x3  }
0x315: {  	(v2sf) =	vpush v11, $0x1;
	_ =	sdelay $0x4  }
0x316: {  	v45 =	vld [tilespmem:$0x10];
	(v2sf) =	vpush v11, $0x2;
	_ =	sdelay $0x4  }
0x317: {  	v9 =	vand.u32 $0x7F, v45  }
0x318: {  	v9 =	vor.u32 v1, v9;
	s29 =	spop (v2sf)  }
0x319: {  	(v2sf) =	vpush v11, $0x3;
	s26 =	sand.u32 $0x7FFFFC00, s29  }
0x31a: {  	s26 =	sadd.s32 s18, s26  }
0x31b: {  	s26 =	sshrl.u32 s26, $0x3  }
0x31c: {  	v46 =	vld [tilespmem:$0x90];
	s28 =	spop (v2sf);
	s26 =	sadd.s32 s0, s26  }
0x31d: {  	v10 =	vld.idx.msk [tilespmem:v9+s2+$0x0], $0xffff;
	(v2sf) =	vpush v11, $0x4;
	[tilespmem:s2], [sflag:$0x2] =	stream.linear.gather [hbm4b:s26+s3], $0x400, $0x38  }
0x31e: {  	s26 =	sand.u32 $0x7FFFFC00, s28  }
0x31f: {  	s26 =	sadd.s32 s18, s26  }
0x320: {  	s26 =	sshrl.u32 s26, $0x3  }
0x321: {  	s29 =	simm.s32 $0x4500;
	s28 =	spop (v2sf);
	s26 =	sadd.s32 s0, s26  }
0x322: {  	(v2sf) =	vpush v11, $0x5;
	[tilespmem:s29], [sflag:$0x2] =	stream.linear.gather [hbm4b:s26+s3], $0x400, $0x38;
	[tilespmem:$0x19190] =	vst v63  }
0x323: {  	s26 =	sand.u32 $0x7FFFFC00, s28  }
0x324: {  	s26 =	sadd.s32 s18, s26  }
0x325: {  	s26 =	sshrl.u32 s26, $0x3  }
0x326: {  	s29 =	simm.s32 $0x4900;
	s26 =	sadd.s32 s0, s26  }
0x327: {  	[tilespmem:s29], [sflag:$0x2] =	stream.linear.gather [hbm4b:s26+s3], $0x400, $0x38;
	[tilespmem:$0x19190] =	vst v63  }
0x328: {  	s28 =	spop (v2sf)  }
0x329: {  	(v2sf) =	vpush v11, $0x6;
	s26 =	sand.u32 $0x7FFFFC00, s28  }
0x32a: {  	s26 =	sadd.s32 s18, s26  }
0x32b: {  	s26 =	sshrl.u32 s26, $0x3  }
0x32c: {  	s29 =	simm.s32 $0x4D00;
	s28 =	spop (v2sf);
	s26 =	sadd.s32 s0, s26  }
0x32d: {  	(v2sf) =	vpush v11, $0x7;
	[tilespmem:s29], [sflag:$0x2] =	stream.linear.gather [hbm4b:s26+s3], $0x400, $0x38;
	[tilespmem:$0x19190] =	vst v63  }
0x32e: {  	s26 =	sand.u32 $0x7FFFFC00, s28  }
0x32f: {  	s26 =	sadd.s32 s18, s26  }
0x330: {  	s26 =	sshrl.u32 s26, $0x3  }
0x331: {  	s29 =	simm.s32 $0x5100;
	s28 =	spop (v2sf);
	s26 =	sadd.s32 s0, s26  }
0x332: {  	(v2sf) =	vpush v11, $0x8;
	[tilespmem:s29], [sflag:$0x2] =	stream.linear.gather [hbm4b:s26+s3], $0x400, $0x38;
	[tilespmem:$0x19190] =	vst v63  }
0x333: {  	s26 =	sand.u32 $0x7FFFFC00, s28  }
0x334: {  	s26 =	sadd.s32 s18, s26  }
0x335: {  	s26 =	sshrl.u32 s26, $0x3  }
0x336: {  	s29 =	simm.s32 $0x5500;
	s26 =	sadd.s32 s0, s26  }
0x337: {  	[tilespmem:s29], [sflag:$0x2] =	stream.linear.gather [hbm4b:s26+s3], $0x400, $0x38;
	[tilespmem:$0x19190] =	vst v63  }
0x338: {  	s28 =	spop (v2sf)  }
0x339: {  	(v2sf) =	vpush v11, $0x9;
	s26 =	sand.u32 $0x7FFFFC00, s28  }
0x33a: {  	s26 =	sadd.s32 s18, s26  }
0x33b: {  	s26 =	sshrl.u32 s26, $0x3  }
0x33c: {  	s29 =	simm.s32 $0x5900;
	s28 =	spop (v2sf);
	s26 =	sadd.s32 s0, s26  }
0x33d: {  	(v2sf) =	vpush v11, $0xA;
	[tilespmem:s29], [sflag:$0x2] =	stream.linear.gather [hbm4b:s26+s3], $0x400, $0x38;
	[tilespmem:$0x19190] =	vst v63  }
0x33e: {  	s26 =	sand.u32 $0x7FFFFC00, s28  }
0x33f: {  	s26 =	sadd.s32 s18, s26  }
0x340: {  	s26 =	sshrl.u32 s26, $0x3  }
0x341: {  	s29 =	simm.s32 $0x5D00;
	s28 =	spop (v2sf);
	s26 =	sadd.s32 s0, s26  }
0x342: {  	(v2sf) =	vpush v11, $0xB;
	[tilespmem:s29], [sflag:$0x2] =	stream.linear.gather [hbm4b:s26+s3], $0x400, $0x38;
	[tilespmem:$0x19190] =	vst v63  }
0x343: {  	s26 =	sand.u32 $0x7FFFFC00, s28  }
0x344: {  	s26 =	sadd.s32 s19, s26  }
0x345: {  	s26 =	sshrl.u32 s26, $0x3  }
0x346: {  	s29 =	simm.s32 $0x6100;
	s26 =	sadd.s32 s0, s26  }
0x347: {  	[tilespmem:s29], [sflag:$0x2] =	stream.linear.gather [hbm4b:s26+s3], $0x400, $0x38;
	[tilespmem:$0x19190] =	vst v63  }
0x348: {  	s28 =	spop (v2sf)  }
0x349: {  	(v2sf) =	vpush v11, $0xC;
	s26 =	sand.u32 $0x7FFFFC00, s28  }
0x34a: {  	s26 =	sadd.s32 s19, s26  }
0x34b: {  	s26 =	sshrl.u32 s26, $0x3  }
0x34c: {  	s29 =	simm.s32 $0x6500;
	s28 =	spop (v2sf);
	s26 =	sadd.s32 s0, s26  }
0x34d: {  	(v2sf) =	vpush v11, $0xD;
	[tilespmem:s29], [sflag:$0x2] =	stream.linear.gather [hbm4b:s26+s3], $0x400, $0x38;
	[tilespmem:$0x19190] =	vst v63  }
0x34e: {  	s26 =	sand.u32 $0x7FFFFC00, s28  }
0x34f: {  	s26 =	sadd.s32 s19, s26  }
0x350: {  	s26 =	sshrl.u32 s26, $0x3  }
0x351: {  	s29 =	simm.s32 $0x6900;
	s28 =	spop (v2sf);
	(v2sf) =	vpush v11, $0xE;
	s26 =	sadd.s32 s0, s26  }
0x352: {  	[tilespmem:s29], [sflag:$0x2] =	stream.linear.gather [hbm4b:s26+s3], $0x400, $0x38;
	[tilespmem:$0x19190] =	vst v63  }
0x353: {  	s26 =	sand.u32 $0x7FFFFC00, s28  }
0x354: {  	s26 =	sadd.s32 s19, s26  }
0x355: {  	s26 =	sshrl.u32 s26, $0x3  }
0x356: {  	s29 =	simm.s32 $0x6D00;
	s26 =	sadd.s32 s0, s26  }
0x357: {  	[tilespmem:s29], [sflag:$0x2] =	stream.linear.gather [hbm4b:s26+s3], $0x400, $0x38;
	[tilespmem:$0x19190] =	vst v63  }
0x358: {  	s28 =	spop (v2sf);
	(v2sf) =	vpush v11, $0xF  }
0x359: {  	s26 =	sand.u32 $0x7FFFFC00, s28  }
0x35a: {  	s26 =	sadd.s32 s19, s26  }
0x35b: {  	s26 =	sshrl.u32 s26, $0x3  }
0x35c: {  	s29 =	simm.s32 $0x7100;
	s28 =	spop (v2sf);
	s26 =	sadd.s32 s0, s26  }
0x35d: {  	[tilespmem:s29], [sflag:$0x2] =	stream.linear.gather [hbm4b:s26+s3], $0x400, $0x38;
	[tilespmem:$0x19190] =	vst v63  }
0x35e: {  	s29 =	sand.u32 $0x7FFFFC00, s28  }
0x35f: {  	s26 =	sadd.s32 s19, s29  }
0x360: {  	s28 =	spop (v2sf);
	s26 =	sshrl.u32 s26, $0x3  }
0x361: {  	s29 =	simm.s32 $0x7500;
	s28 =	sand.u32 $0x7FFFFC00, s28;
	s26 =	sadd.s32 s0, s26  }
0x362: {  	[tilespmem:s29], [sflag:$0x2] =	stream.linear.gather [hbm4b:s26+s3], $0x400, $0x38;
	[tilespmem:$0x19190] =	vst v63  }
0x363: {  	s26 =	sadd.s32 s19, s28  }
0x364: {  	s26 =	sshrl.u32 s26, $0x3  }
0x365: {  	s29 =	simm.s32 $0x7900;
	s26 =	sadd.s32 s0, s26  }
0x366: {  	[tilespmem:s29], [sflag:$0x2] =	stream.linear.gather [hbm4b:s26+s3], $0x400, $0x38;
	[tilespmem:$0x19190] =	vst v63  }
0x367: {  	s28 =	spop (v2sf)  }
0x368: {  	s26 =	sand.u32 $0x7FFFFC00, s28  }
0x369: {  	s26 =	sadd.s32 s19, s26  }
0x36a: {  	s26 =	sshrl.u32 s26, $0x3  }
0x36b: {  	s29 =	simm.s32 $0x7D00;
	s28 =	simm.s32 $0x3;
	s26 =	sadd.s32 s0, s26  }
0x36c: {  	[tilespmem:s29], [sflag:$0x2] =	stream.linear.gather [hbm4b:s26+s3], $0x400, $0x38;
	[tilespmem:$0x19190] =	vst v63  }
0x36d: {  	_ =	swait.ge [sflag:s28], $0x4000  }
0x36e: {  	[sflag:s28] =	ssyncset.done $0x0  }
0x36f: {  	[sflag:s28] =	ssyncadd.s32 $0xFFFFC000  }
0x370: {  	v47 =	vld [tilespmem:$0x20];
	_ =	sdelay $0x4  }
0x371: {  	v11 =	vand.u32 $0x7F, v47  }
0x372: {  	v11 =	vor.u32 v1, v11;
	_ =	sdelay $0x3  }
0x373: {  	s29 =	simm.s32 $0x8100;
	s28 =	simm.s32 $0x4;
	v12 =	vld [tilespmem:$0xA0]  }
0x374: {  	v11 =	vld.idx.msk [tilespmem:v11+s29+$0x0], $0xffff;
	_ =	swait.ge [sflag:s28], $0x4000  }
0x375: {  	[sflag:s28] =	ssyncset.done $0x0  }
0x376: {  	[sflag:s28] =	ssyncadd.s32 $0xFFFFC000  }
0x377: {  	v13 =	vld [tilespmem:$0x30];
	_ =	sdelay $0x4  }
0x378: {  	v13 =	vand.u32 $0x7F, v13  }
0x379: {  	v13 =	vor.u32 v1, v13;
	_ =	sdelay $0x3  }
0x37a: {  	s29 =	simm.s32 $0xC100;
	s28 =	simm.s32 $0x5;
	v14 =	vld [tilespmem:$0xB0]  }
0x37b: {  	v13 =	vld.idx.msk [tilespmem:v13+s29+$0x0], $0xffff;
	_ =	swait.ge [sflag:s28], $0x4000  }
0x37c: {  	[sflag:s28] =	ssyncset.done $0x0  }
0x37d: {  	[sflag:s28] =	ssyncadd.s32 $0xFFFFC000  }
0x37e: {  	v15 =	vld [tilespmem:$0x40];
	_ =	sdelay $0x4  }
0x37f: {  	v15 =	vand.u32 $0x7F, v15  }
0x380: {  	v15 =	vor.u32 v1, v15;
	_ =	sdelay $0x3  }
0x381: {  	s29 =	simm.s32 $0x6;
	v16 =	vld [tilespmem:$0xC0]  }
0x382: {  	v15 =	vld.idx.msk [tilespmem:v15+s22+$0x0], $0xffff;
	_ =	swait.ge [sflag:s29], $0x4000  }
0x383: {  	[sflag:s29] =	ssyncset.done $0x0  }
0x384: {  	[sflag:s29] =	ssyncadd.s32 $0xFFFFC000  }
0x385: {  	v17 =	vld [tilespmem:$0x50];
	_ =	sdelay $0x4  }
0x386: {  	v17 =	vand.u32 $0x7F, v17  }
0x387: {  	v17 =	vor.u32 v1, v17;
	_ =	sdelay $0x3  }
0x388: {  	v18 =	vld [tilespmem:$0xD0]  }
0x389: {  	v17 =	vld.idx.msk [tilespmem:v17+s31+$0x0], $0xffff;
	_ =	swait.ge [sflag:s25], $0x4000  }
0x38a: {  	[sflag:s25] =	ssyncset.done $0x0  }
0x38b: {  	[sflag:s25] =	ssyncadd.s32 $0xFFFFC000  }
0x38c: {  	v19 =	vld [tilespmem:$0x60];
	_ =	sdelay $0x4  }
0x38d: {  	v19 =	vand.u32 $0x7F, v19  }
0x38e: {  	v19 =	vor.u32 v1, v19;
	_ =	sdelay $0x3  }
0x38f: {  	v20 =	vld [tilespmem:$0xE0]  }
0x390: {  	v19 =	vld.idx.msk [tilespmem:v19+s30+$0x0], $0xffff;
	_ =	swait.ge [sflag:s23], $0x4000  }
0x391: {  	[sflag:s23] =	ssyncset.done $0x0  }
0x392: {  	[sflag:s23] =	ssyncadd.s32 $0xFFFFC000  }
0x393: {  	v21 =	vld [tilespmem:$0x70];
	_ =	sdelay $0x1  }
0x394: {  	v8 =	vmul.f32 v7, v8  }
0x395: {  	v7 =	vadd.f32 $0.0e+00, v7  }
0x396: {  	v8 =	vadd.f32 $0.0e+00, v8;
	v10 =	vmul.f32 v46, v10  }
0x397: {  	v7 =	vadd.f32 v46, v7;
	v21 =	vand.u32 $0x7F, v21  }
0x398: {  	v8 =	vadd.f32 v10, v8;
	v48 =	vmul.f32 v12, v11;
	v21 =	vor.u32 v1, v21  }
0x399: {  	v7 =	vadd.f32 v12, v7  }
0x39a: {  	v8 =	vadd.f32 v48, v8;
	v49 =	vmul.f32 v14, v13  }
0x39b: {  	v7 =	vadd.f32 v14, v7  }
0x39c: {  	v8 =	vadd.f32 v49, v8;
	v50 =	vmul.f32 v16, v15;
	v52 =	vld [tilespmem:$0xF0]  }
0x39d: {  	v7 =	vadd.f32 v16, v7;
	v51 =	vld.idx.msk [tilespmem:v21+s2+$0x0], $0xffff  }
0x39e: {  	v8 =	vadd.f32 v50, v8;
	v53 =	vmul.f32 v18, v17  }
0x39f: {  	v7 =	vadd.f32 v18, v7  }
0x3a0: {  	v8 =	vadd.f32 v53, v8;
	v54 =	vmul.f32 v20, v19  }
0x3a1: {  	v7 =	vadd.f32 v20, v7  }
0x3a2: {  	v8 =	vadd.f32 v54, v8;
	v55 =	vmul.f32 v52, v51  }
0x3a3: {  	v7 =	vadd.f32 v52, v7  }
0x3a4: {  	v8 =	vadd.f32 v55, v8  }
0x3a5: {  	[tilespmem:$0x18180] =	vst v7  }
0x3a6: {  	[tilespmem:$0x18100] =	vst v8  }
0x3a7: {  	[bflag:$0x0] =	sbarrier.arrive $0xFFFF  }
0x3a8: {  	s22 =	sld [smem:$0x7FC];
	_ =	sdelay $0x1  }
0x3a9: {  	s28 =	rddreg [dreg:$0x2]  }
0x3aa: {  	[spmem:s28] =	stream.indirect_vreg.scatter.add.f32 [tilespmem:s22], [sflag:$0x7], $0x10, v2, vm0, $0xb8;
	[tilespmem:$0x19190] =	vst v63  }
0x3ab: {  	_ =	swait.ge [sflag:s24], $0x100  }
0x3ac: {  	[sflag:s24] =	ssyncset.done $0x0  }
0x3ad: {  	[sflag:s24] =	ssyncadd.s32 $0xFFFFFF00  }
0x3ae: {  	[bflag:$0x0] =	sbarrier.arrive $0xFFFF  }
0x3af: {  	s29 =	sld [smem:$0x7FD];
	_ =	sdelay $0x2  }
0x3b0: {  	[tilespmem:s29], [sflag:$0x7] =	stream.linear.gather [spmem:s28], $0x800, $0x38;
	[tilespmem:$0x19190] =	vst v63  }
0x3b1: {  	_ =	swait.ge [sflag:s24], $0x800  }
0x3b2: {  	[sflag:s24] =	ssyncset.done $0x0  }
0x3b3: {  	[sflag:s24] =	ssyncadd.s32 $0xFFFFF800  }
0x3b4: {  	v7 =	vld [tilespmem:$0x18900]  }
0x3b5: {  	v8 =	vld [tilespmem:$0x18980];
	_ =	sdelay $0x3  }
0x3b6: {  	[tilespmem:$0x19100] =	vst v7  }
0x3b7: {  	v56 =	vld.idx.msk [tilespmem:v3+s1+$0x0], $0xffff;
	[tilespmem:$0x19100] =	vst v8  }
0x3b8: {  	v57 =	vld.idx.msk [tilespmem:v3+s1+$0x0], $0xffff;
	_ =	sdelay $0x3  }
0x3b9: {  	v7 =	vadd.f32 v56, v7  }
0x3ba: {  	v8 =	vadd.f32 v57, v8  }
0x3bb: {  	[tilespmem:$0x19100] =	vst v7  }
0x3bc: {  	v58 =	vld.idx.msk [tilespmem:v4+s1+$0x0], $0xffff;
	[tilespmem:$0x19100] =	vst v8  }
0x3bd: {  	v59 =	vld.idx.msk [tilespmem:v4+s1+$0x0], $0xffff;
	_ =	sdelay $0x3  }
0x3be: {  	v7 =	vadd.f32 v58, v7  }
0x3bf: {  	v8 =	vadd.f32 v59, v8  }
0x3c0: {  	[tilespmem:$0x19100] =	vst v7  }
0x3c1: {  	v60 =	vld.idx.msk [tilespmem:v5+s1+$0x0], $0xffff;
	[tilespmem:$0x19100] =	vst v8  }
0x3c2: {  	v61 =	vld.idx.msk [tilespmem:v5+s1+$0x0], $0xffff;
	_ =	sdelay $0x3  }
0x3c3: {  	v7 =	vadd.f32 v60, v7  }
0x3c4: {  	v8 =	vadd.f32 v61, v8  }
0x3c5: {  	[tilespmem:$0x19100] =	vst v7  }
0x3c6: {  	v62 =	vld.idx.msk [tilespmem:v6+s1+$0x0], $0xffff;
	[tilespmem:$0x19100] =	vst v8  }
0x3c7: {  	v63 =	vld.idx.msk [tilespmem:v6+s1+$0x0], $0xffff;
	_ =	sdelay $0x3  }
0x3c8: {  	v7 =	vadd.f32 v62, v7  }
0x3c9: {  	s20 =	sadd.s32 $0xFFFFFFFF, s20;
	v8 =	vadd.f32 v63, v8  }
0x3ca: {  	p1 =	sne.s32 s20, $0x0;
	s2 =	simm.s32 @!p0 $0x18100;
	[tilespmem:$0x18100] =	vst v7  }
.Ltmp0:
0x3cb: {  	s28 =	simm.s32 @!p0 $0x0;
	s26 =	rddreg [dreg:$0x6];
	[tilespmem:$0x18180] =	vst v8;
	(pc) =	sbr.rel @p1 .LBB2_1-.Ltmp0, $4  }
0x3cc: {  	[hbm4b:s26+s28] =	stream.linear.scatter @!p0 [tilespmem:s2], [sflag:$0x7], $0x100, $0x38;
	[tilespmem:$0x19190] =	vst v63  }
0x3cd: {  	_ =	swait.ge @!p0 [sflag:s21], $0x100  }
0x3ce: {  	[sflag:s21] =	ssyncset.done @!p0 $0x0  }
0x3cf: {  	[sflag:s21] =	ssyncadd.s32 @!p0 $0xFFFFFF00  }
0x3d0: {  	_ =	sfence.sel $0x180000  }
0x3d1: {  	[bflag:$0x0] =	sbarrier.arrive $0xFFFF  }
0x3d2: {  	_ =	strace $0x90000047  }
0x3d3: {  	[bflag:$0x2] =	sbarrier.arrive $0xFFFF  }
0x3d4: {  	s0 =	rddreg [dreg:$0x3]  }
0x3d5: {  	s0 =	sadd.s32 @!p0 $0x100000, s0  }
0x3d6: {  	[sflag:s0] =	ssyncadd.tile.s32 @!p0 $0x1;
	_ =	shalt  }
.Lfunc_end2:
_tile_overlayer_lowered:
.L_overlay_start_2:
0x3d7: {  	(tag) =	ssettag $0x2  }
0x3d8: {  	s0 =	rddreg [dreg:$0x0];
	s2 =	stileid.u32  }
0x3d9: {  	s1 =	rddreg [dreg:$0x1];
	p0 =	sne.s32 s2, $0x0  }
0x3da: {  	s3 =	rddreg [dreg:$0x2];
	[bflag:$0x3] =	sbarrier.arrive $0xFFFF;
	s2 =	simm.s32 @!p0 $0x1C07  }
0x3db: {  	[timem:s3], [sflag:s2] =	dma.local @!p0 [hbm:s0], s1  }
0x3dc: {  	s0 =	simm.s32 @!p0 $0x7  }
0x3dd: {  	_ =	swait.ge @!p0 [sflag:s0], s1  }
0x3de: {  	s1 =	ssub.s32 @!p0 $0x0, s1;
	[sflag:s0] =	ssyncset.done @!p0 $0x0  }
0x3df: {  	[sflag:s0] =	ssyncadd.s32 @!p0 s1  }
0x3e0: {  	[bflag:$0x3] =	sbarrier.arrive $0xFFFF  }
0x3e1: {  	_ =	shalt  }

</sc_bundles>
